<compile_context>
chip_gen: v7x
topology: tpu7x:2x2x1
jax: 0.10.2.dev20260603
libtpu: 0.0.44.dev20260713+nightly
codegen_flags: <defaults>
</compile_context>

<pallas_src>
import functools

import jax
import jax.numpy as jnp
from jax import lax
from jax.experimental import pallas as pl
from jax.experimental.pallas import tpu as pltpu
from jax.experimental.pallas import tpu_sc as plsc

N = 10000
H = 128
E = 320000
ATOM = 100
L = 3
NC, NS = 2, 16

EROWS = 2560
EPAD = EROWS * 128
ERPT = EROWS // (NC * NS)
NP = 10112
ZROWS = NP // NS
XROWS = 632
NXP = 12288
NXRT = NXP // 128 // (NC * NS)
NB = 1000


_SC_MESH = plsc.VectorSubcoreMesh(core_axis_name="c", subcore_axis_name="s",
                                  num_cores=NC, num_subcores=NS)


@functools.partial(
    pl.kernel,
    out_type=(
        jax.ShapeDtypeStruct((NXP, H), jnp.float32),
        jax.ShapeDtypeStruct((NC, N, H), jnp.float32),
    ),
    mesh=_SC_MESH,
    scratch_types=(
        pltpu.VMEM((16, 2, 128), jnp.int32),
        pltpu.VMEM((128,), jnp.int32),
        pltpu.VMEM((128, H), jnp.float32),
        pltpu.VMEM((128, H), jnp.float32),
        pltpu.VMEM_SHARED((ATOM, H), jnp.float32),
        pltpu.VMEM_SHARED((NP, H), jnp.float32),
        pltpu.SemaphoreType.DMA,
        pltpu.SemaphoreType.DMA,
        pltpu.SemaphoreType.DMA,
    ),
)
def _embed_deg(hpad, sd2, emb, zeros128, ones128,
               x, deg_out,
               sdall, idx, xbuf, onesbuf, emb_sp, deg_sp, sem, t0, t1):
    c = lax.axis_index("c")
    s = lax.axis_index("s")
    wid = c * NS + s

    @pl.when(s == 0)
    def _():
        pltpu.sync_copy(emb, emb_sp)

    pltpu.sync_copy(zeros128, deg_sp.at[pl.ds(s * ZROWS, ZROWS)])
    pltpu.sync_copy(ones128, onesbuf)
    plsc.subcore_barrier()

    for j in range(NXRT):
        r = wid * NXRT + j
        pltpu.sync_copy(hpad.at[r], idx)
        pltpu.async_copy(emb_sp.at[idx], xbuf, sem).wait()
        pltpu.sync_copy(xbuf, x.at[pl.ds(r * 128, 128)])

    tsem = (t0, t1)

    def chunk(ch, carry):
        pltpu.sync_copy(sd2.at[pl.ds(wid * ERPT + ch * 16, 16)], sdall)

        def body(jo, carry2):
            for b in range(2):
                j = jo * 2 + b
                pltpu.async_copy(onesbuf, deg_sp.at[sdall.at[j, 1]],
                                 tsem[b], add=True)
            for b in range(2):
                j = jo * 2 + b
                pltpu.make_async_copy(onesbuf, deg_sp.at[sdall.at[j, 1]],
                                      tsem[b]).wait()
            return carry2

        lax.fori_loop(0, 8, body, 0)
        return carry

    lax.fori_loop(0, ERPT // 16, chunk, 0)
    plsc.subcore_barrier()
    base = jnp.minimum(s * XROWS, N - XROWS)
    pltpu.sync_copy(deg_sp.at[pl.ds(base, XROWS)],
                    deg_out.at[c, pl.ds(base, XROWS)])


NBUF = 2
CH = 40
NCHK = ERPT // CH

CF = 0
RF_T = 150
RS_T = 10
RFTOT = RF_T * NS
EROWS_A = EROWS + CH


@functools.partial(
    pl.kernel,
    out_type=jax.ShapeDtypeStruct((NC, N, H), jnp.float32),
    mesh=_SC_MESH,
    scratch_types=(
        pltpu.VMEM((CH, 2, 128), jnp.int32),
        pltpu.VMEM((NBUF, 128, H), jnp.float32),
        pltpu.VMEM_SHARED((NP, H), jnp.float32),
        pltpu.SemaphoreType.DMA,
        pltpu.SemaphoreType.DMA,
        pltpu.SemaphoreType.DMA,
        pltpu.SemaphoreType.DMA,
    ),
)
def _agg(hfull, sd2, zeros128, aggp, sdall, msg, agg_sp, g0, g1, s0, s1):
    gsem = (g0, g1)
    ssem = (s0, s1)
    c = lax.axis_index("c")
    s = lax.axis_index("s")
    wid = c * NS + s

    pltpu.sync_copy(zeros128, agg_sp.at[pl.ds(s * ZROWS, ZROWS)])
    plsc.subcore_barrier()

    myrows = jnp.where(c == CF, RF_T, RS_T)
    mybase = jnp.where(c == CF, s * RF_T, RFTOT + s * RS_T)
    nchunks = (myrows + CH - 1) // CH

    def chunk(ch, carry):
        pltpu.sync_copy(sd2.at[pl.ds(mybase + ch * CH, CH)], sdall)
        rem = myrows - ch * CH
        lim = jnp.minimum(rem, CH)
        for b in range(NBUF):
            @pl.when(b < rem)
            def _():
                pltpu.async_copy(hfull.at[sdall.at[b, 0]], msg.at[b], gsem[b])

        def body(jo, carry2):
            for b in range(NBUF):
                j = jo * NBUF + b

                @pl.when(j < rem)
                def _():
                    pltpu.make_async_copy(hfull.at[sdall.at[j, 0]],
                                          msg.at[b], gsem[b]).wait()
                    pltpu.async_copy(msg.at[b], agg_sp.at[sdall.at[j, 1]],
                                     ssem[b], add=True)
                    pltpu.make_async_copy(msg.at[b], agg_sp.at[sdall.at[j, 1]],
                                          ssem[b]).wait()
                    jn = j + NBUF

                    @pl.when(jn < lim)
                    def _():
                        pltpu.async_copy(hfull.at[sdall.at[jn, 0]],
                                         msg.at[b], gsem[b])

            return carry2

        lax.fori_loop(0, CH // NBUF, body, 0)
        return carry

    lax.fori_loop(0, nchunks, chunk, 0)
    plsc.subcore_barrier()

    base = jnp.minimum(s * XROWS, N - XROWS)
    pltpu.sync_copy(agg_sp.at[pl.ds(base, XROWS)],
                    aggp.at[c, pl.ds(base, XROWS)])


def _layer_body(with_csi, hr, ar, dgr, wsr, wnr, br,
                outr, csr, *maybe_csir):
    i = pl.program_id(0)
    hc = hr[...]
    ag = ar[...]
    agg = ag[0] + ag[1]
    dg = dgr[...]
    inv = 1.0 / jnp.maximum(dg[0, :, 0:1] + dg[1, :, 0:1], 1.0)
    out = jnp.dot(hc, wsr[...], preferred_element_type=jnp.float32)
    out += jnp.dot(agg * inv, wnr[...], preferred_element_type=jnp.float32)
    out += br[...][0:1, :]
    out = jnp.maximum(out, 0.0)
    outr[...] = out

    @pl.when(i == 0)
    def _():
        csr[...] = jnp.zeros_like(csr)

    csr[...] += jnp.sum(out.reshape(NB // 8, 8, H), axis=0)
    if with_csi:
        (csir,) = maybe_csir

        @pl.when(i == 0)
        def _():
            csir[...] = jnp.zeros_like(csir)

        csir[...] += jnp.sum(hc.reshape(NB // 8, 8, H), axis=0)


def _layer_tc(hfull, aggp, deg16, ws, wn, b8, with_csi):
    blk = lambda i: (i, 0)
    fixed = lambda i: (0, 0)
    out_shape = [
        jax.ShapeDtypeStruct((NXP, H), jnp.float32),
        jax.ShapeDtypeStruct((8, H), jnp.float32),
    ]
    out_specs = [
        pl.BlockSpec((NB, H), blk),
        pl.BlockSpec((8, H), fixed),
    ]
    if with_csi:
        out_shape.append(jax.ShapeDtypeStruct((8, H), jnp.float32))
        out_specs.append(pl.BlockSpec((8, H), fixed))
    return pl.pallas_call(
        functools.partial(_layer_body, with_csi),
        grid=(N // NB,),
        in_specs=[
            pl.BlockSpec((NB, H), blk),
            pl.BlockSpec((NC, NB, H), lambda i: (0, i, 0)),
            pl.BlockSpec((NC, NB, H), lambda i: (0, i, 0)),
            pl.BlockSpec((H, H), fixed),
            pl.BlockSpec((H, H), fixed),
            pl.BlockSpec((8, H), fixed),
        ],
        out_specs=out_specs,
        out_shape=out_shape,
    )(hfull, aggp, deg16, ws, wn, b8)


def _final_body(csxr, cs1r, cs2r, cs3r, w1r, b1r, w2r, b2r, w3r, b3r, outr):
    hg = jnp.concatenate(
        [jnp.sum(csxr[...], axis=0, keepdims=True),
         jnp.sum(cs1r[...], axis=0, keepdims=True),
         jnp.sum(cs2r[...], axis=0, keepdims=True),
         jnp.sum(cs3r[...], axis=0, keepdims=True)], axis=1) * (1.0 / N)
    o = jnp.dot(hg, w1r[...], preferred_element_type=jnp.float32)
    o = jnp.maximum(o + b1r[...][0:1, :], 0.0)
    o = jnp.dot(o, w2r[...], preferred_element_type=jnp.float32)
    o = jnp.maximum(o + b2r[...][0:1, :], 0.0)
    o = jnp.dot(o, w3r[...], preferred_element_type=jnp.float32)
    o = o + b3r[...][0:1, :]
    outr[...] = jnp.broadcast_to(o, (8, H))


def _final_tc(csx, cs1, cs2, cs3, w1, b1, w2, b2, w3, b3):
    return pl.pallas_call(
        _final_body,
        out_shape=jax.ShapeDtypeStruct((8, H), jnp.float32),
    )(csx, cs1, cs2, cs3, w1, b1, w2, b2, w3, b3)


def kernel(h, edge_index, e, embed_table, W_self, W_neigh, b_layers,
           Wr1, br1, Wr2, br2, Wr3, br3):
    f32 = jnp.float32
    h = h.astype(jnp.int32)
    src = edge_index[0].astype(jnp.int32)
    dst = edge_index[1].astype(jnp.int32)
    npad = EROWS_A * 128 - E
    pad_dst = N + jnp.arange(npad, dtype=jnp.int32) % (NP - N)
    src_p = jnp.concatenate([src, jnp.zeros((npad,), jnp.int32)]).reshape(EROWS_A, 128)
    dst_p = jnp.concatenate([dst, pad_dst]).reshape(EROWS_A, 128)
    sd2 = jnp.stack([src_p, dst_p], axis=1)
    hpad = jnp.concatenate([h, jnp.zeros((NXP - N,), jnp.int32)]).reshape(NXP // 128, 128)
    zeros128 = jnp.zeros((ZROWS, H), f32)
    ones128 = jnp.ones((128, H), f32)

    x, deg16 = _embed_deg(hpad, sd2, embed_table, zeros128, ones128)

    hcur = x
    csx = None
    colsums = []
    for i in range(L):
        aggp = _agg(hcur, sd2, zeros128)
        b8 = jnp.broadcast_to(b_layers[i][None, :], (8, H))
        if i == 0:
            hcur, cs, csx = _layer_tc(hcur, aggp, deg16,
                                      W_self[i], W_neigh[i], b8, True)
        else:
            hcur, cs = _layer_tc(hcur, aggp, deg16,
                                 W_self[i], W_neigh[i], b8, False)
        colsums.append(cs)

    w3p = jnp.pad(Wr3, ((0, 0), (0, H - 1)))
    b1p = jnp.broadcast_to(br1[None, :], (8, 2 * H))
    b2p = jnp.broadcast_to(br2[None, :], (8, H))
    b3p = jnp.broadcast_to(jnp.pad(br3, (0, H - 1))[None, :], (8, H))
    outp = _final_tc(csx, colsums[0], colsums[1], colsums[2],
                     Wr1, b1p, Wr2, b2p, w3p, b3p)
    return outp[0:1, 0:1]

# --- scband reference (transcript-rebuilt; emitter-appended) ---
"""Pipeline reference for scband-activation-graph-sage-net-17179869184420 (READ-ONLY COPY).

The authoritative reference and input builder live on the scoring server;
editing this copy changes nothing except your own understanding.
"""

import jax, jax.numpy as jnp
import numpy as np

N = 10000
E = 320000
H = 128
L = 3
ATOM = 100


def setup_inputs(seed: int = 0):
    key = jax.random.key(seed)
    ks = jax.random.split(key, 12)
    h = jax.random.randint(ks[0], (N,), 0, ATOM)
    edge_index = jax.random.randint(ks[1], (2, E), 0, N)
    e = jax.random.normal(ks[2], (E, 4), dtype=jnp.float32)
    embed_table = jax.random.normal(ks[3], (ATOM, H), dtype=jnp.float32) * 0.02
    W_self = jax.random.normal(ks[4], (L, H, H), dtype=jnp.float32) * (1.0 / np.sqrt(H))
    W_neigh = jax.random.normal(ks[5], (L, H, H), dtype=jnp.float32) * (1.0 / np.sqrt(H))
    b_layers = jnp.zeros((L, H), dtype=jnp.float32)
    D = (L + 1) * H
    Wr1 = jax.random.normal(ks[6], (D, D // 2), dtype=jnp.float32) * (1.0 / np.sqrt(D))
    br1 = jnp.zeros((D // 2,), dtype=jnp.float32)
    Wr2 = jax.random.normal(ks[7], (D // 2, D // 4), dtype=jnp.float32) * (1.0 / np.sqrt(D // 2))
    br2 = jnp.zeros((D // 4,), dtype=jnp.float32)
    Wr3 = jax.random.normal(ks[8], (D // 4, 1), dtype=jnp.float32) * (1.0 / np.sqrt(D // 4))
    br3 = jnp.zeros((1,), dtype=jnp.float32)
    return {"h": h, "edge_index": edge_index, "e": e, "embed_table": embed_table,
            "W_self": W_self, "W_neigh": W_neigh, "b_layers": b_layers,
            "Wr1": Wr1, "br1": br1, "Wr2": Wr2, "br2": br2, "Wr3": Wr3, "br3": br3}


def reference(h, edge_index, e, embed_table, W_self, W_neigh, b_layers, Wr1, br1, Wr2, br2, Wr3, br3):
    # node_encoder: embedding lookup (gather)
    x = jnp.take(embed_table, h, axis=0)  # [N, H]
    src = edge_index[0]
    dst = edge_index[1]
    n = x.shape[0]
    # in-degree based normalization (degs.clamp(min=1))
    deg = jnp.zeros((n,), dtype=jnp.float32).at[dst].add(1.0)
    deg = jnp.clip(deg, 1.0, None)
    hcur = x
    b = x  # jumping-knowledge concat accumulator -> (L+1)*H
    for i in range(L):
        # GraphSAGE mean aggregation: gather src feats, scatter-add to dst, divide by in-degree
        msg = jnp.take(hcur, src, axis=0)  # [E, H] gather
        agg = jnp.zeros_like(hcur).at[dst].add(msg) / deg[:, None]  # scatter-add + mean
        hnew = hcur @ W_self[i] + agg @ W_neigh[i] + b_layers[i]
        hnew = jax.nn.relu(hnew)
        b = jnp.concatenate([b, hnew], axis=1)
        hcur = hnew
    # graph_pool == 'mean': dgl.mean_nodes over the single batched graph
    hg = jnp.mean(b, axis=0, keepdims=True)  # [1, (L+1)*H]
    # readout MLP: D -> D/2 -> D/4 -> 1 with ReLU
    o = jax.nn.relu(hg @ Wr1 + br1)
    o = jax.nn.relu(o @ Wr2 + br2)
    o = o @ Wr3 + br3
    return o

if __name__ == "__main__":
    import jax
    _d = setup_inputs()
    print(jax.jit(kernel)(*tuple(_d.values())))

</pallas_src>

<mosaic_0001>
#map = affine_map<(d0, d1) -> (0, 0)>
#map1 = affine_map<(d0, d1) -> (0, 0, 0)>
module attributes {stable_mosaic.version = 14 : i64} {
  func.func @_agg(%arg0: i32, %arg1: i32, %arg2: memref<12288x128xf32, #tpu.memory_space<hbm>>, %arg3: memref<2600x2x128xi32, #tpu.memory_space<hbm>>, %arg4: memref<632x128xf32, #tpu.memory_space<hbm>>, %arg5: memref<2x10000x128xf32, #tpu.memory_space<hbm>>, %arg6: memref<40x2x128xi32, #tpu.memory_space<vmem>>, %arg7: memref<2x128x128xf32, #tpu.memory_space<vmem>>, %arg8: memref<10112x128xf32, #tpu.memory_space<vmem_shared>>, %arg9: memref<!tpu.dma_semaphore, #tpu.memory_space<semaphore_mem>>, %arg10: memref<!tpu.dma_semaphore, #tpu.memory_space<semaphore_mem>>, %arg11: memref<!tpu.dma_semaphore, #tpu.memory_space<semaphore_mem>>, %arg12: memref<!tpu.dma_semaphore, #tpu.memory_space<semaphore_mem>>) attributes {dimension_semantics = [#tpu.dimension_semantics<core_parallel>, #tpu.dimension_semantics<subcore_parallel>], iteration_bounds = array<i64: 2, 16>, scalar_prefetch = 0 : i64, scratch_operands = 7 : i64, tpu.core_type = #tpu.core_type<sc_vector_subcore>, window_params = [{transform_indices = #map}, {transform_indices = #map1}, {transform_indices = #map}, {transform_indices = #map1}]} {
    %mul3A = arith.constant 16 : i32
    %mul3A_0 = arith.muli %arg0, %mul3A : i32
    %add3A = arith.addi %mul3A_0, %arg1 : i32
    %mul3A_1 = arith.constant 632 : i32
    %mul3A_2 = arith.muli %arg1, %mul3A_1 : i32
    "tpu.region"() ({
      %run_scoped3A = tpu.sem_alloc : memref<!tpu.dma_semaphore, #tpu.memory_space<semaphore_mem>>
      %dma_start3A = arith.constant 0 : i32
      %dma_start3A_49 = tpu.memref_slice %arg8[%mul3A_2, %dma_start3A] : memref<10112x128xf32, #tpu.memory_space<vmem_shared>> -> memref<632x128xf32, #tpu.memory_space<vmem_shared>>
      tpu.enqueue_dma source(%arg4 : memref<632x128xf32, #tpu.memory_space<hbm>>) target(%dma_start3A_49 : memref<632x128xf32, #tpu.memory_space<vmem_shared>>) target_semaphore(%run_scoped3A : memref<!tpu.dma_semaphore, #tpu.memory_space<semaphore_mem>>)
      %dma_wait3A = arith.constant 0 : i32
      %dma_wait3A_50 = tpu.memref_slice %arg8[%mul3A_2, %dma_wait3A] : memref<10112x128xf32, #tpu.memory_space<vmem_shared>> -> memref<632x128xf32, #tpu.memory_space<vmem_shared>>
      tpu.wait_dma2 semaphore(%run_scoped3A : memref<!tpu.dma_semaphore, #tpu.memory_space<semaphore_mem>>) src(%arg4 : memref<632x128xf32, #tpu.memory_space<hbm>>) dst(%dma_wait3A_50 : memref<632x128xf32, #tpu.memory_space<vmem_shared>>)
      tpu.yield
    }) : () -> ()
    %barrier3A = arith.constant 0 : index
    tpu.barrier barrier_id(%barrier3A)
    %eq3A = arith.constant 0 : i32
    %eq3A_3 = arith.cmpi eq, %arg0, %eq3A : i32
    %jit3A = arith.constant 150 : i32
    %jit3A_4 = arith.constant 10 : i32
    %select_n3A = arith.select %eq3A_3, %jit3A, %jit3A_4 : i32
    %eq3A_5 = arith.constant 0 : i32
    %eq3A_6 = arith.cmpi eq, %arg0, %eq3A_5 : i32
    %mul3A_7 = arith.constant 150 : i32
    %mul3A_8 = arith.muli %arg1, %mul3A_7 : i32
    %mul3A_9 = arith.constant 10 : i32
    %mul3A_10 = arith.muli %arg1, %mul3A_9 : i32
    %add3A_11 = arith.constant 2400 : i32
    %add3A_12 = arith.addi %add3A_11, %mul3A_10 : i32
    %select_n3A_13 = arith.select %eq3A_6, %mul3A_8, %add3A_12 : i32
    %add3A_14 = arith.constant 40 : i32
    %add3A_15 = arith.addi %select_n3A, %add3A_14 : i32
    %sub3A = arith.constant 1 : i32
    %sub3A_16 = arith.subi %add3A_15, %sub3A : i32
    %jit3A_17 = arith.constant 40 : i32
    %div3A = arith.divsi %sub3A_16, %jit3A_17 : i32
    %sign3A = arith.constant 0 : i32
    %sign3A_18 = arith.cmpi sgt, %sub3A_16, %sign3A : i32
    %sign3A_19 = arith.extui %sign3A_18 : i1 to i32
    %sign3A_20 = arith.constant 0 : i32
    %sign3A_21 = arith.cmpi slt, %sub3A_16, %sign3A_20 : i32
    %sign3A_22 = arith.extui %sign3A_21 : i1 to i32
    %sign3A_23 = arith.subi %sign3A_19, %sign3A_22 : i32
    %sign3A_24 = arith.constant 0 : i32
    %sign3A_25 = arith.cmpi sgt, %jit3A_17, %sign3A_24 : i32
    %sign3A_26 = arith.extui %sign3A_25 : i1 to i32
    %sign3A_27 = arith.constant 0 : i32
    %sign3A_28 = arith.cmpi slt, %jit3A_17, %sign3A_27 : i32
    %sign3A_29 = arith.extui %sign3A_28 : i1 to i32
    %sign3A_30 = arith.subi %sign3A_26, %sign3A_29 : i32
    %ne3A = arith.cmpi ne, %sign3A_23, %sign3A_30 : i32
    %rem3A = arith.remsi %sub3A_16, %jit3A_17 : i32
    %ne3A_31 = arith.constant 0 : i32
    %ne3A_32 = arith.cmpi ne, %rem3A, %ne3A_31 : i32
    %and3A = arith.andi %ne3A, %ne3A_32 : i1
    %sub3A_33 = arith.constant 1 : i32
    %sub3A_34 = arith.subi %div3A, %sub3A_33 : i32
    %select_n3A_35 = arith.select %and3A, %sub3A_34, %div3A : i32
    %while3A = arith.constant 0 : i32
    %while3A_36 = arith.constant 0 : i32
    %while3A_37 = arith.subi %select_n3A_35, %while3A_36 : i32
    %while3A_38 = arith.addi %while3A_36, %while3A_37 : i32
    %while3A_39 = arith.constant 1 : i32
    %while3A_40 = arith.divsi %while3A_37, %while3A_39 : i32
    %while3A_41 = arith.muli %while3A_40, %while3A_39 : i32
    %while3A_42 = arith.addi %while3A_36, %while3A_41 : i32
    %while3A_43 = arith.constant 1 : i32
    scf.for %while3A_49 = %while3A_36 to %while3A_42 step %while3A_43  : i32 {
      %mul3A_50 = arith.constant 40 : i32
      %mul3A_51 = arith.muli %while3A_49, %mul3A_50 : i32
      %add3A_52 = arith.addi %select_n3A_13, %mul3A_51 : i32
      "tpu.region"() ({
        %run_scoped3A = tpu.sem_alloc : memref<!tpu.dma_semaphore, #tpu.memory_space<semaphore_mem>>
        %dma_start3A = arith.constant 0 : i32
        %dma_start3A_70 = arith.constant 0 : i32
        %dma_start3A_71 = tpu.memref_slice %arg3[%add3A_52, %dma_start3A, %dma_start3A_70] : memref<2600x2x128xi32, #tpu.memory_space<hbm>> -> memref<40x2x128xi32, #tpu.memory_space<hbm>>
        %dma_start3A_72 = arith.constant 0 : i32
        %dma_start3A_73 = arith.constant 0 : i32
        %dma_start3A_74 = tpu.memref_slice %arg3[%add3A_52, %dma_start3A_72, %dma_start3A_73] : memref<2600x2x128xi32, #tpu.memory_space<hbm>> -> memref<40x2x128xi32, #tpu.memory_space<hbm>>
        tpu.enqueue_dma source(%dma_start3A_74 : memref<40x2x128xi32, #tpu.memory_space<hbm>>) target(%arg6 : memref<40x2x128xi32, #tpu.memory_space<vmem>>) target_semaphore(%run_scoped3A : memref<!tpu.dma_semaphore, #tpu.memory_space<semaphore_mem>>)
        %dma_wait3A = arith.constant 0 : i32
        %dma_wait3A_75 = arith.constant 0 : i32
        %dma_wait3A_76 = tpu.memref_slice %arg3[%add3A_52, %dma_wait3A, %dma_wait3A_75] : memref<2600x2x128xi32, #tpu.memory_space<hbm>> -> memref<40x2x128xi32, #tpu.memory_space<hbm>>
        %dma_wait3A_77 = arith.constant 0 : i32
        %dma_wait3A_78 = arith.constant 0 : i32
        %dma_wait3A_79 = tpu.memref_slice %arg3[%add3A_52, %dma_wait3A_77, %dma_wait3A_78] : memref<2600x2x128xi32, #tpu.memory_space<hbm>> -> memref<40x2x128xi32, #tpu.memory_space<hbm>>
        tpu.wait_dma2 semaphore(%run_scoped3A : memref<!tpu.dma_semaphore, #tpu.memory_space<semaphore_mem>>) src(%dma_wait3A_79 : memref<40x2x128xi32, #tpu.memory_space<hbm>>) dst(%arg6 : memref<40x2x128xi32, #tpu.memory_space<vmem>>)
        tpu.yield
      }) : () -> ()
      %mul3A_53 = arith.constant 40 : i32
      %mul3A_54 = arith.muli %while3A_49, %mul3A_53 : i32
      %sub3A_55 = arith.subi %select_n3A, %mul3A_54 : i32
      %min3A_56 = arith.constant 40 : i32
      %min3A_57 = arith.minsi %sub3A_55, %min3A_56 : i32
      %gt3A = arith.constant 0 : i32
      %gt3A_58 = arith.cmpi sgt, %sub3A_55, %gt3A : i32
      %convert_element_type3A = arith.extui %gt3A_58 : i1 to i32
      %cond3A = arith.constant 0 : i32
      %cond3A_59 = arith.cmpi ne, %convert_element_type3A, %cond3A : i32
      scf.if %cond3A_59 {
        %dma_start3A = arith.constant 0 : i32
        %dma_start3A_70 = arith.constant 0 : i32
        %dma_start3A_71 = arith.constant 0 : i32
        %dma_start3A_72 = arith.constant 0 : i32
        %dma_start3A_73 = arith.constant 0 : i32
        %dma_start3A_74 = tpu.memref_slice %arg7[%dma_start3A_71, %dma_start3A_72, %dma_start3A_73] : memref<2x128x128xf32, #tpu.memory_space<vmem>> -> memref<1x128x128xf32, #tpu.memory_space<vmem>>
        %dma_start3A_75 = tpu.memref_squeeze %dma_start3A_74 : memref<1x128x128xf32, #tpu.memory_space<vmem>> -> memref<128x128xf32, #tpu.memory_space<vmem>>
        %dma_start3A_76 = arith.constant 0 : i32
        %dma_start3A_77 = tpu.memref_slice %arg6[%dma_start3A, %dma_start3A_70, %dma_start3A_76] : memref<40x2x128xi32, #tpu.memory_space<vmem>> -> memref<1x1x128xi32, #tpu.memory_space<vmem>>
        %dma_start3A_78 = tpu.memref_squeeze %dma_start3A_77 : memref<1x1x128xi32, #tpu.memory_space<vmem>> -> memref<128xi32, #tpu.memory_space<vmem>>
        %dma_start3A_79 = arith.constant 0 : i32
        %dma_start3A_80 = arith.constant 0 : i32
        %dma_start3A_81 = tpu.memref_slice %arg2[%dma_start3A_79, %dma_start3A_80] : memref<12288x128xf32, #tpu.memory_space<hbm>> -> memref<12288x128xf32, #tpu.memory_space<hbm>>
        tpu.enqueue_indirect_dma source(%dma_start3A_81 : memref<12288x128xf32, #tpu.memory_space<hbm>>) target(%dma_start3A_75 : memref<128x128xf32, #tpu.memory_space<vmem>>) offsets(%dma_start3A_78 : memref<128xi32, #tpu.memory_space<vmem>>) semaphore(%arg9 : memref<!tpu.dma_semaphore, #tpu.memory_space<semaphore_mem>>)
      } else {
      }
      %gt3A_60 = arith.constant 1 : i32
      %gt3A_61 = arith.cmpi sgt, %sub3A_55, %gt3A_60 : i32
      %convert_element_type3A_62 = arith.extui %gt3A_61 : i1 to i32
      %cond3A_63 = arith.constant 0 : i32
      %cond3A_64 = arith.cmpi ne, %convert_element_type3A_62, %cond3A_63 : i32
      scf.if %cond3A_64 {
        %dma_start3A = arith.constant 1 : i32
        %dma_start3A_70 = arith.constant 0 : i32
        %dma_start3A_71 = arith.constant 1 : i32
        %dma_start3A_72 = arith.constant 0 : i32
        %dma_start3A_73 = arith.constant 0 : i32
        %dma_start3A_74 = tpu.memref_slice %arg7[%dma_start3A_71, %dma_start3A_72, %dma_start3A_73] : memref<2x128x128xf32, #tpu.memory_space<vmem>> -> memref<1x128x128xf32, #tpu.memory_space<vmem>>
        %dma_start3A_75 = tpu.memref_squeeze %dma_start3A_74 : memref<1x128x128xf32, #tpu.memory_space<vmem>> -> memref<128x128xf32, #tpu.memory_space<vmem>>
        %dma_start3A_76 = arith.constant 0 : i32
        %dma_start3A_77 = tpu.memref_slice %arg6[%dma_start3A, %dma_start3A_70, %dma_start3A_76] : memref<40x2x128xi32, #tpu.memory_space<vmem>> -> memref<1x1x128xi32, #tpu.memory_space<vmem>>
        %dma_start3A_78 = tpu.memref_squeeze %dma_start3A_77 : memref<1x1x128xi32, #tpu.memory_space<vmem>> -> memref<128xi32, #tpu.memory_space<vmem>>
        %dma_start3A_79 = arith.constant 0 : i32
        %dma_start3A_80 = arith.constant 0 : i32
        %dma_start3A_81 = tpu.memref_slice %arg2[%dma_start3A_79, %dma_start3A_80] : memref<12288x128xf32, #tpu.memory_space<hbm>> -> memref<12288x128xf32, #tpu.memory_space<hbm>>
        tpu.enqueue_indirect_dma source(%dma_start3A_81 : memref<12288x128xf32, #tpu.memory_space<hbm>>) target(%dma_start3A_75 : memref<128x128xf32, #tpu.memory_space<vmem>>) offsets(%dma_start3A_78 : memref<128xi32, #tpu.memory_space<vmem>>) semaphore(%arg10 : memref<!tpu.dma_semaphore, #tpu.memory_space<semaphore_mem>>)
      } else {
      }
      %scan3A = arith.constant 0 : i32
      %scan3A_65 = arith.constant 0 : i32
      %scan3A_66 = arith.constant 20 : i32
      %scan3A_67 = arith.addi %scan3A_65, %scan3A_66 : i32
      %scan3A_68 = arith.constant 1 : i32
      scf.for %scan3A_70 = %scan3A_65 to %scan3A_67 step %scan3A_68  : i32 {
        %mul3A_71 = arith.constant 2 : i32
        %mul3A_72 = arith.muli %scan3A_70, %mul3A_71 : i32
        %add3A_73 = arith.constant 0 : i32
        %add3A_74 = arith.addi %mul3A_72, %add3A_73 : i32
        %lt3A = arith.cmpi slt, %add3A_74, %sub3A_55 : i32
        %convert_element_type3A_75 = arith.extui %lt3A : i1 to i32
        %cond3A_76 = arith.constant 0 : i32
        %cond3A_77 = arith.cmpi ne, %convert_element_type3A_75, %cond3A_76 : i32
        scf.if %cond3A_77 {
          %dma_wait3A = arith.constant 0 : i32
          %dma_wait3A_86 = arith.constant 0 : i32
          %dma_wait3A_87 = arith.constant 0 : i32
          %dma_wait3A_88 = arith.constant 0 : i32
          %dma_wait3A_89 = tpu.memref_slice %arg7[%dma_wait3A_86, %dma_wait3A_87, %dma_wait3A_88] : memref<2x128x128xf32, #tpu.memory_space<vmem>> -> memref<1x128x128xf32, #tpu.memory_space<vmem>>
          %dma_wait3A_90 = tpu.memref_squeeze %dma_wait3A_89 : memref<1x128x128xf32, #tpu.memory_space<vmem>> -> memref<128x128xf32, #tpu.memory_space<vmem>>
          %dma_wait3A_91 = arith.constant 0 : i32
          %dma_wait3A_92 = tpu.memref_slice %arg6[%add3A_74, %dma_wait3A, %dma_wait3A_91] : memref<40x2x128xi32, #tpu.memory_space<vmem>> -> memref<1x1x128xi32, #tpu.memory_space<vmem>>
          %dma_wait3A_93 = tpu.memref_squeeze %dma_wait3A_92 : memref<1x1x128xi32, #tpu.memory_space<vmem>> -> memref<128xi32, #tpu.memory_space<vmem>>
          %dma_wait3A_94 = arith.constant 0 : i32
          %dma_wait3A_95 = arith.constant 0 : i32
          %dma_wait3A_96 = tpu.memref_slice %arg2[%dma_wait3A_94, %dma_wait3A_95] : memref<12288x128xf32, #tpu.memory_space<hbm>> -> memref<12288x128xf32, #tpu.memory_space<hbm>>
          tpu.wait_indirect_dma semaphore(%arg9 : memref<!tpu.dma_semaphore, #tpu.memory_space<semaphore_mem>>) src(%dma_wait3A_96 : memref<12288x128xf32, #tpu.memory_space<hbm>>) dst(%dma_wait3A_90 : memref<128x128xf32, #tpu.memory_space<vmem>>)
          %dma_start3A = arith.constant 0 : i32
          %dma_start3A_97 = arith.constant 1 : i32
          %dma_start3A_98 = arith.constant 0 : i32
          %dma_start3A_99 = arith.constant 0 : i32
          %dma_start3A_100 = tpu.memref_slice %arg7[%dma_start3A, %dma_start3A_98, %dma_start3A_99] : memref<2x128x128xf32, #tpu.memory_space<vmem>> -> memref<1x128x128xf32, #tpu.memory_space<vmem>>
          %dma_start3A_101 = tpu.memref_squeeze %dma_start3A_100 : memref<1x128x128xf32, #tpu.memory_space<vmem>> -> memref<128x128xf32, #tpu.memory_space<vmem>>
          %dma_start3A_102 = arith.constant 0 : i32
          %dma_start3A_103 = tpu.memref_slice %arg6[%add3A_74, %dma_start3A_97, %dma_start3A_102] : memref<40x2x128xi32, #tpu.memory_space<vmem>> -> memref<1x1x128xi32, #tpu.memory_space<vmem>>
          %dma_start3A_104 = tpu.memref_squeeze %dma_start3A_103 : memref<1x1x128xi32, #tpu.memory_space<vmem>> -> memref<128xi32, #tpu.memory_space<vmem>>
          %dma_start3A_105 = arith.constant 0 : i32
          %dma_start3A_106 = arith.constant 0 : i32
          %dma_start3A_107 = tpu.memref_slice %arg8[%dma_start3A_105, %dma_start3A_106] : memref<10112x128xf32, #tpu.memory_space<vmem_shared>> -> memref<10112x128xf32, #tpu.memory_space<vmem_shared>>
          tpu.enqueue_indirect_dma source(%dma_start3A_101 : memref<128x128xf32, #tpu.memory_space<vmem>>) target(%dma_start3A_107 : memref<10112x128xf32, #tpu.memory_space<vmem_shared>>) offsets(%dma_start3A_104 : memref<128xi32, #tpu.memory_space<vmem>>) semaphore(%arg11 : memref<!tpu.dma_semaphore, #tpu.memory_space<semaphore_mem>>) {add = true}
          %dma_wait3A_108 = arith.constant 0 : i32
          %dma_wait3A_109 = arith.constant 1 : i32
          %dma_wait3A_110 = arith.constant 0 : i32
          %dma_wait3A_111 = arith.constant 0 : i32
          %dma_wait3A_112 = tpu.memref_slice %arg7[%dma_wait3A_108, %dma_wait3A_110, %dma_wait3A_111] : memref<2x128x128xf32, #tpu.memory_space<vmem>> -> memref<1x128x128xf32, #tpu.memory_space<vmem>>
          %dma_wait3A_113 = tpu.memref_squeeze %dma_wait3A_112 : memref<1x128x128xf32, #tpu.memory_space<vmem>> -> memref<128x128xf32, #tpu.memory_space<vmem>>
          %dma_wait3A_114 = arith.constant 0 : i32
          %dma_wait3A_115 = tpu.memref_slice %arg6[%add3A_74, %dma_wait3A_109, %dma_wait3A_114] : memref<40x2x128xi32, #tpu.memory_space<vmem>> -> memref<1x1x128xi32, #tpu.memory_space<vmem>>
          %dma_wait3A_116 = tpu.memref_squeeze %dma_wait3A_115 : memref<1x1x128xi32, #tpu.memory_space<vmem>> -> memref<128xi32, #tpu.memory_space<vmem>>
          %dma_wait3A_117 = arith.constant 0 : i32
          %dma_wait3A_118 = arith.constant 0 : i32
          %dma_wait3A_119 = tpu.memref_slice %arg8[%dma_wait3A_117, %dma_wait3A_118] : memref<10112x128xf32, #tpu.memory_space<vmem_shared>> -> memref<10112x128xf32, #tpu.memory_space<vmem_shared>>
          tpu.wait_indirect_dma semaphore(%arg11 : memref<!tpu.dma_semaphore, #tpu.memory_space<semaphore_mem>>) src(%dma_wait3A_113 : memref<128x128xf32, #tpu.memory_space<vmem>>) dst(%dma_wait3A_119 : memref<10112x128xf32, #tpu.memory_space<vmem_shared>>)
          %add3A_120 = arith.constant 2 : i32
          %add3A_121 = arith.addi %add3A_74, %add3A_120 : i32
          %lt3A_122 = arith.cmpi slt, %add3A_121, %min3A_57 : i32
          %convert_element_type3A_123 = arith.extui %lt3A_122 : i1 to i32
          %cond3A_124 = arith.constant 0 : i32
          %cond3A_125 = arith.cmpi ne, %convert_element_type3A_123, %cond3A_124 : i32
          scf.if %cond3A_125 {
            %dma_start3A_126 = arith.constant 0 : i32
            %dma_start3A_127 = arith.constant 0 : i32
            %dma_start3A_128 = arith.constant 0 : i32
            %dma_start3A_129 = arith.constant 0 : i32
            %dma_start3A_130 = tpu.memref_slice %arg7[%dma_start3A_127, %dma_start3A_128, %dma_start3A_129] : memref<2x128x128xf32, #tpu.memory_space<vmem>> -> memref<1x128x128xf32, #tpu.memory_space<vmem>>
            %dma_start3A_131 = tpu.memref_squeeze %dma_start3A_130 : memref<1x128x128xf32, #tpu.memory_space<vmem>> -> memref<128x128xf32, #tpu.memory_space<vmem>>
            %dma_start3A_132 = arith.constant 0 : i32
            %dma_start3A_133 = tpu.memref_slice %arg6[%add3A_121, %dma_start3A_126, %dma_start3A_132] : memref<40x2x128xi32, #tpu.memory_space<vmem>> -> memref<1x1x128xi32, #tpu.memory_space<vmem>>
            %dma_start3A_134 = tpu.memref_squeeze %dma_start3A_133 : memref<1x1x128xi32, #tpu.memory_space<vmem>> -> memref<128xi32, #tpu.memory_space<vmem>>
            %dma_start3A_135 = arith.constant 0 : i32
            %dma_start3A_136 = arith.constant 0 : i32
            %dma_start3A_137 = tpu.memref_slice %arg2[%dma_start3A_135, %dma_start3A_136] : memref<12288x128xf32, #tpu.memory_space<hbm>> -> memref<12288x128xf32, #tpu.memory_space<hbm>>
            tpu.enqueue_indirect_dma source(%dma_start3A_137 : memref<12288x128xf32, #tpu.memory_space<hbm>>) target(%dma_start3A_131 : memref<128x128xf32, #tpu.memory_space<vmem>>) offsets(%dma_start3A_134 : memref<128xi32, #tpu.memory_space<vmem>>) semaphore(%arg9 : memref<!tpu.dma_semaphore, #tpu.memory_space<semaphore_mem>>)
          } else {
          }
        } else {
        }
        %mul3A_78 = arith.constant 2 : i32
        %mul3A_79 = arith.muli %scan3A_70, %mul3A_78 : i32
        %add3A_80 = arith.constant 1 : i32
        %add3A_81 = arith.addi %mul3A_79, %add3A_80 : i32
        %lt3A_82 = arith.cmpi slt, %add3A_81, %sub3A_55 : i32
        %convert_element_type3A_83 = arith.extui %lt3A_82 : i1 to i32
        %cond3A_84 = arith.constant 0 : i32
        %cond3A_85 = arith.cmpi ne, %convert_element_type3A_83, %cond3A_84 : i32
        scf.if %cond3A_85 {
          %dma_wait3A = arith.constant 0 : i32
          %dma_wait3A_86 = arith.constant 1 : i32
          %dma_wait3A_87 = arith.constant 0 : i32
          %dma_wait3A_88 = arith.constant 0 : i32
          %dma_wait3A_89 = tpu.memref_slice %arg7[%dma_wait3A_86, %dma_wait3A_87, %dma_wait3A_88] : memref<2x128x128xf32, #tpu.memory_space<vmem>> -> memref<1x128x128xf32, #tpu.memory_space<vmem>>
          %dma_wait3A_90 = tpu.memref_squeeze %dma_wait3A_89 : memref<1x128x128xf32, #tpu.memory_space<vmem>> -> memref<128x128xf32, #tpu.memory_space<vmem>>
          %dma_wait3A_91 = arith.constant 0 : i32
          %dma_wait3A_92 = tpu.memref_slice %arg6[%add3A_81, %dma_wait3A, %dma_wait3A_91] : memref<40x2x128xi32, #tpu.memory_space<vmem>> -> memref<1x1x128xi32, #tpu.memory_space<vmem>>
          %dma_wait3A_93 = tpu.memref_squeeze %dma_wait3A_92 : memref<1x1x128xi32, #tpu.memory_space<vmem>> -> memref<128xi32, #tpu.memory_space<vmem>>
          %dma_wait3A_94 = arith.constant 0 : i32
          %dma_wait3A_95 = arith.constant 0 : i32
          %dma_wait3A_96 = tpu.memref_slice %arg2[%dma_wait3A_94, %dma_wait3A_95] : memref<12288x128xf32, #tpu.memory_space<hbm>> -> memref<12288x128xf32, #tpu.memory_space<hbm>>
          tpu.wait_indirect_dma semaphore(%arg10 : memref<!tpu.dma_semaphore, #tpu.memory_space<semaphore_mem>>) src(%dma_wait3A_96 : memref<12288x128xf32, #tpu.memory_space<hbm>>) dst(%dma_wait3A_90 : memref<128x128xf32, #tpu.memory_space<vmem>>)
          %dma_start3A = arith.constant 1 : i32
          %dma_start3A_97 = arith.constant 1 : i32
          %dma_start3A_98 = arith.constant 0 : i32
          %dma_start3A_99 = arith.constant 0 : i32
          %dma_start3A_100 = tpu.memref_slice %arg7[%dma_start3A, %dma_start3A_98, %dma_start3A_99] : memref<2x128x128xf32, #tpu.memory_space<vmem>> -> memref<1x128x128xf32, #tpu.memory_space<vmem>>
          %dma_start3A_101 = tpu.memref_squeeze %dma_start3A_100 : memref<1x128x128xf32, #tpu.memory_space<vmem>> -> memref<128x128xf32, #tpu.memory_space<vmem>>
          %dma_start3A_102 = arith.constant 0 : i32
          %dma_start3A_103 = tpu.memref_slice %arg6[%add3A_81, %dma_start3A_97, %dma_start3A_102] : memref<40x2x128xi32, #tpu.memory_space<vmem>> -> memref<1x1x128xi32, #tpu.memory_space<vmem>>
          %dma_start3A_104 = tpu.memref_squeeze %dma_start3A_103 : memref<1x1x128xi32, #tpu.memory_space<vmem>> -> memref<128xi32, #tpu.memory_space<vmem>>
          %dma_start3A_105 = arith.constant 0 : i32
          %dma_start3A_106 = arith.constant 0 : i32
          %dma_start3A_107 = tpu.memref_slice %arg8[%dma_start3A_105, %dma_start3A_106] : memref<10112x128xf32, #tpu.memory_space<vmem_shared>> -> memref<10112x128xf32, #tpu.memory_space<vmem_shared>>
          tpu.enqueue_indirect_dma source(%dma_start3A_101 : memref<128x128xf32, #tpu.memory_space<vmem>>) target(%dma_start3A_107 : memref<10112x128xf32, #tpu.memory_space<vmem_shared>>) offsets(%dma_start3A_104 : memref<128xi32, #tpu.memory_space<vmem>>) semaphore(%arg12 : memref<!tpu.dma_semaphore, #tpu.memory_space<semaphore_mem>>) {add = true}
          %dma_wait3A_108 = arith.constant 1 : i32
          %dma_wait3A_109 = arith.constant 1 : i32
          %dma_wait3A_110 = arith.constant 0 : i32
          %dma_wait3A_111 = arith.constant 0 : i32
          %dma_wait3A_112 = tpu.memref_slice %arg7[%dma_wait3A_108, %dma_wait3A_110, %dma_wait3A_111] : memref<2x128x128xf32, #tpu.memory_space<vmem>> -> memref<1x128x128xf32, #tpu.memory_space<vmem>>
          %dma_wait3A_113 = tpu.memref_squeeze %dma_wait3A_112 : memref<1x128x128xf32, #tpu.memory_space<vmem>> -> memref<128x128xf32, #tpu.memory_space<vmem>>
          %dma_wait3A_114 = arith.constant 0 : i32
          %dma_wait3A_115 = tpu.memref_slice %arg6[%add3A_81, %dma_wait3A_109, %dma_wait3A_114] : memref<40x2x128xi32, #tpu.memory_space<vmem>> -> memref<1x1x128xi32, #tpu.memory_space<vmem>>
          %dma_wait3A_116 = tpu.memref_squeeze %dma_wait3A_115 : memref<1x1x128xi32, #tpu.memory_space<vmem>> -> memref<128xi32, #tpu.memory_space<vmem>>
          %dma_wait3A_117 = arith.constant 0 : i32
          %dma_wait3A_118 = arith.constant 0 : i32
          %dma_wait3A_119 = tpu.memref_slice %arg8[%dma_wait3A_117, %dma_wait3A_118] : memref<10112x128xf32, #tpu.memory_space<vmem_shared>> -> memref<10112x128xf32, #tpu.memory_space<vmem_shared>>
          tpu.wait_indirect_dma semaphore(%arg12 : memref<!tpu.dma_semaphore, #tpu.memory_space<semaphore_mem>>) src(%dma_wait3A_113 : memref<128x128xf32, #tpu.memory_space<vmem>>) dst(%dma_wait3A_119 : memref<10112x128xf32, #tpu.memory_space<vmem_shared>>)
          %add3A_120 = arith.constant 2 : i32
          %add3A_121 = arith.addi %add3A_81, %add3A_120 : i32
          %lt3A_122 = arith.cmpi slt, %add3A_121, %min3A_57 : i32
          %convert_element_type3A_123 = arith.extui %lt3A_122 : i1 to i32
          %cond3A_124 = arith.constant 0 : i32
          %cond3A_125 = arith.cmpi ne, %convert_element_type3A_123, %cond3A_124 : i32
          scf.if %cond3A_125 {
            %dma_start3A_126 = arith.constant 0 : i32
            %dma_start3A_127 = arith.constant 1 : i32
            %dma_start3A_128 = arith.constant 0 : i32
            %dma_start3A_129 = arith.constant 0 : i32
            %dma_start3A_130 = tpu.memref_slice %arg7[%dma_start3A_127, %dma_start3A_128, %dma_start3A_129] : memref<2x128x128xf32, #tpu.memory_space<vmem>> -> memref<1x128x128xf32, #tpu.memory_space<vmem>>
            %dma_start3A_131 = tpu.memref_squeeze %dma_start3A_130 : memref<1x128x128xf32, #tpu.memory_space<vmem>> -> memref<128x128xf32, #tpu.memory_space<vmem>>
            %dma_start3A_132 = arith.constant 0 : i32
            %dma_start3A_133 = tpu.memref_slice %arg6[%add3A_121, %dma_start3A_126, %dma_start3A_132] : memref<40x2x128xi32, #tpu.memory_space<vmem>> -> memref<1x1x128xi32, #tpu.memory_space<vmem>>
            %dma_start3A_134 = tpu.memref_squeeze %dma_start3A_133 : memref<1x1x128xi32, #tpu.memory_space<vmem>> -> memref<128xi32, #tpu.memory_space<vmem>>
            %dma_start3A_135 = arith.constant 0 : i32
            %dma_start3A_136 = arith.constant 0 : i32
            %dma_start3A_137 = tpu.memref_slice %arg2[%dma_start3A_135, %dma_start3A_136] : memref<12288x128xf32, #tpu.memory_space<hbm>> -> memref<12288x128xf32, #tpu.memory_space<hbm>>
            tpu.enqueue_indirect_dma source(%dma_start3A_137 : memref<12288x128xf32, #tpu.memory_space<hbm>>) target(%dma_start3A_131 : memref<128x128xf32, #tpu.memory_space<vmem>>) offsets(%dma_start3A_134 : memref<128xi32, #tpu.memory_space<vmem>>) semaphore(%arg10 : memref<!tpu.dma_semaphore, #tpu.memory_space<semaphore_mem>>)
          } else {
          }
        } else {
        }
      }
      %scan3A_69 = arith.constant 20 : i32
    }
    %while3A_44 = arith.constant 1 : i32
    scf.for %while3A_49 = %while3A_42 to %while3A_38 step %while3A_44  : i32 {
      %mul3A_50 = arith.constant 40 : i32
      %mul3A_51 = arith.muli %while3A_49, %mul3A_50 : i32
      %add3A_52 = arith.addi %select_n3A_13, %mul3A_51 : i32
      "tpu.region"() ({
        %run_scoped3A = tpu.sem_alloc : memref<!tpu.dma_semaphore, #tpu.memory_space<semaphore_mem>>
        %dma_start3A = arith.constant 0 : i32
        %dma_start3A_70 = arith.constant 0 : i32
        %dma_start3A_71 = tpu.memref_slice %arg3[%add3A_52, %dma_start3A, %dma_start3A_70] : memref<2600x2x128xi32, #tpu.memory_space<hbm>> -> memref<40x2x128xi32, #tpu.memory_space<hbm>>
        %dma_start3A_72 = arith.constant 0 : i32
        %dma_start3A_73 = arith.constant 0 : i32
        %dma_start3A_74 = tpu.memref_slice %arg3[%add3A_52, %dma_start3A_72, %dma_start3A_73] : memref<2600x2x128xi32, #tpu.memory_space<hbm>> -> memref<40x2x128xi32, #tpu.memory_space<hbm>>
        tpu.enqueue_dma source(%dma_start3A_74 : memref<40x2x128xi32, #tpu.memory_space<hbm>>) target(%arg6 : memref<40x2x128xi32, #tpu.memory_space<vmem>>) target_semaphore(%run_scoped3A : memref<!tpu.dma_semaphore, #tpu.memory_space<semaphore_mem>>)
        %dma_wait3A = arith.constant 0 : i32
        %dma_wait3A_75 = arith.constant 0 : i32
        %dma_wait3A_76 = tpu.memref_slice %arg3[%add3A_52, %dma_wait3A, %dma_wait3A_75] : memref<2600x2x128xi32, #tpu.memory_space<hbm>> -> memref<40x2x128xi32, #tpu.memory_space<hbm>>
        %dma_wait3A_77 = arith.constant 0 : i32
        %dma_wait3A_78 = arith.constant 0 : i32
        %dma_wait3A_79 = tpu.memref_slice %arg3[%add3A_52, %dma_wait3A_77, %dma_wait3A_78] : memref<2600x2x128xi32, #tpu.memory_space<hbm>> -> memref<40x2x128xi32, #tpu.memory_space<hbm>>
        tpu.wait_dma2 semaphore(%run_scoped3A : memref<!tpu.dma_semaphore, #tpu.memory_space<semaphore_mem>>) src(%dma_wait3A_79 : memref<40x2x128xi32, #tpu.memory_space<hbm>>) dst(%arg6 : memref<40x2x128xi32, #tpu.memory_space<vmem>>)
        tpu.yield
      }) : () -> ()
      %mul3A_53 = arith.constant 40 : i32
      %mul3A_54 = arith.muli %while3A_49, %mul3A_53 : i32
      %sub3A_55 = arith.subi %select_n3A, %mul3A_54 : i32
      %min3A_56 = arith.constant 40 : i32
      %min3A_57 = arith.minsi %sub3A_55, %min3A_56 : i32
      %gt3A = arith.constant 0 : i32
      %gt3A_58 = arith.cmpi sgt, %sub3A_55, %gt3A : i32
      %convert_element_type3A = arith.extui %gt3A_58 : i1 to i32
      %cond3A = arith.constant 0 : i32
      %cond3A_59 = arith.cmpi ne, %convert_element_type3A, %cond3A : i32
      scf.if %cond3A_59 {
        %dma_start3A = arith.constant 0 : i32
        %dma_start3A_70 = arith.constant 0 : i32
        %dma_start3A_71 = arith.constant 0 : i32
        %dma_start3A_72 = arith.constant 0 : i32
        %dma_start3A_73 = arith.constant 0 : i32
        %dma_start3A_74 = tpu.memref_slice %arg7[%dma_start3A_71, %dma_start3A_72, %dma_start3A_73] : memref<2x128x128xf32, #tpu.memory_space<vmem>> -> memref<1x128x128xf32, #tpu.memory_space<vmem>>
        %dma_start3A_75 = tpu.memref_squeeze %dma_start3A_74 : memref<1x128x128xf32, #tpu.memory_space<vmem>> -> memref<128x128xf32, #tpu.memory_space<vmem>>
        %dma_start3A_76 = arith.constant 0 : i32
        %dma_start3A_77 = tpu.memref_slice %arg6[%dma_start3A, %dma_start3A_70, %dma_start3A_76] : memref<40x2x128xi32, #tpu.memory_space<vmem>> -> memref<1x1x128xi32, #tpu.memory_space<vmem>>
        %dma_start3A_78 = tpu.memref_squeeze %dma_start3A_77 : memref<1x1x128xi32, #tpu.memory_space<vmem>> -> memref<128xi32, #tpu.memory_space<vmem>>
        %dma_start3A_79 = arith.constant 0 : i32
        %dma_start3A_80 = arith.constant 0 : i32
        %dma_start3A_81 = tpu.memref_slice %arg2[%dma_start3A_79, %dma_start3A_80] : memref<12288x128xf32, #tpu.memory_space<hbm>> -> memref<12288x128xf32, #tpu.memory_space<hbm>>
        tpu.enqueue_indirect_dma source(%dma_start3A_81 : memref<12288x128xf32, #tpu.memory_space<hbm>>) target(%dma_start3A_75 : memref<128x128xf32, #tpu.memory_space<vmem>>) offsets(%dma_start3A_78 : memref<128xi32, #tpu.memory_space<vmem>>) semaphore(%arg9 : memref<!tpu.dma_semaphore, #tpu.memory_space<semaphore_mem>>)
      } else {
      }
      %gt3A_60 = arith.constant 1 : i32
      %gt3A_61 = arith.cmpi sgt, %sub3A_55, %gt3A_60 : i32
      %convert_element_type3A_62 = arith.extui %gt3A_61 : i1 to i32
      %cond3A_63 = arith.constant 0 : i32
      %cond3A_64 = arith.cmpi ne, %convert_element_type3A_62, %cond3A_63 : i32
      scf.if %cond3A_64 {
        %dma_start3A = arith.constant 1 : i32
        %dma_start3A_70 = arith.constant 0 : i32
        %dma_start3A_71 = arith.constant 1 : i32
        %dma_start3A_72 = arith.constant 0 : i32
        %dma_start3A_73 = arith.constant 0 : i32
        %dma_start3A_74 = tpu.memref_slice %arg7[%dma_start3A_71, %dma_start3A_72, %dma_start3A_73] : memref<2x128x128xf32, #tpu.memory_space<vmem>> -> memref<1x128x128xf32, #tpu.memory_space<vmem>>
        %dma_start3A_75 = tpu.memref_squeeze %dma_start3A_74 : memref<1x128x128xf32, #tpu.memory_space<vmem>> -> memref<128x128xf32, #tpu.memory_space<vmem>>
        %dma_start3A_76 = arith.constant 0 : i32
        %dma_start3A_77 = tpu.memref_slice %arg6[%dma_start3A, %dma_start3A_70, %dma_start3A_76] : memref<40x2x128xi32, #tpu.memory_space<vmem>> -> memref<1x1x128xi32, #tpu.memory_space<vmem>>
        %dma_start3A_78 = tpu.memref_squeeze %dma_start3A_77 : memref<1x1x128xi32, #tpu.memory_space<vmem>> -> memref<128xi32, #tpu.memory_space<vmem>>
        %dma_start3A_79 = arith.constant 0 : i32
        %dma_start3A_80 = arith.constant 0 : i32
        %dma_start3A_81 = tpu.memref_slice %arg2[%dma_start3A_79, %dma_start3A_80] : memref<12288x128xf32, #tpu.memory_space<hbm>> -> memref<12288x128xf32, #tpu.memory_space<hbm>>
        tpu.enqueue_indirect_dma source(%dma_start3A_81 : memref<12288x128xf32, #tpu.memory_space<hbm>>) target(%dma_start3A_75 : memref<128x128xf32, #tpu.memory_space<vmem>>) offsets(%dma_start3A_78 : memref<128xi32, #tpu.memory_space<vmem>>) semaphore(%arg10 : memref<!tpu.dma_semaphore, #tpu.memory_space<semaphore_mem>>)
      } else {
      }
      %scan3A = arith.constant 0 : i32
      %scan3A_65 = arith.constant 0 : i32
      %scan3A_66 = arith.constant 20 : i32
      %scan3A_67 = arith.addi %scan3A_65, %scan3A_66 : i32
      %scan3A_68 = arith.constant 1 : i32
      scf.for %scan3A_70 = %scan3A_65 to %scan3A_67 step %scan3A_68  : i32 {
        %mul3A_71 = arith.constant 2 : i32
        %mul3A_72 = arith.muli %scan3A_70, %mul3A_71 : i32
        %add3A_73 = arith.constant 0 : i32
        %add3A_74 = arith.addi %mul3A_72, %add3A_73 : i32
        %lt3A = arith.cmpi slt, %add3A_74, %sub3A_55 : i32
        %convert_element_type3A_75 = arith.extui %lt3A : i1 to i32
        %cond3A_76 = arith.constant 0 : i32
        %cond3A_77 = arith.cmpi ne, %convert_element_type3A_75, %cond3A_76 : i32
        scf.if %cond3A_77 {
          %dma_wait3A = arith.constant 0 : i32
          %dma_wait3A_86 = arith.constant 0 : i32
          %dma_wait3A_87 = arith.constant 0 : i32
          %dma_wait3A_88 = arith.constant 0 : i32
          %dma_wait3A_89 = tpu.memref_slice %arg7[%dma_wait3A_86, %dma_wait3A_87, %dma_wait3A_88] : memref<2x128x128xf32, #tpu.memory_space<vmem>> -> memref<1x128x128xf32, #tpu.memory_space<vmem>>
          %dma_wait3A_90 = tpu.memref_squeeze %dma_wait3A_89 : memref<1x128x128xf32, #tpu.memory_space<vmem>> -> memref<128x128xf32, #tpu.memory_space<vmem>>
          %dma_wait3A_91 = arith.constant 0 : i32
          %dma_wait3A_92 = tpu.memref_slice %arg6[%add3A_74, %dma_wait3A, %dma_wait3A_91] : memref<40x2x128xi32, #tpu.memory_space<vmem>> -> memref<1x1x128xi32, #tpu.memory_space<vmem>>
          %dma_wait3A_93 = tpu.memref_squeeze %dma_wait3A_92 : memref<1x1x128xi32, #tpu.memory_space<vmem>> -> memref<128xi32, #tpu.memory_space<vmem>>
          %dma_wait3A_94 = arith.constant 0 : i32
          %dma_wait3A_95 = arith.constant 0 : i32
          %dma_wait3A_96 = tpu.memref_slice %arg2[%dma_wait3A_94, %dma_wait3A_95] : memref<12288x128xf32, #tpu.memory_space<hbm>> -> memref<12288x128xf32, #tpu.memory_space<hbm>>
          tpu.wait_indirect_dma semaphore(%arg9 : memref<!tpu.dma_semaphore, #tpu.memory_space<semaphore_mem>>) src(%dma_wait3A_96 : memref<12288x128xf32, #tpu.memory_space<hbm>>) dst(%dma_wait3A_90 : memref<128x128xf32, #tpu.memory_space<vmem>>)
          %dma_start3A = arith.constant 0 : i32
          %dma_start3A_97 = arith.constant 1 : i32
          %dma_start3A_98 = arith.constant 0 : i32
          %dma_start3A_99 = arith.constant 0 : i32
          %dma_start3A_100 = tpu.memref_slice %arg7[%dma_start3A, %dma_start3A_98, %dma_start3A_99] : memref<2x128x128xf32, #tpu.memory_space<vmem>> -> memref<1x128x128xf32, #tpu.memory_space<vmem>>
          %dma_start3A_101 = tpu.memref_squeeze %dma_start3A_100 : memref<1x128x128xf32, #tpu.memory_space<vmem>> -> memref<128x128xf32, #tpu.memory_space<vmem>>
          %dma_start3A_102 = arith.constant 0 : i32
          %dma_start3A_103 = tpu.memref_slice %arg6[%add3A_74, %dma_start3A_97, %dma_start3A_102] : memref<40x2x128xi32, #tpu.memory_space<vmem>> -> memref<1x1x128xi32, #tpu.memory_space<vmem>>
          %dma_start3A_104 = tpu.memref_squeeze %dma_start3A_103 : memref<1x1x128xi32, #tpu.memory_space<vmem>> -> memref<128xi32, #tpu.memory_space<vmem>>
          %dma_start3A_105 = arith.constant 0 : i32
          %dma_start3A_106 = arith.constant 0 : i32
          %dma_start3A_107 = tpu.memref_slice %arg8[%dma_start3A_105, %dma_start3A_106] : memref<10112x128xf32, #tpu.memory_space<vmem_shared>> -> memref<10112x128xf32, #tpu.memory_space<vmem_shared>>
          tpu.enqueue_indirect_dma source(%dma_start3A_101 : memref<128x128xf32, #tpu.memory_space<vmem>>) target(%dma_start3A_107 : memref<10112x128xf32, #tpu.memory_space<vmem_shared>>) offsets(%dma_start3A_104 : memref<128xi32, #tpu.memory_space<vmem>>) semaphore(%arg11 : memref<!tpu.dma_semaphore, #tpu.memory_space<semaphore_mem>>) {add = true}
          %dma_wait3A_108 = arith.constant 0 : i32
          %dma_wait3A_109 = arith.constant 1 : i32
          %dma_wait3A_110 = arith.constant 0 : i32
          %dma_wait3A_111 = arith.constant 0 : i32
          %dma_wait3A_112 = tpu.memref_slice %arg7[%dma_wait3A_108, %dma_wait3A_110, %dma_wait3A_111] : memref<2x128x128xf32, #tpu.memory_space<vmem>> -> memref<1x128x128xf32, #tpu.memory_space<vmem>>
          %dma_wait3A_113 = tpu.memref_squeeze %dma_wait3A_112 : memref<1x128x128xf32, #tpu.memory_space<vmem>> -> memref<128x128xf32, #tpu.memory_space<vmem>>
          %dma_wait3A_114 = arith.constant 0 : i32
          %dma_wait3A_115 = tpu.memref_slice %arg6[%add3A_74, %dma_wait3A_109, %dma_wait3A_114] : memref<40x2x128xi32, #tpu.memory_space<vmem>> -> memref<1x1x128xi32, #tpu.memory_space<vmem>>
          %dma_wait3A_116 = tpu.memref_squeeze %dma_wait3A_115 : memref<1x1x128xi32, #tpu.memory_space<vmem>> -> memref<128xi32, #tpu.memory_space<vmem>>
          %dma_wait3A_117 = arith.constant 0 : i32
          %dma_wait3A_118 = arith.constant 0 : i32
          %dma_wait3A_119 = tpu.memref_slice %arg8[%dma_wait3A_117, %dma_wait3A_118] : memref<10112x128xf32, #tpu.memory_space<vmem_shared>> -> memref<10112x128xf32, #tpu.memory_space<vmem_shared>>
          tpu.wait_indirect_dma semaphore(%arg11 : memref<!tpu.dma_semaphore, #tpu.memory_space<semaphore_mem>>) src(%dma_wait3A_113 : memref<128x128xf32, #tpu.memory_space<vmem>>) dst(%dma_wait3A_119 : memref<10112x128xf32, #tpu.memory_space<vmem_shared>>)
          %add3A_120 = arith.constant 2 : i32
          %add3A_121 = arith.addi %add3A_74, %add3A_120 : i32
          %lt3A_122 = arith.cmpi slt, %add3A_121, %min3A_57 : i32
          %convert_element_type3A_123 = arith.extui %lt3A_122 : i1 to i32
          %cond3A_124 = arith.constant 0 : i32
          %cond3A_125 = arith.cmpi ne, %convert_element_type3A_123, %cond3A_124 : i32
          scf.if %cond3A_125 {
            %dma_start3A_126 = arith.constant 0 : i32
            %dma_start3A_127 = arith.constant 0 : i32
            %dma_start3A_128 = arith.constant 0 : i32
            %dma_start3A_129 = arith.constant 0 : i32
            %dma_start3A_130 = tpu.memref_slice %arg7[%dma_start3A_127, %dma_start3A_128, %dma_start3A_129] : memref<2x128x128xf32, #tpu.memory_space<vmem>> -> memref<1x128x128xf32, #tpu.memory_space<vmem>>
            %dma_start3A_131 = tpu.memref_squeeze %dma_start3A_130 : memref<1x128x128xf32, #tpu.memory_space<vmem>> -> memref<128x128xf32, #tpu.memory_space<vmem>>
            %dma_start3A_132 = arith.constant 0 : i32
            %dma_start3A_133 = tpu.memref_slice %arg6[%add3A_121, %dma_start3A_126, %dma_start3A_132] : memref<40x2x128xi32, #tpu.memory_space<vmem>> -> memref<1x1x128xi32, #tpu.memory_space<vmem>>
            %dma_start3A_134 = tpu.memref_squeeze %dma_start3A_133 : memref<1x1x128xi32, #tpu.memory_space<vmem>> -> memref<128xi32, #tpu.memory_space<vmem>>
            %dma_start3A_135 = arith.constant 0 : i32
            %dma_start3A_136 = arith.constant 0 : i32
            %dma_start3A_137 = tpu.memref_slice %arg2[%dma_start3A_135, %dma_start3A_136] : memref<12288x128xf32, #tpu.memory_space<hbm>> -> memref<12288x128xf32, #tpu.memory_space<hbm>>
            tpu.enqueue_indirect_dma source(%dma_start3A_137 : memref<12288x128xf32, #tpu.memory_space<hbm>>) target(%dma_start3A_131 : memref<128x128xf32, #tpu.memory_space<vmem>>) offsets(%dma_start3A_134 : memref<128xi32, #tpu.memory_space<vmem>>) semaphore(%arg9 : memref<!tpu.dma_semaphore, #tpu.memory_space<semaphore_mem>>)
          } else {
          }
        } else {
        }
        %mul3A_78 = arith.constant 2 : i32
        %mul3A_79 = arith.muli %scan3A_70, %mul3A_78 : i32
        %add3A_80 = arith.constant 1 : i32
        %add3A_81 = arith.addi %mul3A_79, %add3A_80 : i32
        %lt3A_82 = arith.cmpi slt, %add3A_81, %sub3A_55 : i32
        %convert_element_type3A_83 = arith.extui %lt3A_82 : i1 to i32
        %cond3A_84 = arith.constant 0 : i32
        %cond3A_85 = arith.cmpi ne, %convert_element_type3A_83, %cond3A_84 : i32
        scf.if %cond3A_85 {
          %dma_wait3A = arith.constant 0 : i32
          %dma_wait3A_86 = arith.constant 1 : i32
          %dma_wait3A_87 = arith.constant 0 : i32
          %dma_wait3A_88 = arith.constant 0 : i32
          %dma_wait3A_89 = tpu.memref_slice %arg7[%dma_wait3A_86, %dma_wait3A_87, %dma_wait3A_88] : memref<2x128x128xf32, #tpu.memory_space<vmem>> -> memref<1x128x128xf32, #tpu.memory_space<vmem>>
          %dma_wait3A_90 = tpu.memref_squeeze %dma_wait3A_89 : memref<1x128x128xf32, #tpu.memory_space<vmem>> -> memref<128x128xf32, #tpu.memory_space<vmem>>
          %dma_wait3A_91 = arith.constant 0 : i32
          %dma_wait3A_92 = tpu.memref_slice %arg6[%add3A_81, %dma_wait3A, %dma_wait3A_91] : memref<40x2x128xi32, #tpu.memory_space<vmem>> -> memref<1x1x128xi32, #tpu.memory_space<vmem>>
          %dma_wait3A_93 = tpu.memref_squeeze %dma_wait3A_92 : memref<1x1x128xi32, #tpu.memory_space<vmem>> -> memref<128xi32, #tpu.memory_space<vmem>>
          %dma_wait3A_94 = arith.constant 0 : i32
          %dma_wait3A_95 = arith.constant 0 : i32
          %dma_wait3A_96 = tpu.memref_slice %arg2[%dma_wait3A_94, %dma_wait3A_95] : memref<12288x128xf32, #tpu.memory_space<hbm>> -> memref<12288x128xf32, #tpu.memory_space<hbm>>
          tpu.wait_indirect_dma semaphore(%arg10 : memref<!tpu.dma_semaphore, #tpu.memory_space<semaphore_mem>>) src(%dma_wait3A_96 : memref<12288x128xf32, #tpu.memory_space<hbm>>) dst(%dma_wait3A_90 : memref<128x128xf32, #tpu.memory_space<vmem>>)
          %dma_start3A = arith.constant 1 : i32
          %dma_start3A_97 = arith.constant 1 : i32
          %dma_start3A_98 = arith.constant 0 : i32
          %dma_start3A_99 = arith.constant 0 : i32
          %dma_start3A_100 = tpu.memref_slice %arg7[%dma_start3A, %dma_start3A_98, %dma_start3A_99] : memref<2x128x128xf32, #tpu.memory_space<vmem>> -> memref<1x128x128xf32, #tpu.memory_space<vmem>>
          %dma_start3A_101 = tpu.memref_squeeze %dma_start3A_100 : memref<1x128x128xf32, #tpu.memory_space<vmem>> -> memref<128x128xf32, #tpu.memory_space<vmem>>
          %dma_start3A_102 = arith.constant 0 : i32
          %dma_start3A_103 = tpu.memref_slice %arg6[%add3A_81, %dma_start3A_97, %dma_start3A_102] : memref<40x2x128xi32, #tpu.memory_space<vmem>> -> memref<1x1x128xi32, #tpu.memory_space<vmem>>
          %dma_start3A_104 = tpu.memref_squeeze %dma_start3A_103 : memref<1x1x128xi32, #tpu.memory_space<vmem>> -> memref<128xi32, #tpu.memory_space<vmem>>
          %dma_start3A_105 = arith.constant 0 : i32
          %dma_start3A_106 = arith.constant 0 : i32
          %dma_start3A_107 = tpu.memref_slice %arg8[%dma_start3A_105, %dma_start3A_106] : memref<10112x128xf32, #tpu.memory_space<vmem_shared>> -> memref<10112x128xf32, #tpu.memory_space<vmem_shared>>
          tpu.enqueue_indirect_dma source(%dma_start3A_101 : memref<128x128xf32, #tpu.memory_space<vmem>>) target(%dma_start3A_107 : memref<10112x128xf32, #tpu.memory_space<vmem_shared>>) offsets(%dma_start3A_104 : memref<128xi32, #tpu.memory_space<vmem>>) semaphore(%arg12 : memref<!tpu.dma_semaphore, #tpu.memory_space<semaphore_mem>>) {add = true}
          %dma_wait3A_108 = arith.constant 1 : i32
          %dma_wait3A_109 = arith.constant 1 : i32
          %dma_wait3A_110 = arith.constant 0 : i32
          %dma_wait3A_111 = arith.constant 0 : i32
          %dma_wait3A_112 = tpu.memref_slice %arg7[%dma_wait3A_108, %dma_wait3A_110, %dma_wait3A_111] : memref<2x128x128xf32, #tpu.memory_space<vmem>> -> memref<1x128x128xf32, #tpu.memory_space<vmem>>
          %dma_wait3A_113 = tpu.memref_squeeze %dma_wait3A_112 : memref<1x128x128xf32, #tpu.memory_space<vmem>> -> memref<128x128xf32, #tpu.memory_space<vmem>>
          %dma_wait3A_114 = arith.constant 0 : i32
          %dma_wait3A_115 = tpu.memref_slice %arg6[%add3A_81, %dma_wait3A_109, %dma_wait3A_114] : memref<40x2x128xi32, #tpu.memory_space<vmem>> -> memref<1x1x128xi32, #tpu.memory_space<vmem>>
          %dma_wait3A_116 = tpu.memref_squeeze %dma_wait3A_115 : memref<1x1x128xi32, #tpu.memory_space<vmem>> -> memref<128xi32, #tpu.memory_space<vmem>>
          %dma_wait3A_117 = arith.constant 0 : i32
          %dma_wait3A_118 = arith.constant 0 : i32
          %dma_wait3A_119 = tpu.memref_slice %arg8[%dma_wait3A_117, %dma_wait3A_118] : memref<10112x128xf32, #tpu.memory_space<vmem_shared>> -> memref<10112x128xf32, #tpu.memory_space<vmem_shared>>
          tpu.wait_indirect_dma semaphore(%arg12 : memref<!tpu.dma_semaphore, #tpu.memory_space<semaphore_mem>>) src(%dma_wait3A_113 : memref<128x128xf32, #tpu.memory_space<vmem>>) dst(%dma_wait3A_119 : memref<10112x128xf32, #tpu.memory_space<vmem_shared>>)
          %add3A_120 = arith.constant 2 : i32
          %add3A_121 = arith.addi %add3A_81, %add3A_120 : i32
          %lt3A_122 = arith.cmpi slt, %add3A_121, %min3A_57 : i32
          %convert_element_type3A_123 = arith.extui %lt3A_122 : i1 to i32
          %cond3A_124 = arith.constant 0 : i32
          %cond3A_125 = arith.cmpi ne, %convert_element_type3A_123, %cond3A_124 : i32
          scf.if %cond3A_125 {
            %dma_start3A_126 = arith.constant 0 : i32
            %dma_start3A_127 = arith.constant 1 : i32
            %dma_start3A_128 = arith.constant 0 : i32
            %dma_start3A_129 = arith.constant 0 : i32
            %dma_start3A_130 = tpu.memref_slice %arg7[%dma_start3A_127, %dma_start3A_128, %dma_start3A_129] : memref<2x128x128xf32, #tpu.memory_space<vmem>> -> memref<1x128x128xf32, #tpu.memory_space<vmem>>
            %dma_start3A_131 = tpu.memref_squeeze %dma_start3A_130 : memref<1x128x128xf32, #tpu.memory_space<vmem>> -> memref<128x128xf32, #tpu.memory_space<vmem>>
            %dma_start3A_132 = arith.constant 0 : i32
            %dma_start3A_133 = tpu.memref_slice %arg6[%add3A_121, %dma_start3A_126, %dma_start3A_132] : memref<40x2x128xi32, #tpu.memory_space<vmem>> -> memref<1x1x128xi32, #tpu.memory_space<vmem>>
            %dma_start3A_134 = tpu.memref_squeeze %dma_start3A_133 : memref<1x1x128xi32, #tpu.memory_space<vmem>> -> memref<128xi32, #tpu.memory_space<vmem>>
            %dma_start3A_135 = arith.constant 0 : i32
            %dma_start3A_136 = arith.constant 0 : i32
            %dma_start3A_137 = tpu.memref_slice %arg2[%dma_start3A_135, %dma_start3A_136] : memref<12288x128xf32, #tpu.memory_space<hbm>> -> memref<12288x128xf32, #tpu.memory_space<hbm>>
            tpu.enqueue_indirect_dma source(%dma_start3A_137 : memref<12288x128xf32, #tpu.memory_space<hbm>>) target(%dma_start3A_131 : memref<128x128xf32, #tpu.memory_space<vmem>>) offsets(%dma_start3A_134 : memref<128xi32, #tpu.memory_space<vmem>>) semaphore(%arg10 : memref<!tpu.dma_semaphore, #tpu.memory_space<semaphore_mem>>)
          } else {
          }
        } else {
        }
      }
      %scan3A_69 = arith.constant 20 : i32
    }
    %barrier3A_45 = arith.constant 0 : index
    tpu.barrier barrier_id(%barrier3A_45)
    %mul3A_46 = arith.constant 632 : i32
    %mul3A_47 = arith.muli %arg1, %mul3A_46 : i32
    %min3A = arith.constant 9368 : i32
    %min3A_48 = arith.minsi %mul3A_47, %min3A : i32
    "tpu.region"() ({
      %run_scoped3A = tpu.sem_alloc : memref<!tpu.dma_semaphore, #tpu.memory_space<semaphore_mem>>
      %dma_start3A = arith.constant 0 : i32
      %dma_start3A_49 = tpu.memref_slice %arg5[%arg0, %min3A_48, %dma_start3A] : memref<2x10000x128xf32, #tpu.memory_space<hbm>> -> memref<1x632x128xf32, #tpu.memory_space<hbm>>
      %dma_start3A_50 = tpu.memref_squeeze %dma_start3A_49 : memref<1x632x128xf32, #tpu.memory_space<hbm>> -> memref<632x128xf32, #tpu.memory_space<hbm>>
      %dma_start3A_51 = arith.constant 0 : i32
      %dma_start3A_52 = tpu.memref_slice %arg8[%min3A_48, %dma_start3A_51] : memref<10112x128xf32, #tpu.memory_space<vmem_shared>> -> memref<632x128xf32, #tpu.memory_space<vmem_shared>>
      tpu.enqueue_dma source(%dma_start3A_52 : memref<632x128xf32, #tpu.memory_space<vmem_shared>>) target(%dma_start3A_50 : memref<632x128xf32, #tpu.memory_space<hbm>>) target_semaphore(%run_scoped3A : memref<!tpu.dma_semaphore, #tpu.memory_space<semaphore_mem>>)
      %dma_wait3A = arith.constant 0 : i32
      %dma_wait3A_53 = tpu.memref_slice %arg5[%arg0, %min3A_48, %dma_wait3A] : memref<2x10000x128xf32, #tpu.memory_space<hbm>> -> memref<1x632x128xf32, #tpu.memory_space<hbm>>
      %dma_wait3A_54 = tpu.memref_squeeze %dma_wait3A_53 : memref<1x632x128xf32, #tpu.memory_space<hbm>> -> memref<632x128xf32, #tpu.memory_space<hbm>>
      %dma_wait3A_55 = arith.constant 0 : i32
      %dma_wait3A_56 = tpu.memref_slice %arg8[%min3A_48, %dma_wait3A_55] : memref<10112x128xf32, #tpu.memory_space<vmem_shared>> -> memref<632x128xf32, #tpu.memory_space<vmem_shared>>
      tpu.wait_dma2 semaphore(%run_scoped3A : memref<!tpu.dma_semaphore, #tpu.memory_space<semaphore_mem>>) src(%dma_wait3A_56 : memref<632x128xf32, #tpu.memory_space<vmem_shared>>) dst(%dma_wait3A_54 : memref<632x128xf32, #tpu.memory_space<hbm>>)
      tpu.yield
    }) : () -> ()
    return
  }
}

#map = affine_map<(d0, d1) -> (0, 0)>
#map1 = affine_map<(d0, d1) -> (0, 0, 0)>
module attributes {stable_mosaic.version = 14 : i64} {
  func.func @_embed_deg(%arg0: i32, %arg1: i32, %arg2: memref<96x128xi32, #tpu.memory_space<hbm>>, %arg3: memref<2600x2x128xi32, #tpu.memory_space<hbm>>, %arg4: memref<100x128xf32, #tpu.memory_space<hbm>>, %arg5: memref<632x128xf32, #tpu.memory_space<hbm>>, %arg6: memref<128x128xf32, #tpu.memory_space<hbm>>, %arg7: memref<12288x128xf32, #tpu.memory_space<hbm>>, %arg8: memref<2x10000x128xf32, #tpu.memory_space<hbm>>, %arg9: memref<16x2x128xi32, #tpu.memory_space<vmem>>, %arg10: memref<128xi32, #tpu.memory_space<vmem>>, %arg11: memref<128x128xf32, #tpu.memory_space<vmem>>, %arg12: memref<128x128xf32, #tpu.memory_space<vmem>>, %arg13: memref<100x128xf32, #tpu.memory_space<vmem_shared>>, %arg14: memref<10112x128xf32, #tpu.memory_space<vmem_shared>>, %arg15: memref<!tpu.dma_semaphore, #tpu.memory_space<semaphore_mem>>, %arg16: memref<!tpu.dma_semaphore, #tpu.memory_space<semaphore_mem>>, %arg17: memref<!tpu.dma_semaphore, #tpu.memory_space<semaphore_mem>>) attributes {dimension_semantics = [#tpu.dimension_semantics<core_parallel>, #tpu.dimension_semantics<subcore_parallel>], iteration_bounds = array<i64: 2, 16>, scalar_prefetch = 0 : i64, scratch_operands = 9 : i64, tpu.core_type = #tpu.core_type<sc_vector_subcore>, window_params = [{transform_indices = #map}, {transform_indices = #map1}, {transform_indices = #map}, {transform_indices = #map}, {transform_indices = #map}, {transform_indices = #map}, {transform_indices = #map1}]} {
    %mul3A = arith.constant 16 : i32
    %mul3A_0 = arith.muli %arg0, %mul3A : i32
    %add3A = arith.addi %mul3A_0, %arg1 : i32
    %eq3A = arith.constant 0 : i32
    %eq3A_1 = arith.cmpi eq, %arg1, %eq3A : i32
    %convert_element_type3A = arith.extui %eq3A_1 : i1 to i32
    %cond3A = arith.constant 0 : i32
    %cond3A_2 = arith.cmpi ne, %convert_element_type3A, %cond3A : i32
    scf.if %cond3A_2 {
      "tpu.region"() ({
        %run_scoped3A = tpu.sem_alloc : memref<!tpu.dma_semaphore, #tpu.memory_space<semaphore_mem>>
        tpu.enqueue_dma source(%arg4 : memref<100x128xf32, #tpu.memory_space<hbm>>) target(%arg13 : memref<100x128xf32, #tpu.memory_space<vmem_shared>>) target_semaphore(%run_scoped3A : memref<!tpu.dma_semaphore, #tpu.memory_space<semaphore_mem>>)
        tpu.wait_dma2 semaphore(%run_scoped3A : memref<!tpu.dma_semaphore, #tpu.memory_space<semaphore_mem>>) src(%arg4 : memref<100x128xf32, #tpu.memory_space<hbm>>) dst(%arg13 : memref<100x128xf32, #tpu.memory_space<vmem_shared>>)
        tpu.yield
      }) : () -> ()
    } else {
    }
    %mul3A_3 = arith.constant 632 : i32
    %mul3A_4 = arith.muli %arg1, %mul3A_3 : i32
    "tpu.region"() ({
      %run_scoped3A = tpu.sem_alloc : memref<!tpu.dma_semaphore, #tpu.memory_space<semaphore_mem>>
      %dma_start3A_48 = arith.constant 0 : i32
      %dma_start3A_49 = tpu.memref_slice %arg14[%mul3A_4, %dma_start3A_48] : memref<10112x128xf32, #tpu.memory_space<vmem_shared>> -> memref<632x128xf32, #tpu.memory_space<vmem_shared>>
      tpu.enqueue_dma source(%arg5 : memref<632x128xf32, #tpu.memory_space<hbm>>) target(%dma_start3A_49 : memref<632x128xf32, #tpu.memory_space<vmem_shared>>) target_semaphore(%run_scoped3A : memref<!tpu.dma_semaphore, #tpu.memory_space<semaphore_mem>>)
      %dma_wait3A_50 = arith.constant 0 : i32
      %dma_wait3A_51 = tpu.memref_slice %arg14[%mul3A_4, %dma_wait3A_50] : memref<10112x128xf32, #tpu.memory_space<vmem_shared>> -> memref<632x128xf32, #tpu.memory_space<vmem_shared>>
      tpu.wait_dma2 semaphore(%run_scoped3A : memref<!tpu.dma_semaphore, #tpu.memory_space<semaphore_mem>>) src(%arg5 : memref<632x128xf32, #tpu.memory_space<hbm>>) dst(%dma_wait3A_51 : memref<632x128xf32, #tpu.memory_space<vmem_shared>>)
      tpu.yield
    }) : () -> ()
    "tpu.region"() ({
      %run_scoped3A = tpu.sem_alloc : memref<!tpu.dma_semaphore, #tpu.memory_space<semaphore_mem>>
      tpu.enqueue_dma source(%arg6 : memref<128x128xf32, #tpu.memory_space<hbm>>) target(%arg12 : memref<128x128xf32, #tpu.memory_space<vmem>>) target_semaphore(%run_scoped3A : memref<!tpu.dma_semaphore, #tpu.memory_space<semaphore_mem>>)
      tpu.wait_dma2 semaphore(%run_scoped3A : memref<!tpu.dma_semaphore, #tpu.memory_space<semaphore_mem>>) src(%arg6 : memref<128x128xf32, #tpu.memory_space<hbm>>) dst(%arg12 : memref<128x128xf32, #tpu.memory_space<vmem>>)
      tpu.yield
    }) : () -> ()
    %barrier3A = arith.constant 0 : index
    tpu.barrier barrier_id(%barrier3A)
    %mul3A_5 = arith.constant 3 : i32
    %mul3A_6 = arith.muli %add3A, %mul3A_5 : i32
    %add3A_7 = arith.constant 0 : i32
    %add3A_8 = arith.addi %mul3A_6, %add3A_7 : i32
    "tpu.region"() ({
      %run_scoped3A = tpu.sem_alloc : memref<!tpu.dma_semaphore, #tpu.memory_space<semaphore_mem>>
      %dma_start3A_48 = arith.constant 0 : i32
      %dma_start3A_49 = tpu.memref_slice %arg2[%add3A_8, %dma_start3A_48] : memref<96x128xi32, #tpu.memory_space<hbm>> -> memref<1x128xi32, #tpu.memory_space<hbm>>
      %dma_start3A_50 = tpu.memref_squeeze %dma_start3A_49 : memref<1x128xi32, #tpu.memory_space<hbm>> -> memref<128xi32, #tpu.memory_space<hbm>>
      %dma_start3A_51 = arith.constant 0 : i32
      %dma_start3A_52 = tpu.memref_slice %arg2[%add3A_8, %dma_start3A_51] : memref<96x128xi32, #tpu.memory_space<hbm>> -> memref<1x128xi32, #tpu.memory_space<hbm>>
      %dma_start3A_53 = tpu.memref_squeeze %dma_start3A_52 : memref<1x128xi32, #tpu.memory_space<hbm>> -> memref<128xi32, #tpu.memory_space<hbm>>
      tpu.enqueue_dma source(%dma_start3A_53 : memref<128xi32, #tpu.memory_space<hbm>>) target(%arg10 : memref<128xi32, #tpu.memory_space<vmem>>) target_semaphore(%run_scoped3A : memref<!tpu.dma_semaphore, #tpu.memory_space<semaphore_mem>>)
      %dma_wait3A_54 = arith.constant 0 : i32
      %dma_wait3A_55 = tpu.memref_slice %arg2[%add3A_8, %dma_wait3A_54] : memref<96x128xi32, #tpu.memory_space<hbm>> -> memref<1x128xi32, #tpu.memory_space<hbm>>
      %dma_wait3A_56 = tpu.memref_squeeze %dma_wait3A_55 : memref<1x128xi32, #tpu.memory_space<hbm>> -> memref<128xi32, #tpu.memory_space<hbm>>
      %dma_wait3A_57 = arith.constant 0 : i32
      %dma_wait3A_58 = tpu.memref_slice %arg2[%add3A_8, %dma_wait3A_57] : memref<96x128xi32, #tpu.memory_space<hbm>> -> memref<1x128xi32, #tpu.memory_space<hbm>>
      %dma_wait3A_59 = tpu.memref_squeeze %dma_wait3A_58 : memref<1x128xi32, #tpu.memory_space<hbm>> -> memref<128xi32, #tpu.memory_space<hbm>>
      tpu.wait_dma2 semaphore(%run_scoped3A : memref<!tpu.dma_semaphore, #tpu.memory_space<semaphore_mem>>) src(%dma_wait3A_59 : memref<128xi32, #tpu.memory_space<hbm>>) dst(%arg10 : memref<128xi32, #tpu.memory_space<vmem>>)
      tpu.yield
    }) : () -> ()
    %dma_start3A = arith.constant 0 : i32
    %dma_start3A_9 = arith.constant 0 : i32
    %dma_start3A_10 = tpu.memref_slice %arg13[%dma_start3A, %dma_start3A_9] : memref<100x128xf32, #tpu.memory_space<vmem_shared>> -> memref<100x128xf32, #tpu.memory_space<vmem_shared>>
    tpu.enqueue_indirect_dma source(%dma_start3A_10 : memref<100x128xf32, #tpu.memory_space<vmem_shared>>) target(%arg11 : memref<128x128xf32, #tpu.memory_space<vmem>>) offsets(%arg10 : memref<128xi32, #tpu.memory_space<vmem>>) semaphore(%arg15 : memref<!tpu.dma_semaphore, #tpu.memory_space<semaphore_mem>>)
    %dma_wait3A = arith.constant 0 : i32
    %dma_wait3A_11 = arith.constant 0 : i32
    %dma_wait3A_12 = tpu.memref_slice %arg13[%dma_wait3A, %dma_wait3A_11] : memref<100x128xf32, #tpu.memory_space<vmem_shared>> -> memref<100x128xf32, #tpu.memory_space<vmem_shared>>
    tpu.wait_indirect_dma semaphore(%arg15 : memref<!tpu.dma_semaphore, #tpu.memory_space<semaphore_mem>>) src(%dma_wait3A_12 : memref<100x128xf32, #tpu.memory_space<vmem_shared>>) dst(%arg11 : memref<128x128xf32, #tpu.memory_space<vmem>>)
    %mul3A_13 = arith.constant 128 : i32
    %mul3A_14 = arith.muli %add3A_8, %mul3A_13 : i32
    "tpu.region"() ({
      %run_scoped3A = tpu.sem_alloc : memref<!tpu.dma_semaphore, #tpu.memory_space<semaphore_mem>>
      %dma_start3A_48 = arith.constant 0 : i32
      %dma_start3A_49 = tpu.memref_slice %arg7[%mul3A_14, %dma_start3A_48] : memref<12288x128xf32, #tpu.memory_space<hbm>> -> memref<128x128xf32, #tpu.memory_space<hbm>>
      %dma_start3A_50 = arith.constant 0 : i32
      %dma_start3A_51 = tpu.memref_slice %arg7[%mul3A_14, %dma_start3A_50] : memref<12288x128xf32, #tpu.memory_space<hbm>> -> memref<128x128xf32, #tpu.memory_space<hbm>>
      tpu.enqueue_dma source(%arg11 : memref<128x128xf32, #tpu.memory_space<vmem>>) target(%dma_start3A_51 : memref<128x128xf32, #tpu.memory_space<hbm>>) target_semaphore(%run_scoped3A : memref<!tpu.dma_semaphore, #tpu.memory_space<semaphore_mem>>)
      %dma_wait3A_52 = arith.constant 0 : i32
      %dma_wait3A_53 = tpu.memref_slice %arg7[%mul3A_14, %dma_wait3A_52] : memref<12288x128xf32, #tpu.memory_space<hbm>> -> memref<128x128xf32, #tpu.memory_space<hbm>>
      %dma_wait3A_54 = arith.constant 0 : i32
      %dma_wait3A_55 = tpu.memref_slice %arg7[%mul3A_14, %dma_wait3A_54] : memref<12288x128xf32, #tpu.memory_space<hbm>> -> memref<128x128xf32, #tpu.memory_space<hbm>>
      tpu.wait_dma2 semaphore(%run_scoped3A : memref<!tpu.dma_semaphore, #tpu.memory_space<semaphore_mem>>) src(%arg11 : memref<128x128xf32, #tpu.memory_space<vmem>>) dst(%dma_wait3A_55 : memref<128x128xf32, #tpu.memory_space<hbm>>)
      tpu.yield
    }) : () -> ()
    %mul3A_15 = arith.constant 3 : i32
    %mul3A_16 = arith.muli %add3A, %mul3A_15 : i32
    %add3A_17 = arith.constant 1 : i32
    %add3A_18 = arith.addi %mul3A_16, %add3A_17 : i32
    "tpu.region"() ({
      %run_scoped3A = tpu.sem_alloc : memref<!tpu.dma_semaphore, #tpu.memory_space<semaphore_mem>>
      %dma_start3A_48 = arith.constant 0 : i32
      %dma_start3A_49 = tpu.memref_slice %arg2[%add3A_18, %dma_start3A_48] : memref<96x128xi32, #tpu.memory_space<hbm>> -> memref<1x128xi32, #tpu.memory_space<hbm>>
      %dma_start3A_50 = tpu.memref_squeeze %dma_start3A_49 : memref<1x128xi32, #tpu.memory_space<hbm>> -> memref<128xi32, #tpu.memory_space<hbm>>
      %dma_start3A_51 = arith.constant 0 : i32
      %dma_start3A_52 = tpu.memref_slice %arg2[%add3A_18, %dma_start3A_51] : memref<96x128xi32, #tpu.memory_space<hbm>> -> memref<1x128xi32, #tpu.memory_space<hbm>>
      %dma_start3A_53 = tpu.memref_squeeze %dma_start3A_52 : memref<1x128xi32, #tpu.memory_space<hbm>> -> memref<128xi32, #tpu.memory_space<hbm>>
      tpu.enqueue_dma source(%dma_start3A_53 : memref<128xi32, #tpu.memory_space<hbm>>) target(%arg10 : memref<128xi32, #tpu.memory_space<vmem>>) target_semaphore(%run_scoped3A : memref<!tpu.dma_semaphore, #tpu.memory_space<semaphore_mem>>)
      %dma_wait3A_54 = arith.constant 0 : i32
      %dma_wait3A_55 = tpu.memref_slice %arg2[%add3A_18, %dma_wait3A_54] : memref<96x128xi32, #tpu.memory_space<hbm>> -> memref<1x128xi32, #tpu.memory_space<hbm>>
      %dma_wait3A_56 = tpu.memref_squeeze %dma_wait3A_55 : memref<1x128xi32, #tpu.memory_space<hbm>> -> memref<128xi32, #tpu.memory_space<hbm>>
      %dma_wait3A_57 = arith.constant 0 : i32
      %dma_wait3A_58 = tpu.memref_slice %arg2[%add3A_18, %dma_wait3A_57] : memref<96x128xi32, #tpu.memory_space<hbm>> -> memref<1x128xi32, #tpu.memory_space<hbm>>
      %dma_wait3A_59 = tpu.memref_squeeze %dma_wait3A_58 : memref<1x128xi32, #tpu.memory_space<hbm>> -> memref<128xi32, #tpu.memory_space<hbm>>
      tpu.wait_dma2 semaphore(%run_scoped3A : memref<!tpu.dma_semaphore, #tpu.memory_space<semaphore_mem>>) src(%dma_wait3A_59 : memref<128xi32, #tpu.memory_space<hbm>>) dst(%arg10 : memref<128xi32, #tpu.memory_space<vmem>>)
      tpu.yield
    }) : () -> ()
    %dma_start3A_19 = arith.constant 0 : i32
    %dma_start3A_20 = arith.constant 0 : i32
    %dma_start3A_21 = tpu.memref_slice %arg13[%dma_start3A_19, %dma_start3A_20] : memref<100x128xf32, #tpu.memory_space<vmem_shared>> -> memref<100x128xf32, #tpu.memory_space<vmem_shared>>
    tpu.enqueue_indirect_dma source(%dma_start3A_21 : memref<100x128xf32, #tpu.memory_space<vmem_shared>>) target(%arg11 : memref<128x128xf32, #tpu.memory_space<vmem>>) offsets(%arg10 : memref<128xi32, #tpu.memory_space<vmem>>) semaphore(%arg15 : memref<!tpu.dma_semaphore, #tpu.memory_space<semaphore_mem>>)
    %dma_wait3A_22 = arith.constant 0 : i32
    %dma_wait3A_23 = arith.constant 0 : i32
    %dma_wait3A_24 = tpu.memref_slice %arg13[%dma_wait3A_22, %dma_wait3A_23] : memref<100x128xf32, #tpu.memory_space<vmem_shared>> -> memref<100x128xf32, #tpu.memory_space<vmem_shared>>
    tpu.wait_indirect_dma semaphore(%arg15 : memref<!tpu.dma_semaphore, #tpu.memory_space<semaphore_mem>>) src(%dma_wait3A_24 : memref<100x128xf32, #tpu.memory_space<vmem_shared>>) dst(%arg11 : memref<128x128xf32, #tpu.memory_space<vmem>>)
    %mul3A_25 = arith.constant 128 : i32
    %mul3A_26 = arith.muli %add3A_18, %mul3A_25 : i32
    "tpu.region"() ({
      %run_scoped3A = tpu.sem_alloc : memref<!tpu.dma_semaphore, #tpu.memory_space<semaphore_mem>>
      %dma_start3A_48 = arith.constant 0 : i32
      %dma_start3A_49 = tpu.memref_slice %arg7[%mul3A_26, %dma_start3A_48] : memref<12288x128xf32, #tpu.memory_space<hbm>> -> memref<128x128xf32, #tpu.memory_space<hbm>>
      %dma_start3A_50 = arith.constant 0 : i32
      %dma_start3A_51 = tpu.memref_slice %arg7[%mul3A_26, %dma_start3A_50] : memref<12288x128xf32, #tpu.memory_space<hbm>> -> memref<128x128xf32, #tpu.memory_space<hbm>>
      tpu.enqueue_dma source(%arg11 : memref<128x128xf32, #tpu.memory_space<vmem>>) target(%dma_start3A_51 : memref<128x128xf32, #tpu.memory_space<hbm>>) target_semaphore(%run_scoped3A : memref<!tpu.dma_semaphore, #tpu.memory_space<semaphore_mem>>)
      %dma_wait3A_52 = arith.constant 0 : i32
      %dma_wait3A_53 = tpu.memref_slice %arg7[%mul3A_26, %dma_wait3A_52] : memref<12288x128xf32, #tpu.memory_space<hbm>> -> memref<128x128xf32, #tpu.memory_space<hbm>>
      %dma_wait3A_54 = arith.constant 0 : i32
      %dma_wait3A_55 = tpu.memref_slice %arg7[%mul3A_26, %dma_wait3A_54] : memref<12288x128xf32, #tpu.memory_space<hbm>> -> memref<128x128xf32, #tpu.memory_space<hbm>>
      tpu.wait_dma2 semaphore(%run_scoped3A : memref<!tpu.dma_semaphore, #tpu.memory_space<semaphore_mem>>) src(%arg11 : memref<128x128xf32, #tpu.memory_space<vmem>>) dst(%dma_wait3A_55 : memref<128x128xf32, #tpu.memory_space<hbm>>)
      tpu.yield
    }) : () -> ()
    %mul3A_27 = arith.constant 3 : i32
    %mul3A_28 = arith.muli %add3A, %mul3A_27 : i32
    %add3A_29 = arith.constant 2 : i32
    %add3A_30 = arith.addi %mul3A_28, %add3A_29 : i32
    "tpu.region"() ({
      %run_scoped3A = tpu.sem_alloc : memref<!tpu.dma_semaphore, #tpu.memory_space<semaphore_mem>>
      %dma_start3A_48 = arith.constant 0 : i32
      %dma_start3A_49 = tpu.memref_slice %arg2[%add3A_30, %dma_start3A_48] : memref<96x128xi32, #tpu.memory_space<hbm>> -> memref<1x128xi32, #tpu.memory_space<hbm>>
      %dma_start3A_50 = tpu.memref_squeeze %dma_start3A_49 : memref<1x128xi32, #tpu.memory_space<hbm>> -> memref<128xi32, #tpu.memory_space<hbm>>
      %dma_start3A_51 = arith.constant 0 : i32
      %dma_start3A_52 = tpu.memref_slice %arg2[%add3A_30, %dma_start3A_51] : memref<96x128xi32, #tpu.memory_space<hbm>> -> memref<1x128xi32, #tpu.memory_space<hbm>>
      %dma_start3A_53 = tpu.memref_squeeze %dma_start3A_52 : memref<1x128xi32, #tpu.memory_space<hbm>> -> memref<128xi32, #tpu.memory_space<hbm>>
      tpu.enqueue_dma source(%dma_start3A_53 : memref<128xi32, #tpu.memory_space<hbm>>) target(%arg10 : memref<128xi32, #tpu.memory_space<vmem>>) target_semaphore(%run_scoped3A : memref<!tpu.dma_semaphore, #tpu.memory_space<semaphore_mem>>)
      %dma_wait3A_54 = arith.constant 0 : i32
      %dma_wait3A_55 = tpu.memref_slice %arg2[%add3A_30, %dma_wait3A_54] : memref<96x128xi32, #tpu.memory_space<hbm>> -> memref<1x128xi32, #tpu.memory_space<hbm>>
      %dma_wait3A_56 = tpu.memref_squeeze %dma_wait3A_55 : memref<1x128xi32, #tpu.memory_space<hbm>> -> memref<128xi32, #tpu.memory_space<hbm>>
      %dma_wait3A_57 = arith.constant 0 : i32
      %dma_wait3A_58 = tpu.memref_slice %arg2[%add3A_30, %dma_wait3A_57] : memref<96x128xi32, #tpu.memory_space<hbm>> -> memref<1x128xi32, #tpu.memory_space<hbm>>
      %dma_wait3A_59 = tpu.memref_squeeze %dma_wait3A_58 : memref<1x128xi32, #tpu.memory_space<hbm>> -> memref<128xi32, #tpu.memory_space<hbm>>
      tpu.wait_dma2 semaphore(%run_scoped3A : memref<!tpu.dma_semaphore, #tpu.memory_space<semaphore_mem>>) src(%dma_wait3A_59 : memref<128xi32, #tpu.memory_space<hbm>>) dst(%arg10 : memref<128xi32, #tpu.memory_space<vmem>>)
      tpu.yield
    }) : () -> ()
    %dma_start3A_31 = arith.constant 0 : i32
    %dma_start3A_32 = arith.constant 0 : i32
    %dma_start3A_33 = tpu.memref_slice %arg13[%dma_start3A_31, %dma_start3A_32] : memref<100x128xf32, #tpu.memory_space<vmem_shared>> -> memref<100x128xf32, #tpu.memory_space<vmem_shared>>
    tpu.enqueue_indirect_dma source(%dma_start3A_33 : memref<100x128xf32, #tpu.memory_space<vmem_shared>>) target(%arg11 : memref<128x128xf32, #tpu.memory_space<vmem>>) offsets(%arg10 : memref<128xi32, #tpu.memory_space<vmem>>) semaphore(%arg15 : memref<!tpu.dma_semaphore, #tpu.memory_space<semaphore_mem>>)
    %dma_wait3A_34 = arith.constant 0 : i32
    %dma_wait3A_35 = arith.constant 0 : i32
    %dma_wait3A_36 = tpu.memref_slice %arg13[%dma_wait3A_34, %dma_wait3A_35] : memref<100x128xf32, #tpu.memory_space<vmem_shared>> -> memref<100x128xf32, #tpu.memory_space<vmem_shared>>
    tpu.wait_indirect_dma semaphore(%arg15 : memref<!tpu.dma_semaphore, #tpu.memory_space<semaphore_mem>>) src(%dma_wait3A_36 : memref<100x128xf32, #tpu.memory_space<vmem_shared>>) dst(%arg11 : memref<128x128xf32, #tpu.memory_space<vmem>>)
    %mul3A_37 = arith.constant 128 : i32
    %mul3A_38 = arith.muli %add3A_30, %mul3A_37 : i32
    "tpu.region"() ({
      %run_scoped3A = tpu.sem_alloc : memref<!tpu.dma_semaphore, #tpu.memory_space<semaphore_mem>>
      %dma_start3A_48 = arith.constant 0 : i32
      %dma_start3A_49 = tpu.memref_slice %arg7[%mul3A_38, %dma_start3A_48] : memref<12288x128xf32, #tpu.memory_space<hbm>> -> memref<128x128xf32, #tpu.memory_space<hbm>>
      %dma_start3A_50 = arith.constant 0 : i32
      %dma_start3A_51 = tpu.memref_slice %arg7[%mul3A_38, %dma_start3A_50] : memref<12288x128xf32, #tpu.memory_space<hbm>> -> memref<128x128xf32, #tpu.memory_space<hbm>>
      tpu.enqueue_dma source(%arg11 : memref<128x128xf32, #tpu.memory_space<vmem>>) target(%dma_start3A_51 : memref<128x128xf32, #tpu.memory_space<hbm>>) target_semaphore(%run_scoped3A : memref<!tpu.dma_semaphore, #tpu.memory_space<semaphore_mem>>)
      %dma_wait3A_52 = arith.constant 0 : i32
      %dma_wait3A_53 = tpu.memref_slice %arg7[%mul3A_38, %dma_wait3A_52] : memref<12288x128xf32, #tpu.memory_space<hbm>> -> memref<128x128xf32, #tpu.memory_space<hbm>>
      %dma_wait3A_54 = arith.constant 0 : i32
      %dma_wait3A_55 = tpu.memref_slice %arg7[%mul3A_38, %dma_wait3A_54] : memref<12288x128xf32, #tpu.memory_space<hbm>> -> memref<128x128xf32, #tpu.memory_space<hbm>>
      tpu.wait_dma2 semaphore(%run_scoped3A : memref<!tpu.dma_semaphore, #tpu.memory_space<semaphore_mem>>) src(%arg11 : memref<128x128xf32, #tpu.memory_space<vmem>>) dst(%dma_wait3A_55 : memref<128x128xf32, #tpu.memory_space<hbm>>)
      tpu.yield
    }) : () -> ()
    %scan3A = arith.constant 0 : i32
    %scan3A_39 = arith.constant 0 : i32
    %scan3A_40 = arith.constant 5 : i32
    %scan3A_41 = arith.addi %scan3A_39, %scan3A_40 : i32
    %scan3A_42 = arith.constant 1 : i32
    scf.for %scan3A_48 = %scan3A_39 to %scan3A_41 step %scan3A_42  : i32 {
      %mul3A_49 = arith.constant 80 : i32
      %mul3A_50 = arith.muli %add3A, %mul3A_49 : i32
      %mul3A_51 = arith.constant 16 : i32
      %mul3A_52 = arith.muli %scan3A_48, %mul3A_51 : i32
      %add3A_53 = arith.addi %mul3A_50, %mul3A_52 : i32
      "tpu.region"() ({
        %run_scoped3A = tpu.sem_alloc : memref<!tpu.dma_semaphore, #tpu.memory_space<semaphore_mem>>
        %dma_start3A_60 = arith.constant 0 : i32
        %dma_start3A_61 = arith.constant 0 : i32
        %dma_start3A_62 = tpu.memref_slice %arg3[%add3A_53, %dma_start3A_60, %dma_start3A_61] : memref<2600x2x128xi32, #tpu.memory_space<hbm>> -> memref<16x2x128xi32, #tpu.memory_space<hbm>>
        %dma_start3A_63 = arith.constant 0 : i32
        %dma_start3A_64 = arith.constant 0 : i32
        %dma_start3A_65 = tpu.memref_slice %arg3[%add3A_53, %dma_start3A_63, %dma_start3A_64] : memref<2600x2x128xi32, #tpu.memory_space<hbm>> -> memref<16x2x128xi32, #tpu.memory_space<hbm>>
        tpu.enqueue_dma source(%dma_start3A_65 : memref<16x2x128xi32, #tpu.memory_space<hbm>>) target(%arg9 : memref<16x2x128xi32, #tpu.memory_space<vmem>>) target_semaphore(%run_scoped3A : memref<!tpu.dma_semaphore, #tpu.memory_space<semaphore_mem>>)
        %dma_wait3A_66 = arith.constant 0 : i32
        %dma_wait3A_67 = arith.constant 0 : i32
        %dma_wait3A_68 = tpu.memref_slice %arg3[%add3A_53, %dma_wait3A_66, %dma_wait3A_67] : memref<2600x2x128xi32, #tpu.memory_space<hbm>> -> memref<16x2x128xi32, #tpu.memory_space<hbm>>
        %dma_wait3A_69 = arith.constant 0 : i32
        %dma_wait3A_70 = arith.constant 0 : i32
        %dma_wait3A_71 = tpu.memref_slice %arg3[%add3A_53, %dma_wait3A_69, %dma_wait3A_70] : memref<2600x2x128xi32, #tpu.memory_space<hbm>> -> memref<16x2x128xi32, #tpu.memory_space<hbm>>
        tpu.wait_dma2 semaphore(%run_scoped3A : memref<!tpu.dma_semaphore, #tpu.memory_space<semaphore_mem>>) src(%dma_wait3A_71 : memref<16x2x128xi32, #tpu.memory_space<hbm>>) dst(%arg9 : memref<16x2x128xi32, #tpu.memory_space<vmem>>)
        tpu.yield
      }) : () -> ()
      %scan3A_54 = arith.constant 0 : i32
      %scan3A_55 = arith.constant 0 : i32
      %scan3A_56 = arith.constant 8 : i32
      %scan3A_57 = arith.addi %scan3A_55, %scan3A_56 : i32
      %scan3A_58 = arith.constant 1 : i32
      scf.for %scan3A_60 = %scan3A_55 to %scan3A_57 step %scan3A_58  : i32 {
        %mul3A_61 = arith.constant 2 : i32
        %mul3A_62 = arith.muli %scan3A_60, %mul3A_61 : i32
        %add3A_63 = arith.constant 0 : i32
        %add3A_64 = arith.addi %mul3A_62, %add3A_63 : i32
        %dma_start3A_65 = arith.constant 1 : i32
        %dma_start3A_66 = arith.constant 0 : i32
        %dma_start3A_67 = tpu.memref_slice %arg9[%add3A_64, %dma_start3A_65, %dma_start3A_66] : memref<16x2x128xi32, #tpu.memory_space<vmem>> -> memref<1x1x128xi32, #tpu.memory_space<vmem>>
        %dma_start3A_68 = tpu.memref_squeeze %dma_start3A_67 : memref<1x1x128xi32, #tpu.memory_space<vmem>> -> memref<128xi32, #tpu.memory_space<vmem>>
        %dma_start3A_69 = arith.constant 0 : i32
        %dma_start3A_70 = arith.constant 0 : i32
        %dma_start3A_71 = tpu.memref_slice %arg14[%dma_start3A_69, %dma_start3A_70] : memref<10112x128xf32, #tpu.memory_space<vmem_shared>> -> memref<10112x128xf32, #tpu.memory_space<vmem_shared>>
        tpu.enqueue_indirect_dma source(%arg12 : memref<128x128xf32, #tpu.memory_space<vmem>>) target(%dma_start3A_71 : memref<10112x128xf32, #tpu.memory_space<vmem_shared>>) offsets(%dma_start3A_68 : memref<128xi32, #tpu.memory_space<vmem>>) semaphore(%arg16 : memref<!tpu.dma_semaphore, #tpu.memory_space<semaphore_mem>>) {add = true}
        %mul3A_72 = arith.constant 2 : i32
        %mul3A_73 = arith.muli %scan3A_60, %mul3A_72 : i32
        %add3A_74 = arith.constant 1 : i32
        %add3A_75 = arith.addi %mul3A_73, %add3A_74 : i32
        %dma_start3A_76 = arith.constant 1 : i32
        %dma_start3A_77 = arith.constant 0 : i32
        %dma_start3A_78 = tpu.memref_slice %arg9[%add3A_75, %dma_start3A_76, %dma_start3A_77] : memref<16x2x128xi32, #tpu.memory_space<vmem>> -> memref<1x1x128xi32, #tpu.memory_space<vmem>>
        %dma_start3A_79 = tpu.memref_squeeze %dma_start3A_78 : memref<1x1x128xi32, #tpu.memory_space<vmem>> -> memref<128xi32, #tpu.memory_space<vmem>>
        %dma_start3A_80 = arith.constant 0 : i32
        %dma_start3A_81 = arith.constant 0 : i32
        %dma_start3A_82 = tpu.memref_slice %arg14[%dma_start3A_80, %dma_start3A_81] : memref<10112x128xf32, #tpu.memory_space<vmem_shared>> -> memref<10112x128xf32, #tpu.memory_space<vmem_shared>>
        tpu.enqueue_indirect_dma source(%arg12 : memref<128x128xf32, #tpu.memory_space<vmem>>) target(%dma_start3A_82 : memref<10112x128xf32, #tpu.memory_space<vmem_shared>>) offsets(%dma_start3A_79 : memref<128xi32, #tpu.memory_space<vmem>>) semaphore(%arg17 : memref<!tpu.dma_semaphore, #tpu.memory_space<semaphore_mem>>) {add = true}
        %mul3A_83 = arith.constant 2 : i32
        %mul3A_84 = arith.muli %scan3A_60, %mul3A_83 : i32
        %add3A_85 = arith.constant 0 : i32
        %add3A_86 = arith.addi %mul3A_84, %add3A_85 : i32
        %dma_wait3A_87 = arith.constant 1 : i32
        %dma_wait3A_88 = arith.constant 0 : i32
        %dma_wait3A_89 = tpu.memref_slice %arg9[%add3A_86, %dma_wait3A_87, %dma_wait3A_88] : memref<16x2x128xi32, #tpu.memory_space<vmem>> -> memref<1x1x128xi32, #tpu.memory_space<vmem>>
        %dma_wait3A_90 = tpu.memref_squeeze %dma_wait3A_89 : memref<1x1x128xi32, #tpu.memory_space<vmem>> -> memref<128xi32, #tpu.memory_space<vmem>>
        %dma_wait3A_91 = arith.constant 0 : i32
        %dma_wait3A_92 = arith.constant 0 : i32
        %dma_wait3A_93 = tpu.memref_slice %arg14[%dma_wait3A_91, %dma_wait3A_92] : memref<10112x128xf32, #tpu.memory_space<vmem_shared>> -> memref<10112x128xf32, #tpu.memory_space<vmem_shared>>
        tpu.wait_indirect_dma semaphore(%arg16 : memref<!tpu.dma_semaphore, #tpu.memory_space<semaphore_mem>>) src(%arg12 : memref<128x128xf32, #tpu.memory_space<vmem>>) dst(%dma_wait3A_93 : memref<10112x128xf32, #tpu.memory_space<vmem_shared>>)
        %mul3A_94 = arith.constant 2 : i32
        %mul3A_95 = arith.muli %scan3A_60, %mul3A_94 : i32
        %add3A_96 = arith.constant 1 : i32
        %add3A_97 = arith.addi %mul3A_95, %add3A_96 : i32
        %dma_wait3A_98 = arith.constant 1 : i32
        %dma_wait3A_99 = arith.constant 0 : i32
        %dma_wait3A_100 = tpu.memref_slice %arg9[%add3A_97, %dma_wait3A_98, %dma_wait3A_99] : memref<16x2x128xi32, #tpu.memory_space<vmem>> -> memref<1x1x128xi32, #tpu.memory_space<vmem>>
        %dma_wait3A_101 = tpu.memref_squeeze %dma_wait3A_100 : memref<1x1x128xi32, #tpu.memory_space<vmem>> -> memref<128xi32, #tpu.memory_space<vmem>>
        %dma_wait3A_102 = arith.constant 0 : i32
        %dma_wait3A_103 = arith.constant 0 : i32
        %dma_wait3A_104 = tpu.memref_slice %arg14[%dma_wait3A_102, %dma_wait3A_103] : memref<10112x128xf32, #tpu.memory_space<vmem_shared>> -> memref<10112x128xf32, #tpu.memory_space<vmem_shared>>
        tpu.wait_indirect_dma semaphore(%arg17 : memref<!tpu.dma_semaphore, #tpu.memory_space<semaphore_mem>>) src(%arg12 : memref<128x128xf32, #tpu.memory_space<vmem>>) dst(%dma_wait3A_104 : memref<10112x128xf32, #tpu.memory_space<vmem_shared>>)
      }
      %scan3A_59 = arith.constant 8 : i32
    }
    %scan3A_43 = arith.constant 5 : i32
    %barrier3A_44 = arith.constant 0 : index
    tpu.barrier barrier_id(%barrier3A_44)
    %mul3A_45 = arith.constant 632 : i32
    %mul3A_46 = arith.muli %arg1, %mul3A_45 : i32
    %min3A = arith.constant 9368 : i32
    %min3A_47 = arith.minsi %mul3A_46, %min3A : i32
    "tpu.region"() ({
      %run_scoped3A = tpu.sem_alloc : memref<!tpu.dma_semaphore, #tpu.memory_space<semaphore_mem>>
      %dma_start3A_48 = arith.constant 0 : i32
      %dma_start3A_49 = tpu.memref_slice %arg8[%arg0, %min3A_47, %dma_start3A_48] : memref<2x10000x128xf32, #tpu.memory_space<hbm>> -> memref<1x632x128xf32, #tpu.memory_space<hbm>>
      %dma_start3A_50 = tpu.memref_squeeze %dma_start3A_49 : memref<1x632x128xf32, #tpu.memory_space<hbm>> -> memref<632x128xf32, #tpu.memory_space<hbm>>
      %dma_start3A_51 = arith.constant 0 : i32
      %dma_start3A_52 = tpu.memref_slice %arg14[%min3A_47, %dma_start3A_51] : memref<10112x128xf32, #tpu.memory_space<vmem_shared>> -> memref<632x128xf32, #tpu.memory_space<vmem_shared>>
      tpu.enqueue_dma source(%dma_start3A_52 : memref<632x128xf32, #tpu.memory_space<vmem_shared>>) target(%dma_start3A_50 : memref<632x128xf32, #tpu.memory_space<hbm>>) target_semaphore(%run_scoped3A : memref<!tpu.dma_semaphore, #tpu.memory_space<semaphore_mem>>)
      %dma_wait3A_53 = arith.constant 0 : i32
      %dma_wait3A_54 = tpu.memref_slice %arg8[%arg0, %min3A_47, %dma_wait3A_53] : memref<2x10000x128xf32, #tpu.memory_space<hbm>> -> memref<1x632x128xf32, #tpu.memory_space<hbm>>
      %dma_wait3A_55 = tpu.memref_squeeze %dma_wait3A_54 : memref<1x632x128xf32, #tpu.memory_space<hbm>> -> memref<632x128xf32, #tpu.memory_space<hbm>>
      %dma_wait3A_56 = arith.constant 0 : i32
      %dma_wait3A_57 = tpu.memref_slice %arg14[%min3A_47, %dma_wait3A_56] : memref<10112x128xf32, #tpu.memory_space<vmem_shared>> -> memref<632x128xf32, #tpu.memory_space<vmem_shared>>
      tpu.wait_dma2 semaphore(%run_scoped3A : memref<!tpu.dma_semaphore, #tpu.memory_space<semaphore_mem>>) src(%dma_wait3A_57 : memref<632x128xf32, #tpu.memory_space<vmem_shared>>) dst(%dma_wait3A_55 : memref<632x128xf32, #tpu.memory_space<hbm>>)
      tpu.yield
    }) : () -> ()
    return
  }
}

#map = affine_map<(d0, d1) -> (0, 0)>
#map1 = affine_map<(d0, d1) -> (0, 0, 0)>
module attributes {stable_mosaic.version = 14 : i64} {
  func.func @_agg(%arg0: i32, %arg1: i32, %arg2: memref<12288x128xf32, #tpu.memory_space<hbm>>, %arg3: memref<2600x2x128xi32, #tpu.memory_space<hbm>>, %arg4: memref<632x128xf32, #tpu.memory_space<hbm>>, %arg5: memref<2x10000x128xf32, #tpu.memory_space<hbm>>, %arg6: memref<40x2x128xi32, #tpu.memory_space<vmem>>, %arg7: memref<2x128x128xf32, #tpu.memory_space<vmem>>, %arg8: memref<10112x128xf32, #tpu.memory_space<vmem_shared>>, %arg9: memref<!tpu.dma_semaphore, #tpu.memory_space<semaphore_mem>>, %arg10: memref<!tpu.dma_semaphore, #tpu.memory_space<semaphore_mem>>, %arg11: memref<!tpu.dma_semaphore, #tpu.memory_space<semaphore_mem>>, %arg12: memref<!tpu.dma_semaphore, #tpu.memory_space<semaphore_mem>>) attributes {dimension_semantics = [#tpu.dimension_semantics<core_parallel>, #tpu.dimension_semantics<subcore_parallel>], iteration_bounds = array<i64: 2, 16>, scalar_prefetch = 0 : i64, scratch_operands = 7 : i64, tpu.core_type = #tpu.core_type<sc_vector_subcore>, window_params = [{transform_indices = #map}, {transform_indices = #map1}, {transform_indices = #map}, {transform_indices = #map1}]} {
    %mul3A = arith.constant 16 : i32
    %mul3A_0 = arith.muli %arg0, %mul3A : i32
    %add3A = arith.addi %mul3A_0, %arg1 : i32
    %mul3A_1 = arith.constant 632 : i32
    %mul3A_2 = arith.muli %arg1, %mul3A_1 : i32
    "tpu.region"() ({
      %run_scoped3A = tpu.sem_alloc : memref<!tpu.dma_semaphore, #tpu.memory_space<semaphore_mem>>
      %dma_start3A = arith.constant 0 : i32
      %dma_start3A_49 = tpu.memref_slice %arg8[%mul3A_2, %dma_start3A] : memref<10112x128xf32, #tpu.memory_space<vmem_shared>> -> memref<632x128xf32, #tpu.memory_space<vmem_shared>>
      tpu.enqueue_dma source(%arg4 : memref<632x128xf32, #tpu.memory_space<hbm>>) target(%dma_start3A_49 : memref<632x128xf32, #tpu.memory_space<vmem_shared>>) target_semaphore(%run_scoped3A : memref<!tpu.dma_semaphore, #tpu.memory_space<semaphore_mem>>)
      %dma_wait3A = arith.constant 0 : i32
      %dma_wait3A_50 = tpu.memref_slice %arg8[%mul3A_2, %dma_wait3A] : memref<10112x128xf32, #tpu.memory_space<vmem_shared>> -> memref<632x128xf32, #tpu.memory_space<vmem_shared>>
      tpu.wait_dma2 semaphore(%run_scoped3A : memref<!tpu.dma_semaphore, #tpu.memory_space<semaphore_mem>>) src(%arg4 : memref<632x128xf32, #tpu.memory_space<hbm>>) dst(%dma_wait3A_50 : memref<632x128xf32, #tpu.memory_space<vmem_shared>>)
      tpu.yield
    }) : () -> ()
    %barrier3A = arith.constant 0 : index
    tpu.barrier barrier_id(%barrier3A)
    %eq3A = arith.constant 0 : i32
    %eq3A_3 = arith.cmpi eq, %arg0, %eq3A : i32
    %jit3A = arith.constant 150 : i32
    %jit3A_4 = arith.constant 10 : i32
    %select_n3A = arith.select %eq3A_3, %jit3A, %jit3A_4 : i32
    %eq3A_5 = arith.constant 0 : i32
    %eq3A_6 = arith.cmpi eq, %arg0, %eq3A_5 : i32
    %mul3A_7 = arith.constant 150 : i32
    %mul3A_8 = arith.muli %arg1, %mul3A_7 : i32
    %mul3A_9 = arith.constant 10 : i32
    %mul3A_10 = arith.muli %arg1, %mul3A_9 : i32
    %add3A_11 = arith.constant 2400 : i32
    %add3A_12 = arith.addi %add3A_11, %mul3A_10 : i32
    %select_n3A_13 = arith.select %eq3A_6, %mul3A_8, %add3A_12 : i32
    %add3A_14 = arith.constant 40 : i32
    %add3A_15 = arith.addi %select_n3A, %add3A_14 : i32
    %sub3A = arith.constant 1 : i32
    %sub3A_16 = arith.subi %add3A_15, %sub3A : i32
    %jit3A_17 = arith.constant 40 : i32
    %div3A = arith.divsi %sub3A_16, %jit3A_17 : i32
    %sign3A = arith.constant 0 : i32
    %sign3A_18 = arith.cmpi sgt, %sub3A_16, %sign3A : i32
    %sign3A_19 = arith.extui %sign3A_18 : i1 to i32
    %sign3A_20 = arith.constant 0 : i32
    %sign3A_21 = arith.cmpi slt, %sub3A_16, %sign3A_20 : i32
    %sign3A_22 = arith.extui %sign3A_21 : i1 to i32
    %sign3A_23 = arith.subi %sign3A_19, %sign3A_22 : i32
    %sign3A_24 = arith.constant 0 : i32
    %sign3A_25 = arith.cmpi sgt, %jit3A_17, %sign3A_24 : i32
    %sign3A_26 = arith.extui %sign3A_25 : i1 to i32
    %sign3A_27 = arith.constant 0 : i32
    %sign3A_28 = arith.cmpi slt, %jit3A_17, %sign3A_27 : i32
    %sign3A_29 = arith.extui %sign3A_28 : i1 to i32
    %sign3A_30 = arith.subi %sign3A_26, %sign3A_29 : i32
    %ne3A = arith.cmpi ne, %sign3A_23, %sign3A_30 : i32
    %rem3A = arith.remsi %sub3A_16, %jit3A_17 : i32
    %ne3A_31 = arith.constant 0 : i32
    %ne3A_32 = arith.cmpi ne, %rem3A, %ne3A_31 : i32
    %and3A = arith.andi %ne3A, %ne3A_32 : i1
    %sub3A_33 = arith.constant 1 : i32
    %sub3A_34 = arith.subi %div3A, %sub3A_33 : i32
    %select_n3A_35 = arith.select %and3A, %sub3A_34, %div3A : i32
    %while3A = arith.constant 0 : i32
    %while3A_36 = arith.constant 0 : i32
    %while3A_37 = arith.subi %select_n3A_35, %while3A_36 : i32
    %while3A_38 = arith.addi %while3A_36, %while3A_37 : i32
    %while3A_39 = arith.constant 1 : i32
    %while3A_40 = arith.divsi %while3A_37, %while3A_39 : i32
    %while3A_41 = arith.muli %while3A_40, %while3A_39 : i32
    %while3A_42 = arith.addi %while3A_36, %while3A_41 : i32
    %while3A_43 = arith.constant 1 : i32
    scf.for %while3A_49 = %while3A_36 to %while3A_42 step %while3A_43  : i32 {
      %mul3A_50 = arith.constant 40 : i32
      %mul3A_51 = arith.muli %while3A_49, %mul3A_50 : i32
      %add3A_52 = arith.addi %select_n3A_13, %mul3A_51 : i32
      "tpu.region"() ({
        %run_scoped3A = tpu.sem_alloc : memref<!tpu.dma_semaphore, #tpu.memory_space<semaphore_mem>>
        %dma_start3A = arith.constant 0 : i32
        %dma_start3A_70 = arith.constant 0 : i32
        %dma_start3A_71 = tpu.memref_slice %arg3[%add3A_52, %dma_start3A, %dma_start3A_70] : memref<2600x2x128xi32, #tpu.memory_space<hbm>> -> memref<40x2x128xi32, #tpu.memory_space<hbm>>
        %dma_start3A_72 = arith.constant 0 : i32
        %dma_start3A_73 = arith.constant 0 : i32
        %dma_start3A_74 = tpu.memref_slice %arg3[%add3A_52, %dma_start3A_72, %dma_start3A_73] : memref<2600x2x128xi32, #tpu.memory_space<hbm>> -> memref<40x2x128xi32, #tpu.memory_space<hbm>>
        tpu.enqueue_dma source(%dma_start3A_74 : memref<40x2x128xi32, #tpu.memory_space<hbm>>) target(%arg6 : memref<40x2x128xi32, #tpu.memory_space<vmem>>) target_semaphore(%run_scoped3A : memref<!tpu.dma_semaphore, #tpu.memory_space<semaphore_mem>>)
        %dma_wait3A = arith.constant 0 : i32
        %dma_wait3A_75 = arith.constant 0 : i32
        %dma_wait3A_76 = tpu.memref_slice %arg3[%add3A_52, %dma_wait3A, %dma_wait3A_75] : memref<2600x2x128xi32, #tpu.memory_space<hbm>> -> memref<40x2x128xi32, #tpu.memory_space<hbm>>
        %dma_wait3A_77 = arith.constant 0 : i32
        %dma_wait3A_78 = arith.constant 0 : i32
        %dma_wait3A_79 = tpu.memref_slice %arg3[%add3A_52, %dma_wait3A_77, %dma_wait3A_78] : memref<2600x2x128xi32, #tpu.memory_space<hbm>> -> memref<40x2x128xi32, #tpu.memory_space<hbm>>
        tpu.wait_dma2 semaphore(%run_scoped3A : memref<!tpu.dma_semaphore, #tpu.memory_space<semaphore_mem>>) src(%dma_wait3A_79 : memref<40x2x128xi32, #tpu.memory_space<hbm>>) dst(%arg6 : memref<40x2x128xi32, #tpu.memory_space<vmem>>)
        tpu.yield
      }) : () -> ()
      %mul3A_53 = arith.constant 40 : i32
      %mul3A_54 = arith.muli %while3A_49, %mul3A_53 : i32
      %sub3A_55 = arith.subi %select_n3A, %mul3A_54 : i32
      %min3A_56 = arith.constant 40 : i32
      %min3A_57 = arith.minsi %sub3A_55, %min3A_56 : i32
      %gt3A = arith.constant 0 : i32
      %gt3A_58 = arith.cmpi sgt, %sub3A_55, %gt3A : i32
      %convert_element_type3A = arith.extui %gt3A_58 : i1 to i32
      %cond3A = arith.constant 0 : i32
      %cond3A_59 = arith.cmpi ne, %convert_element_type3A, %cond3A : i32
      scf.if %cond3A_59 {
        %dma_start3A = arith.constant 0 : i32
        %dma_start3A_70 = arith.constant 0 : i32
        %dma_start3A_71 = arith.constant 0 : i32
        %dma_start3A_72 = arith.constant 0 : i32
        %dma_start3A_73 = arith.constant 0 : i32
        %dma_start3A_74 = tpu.memref_slice %arg7[%dma_start3A_71, %dma_start3A_72, %dma_start3A_73] : memref<2x128x128xf32, #tpu.memory_space<vmem>> -> memref<1x128x128xf32, #tpu.memory_space<vmem>>
        %dma_start3A_75 = tpu.memref_squeeze %dma_start3A_74 : memref<1x128x128xf32, #tpu.memory_space<vmem>> -> memref<128x128xf32, #tpu.memory_space<vmem>>
        %dma_start3A_76 = arith.constant 0 : i32
        %dma_start3A_77 = tpu.memref_slice %arg6[%dma_start3A, %dma_start3A_70, %dma_start3A_76] : memref<40x2x128xi32, #tpu.memory_space<vmem>> -> memref<1x1x128xi32, #tpu.memory_space<vmem>>
        %dma_start3A_78 = tpu.memref_squeeze %dma_start3A_77 : memref<1x1x128xi32, #tpu.memory_space<vmem>> -> memref<128xi32, #tpu.memory_space<vmem>>
        %dma_start3A_79 = arith.constant 0 : i32
        %dma_start3A_80 = arith.constant 0 : i32
        %dma_start3A_81 = tpu.memref_slice %arg2[%dma_start3A_79, %dma_start3A_80] : memref<12288x128xf32, #tpu.memory_space<hbm>> -> memref<12288x128xf32, #tpu.memory_space<hbm>>
        tpu.enqueue_indirect_dma source(%dma_start3A_81 : memref<12288x128xf32, #tpu.memory_space<hbm>>) target(%dma_start3A_75 : memref<128x128xf32, #tpu.memory_space<vmem>>) offsets(%dma_start3A_78 : memref<128xi32, #tpu.memory_space<vmem>>) semaphore(%arg9 : memref<!tpu.dma_semaphore, #tpu.memory_space<semaphore_mem>>)
      } else {
      }
      %gt3A_60 = arith.constant 1 : i32
      %gt3A_61 = arith.cmpi sgt, %sub3A_55, %gt3A_60 : i32
      %convert_element_type3A_62 = arith.extui %gt3A_61 : i1 to i32
      %cond3A_63 = arith.constant 0 : i32
      %cond3A_64 = arith.cmpi ne, %convert_element_type3A_62, %cond3A_63 : i32
      scf.if %cond3A_64 {
        %dma_start3A = arith.constant 1 : i32
        %dma_start3A_70 = arith.constant 0 : i32
        %dma_start3A_71 = arith.constant 1 : i32
        %dma_start3A_72 = arith.constant 0 : i32
        %dma_start3A_73 = arith.constant 0 : i32
        %dma_start3A_74 = tpu.memref_slice %arg7[%dma_start3A_71, %dma_start3A_72, %dma_start3A_73] : memref<2x128x128xf32, #tpu.memory_space<vmem>> -> memref<1x128x128xf32, #tpu.memory_space<vmem>>
        %dma_start3A_75 = tpu.memref_squeeze %dma_start3A_74 : memref<1x128x128xf32, #tpu.memory_space<vmem>> -> memref<128x128xf32, #tpu.memory_space<vmem>>
        %dma_start3A_76 = arith.constant 0 : i32
        %dma_start3A_77 = tpu.memref_slice %arg6[%dma_start3A, %dma_start3A_70, %dma_start3A_76] : memref<40x2x128xi32, #tpu.memory_space<vmem>> -> memref<1x1x128xi32, #tpu.memory_space<vmem>>
        %dma_start3A_78 = tpu.memref_squeeze %dma_start3A_77 : memref<1x1x128xi32, #tpu.memory_space<vmem>> -> memref<128xi32, #tpu.memory_space<vmem>>
        %dma_start3A_79 = arith.constant 0 : i32
        %dma_start3A_80 = arith.constant 0 : i32
        %dma_start3A_81 = tpu.memref_slice %arg2[%dma_start3A_79, %dma_start3A_80] : memref<12288x128xf32, #tpu.memory_space<hbm>> -> memref<12288x128xf32, #tpu.memory_space<hbm>>
        tpu.enqueue_indirect_dma source(%dma_start3A_81 : memref<12288x128xf32, #tpu.memory_space<hbm>>) target(%dma_start3A_75 : memref<128x128xf32, #tpu.memory_space<vmem>>) offsets(%dma_start3A_78 : memref<128xi32, #tpu.memory_space<vmem>>) semaphore(%arg10 : memref<!tpu.dma_semaphore, #tpu.memory_space<semaphore_mem>>)
      } else {
      }
      %scan3A = arith.constant 0 : i32
      %scan3A_65 = arith.constant 0 : i32
      %scan3A_66 = arith.constant 20 : i32
      %scan3A_67 = arith.addi %scan3A_65, %scan3A_66 : i32
      %scan3A_68 = arith.constant 1 : i32
      scf.for %scan3A_70 = %scan3A_65 to %scan3A_67 step %scan3A_68  : i32 {
        %mul3A_71 = arith.constant 2 : i32
        %mul3A_72 = arith.muli %scan3A_70, %mul3A_71 : i32
        %add3A_73 = arith.constant 0 : i32
        %add3A_74 = arith.addi %mul3A_72, %add3A_73 : i32
        %lt3A = arith.cmpi slt, %add3A_74, %sub3A_55 : i32
        %convert_element_type3A_75 = arith.extui %lt3A : i1 to i32
        %cond3A_76 = arith.constant 0 : i32
        %cond3A_77 = arith.cmpi ne, %convert_element_type3A_75, %cond3A_76 : i32
        scf.if %cond3A_77 {
          %dma_wait3A = arith.constant 0 : i32
          %dma_wait3A_86 = arith.constant 0 : i32
          %dma_wait3A_87 = arith.constant 0 : i32
          %dma_wait3A_88 = arith.constant 0 : i32
          %dma_wait3A_89 = tpu.memref_slice %arg7[%dma_wait3A_86, %dma_wait3A_87, %dma_wait3A_88] : memref<2x128x128xf32, #tpu.memory_space<vmem>> -> memref<1x128x128xf32, #tpu.memory_space<vmem>>
          %dma_wait3A_90 = tpu.memref_squeeze %dma_wait3A_89 : memref<1x128x128xf32, #tpu.memory_space<vmem>> -> memref<128x128xf32, #tpu.memory_space<vmem>>
          %dma_wait3A_91 = arith.constant 0 : i32
          %dma_wait3A_92 = tpu.memref_slice %arg6[%add3A_74, %dma_wait3A, %dma_wait3A_91] : memref<40x2x128xi32, #tpu.memory_space<vmem>> -> memref<1x1x128xi32, #tpu.memory_space<vmem>>
          %dma_wait3A_93 = tpu.memref_squeeze %dma_wait3A_92 : memref<1x1x128xi32, #tpu.memory_space<vmem>> -> memref<128xi32, #tpu.memory_space<vmem>>
          %dma_wait3A_94 = arith.constant 0 : i32
          %dma_wait3A_95 = arith.constant 0 : i32
          %dma_wait3A_96 = tpu.memref_slice %arg2[%dma_wait3A_94, %dma_wait3A_95] : memref<12288x128xf32, #tpu.memory_space<hbm>> -> memref<12288x128xf32, #tpu.memory_space<hbm>>
          tpu.wait_indirect_dma semaphore(%arg9 : memref<!tpu.dma_semaphore, #tpu.memory_space<semaphore_mem>>) src(%dma_wait3A_96 : memref<12288x128xf32, #tpu.memory_space<hbm>>) dst(%dma_wait3A_90 : memref<128x128xf32, #tpu.memory_space<vmem>>)
          %dma_start3A = arith.constant 0 : i32
          %dma_start3A_97 = arith.constant 1 : i32
          %dma_start3A_98 = arith.constant 0 : i32
          %dma_start3A_99 = arith.constant 0 : i32
          %dma_start3A_100 = tpu.memref_slice %arg7[%dma_start3A, %dma_start3A_98, %dma_start3A_99] : memref<2x128x128xf32, #tpu.memory_space<vmem>> -> memref<1x128x128xf32, #tpu.memory_space<vmem>>
          %dma_start3A_101 = tpu.memref_squeeze %dma_start3A_100 : memref<1x128x128xf32, #tpu.memory_space<vmem>> -> memref<128x128xf32, #tpu.memory_space<vmem>>
          %dma_start3A_102 = arith.constant 0 : i32
          %dma_start3A_103 = tpu.memref_slice %arg6[%add3A_74, %dma_start3A_97, %dma_start3A_102] : memref<40x2x128xi32, #tpu.memory_space<vmem>> -> memref<1x1x128xi32, #tpu.memory_space<vmem>>
          %dma_start3A_104 = tpu.memref_squeeze %dma_start3A_103 : memref<1x1x128xi32, #tpu.memory_space<vmem>> -> memref<128xi32, #tpu.memory_space<vmem>>
          %dma_start3A_105 = arith.constant 0 : i32
          %dma_start3A_106 = arith.constant 0 : i32
          %dma_start3A_107 = tpu.memref_slice %arg8[%dma_start3A_105, %dma_start3A_106] : memref<10112x128xf32, #tpu.memory_space<vmem_shared>> -> memref<10112x128xf32, #tpu.memory_space<vmem_shared>>
          tpu.enqueue_indirect_dma source(%dma_start3A_101 : memref<128x128xf32, #tpu.memory_space<vmem>>) target(%dma_start3A_107 : memref<10112x128xf32, #tpu.memory_space<vmem_shared>>) offsets(%dma_start3A_104 : memref<128xi32, #tpu.memory_space<vmem>>) semaphore(%arg11 : memref<!tpu.dma_semaphore, #tpu.memory_space<semaphore_mem>>) {add = true}
          %dma_wait3A_108 = arith.constant 0 : i32
          %dma_wait3A_109 = arith.constant 1 : i32
          %dma_wait3A_110 = arith.constant 0 : i32
          %dma_wait3A_111 = arith.constant 0 : i32
          %dma_wait3A_112 = tpu.memref_slice %arg7[%dma_wait3A_108, %dma_wait3A_110, %dma_wait3A_111] : memref<2x128x128xf32, #tpu.memory_space<vmem>> -> memref<1x128x128xf32, #tpu.memory_space<vmem>>
          %dma_wait3A_113 = tpu.memref_squeeze %dma_wait3A_112 : memref<1x128x128xf32, #tpu.memory_space<vmem>> -> memref<128x128xf32, #tpu.memory_space<vmem>>
          %dma_wait3A_114 = arith.constant 0 : i32
          %dma_wait3A_115 = tpu.memref_slice %arg6[%add3A_74, %dma_wait3A_109, %dma_wait3A_114] : memref<40x2x128xi32, #tpu.memory_space<vmem>> -> memref<1x1x128xi32, #tpu.memory_space<vmem>>
          %dma_wait3A_116 = tpu.memref_squeeze %dma_wait3A_115 : memref<1x1x128xi32, #tpu.memory_space<vmem>> -> memref<128xi32, #tpu.memory_space<vmem>>
          %dma_wait3A_117 = arith.constant 0 : i32
          %dma_wait3A_118 = arith.constant 0 : i32
          %dma_wait3A_119 = tpu.memref_slice %arg8[%dma_wait3A_117, %dma_wait3A_118] : memref<10112x128xf32, #tpu.memory_space<vmem_shared>> -> memref<10112x128xf32, #tpu.memory_space<vmem_shared>>
          tpu.wait_indirect_dma semaphore(%arg11 : memref<!tpu.dma_semaphore, #tpu.memory_space<semaphore_mem>>) src(%dma_wait3A_113 : memref<128x128xf32, #tpu.memory_space<vmem>>) dst(%dma_wait3A_119 : memref<10112x128xf32, #tpu.memory_space<vmem_shared>>)
          %add3A_120 = arith.constant 2 : i32
          %add3A_121 = arith.addi %add3A_74, %add3A_120 : i32
          %lt3A_122 = arith.cmpi slt, %add3A_121, %min3A_57 : i32
          %convert_element_type3A_123 = arith.extui %lt3A_122 : i1 to i32
          %cond3A_124 = arith.constant 0 : i32
          %cond3A_125 = arith.cmpi ne, %convert_element_type3A_123, %cond3A_124 : i32
          scf.if %cond3A_125 {
            %dma_start3A_126 = arith.constant 0 : i32
            %dma_start3A_127 = arith.constant 0 : i32
            %dma_start3A_128 = arith.constant 0 : i32
            %dma_start3A_129 = arith.constant 0 : i32
            %dma_start3A_130 = tpu.memref_slice %arg7[%dma_start3A_127, %dma_start3A_128, %dma_start3A_129] : memref<2x128x128xf32, #tpu.memory_space<vmem>> -> memref<1x128x128xf32, #tpu.memory_space<vmem>>
            %dma_start3A_131 = tpu.memref_squeeze %dma_start3A_130 : memref<1x128x128xf32, #tpu.memory_space<vmem>> -> memref<128x128xf32, #tpu.memory_space<vmem>>
            %dma_start3A_132 = arith.constant 0 : i32
            %dma_start3A_133 = tpu.memref_slice %arg6[%add3A_121, %dma_start3A_126, %dma_start3A_132] : memref<40x2x128xi32, #tpu.memory_space<vmem>> -> memref<1x1x128xi32, #tpu.memory_space<vmem>>
            %dma_start3A_134 = tpu.memref_squeeze %dma_start3A_133 : memref<1x1x128xi32, #tpu.memory_space<vmem>> -> memref<128xi32, #tpu.memory_space<vmem>>
            %dma_start3A_135 = arith.constant 0 : i32
            %dma_start3A_136 = arith.constant 0 : i32
            %dma_start3A_137 = tpu.memref_slice %arg2[%dma_start3A_135, %dma_start3A_136] : memref<12288x128xf32, #tpu.memory_space<hbm>> -> memref<12288x128xf32, #tpu.memory_space<hbm>>
            tpu.enqueue_indirect_dma source(%dma_start3A_137 : memref<12288x128xf32, #tpu.memory_space<hbm>>) target(%dma_start3A_131 : memref<128x128xf32, #tpu.memory_space<vmem>>) offsets(%dma_start3A_134 : memref<128xi32, #tpu.memory_space<vmem>>) semaphore(%arg9 : memref<!tpu.dma_semaphore, #tpu.memory_space<semaphore_mem>>)
          } else {
          }
        } else {
        }
        %mul3A_78 = arith.constant 2 : i32
        %mul3A_79 = arith.muli %scan3A_70, %mul3A_78 : i32
        %add3A_80 = arith.constant 1 : i32
        %add3A_81 = arith.addi %mul3A_79, %add3A_80 : i32
        %lt3A_82 = arith.cmpi slt, %add3A_81, %sub3A_55 : i32
        %convert_element_type3A_83 = arith.extui %lt3A_82 : i1 to i32
        %cond3A_84 = arith.constant 0 : i32
        %cond3A_85 = arith.cmpi ne, %convert_element_type3A_83, %cond3A_84 : i32
        scf.if %cond3A_85 {
          %dma_wait3A = arith.constant 0 : i32
          %dma_wait3A_86 = arith.constant 1 : i32
          %dma_wait3A_87 = arith.constant 0 : i32
          %dma_wait3A_88 = arith.constant 0 : i32
          %dma_wait3A_89 = tpu.memref_slice %arg7[%dma_wait3A_86, %dma_wait3A_87, %dma_wait3A_88] : memref<2x128x128xf32, #tpu.memory_space<vmem>> -> memref<1x128x128xf32, #tpu.memory_space<vmem>>
          %dma_wait3A_90 = tpu.memref_squeeze %dma_wait3A_89 : memref<1x128x128xf32, #tpu.memory_space<vmem>> -> memref<128x128xf32, #tpu.memory_space<vmem>>
          %dma_wait3A_91 = arith.constant 0 : i32
          %dma_wait3A_92 = tpu.memref_slice %arg6[%add3A_81, %dma_wait3A, %dma_wait3A_91] : memref<40x2x128xi32, #tpu.memory_space<vmem>> -> memref<1x1x128xi32, #tpu.memory_space<vmem>>
          %dma_wait3A_93 = tpu.memref_squeeze %dma_wait3A_92 : memref<1x1x128xi32, #tpu.memory_space<vmem>> -> memref<128xi32, #tpu.memory_space<vmem>>
          %dma_wait3A_94 = arith.constant 0 : i32
          %dma_wait3A_95 = arith.constant 0 : i32
          %dma_wait3A_96 = tpu.memref_slice %arg2[%dma_wait3A_94, %dma_wait3A_95] : memref<12288x128xf32, #tpu.memory_space<hbm>> -> memref<12288x128xf32, #tpu.memory_space<hbm>>
          tpu.wait_indirect_dma semaphore(%arg10 : memref<!tpu.dma_semaphore, #tpu.memory_space<semaphore_mem>>) src(%dma_wait3A_96 : memref<12288x128xf32, #tpu.memory_space<hbm>>) dst(%dma_wait3A_90 : memref<128x128xf32, #tpu.memory_space<vmem>>)
          %dma_start3A = arith.constant 1 : i32
          %dma_start3A_97 = arith.constant 1 : i32
          %dma_start3A_98 = arith.constant 0 : i32
          %dma_start3A_99 = arith.constant 0 : i32
          %dma_start3A_100 = tpu.memref_slice %arg7[%dma_start3A, %dma_start3A_98, %dma_start3A_99] : memref<2x128x128xf32, #tpu.memory_space<vmem>> -> memref<1x128x128xf32, #tpu.memory_space<vmem>>
          %dma_start3A_101 = tpu.memref_squeeze %dma_start3A_100 : memref<1x128x128xf32, #tpu.memory_space<vmem>> -> memref<128x128xf32, #tpu.memory_space<vmem>>
          %dma_start3A_102 = arith.constant 0 : i32
          %dma_start3A_103 = tpu.memref_slice %arg6[%add3A_81, %dma_start3A_97, %dma_start3A_102] : memref<40x2x128xi32, #tpu.memory_space<vmem>> -> memref<1x1x128xi32, #tpu.memory_space<vmem>>
          %dma_start3A_104 = tpu.memref_squeeze %dma_start3A_103 : memref<1x1x128xi32, #tpu.memory_space<vmem>> -> memref<128xi32, #tpu.memory_space<vmem>>
          %dma_start3A_105 = arith.constant 0 : i32
          %dma_start3A_106 = arith.constant 0 : i32
          %dma_start3A_107 = tpu.memref_slice %arg8[%dma_start3A_105, %dma_start3A_106] : memref<10112x128xf32, #tpu.memory_space<vmem_shared>> -> memref<10112x128xf32, #tpu.memory_space<vmem_shared>>
          tpu.enqueue_indirect_dma source(%dma_start3A_101 : memref<128x128xf32, #tpu.memory_space<vmem>>) target(%dma_start3A_107 : memref<10112x128xf32, #tpu.memory_space<vmem_shared>>) offsets(%dma_start3A_104 : memref<128xi32, #tpu.memory_space<vmem>>) semaphore(%arg12 : memref<!tpu.dma_semaphore, #tpu.memory_space<semaphore_mem>>) {add = true}
          %dma_wait3A_108 = arith.constant 1 : i32
          %dma_wait3A_109 = arith.constant 1 : i32
          %dma_wait3A_110 = arith.constant 0 : i32
          %dma_wait3A_111 = arith.constant 0 : i32
          %dma_wait3A_112 = tpu.memref_slice %arg7[%dma_wait3A_108, %dma_wait3A_110, %dma_wait3A_111] : memref<2x128x128xf32, #tpu.memory_space<vmem>> -> memref<1x128x128xf32, #tpu.memory_space<vmem>>
          %dma_wait3A_113 = tpu.memref_squeeze %dma_wait3A_112 : memref<1x128x128xf32, #tpu.memory_space<vmem>> -> memref<128x128xf32, #tpu.memory_space<vmem>>
          %dma_wait3A_114 = arith.constant 0 : i32
          %dma_wait3A_115 = tpu.memref_slice %arg6[%add3A_81, %dma_wait3A_109, %dma_wait3A_114] : memref<40x2x128xi32, #tpu.memory_space<vmem>> -> memref<1x1x128xi32, #tpu.memory_space<vmem>>
          %dma_wait3A_116 = tpu.memref_squeeze %dma_wait3A_115 : memref<1x1x128xi32, #tpu.memory_space<vmem>> -> memref<128xi32, #tpu.memory_space<vmem>>
          %dma_wait3A_117 = arith.constant 0 : i32
          %dma_wait3A_118 = arith.constant 0 : i32
          %dma_wait3A_119 = tpu.memref_slice %arg8[%dma_wait3A_117, %dma_wait3A_118] : memref<10112x128xf32, #tpu.memory_space<vmem_shared>> -> memref<10112x128xf32, #tpu.memory_space<vmem_shared>>
          tpu.wait_indirect_dma semaphore(%arg12 : memref<!tpu.dma_semaphore, #tpu.memory_space<semaphore_mem>>) src(%dma_wait3A_113 : memref<128x128xf32, #tpu.memory_space<vmem>>) dst(%dma_wait3A_119 : memref<10112x128xf32, #tpu.memory_space<vmem_shared>>)
          %add3A_120 = arith.constant 2 : i32
          %add3A_121 = arith.addi %add3A_81, %add3A_120 : i32
          %lt3A_122 = arith.cmpi slt, %add3A_121, %min3A_57 : i32
          %convert_element_type3A_123 = arith.extui %lt3A_122 : i1 to i32
          %cond3A_124 = arith.constant 0 : i32
          %cond3A_125 = arith.cmpi ne, %convert_element_type3A_123, %cond3A_124 : i32
          scf.if %cond3A_125 {
            %dma_start3A_126 = arith.constant 0 : i32
            %dma_start3A_127 = arith.constant 1 : i32
            %dma_start3A_128 = arith.constant 0 : i32
            %dma_start3A_129 = arith.constant 0 : i32
            %dma_start3A_130 = tpu.memref_slice %arg7[%dma_start3A_127, %dma_start3A_128, %dma_start3A_129] : memref<2x128x128xf32, #tpu.memory_space<vmem>> -> memref<1x128x128xf32, #tpu.memory_space<vmem>>
            %dma_start3A_131 = tpu.memref_squeeze %dma_start3A_130 : memref<1x128x128xf32, #tpu.memory_space<vmem>> -> memref<128x128xf32, #tpu.memory_space<vmem>>
            %dma_start3A_132 = arith.constant 0 : i32
            %dma_start3A_133 = tpu.memref_slice %arg6[%add3A_121, %dma_start3A_126, %dma_start3A_132] : memref<40x2x128xi32, #tpu.memory_space<vmem>> -> memref<1x1x128xi32, #tpu.memory_space<vmem>>
            %dma_start3A_134 = tpu.memref_squeeze %dma_start3A_133 : memref<1x1x128xi32, #tpu.memory_space<vmem>> -> memref<128xi32, #tpu.memory_space<vmem>>
            %dma_start3A_135 = arith.constant 0 : i32
            %dma_start3A_136 = arith.constant 0 : i32
            %dma_start3A_137 = tpu.memref_slice %arg2[%dma_start3A_135, %dma_start3A_136] : memref<12288x128xf32, #tpu.memory_space<hbm>> -> memref<12288x128xf32, #tpu.memory_space<hbm>>
            tpu.enqueue_indirect_dma source(%dma_start3A_137 : memref<12288x128xf32, #tpu.memory_space<hbm>>) target(%dma_start3A_131 : memref<128x128xf32, #tpu.memory_space<vmem>>) offsets(%dma_start3A_134 : memref<128xi32, #tpu.memory_space<vmem>>) semaphore(%arg10 : memref<!tpu.dma_semaphore, #tpu.memory_space<semaphore_mem>>)
          } else {
          }
        } else {
        }
      }
      %scan3A_69 = arith.constant 20 : i32
    }
    %while3A_44 = arith.constant 1 : i32
    scf.for %while3A_49 = %while3A_42 to %while3A_38 step %while3A_44  : i32 {
      %mul3A_50 = arith.constant 40 : i32
      %mul3A_51 = arith.muli %while3A_49, %mul3A_50 : i32
      %add3A_52 = arith.addi %select_n3A_13, %mul3A_51 : i32
      "tpu.region"() ({
        %run_scoped3A = tpu.sem_alloc : memref<!tpu.dma_semaphore, #tpu.memory_space<semaphore_mem>>
        %dma_start3A = arith.constant 0 : i32
        %dma_start3A_70 = arith.constant 0 : i32
        %dma_start3A_71 = tpu.memref_slice %arg3[%add3A_52, %dma_start3A, %dma_start3A_70] : memref<2600x2x128xi32, #tpu.memory_space<hbm>> -> memref<40x2x128xi32, #tpu.memory_space<hbm>>
        %dma_start3A_72 = arith.constant 0 : i32
        %dma_start3A_73 = arith.constant 0 : i32
        %dma_start3A_74 = tpu.memref_slice %arg3[%add3A_52, %dma_start3A_72, %dma_start3A_73] : memref<2600x2x128xi32, #tpu.memory_space<hbm>> -> memref<40x2x128xi32, #tpu.memory_space<hbm>>
        tpu.enqueue_dma source(%dma_start3A_74 : memref<40x2x128xi32, #tpu.memory_space<hbm>>) target(%arg6 : memref<40x2x128xi32, #tpu.memory_space<vmem>>) target_semaphore(%run_scoped3A : memref<!tpu.dma_semaphore, #tpu.memory_space<semaphore_mem>>)
        %dma_wait3A = arith.constant 0 : i32
        %dma_wait3A_75 = arith.constant 0 : i32
        %dma_wait3A_76 = tpu.memref_slice %arg3[%add3A_52, %dma_wait3A, %dma_wait3A_75] : memref<2600x2x128xi32, #tpu.memory_space<hbm>> -> memref<40x2x128xi32, #tpu.memory_space<hbm>>
        %dma_wait3A_77 = arith.constant 0 : i32
        %dma_wait3A_78 = arith.constant 0 : i32
        %dma_wait3A_79 = tpu.memref_slice %arg3[%add3A_52, %dma_wait3A_77, %dma_wait3A_78] : memref<2600x2x128xi32, #tpu.memory_space<hbm>> -> memref<40x2x128xi32, #tpu.memory_space<hbm>>
        tpu.wait_dma2 semaphore(%run_scoped3A : memref<!tpu.dma_semaphore, #tpu.memory_space<semaphore_mem>>) src(%dma_wait3A_79 : memref<40x2x128xi32, #tpu.memory_space<hbm>>) dst(%arg6 : memref<40x2x128xi32, #tpu.memory_space<vmem>>)
        tpu.yield
      }) : () -> ()
      %mul3A_53 = arith.constant 40 : i32
      %mul3A_54 = arith.muli %while3A_49, %mul3A_53 : i32
      %sub3A_55 = arith.subi %select_n3A, %mul3A_54 : i32
      %min3A_56 = arith.constant 40 : i32
      %min3A_57 = arith.minsi %sub3A_55, %min3A_56 : i32
      %gt3A = arith.constant 0 : i32
      %gt3A_58 = arith.cmpi sgt, %sub3A_55, %gt3A : i32
      %convert_element_type3A = arith.extui %gt3A_58 : i1 to i32
      %cond3A = arith.constant 0 : i32
      %cond3A_59 = arith.cmpi ne, %convert_element_type3A, %cond3A : i32
      scf.if %cond3A_59 {
        %dma_start3A = arith.constant 0 : i32
        %dma_start3A_70 = arith.constant 0 : i32
        %dma_start3A_71 = arith.constant 0 : i32
        %dma_start3A_72 = arith.constant 0 : i32
        %dma_start3A_73 = arith.constant 0 : i32
        %dma_start3A_74 = tpu.memref_slice %arg7[%dma_start3A_71, %dma_start3A_72, %dma_start3A_73] : memref<2x128x128xf32, #tpu.memory_space<vmem>> -> memref<1x128x128xf32, #tpu.memory_space<vmem>>
        %dma_start3A_75 = tpu.memref_squeeze %dma_start3A_74 : memref<1x128x128xf32, #tpu.memory_space<vmem>> -> memref<128x128xf32, #tpu.memory_space<vmem>>
        %dma_start3A_76 = arith.constant 0 : i32
        %dma_start3A_77 = tpu.memref_slice %arg6[%dma_start3A, %dma_start3A_70, %dma_start3A_76] : memref<40x2x128xi32, #tpu.memory_space<vmem>> -> memref<1x1x128xi32, #tpu.memory_space<vmem>>
        %dma_start3A_78 = tpu.memref_squeeze %dma_start3A_77 : memref<1x1x128xi32, #tpu.memory_space<vmem>> -> memref<128xi32, #tpu.memory_space<vmem>>
        %dma_start3A_79 = arith.constant 0 : i32
        %dma_start3A_80 = arith.constant 0 : i32
        %dma_start3A_81 = tpu.memref_slice %arg2[%dma_start3A_79, %dma_start3A_80] : memref<12288x128xf32, #tpu.memory_space<hbm>> -> memref<12288x128xf32, #tpu.memory_space<hbm>>
        tpu.enqueue_indirect_dma source(%dma_start3A_81 : memref<12288x128xf32, #tpu.memory_space<hbm>>) target(%dma_start3A_75 : memref<128x128xf32, #tpu.memory_space<vmem>>) offsets(%dma_start3A_78 : memref<128xi32, #tpu.memory_space<vmem>>) semaphore(%arg9 : memref<!tpu.dma_semaphore, #tpu.memory_space<semaphore_mem>>)
      } else {
      }
      %gt3A_60 = arith.constant 1 : i32
      %gt3A_61 = arith.cmpi sgt, %sub3A_55, %gt3A_60 : i32
      %convert_element_type3A_62 = arith.extui %gt3A_61 : i1 to i32
      %cond3A_63 = arith.constant 0 : i32
      %cond3A_64 = arith.cmpi ne, %convert_element_type3A_62, %cond3A_63 : i32
      scf.if %cond3A_64 {
        %dma_start3A = arith.constant 1 : i32
        %dma_start3A_70 = arith.constant 0 : i32
        %dma_start3A_71 = arith.constant 1 : i32
        %dma_start3A_72 = arith.constant 0 : i32
        %dma_start3A_73 = arith.constant 0 : i32
        %dma_start3A_74 = tpu.memref_slice %arg7[%dma_start3A_71, %dma_start3A_72, %dma_start3A_73] : memref<2x128x128xf32, #tpu.memory_space<vmem>> -> memref<1x128x128xf32, #tpu.memory_space<vmem>>
        %dma_start3A_75 = tpu.memref_squeeze %dma_start3A_74 : memref<1x128x128xf32, #tpu.memory_space<vmem>> -> memref<128x128xf32, #tpu.memory_space<vmem>>
        %dma_start3A_76 = arith.constant 0 : i32
        %dma_start3A_77 = tpu.memref_slice %arg6[%dma_start3A, %dma_start3A_70, %dma_start3A_76] : memref<40x2x128xi32, #tpu.memory_space<vmem>> -> memref<1x1x128xi32, #tpu.memory_space<vmem>>
        %dma_start3A_78 = tpu.memref_squeeze %dma_start3A_77 : memref<1x1x128xi32, #tpu.memory_space<vmem>> -> memref<128xi32, #tpu.memory_space<vmem>>
        %dma_start3A_79 = arith.constant 0 : i32
        %dma_start3A_80 = arith.constant 0 : i32
        %dma_start3A_81 = tpu.memref_slice %arg2[%dma_start3A_79, %dma_start3A_80] : memref<12288x128xf32, #tpu.memory_space<hbm>> -> memref<12288x128xf32, #tpu.memory_space<hbm>>
        tpu.enqueue_indirect_dma source(%dma_start3A_81 : memref<12288x128xf32, #tpu.memory_space<hbm>>) target(%dma_start3A_75 : memref<128x128xf32, #tpu.memory_space<vmem>>) offsets(%dma_start3A_78 : memref<128xi32, #tpu.memory_space<vmem>>) semaphore(%arg10 : memref<!tpu.dma_semaphore, #tpu.memory_space<semaphore_mem>>)
      } else {
      }
      %scan3A = arith.constant 0 : i32
      %scan3A_65 = arith.constant 0 : i32
      %scan3A_66 = arith.constant 20 : i32
      %scan3A_67 = arith.addi %scan3A_65, %scan3A_66 : i32
      %scan3A_68 = arith.constant 1 : i32
      scf.for %scan3A_70 = %scan3A_65 to %scan3A_67 step %scan3A_68  : i32 {
        %mul3A_71 = arith.constant 2 : i32
        %mul3A_72 = arith.muli %scan3A_70, %mul3A_71 : i32
        %add3A_73 = arith.constant 0 : i32
        %add3A_74 = arith.addi %mul3A_72, %add3A_73 : i32
        %lt3A = arith.cmpi slt, %add3A_74, %sub3A_55 : i32
        %convert_element_type3A_75 = arith.extui %lt3A : i1 to i32
        %cond3A_76 = arith.constant 0 : i32
        %cond3A_77 = arith.cmpi ne, %convert_element_type3A_75, %cond3A_76 : i32
        scf.if %cond3A_77 {
          %dma_wait3A = arith.constant 0 : i32
          %dma_wait3A_86 = arith.constant 0 : i32
          %dma_wait3A_87 = arith.constant 0 : i32
          %dma_wait3A_88 = arith.constant 0 : i32
          %dma_wait3A_89 = tpu.memref_slice %arg7[%dma_wait3A_86, %dma_wait3A_87, %dma_wait3A_88] : memref<2x128x128xf32, #tpu.memory_space<vmem>> -> memref<1x128x128xf32, #tpu.memory_space<vmem>>
          %dma_wait3A_90 = tpu.memref_squeeze %dma_wait3A_89 : memref<1x128x128xf32, #tpu.memory_space<vmem>> -> memref<128x128xf32, #tpu.memory_space<vmem>>
          %dma_wait3A_91 = arith.constant 0 : i32
          %dma_wait3A_92 = tpu.memref_slice %arg6[%add3A_74, %dma_wait3A, %dma_wait3A_91] : memref<40x2x128xi32, #tpu.memory_space<vmem>> -> memref<1x1x128xi32, #tpu.memory_space<vmem>>
          %dma_wait3A_93 = tpu.memref_squeeze %dma_wait3A_92 : memref<1x1x128xi32, #tpu.memory_space<vmem>> -> memref<128xi32, #tpu.memory_space<vmem>>
          %dma_wait3A_94 = arith.constant 0 : i32
          %dma_wait3A_95 = arith.constant 0 : i32
          %dma_wait3A_96 = tpu.memref_slice %arg2[%dma_wait3A_94, %dma_wait3A_95] : memref<12288x128xf32, #tpu.memory_space<hbm>> -> memref<12288x128xf32, #tpu.memory_space<hbm>>
          tpu.wait_indirect_dma semaphore(%arg9 : memref<!tpu.dma_semaphore, #tpu.memory_space<semaphore_mem>>) src(%dma_wait3A_96 : memref<12288x128xf32, #tpu.memory_space<hbm>>) dst(%dma_wait3A_90 : memref<128x128xf32, #tpu.memory_space<vmem>>)
          %dma_start3A = arith.constant 0 : i32
          %dma_start3A_97 = arith.constant 1 : i32
          %dma_start3A_98 = arith.constant 0 : i32
          %dma_start3A_99 = arith.constant 0 : i32
          %dma_start3A_100 = tpu.memref_slice %arg7[%dma_start3A, %dma_start3A_98, %dma_start3A_99] : memref<2x128x128xf32, #tpu.memory_space<vmem>> -> memref<1x128x128xf32, #tpu.memory_space<vmem>>
          %dma_start3A_101 = tpu.memref_squeeze %dma_start3A_100 : memref<1x128x128xf32, #tpu.memory_space<vmem>> -> memref<128x128xf32, #tpu.memory_space<vmem>>
          %dma_start3A_102 = arith.constant 0 : i32
          %dma_start3A_103 = tpu.memref_slice %arg6[%add3A_74, %dma_start3A_97, %dma_start3A_102] : memref<40x2x128xi32, #tpu.memory_space<vmem>> -> memref<1x1x128xi32, #tpu.memory_space<vmem>>
          %dma_start3A_104 = tpu.memref_squeeze %dma_start3A_103 : memref<1x1x128xi32, #tpu.memory_space<vmem>> -> memref<128xi32, #tpu.memory_space<vmem>>
          %dma_start3A_105 = arith.constant 0 : i32
          %dma_start3A_106 = arith.constant 0 : i32
          %dma_start3A_107 = tpu.memref_slice %arg8[%dma_start3A_105, %dma_start3A_106] : memref<10112x128xf32, #tpu.memory_space<vmem_shared>> -> memref<10112x128xf32, #tpu.memory_space<vmem_shared>>
          tpu.enqueue_indirect_dma source(%dma_start3A_101 : memref<128x128xf32, #tpu.memory_space<vmem>>) target(%dma_start3A_107 : memref<10112x128xf32, #tpu.memory_space<vmem_shared>>) offsets(%dma_start3A_104 : memref<128xi32, #tpu.memory_space<vmem>>) semaphore(%arg11 : memref<!tpu.dma_semaphore, #tpu.memory_space<semaphore_mem>>) {add = true}
          %dma_wait3A_108 = arith.constant 0 : i32
          %dma_wait3A_109 = arith.constant 1 : i32
          %dma_wait3A_110 = arith.constant 0 : i32
          %dma_wait3A_111 = arith.constant 0 : i32
          %dma_wait3A_112 = tpu.memref_slice %arg7[%dma_wait3A_108, %dma_wait3A_110, %dma_wait3A_111] : memref<2x128x128xf32, #tpu.memory_space<vmem>> -> memref<1x128x128xf32, #tpu.memory_space<vmem>>
          %dma_wait3A_113 = tpu.memref_squeeze %dma_wait3A_112 : memref<1x128x128xf32, #tpu.memory_space<vmem>> -> memref<128x128xf32, #tpu.memory_space<vmem>>
          %dma_wait3A_114 = arith.constant 0 : i32
          %dma_wait3A_115 = tpu.memref_slice %arg6[%add3A_74, %dma_wait3A_109, %dma_wait3A_114] : memref<40x2x128xi32, #tpu.memory_space<vmem>> -> memref<1x1x128xi32, #tpu.memory_space<vmem>>
          %dma_wait3A_116 = tpu.memref_squeeze %dma_wait3A_115 : memref<1x1x128xi32, #tpu.memory_space<vmem>> -> memref<128xi32, #tpu.memory_space<vmem>>
          %dma_wait3A_117 = arith.constant 0 : i32
          %dma_wait3A_118 = arith.constant 0 : i32
          %dma_wait3A_119 = tpu.memref_slice %arg8[%dma_wait3A_117, %dma_wait3A_118] : memref<10112x128xf32, #tpu.memory_space<vmem_shared>> -> memref<10112x128xf32, #tpu.memory_space<vmem_shared>>
          tpu.wait_indirect_dma semaphore(%arg11 : memref<!tpu.dma_semaphore, #tpu.memory_space<semaphore_mem>>) src(%dma_wait3A_113 : memref<128x128xf32, #tpu.memory_space<vmem>>) dst(%dma_wait3A_119 : memref<10112x128xf32, #tpu.memory_space<vmem_shared>>)
          %add3A_120 = arith.constant 2 : i32
          %add3A_121 = arith.addi %add3A_74, %add3A_120 : i32
          %lt3A_122 = arith.cmpi slt, %add3A_121, %min3A_57 : i32
          %convert_element_type3A_123 = arith.extui %lt3A_122 : i1 to i32
          %cond3A_124 = arith.constant 0 : i32
          %cond3A_125 = arith.cmpi ne, %convert_element_type3A_123, %cond3A_124 : i32
          scf.if %cond3A_125 {
            %dma_start3A_126 = arith.constant 0 : i32
            %dma_start3A_127 = arith.constant 0 : i32
            %dma_start3A_128 = arith.constant 0 : i32
            %dma_start3A_129 = arith.constant 0 : i32
            %dma_start3A_130 = tpu.memref_slice %arg7[%dma_start3A_127, %dma_start3A_128, %dma_start3A_129] : memref<2x128x128xf32, #tpu.memory_space<vmem>> -> memref<1x128x128xf32, #tpu.memory_space<vmem>>
            %dma_start3A_131 = tpu.memref_squeeze %dma_start3A_130 : memref<1x128x128xf32, #tpu.memory_space<vmem>> -> memref<128x128xf32, #tpu.memory_space<vmem>>
            %dma_start3A_132 = arith.constant 0 : i32
            %dma_start3A_133 = tpu.memref_slice %arg6[%add3A_121, %dma_start3A_126, %dma_start3A_132] : memref<40x2x128xi32, #tpu.memory_space<vmem>> -> memref<1x1x128xi32, #tpu.memory_space<vmem>>
            %dma_start3A_134 = tpu.memref_squeeze %dma_start3A_133 : memref<1x1x128xi32, #tpu.memory_space<vmem>> -> memref<128xi32, #tpu.memory_space<vmem>>
            %dma_start3A_135 = arith.constant 0 : i32
            %dma_start3A_136 = arith.constant 0 : i32
            %dma_start3A_137 = tpu.memref_slice %arg2[%dma_start3A_135, %dma_start3A_136] : memref<12288x128xf32, #tpu.memory_space<hbm>> -> memref<12288x128xf32, #tpu.memory_space<hbm>>
            tpu.enqueue_indirect_dma source(%dma_start3A_137 : memref<12288x128xf32, #tpu.memory_space<hbm>>) target(%dma_start3A_131 : memref<128x128xf32, #tpu.memory_space<vmem>>) offsets(%dma_start3A_134 : memref<128xi32, #tpu.memory_space<vmem>>) semaphore(%arg9 : memref<!tpu.dma_semaphore, #tpu.memory_space<semaphore_mem>>)
          } else {
          }
        } else {
        }
        %mul3A_78 = arith.constant 2 : i32
        %mul3A_79 = arith.muli %scan3A_70, %mul3A_78 : i32
        %add3A_80 = arith.constant 1 : i32
        %add3A_81 = arith.addi %mul3A_79, %add3A_80 : i32
        %lt3A_82 = arith.cmpi slt, %add3A_81, %sub3A_55 : i32
        %convert_element_type3A_83 = arith.extui %lt3A_82 : i1 to i32
        %cond3A_84 = arith.constant 0 : i32
        %cond3A_85 = arith.cmpi ne, %convert_element_type3A_83, %cond3A_84 : i32
        scf.if %cond3A_85 {
          %dma_wait3A = arith.constant 0 : i32
          %dma_wait3A_86 = arith.constant 1 : i32
          %dma_wait3A_87 = arith.constant 0 : i32
          %dma_wait3A_88 = arith.constant 0 : i32
          %dma_wait3A_89 = tpu.memref_slice %arg7[%dma_wait3A_86, %dma_wait3A_87, %dma_wait3A_88] : memref<2x128x128xf32, #tpu.memory_space<vmem>> -> memref<1x128x128xf32, #tpu.memory_space<vmem>>
          %dma_wait3A_90 = tpu.memref_squeeze %dma_wait3A_89 : memref<1x128x128xf32, #tpu.memory_space<vmem>> -> memref<128x128xf32, #tpu.memory_space<vmem>>
          %dma_wait3A_91 = arith.constant 0 : i32
          %dma_wait3A_92 = tpu.memref_slice %arg6[%add3A_81, %dma_wait3A, %dma_wait3A_91] : memref<40x2x128xi32, #tpu.memory_space<vmem>> -> memref<1x1x128xi32, #tpu.memory_space<vmem>>
          %dma_wait3A_93 = tpu.memref_squeeze %dma_wait3A_92 : memref<1x1x128xi32, #tpu.memory_space<vmem>> -> memref<128xi32, #tpu.memory_space<vmem>>
          %dma_wait3A_94 = arith.constant 0 : i32
          %dma_wait3A_95 = arith.constant 0 : i32
          %dma_wait3A_96 = tpu.memref_slice %arg2[%dma_wait3A_94, %dma_wait3A_95] : memref<12288x128xf32, #tpu.memory_space<hbm>> -> memref<12288x128xf32, #tpu.memory_space<hbm>>
          tpu.wait_indirect_dma semaphore(%arg10 : memref<!tpu.dma_semaphore, #tpu.memory_space<semaphore_mem>>) src(%dma_wait3A_96 : memref<12288x128xf32, #tpu.memory_space<hbm>>) dst(%dma_wait3A_90 : memref<128x128xf32, #tpu.memory_space<vmem>>)
          %dma_start3A = arith.constant 1 : i32
          %dma_start3A_97 = arith.constant 1 : i32
          %dma_start3A_98 = arith.constant 0 : i32
          %dma_start3A_99 = arith.constant 0 : i32
          %dma_start3A_100 = tpu.memref_slice %arg7[%dma_start3A, %dma_start3A_98, %dma_start3A_99] : memref<2x128x128xf32, #tpu.memory_space<vmem>> -> memref<1x128x128xf32, #tpu.memory_space<vmem>>
          %dma_start3A_101 = tpu.memref_squeeze %dma_start3A_100 : memref<1x128x128xf32, #tpu.memory_space<vmem>> -> memref<128x128xf32, #tpu.memory_space<vmem>>
          %dma_start3A_102 = arith.constant 0 : i32
          %dma_start3A_103 = tpu.memref_slice %arg6[%add3A_81, %dma_start3A_97, %dma_start3A_102] : memref<40x2x128xi32, #tpu.memory_space<vmem>> -> memref<1x1x128xi32, #tpu.memory_space<vmem>>
          %dma_start3A_104 = tpu.memref_squeeze %dma_start3A_103 : memref<1x1x128xi32, #tpu.memory_space<vmem>> -> memref<128xi32, #tpu.memory_space<vmem>>
          %dma_start3A_105 = arith.constant 0 : i32
          %dma_start3A_106 = arith.constant 0 : i32
          %dma_start3A_107 = tpu.memref_slice %arg8[%dma_start3A_105, %dma_start3A_106] : memref<10112x128xf32, #tpu.memory_space<vmem_shared>> -> memref<10112x128xf32, #tpu.memory_space<vmem_shared>>
          tpu.enqueue_indirect_dma source(%dma_start3A_101 : memref<128x128xf32, #tpu.memory_space<vmem>>) target(%dma_start3A_107 : memref<10112x128xf32, #tpu.memory_space<vmem_shared>>) offsets(%dma_start3A_104 : memref<128xi32, #tpu.memory_space<vmem>>) semaphore(%arg12 : memref<!tpu.dma_semaphore, #tpu.memory_space<semaphore_mem>>) {add = true}
          %dma_wait3A_108 = arith.constant 1 : i32
          %dma_wait3A_109 = arith.constant 1 : i32
          %dma_wait3A_110 = arith.constant 0 : i32
          %dma_wait3A_111 = arith.constant 0 : i32
          %dma_wait3A_112 = tpu.memref_slice %arg7[%dma_wait3A_108, %dma_wait3A_110, %dma_wait3A_111] : memref<2x128x128xf32, #tpu.memory_space<vmem>> -> memref<1x128x128xf32, #tpu.memory_space<vmem>>
          %dma_wait3A_113 = tpu.memref_squeeze %dma_wait3A_112 : memref<1x128x128xf32, #tpu.memory_space<vmem>> -> memref<128x128xf32, #tpu.memory_space<vmem>>
          %dma_wait3A_114 = arith.constant 0 : i32
          %dma_wait3A_115 = tpu.memref_slice %arg6[%add3A_81, %dma_wait3A_109, %dma_wait3A_114] : memref<40x2x128xi32, #tpu.memory_space<vmem>> -> memref<1x1x128xi32, #tpu.memory_space<vmem>>
          %dma_wait3A_116 = tpu.memref_squeeze %dma_wait3A_115 : memref<1x1x128xi32, #tpu.memory_space<vmem>> -> memref<128xi32, #tpu.memory_space<vmem>>
          %dma_wait3A_117 = arith.constant 0 : i32
          %dma_wait3A_118 = arith.constant 0 : i32
          %dma_wait3A_119 = tpu.memref_slice %arg8[%dma_wait3A_117, %dma_wait3A_118] : memref<10112x128xf32, #tpu.memory_space<vmem_shared>> -> memref<10112x128xf32, #tpu.memory_space<vmem_shared>>
          tpu.wait_indirect_dma semaphore(%arg12 : memref<!tpu.dma_semaphore, #tpu.memory_space<semaphore_mem>>) src(%dma_wait3A_113 : memref<128x128xf32, #tpu.memory_space<vmem>>) dst(%dma_wait3A_119 : memref<10112x128xf32, #tpu.memory_space<vmem_shared>>)
          %add3A_120 = arith.constant 2 : i32
          %add3A_121 = arith.addi %add3A_81, %add3A_120 : i32
          %lt3A_122 = arith.cmpi slt, %add3A_121, %min3A_57 : i32
          %convert_element_type3A_123 = arith.extui %lt3A_122 : i1 to i32
          %cond3A_124 = arith.constant 0 : i32
          %cond3A_125 = arith.cmpi ne, %convert_element_type3A_123, %cond3A_124 : i32
          scf.if %cond3A_125 {
            %dma_start3A_126 = arith.constant 0 : i32
            %dma_start3A_127 = arith.constant 1 : i32
            %dma_start3A_128 = arith.constant 0 : i32
            %dma_start3A_129 = arith.constant 0 : i32
            %dma_start3A_130 = tpu.memref_slice %arg7[%dma_start3A_127, %dma_start3A_128, %dma_start3A_129] : memref<2x128x128xf32, #tpu.memory_space<vmem>> -> memref<1x128x128xf32, #tpu.memory_space<vmem>>
            %dma_start3A_131 = tpu.memref_squeeze %dma_start3A_130 : memref<1x128x128xf32, #tpu.memory_space<vmem>> -> memref<128x128xf32, #tpu.memory_space<vmem>>
            %dma_start3A_132 = arith.constant 0 : i32
            %dma_start3A_133 = tpu.memref_slice %arg6[%add3A_121, %dma_start3A_126, %dma_start3A_132] : memref<40x2x128xi32, #tpu.memory_space<vmem>> -> memref<1x1x128xi32, #tpu.memory_space<vmem>>
            %dma_start3A_134 = tpu.memref_squeeze %dma_start3A_133 : memref<1x1x128xi32, #tpu.memory_space<vmem>> -> memref<128xi32, #tpu.memory_space<vmem>>
            %dma_start3A_135 = arith.constant 0 : i32
            %dma_start3A_136 = arith.constant 0 : i32
            %dma_start3A_137 = tpu.memref_slice %arg2[%dma_start3A_135, %dma_start3A_136] : memref<12288x128xf32, #tpu.memory_space<hbm>> -> memref<12288x128xf32, #tpu.memory_space<hbm>>
            tpu.enqueue_indirect_dma source(%dma_start3A_137 : memref<12288x128xf32, #tpu.memory_space<hbm>>) target(%dma_start3A_131 : memref<128x128xf32, #tpu.memory_space<vmem>>) offsets(%dma_start3A_134 : memref<128xi32, #tpu.memory_space<vmem>>) semaphore(%arg10 : memref<!tpu.dma_semaphore, #tpu.memory_space<semaphore_mem>>)
          } else {
          }
        } else {
        }
      }
      %scan3A_69 = arith.constant 20 : i32
    }
    %barrier3A_45 = arith.constant 0 : index
    tpu.barrier barrier_id(%barrier3A_45)
    %mul3A_46 = arith.constant 632 : i32
    %mul3A_47 = arith.muli %arg1, %mul3A_46 : i32
    %min3A = arith.constant 9368 : i32
    %min3A_48 = arith.minsi %mul3A_47, %min3A : i32
    "tpu.region"() ({
      %run_scoped3A = tpu.sem_alloc : memref<!tpu.dma_semaphore, #tpu.memory_space<semaphore_mem>>
      %dma_start3A = arith.constant 0 : i32
      %dma_start3A_49 = tpu.memref_slice %arg5[%arg0, %min3A_48, %dma_start3A] : memref<2x10000x128xf32, #tpu.memory_space<hbm>> -> memref<1x632x128xf32, #tpu.memory_space<hbm>>
      %dma_start3A_50 = tpu.memref_squeeze %dma_start3A_49 : memref<1x632x128xf32, #tpu.memory_space<hbm>> -> memref<632x128xf32, #tpu.memory_space<hbm>>
      %dma_start3A_51 = arith.constant 0 : i32
      %dma_start3A_52 = tpu.memref_slice %arg8[%min3A_48, %dma_start3A_51] : memref<10112x128xf32, #tpu.memory_space<vmem_shared>> -> memref<632x128xf32, #tpu.memory_space<vmem_shared>>
      tpu.enqueue_dma source(%dma_start3A_52 : memref<632x128xf32, #tpu.memory_space<vmem_shared>>) target(%dma_start3A_50 : memref<632x128xf32, #tpu.memory_space<hbm>>) target_semaphore(%run_scoped3A : memref<!tpu.dma_semaphore, #tpu.memory_space<semaphore_mem>>)
      %dma_wait3A = arith.constant 0 : i32
      %dma_wait3A_53 = tpu.memref_slice %arg5[%arg0, %min3A_48, %dma_wait3A] : memref<2x10000x128xf32, #tpu.memory_space<hbm>> -> memref<1x632x128xf32, #tpu.memory_space<hbm>>
      %dma_wait3A_54 = tpu.memref_squeeze %dma_wait3A_53 : memref<1x632x128xf32, #tpu.memory_space<hbm>> -> memref<632x128xf32, #tpu.memory_space<hbm>>
      %dma_wait3A_55 = arith.constant 0 : i32
      %dma_wait3A_56 = tpu.memref_slice %arg8[%min3A_48, %dma_wait3A_55] : memref<10112x128xf32, #tpu.memory_space<vmem_shared>> -> memref<632x128xf32, #tpu.memory_space<vmem_shared>>
      tpu.wait_dma2 semaphore(%run_scoped3A : memref<!tpu.dma_semaphore, #tpu.memory_space<semaphore_mem>>) src(%dma_wait3A_56 : memref<632x128xf32, #tpu.memory_space<vmem_shared>>) dst(%dma_wait3A_54 : memref<632x128xf32, #tpu.memory_space<hbm>>)
      tpu.yield
    }) : () -> ()
    return
  }
}

#map = affine_map<(d0, d1) -> (0, 0)>
#map1 = affine_map<(d0, d1) -> (0, 0, 0)>
module attributes {stable_mosaic.version = 14 : i64} {
  func.func @_agg(%arg0: i32, %arg1: i32, %arg2: memref<12288x128xf32, #tpu.memory_space<hbm>>, %arg3: memref<2600x2x128xi32, #tpu.memory_space<hbm>>, %arg4: memref<632x128xf32, #tpu.memory_space<hbm>>, %arg5: memref<2x10000x128xf32, #tpu.memory_space<hbm>>, %arg6: memref<40x2x128xi32, #tpu.memory_space<vmem>>, %arg7: memref<2x128x128xf32, #tpu.memory_space<vmem>>, %arg8: memref<10112x128xf32, #tpu.memory_space<vmem_shared>>, %arg9: memref<!tpu.dma_semaphore, #tpu.memory_space<semaphore_mem>>, %arg10: memref<!tpu.dma_semaphore, #tpu.memory_space<semaphore_mem>>, %arg11: memref<!tpu.dma_semaphore, #tpu.memory_space<semaphore_mem>>, %arg12: memref<!tpu.dma_semaphore, #tpu.memory_space<semaphore_mem>>) attributes {dimension_semantics = [#tpu.dimension_semantics<core_parallel>, #tpu.dimension_semantics<subcore_parallel>], iteration_bounds = array<i64: 2, 16>, scalar_prefetch = 0 : i64, scratch_operands = 7 : i64, tpu.core_type = #tpu.core_type<sc_vector_subcore>, window_params = [{transform_indices = #map}, {transform_indices = #map1}, {transform_indices = #map}, {transform_indices = #map1}]} {
    %mul3A = arith.constant 16 : i32
    %mul3A_0 = arith.muli %arg0, %mul3A : i32
    %add3A = arith.addi %mul3A_0, %arg1 : i32
    %mul3A_1 = arith.constant 632 : i32
    %mul3A_2 = arith.muli %arg1, %mul3A_1 : i32
    "tpu.region"() ({
      %run_scoped3A = tpu.sem_alloc : memref<!tpu.dma_semaphore, #tpu.memory_space<semaphore_mem>>
      %dma_start3A = arith.constant 0 : i32
      %dma_start3A_49 = tpu.memref_slice %arg8[%mul3A_2, %dma_start3A] : memref<10112x128xf32, #tpu.memory_space<vmem_shared>> -> memref<632x128xf32, #tpu.memory_space<vmem_shared>>
      tpu.enqueue_dma source(%arg4 : memref<632x128xf32, #tpu.memory_space<hbm>>) target(%dma_start3A_49 : memref<632x128xf32, #tpu.memory_space<vmem_shared>>) target_semaphore(%run_scoped3A : memref<!tpu.dma_semaphore, #tpu.memory_space<semaphore_mem>>)
      %dma_wait3A = arith.constant 0 : i32
      %dma_wait3A_50 = tpu.memref_slice %arg8[%mul3A_2, %dma_wait3A] : memref<10112x128xf32, #tpu.memory_space<vmem_shared>> -> memref<632x128xf32, #tpu.memory_space<vmem_shared>>
      tpu.wait_dma2 semaphore(%run_scoped3A : memref<!tpu.dma_semaphore, #tpu.memory_space<semaphore_mem>>) src(%arg4 : memref<632x128xf32, #tpu.memory_space<hbm>>) dst(%dma_wait3A_50 : memref<632x128xf32, #tpu.memory_space<vmem_shared>>)
      tpu.yield
    }) : () -> ()
    %barrier3A = arith.constant 0 : index
    tpu.barrier barrier_id(%barrier3A)
    %eq3A = arith.constant 0 : i32
    %eq3A_3 = arith.cmpi eq, %arg0, %eq3A : i32
    %jit3A = arith.constant 150 : i32
    %jit3A_4 = arith.constant 10 : i32
    %select_n3A = arith.select %eq3A_3, %jit3A, %jit3A_4 : i32
    %eq3A_5 = arith.constant 0 : i32
    %eq3A_6 = arith.cmpi eq, %arg0, %eq3A_5 : i32
    %mul3A_7 = arith.constant 150 : i32
    %mul3A_8 = arith.muli %arg1, %mul3A_7 : i32
    %mul3A_9 = arith.constant 10 : i32
    %mul3A_10 = arith.muli %arg1, %mul3A_9 : i32
    %add3A_11 = arith.constant 2400 : i32
    %add3A_12 = arith.addi %add3A_11, %mul3A_10 : i32
    %select_n3A_13 = arith.select %eq3A_6, %mul3A_8, %add3A_12 : i32
    %add3A_14 = arith.constant 40 : i32
    %add3A_15 = arith.addi %select_n3A, %add3A_14 : i32
    %sub3A = arith.constant 1 : i32
    %sub3A_16 = arith.subi %add3A_15, %sub3A : i32
    %jit3A_17 = arith.constant 40 : i32
    %div3A = arith.divsi %sub3A_16, %jit3A_17 : i32
    %sign3A = arith.constant 0 : i32
    %sign3A_18 = arith.cmpi sgt, %sub3A_16, %sign3A : i32
    %sign3A_19 = arith.extui %sign3A_18 : i1 to i32
    %sign3A_20 = arith.constant 0 : i32
    %sign3A_21 = arith.cmpi slt, %sub3A_16, %sign3A_20 : i32
    %sign3A_22 = arith.extui %sign3A_21 : i1 to i32
    %sign3A_23 = arith.subi %sign3A_19, %sign3A_22 : i32
    %sign3A_24 = arith.constant 0 : i32
    %sign3A_25 = arith.cmpi sgt, %jit3A_17, %sign3A_24 : i32
    %sign3A_26 = arith.extui %sign3A_25 : i1 to i32
    %sign3A_27 = arith.constant 0 : i32
    %sign3A_28 = arith.cmpi slt, %jit3A_17, %sign3A_27 : i32
    %sign3A_29 = arith.extui %sign3A_28 : i1 to i32
    %sign3A_30 = arith.subi %sign3A_26, %sign3A_29 : i32
    %ne3A = arith.cmpi ne, %sign3A_23, %sign3A_30 : i32
    %rem3A = arith.remsi %sub3A_16, %jit3A_17 : i32
    %ne3A_31 = arith.constant 0 : i32
    %ne3A_32 = arith.cmpi ne, %rem3A, %ne3A_31 : i32
    %and3A = arith.andi %ne3A, %ne3A_32 : i1
    %sub3A_33 = arith.constant 1 : i32
    %sub3A_34 = arith.subi %div3A, %sub3A_33 : i32
    %select_n3A_35 = arith.select %and3A, %sub3A_34, %div3A : i32
    %while3A = arith.constant 0 : i32
    %while3A_36 = arith.constant 0 : i32
    %while3A_37 = arith.subi %select_n3A_35, %while3A_36 : i32
    %while3A_38 = arith.addi %while3A_36, %while3A_37 : i32
    %while3A_39 = arith.constant 1 : i32
    %while3A_40 = arith.divsi %while3A_37, %while3A_39 : i32
    %while3A_41 = arith.muli %while3A_40, %while3A_39 : i32
    %while3A_42 = arith.addi %while3A_36, %while3A_41 : i32
    %while3A_43 = arith.constant 1 : i32
    scf.for %while3A_49 = %while3A_36 to %while3A_42 step %while3A_43  : i32 {
      %mul3A_50 = arith.constant 40 : i32
      %mul3A_51 = arith.muli %while3A_49, %mul3A_50 : i32
      %add3A_52 = arith.addi %select_n3A_13, %mul3A_51 : i32
      "tpu.region"() ({
        %run_scoped3A = tpu.sem_alloc : memref<!tpu.dma_semaphore, #tpu.memory_space<semaphore_mem>>
        %dma_start3A = arith.constant 0 : i32
        %dma_start3A_70 = arith.constant 0 : i32
        %dma_start3A_71 = tpu.memref_slice %arg3[%add3A_52, %dma_start3A, %dma_start3A_70] : memref<2600x2x128xi32, #tpu.memory_space<hbm>> -> memref<40x2x128xi32, #tpu.memory_space<hbm>>
        %dma_start3A_72 = arith.constant 0 : i32
        %dma_start3A_73 = arith.constant 0 : i32
        %dma_start3A_74 = tpu.memref_slice %arg3[%add3A_52, %dma_start3A_72, %dma_start3A_73] : memref<2600x2x128xi32, #tpu.memory_space<hbm>> -> memref<40x2x128xi32, #tpu.memory_space<hbm>>
        tpu.enqueue_dma source(%dma_start3A_74 : memref<40x2x128xi32, #tpu.memory_space<hbm>>) target(%arg6 : memref<40x2x128xi32, #tpu.memory_space<vmem>>) target_semaphore(%run_scoped3A : memref<!tpu.dma_semaphore, #tpu.memory_space<semaphore_mem>>)
        %dma_wait3A = arith.constant 0 : i32
        %dma_wait3A_75 = arith.constant 0 : i32
        %dma_wait3A_76 = tpu.memref_slice %arg3[%add3A_52, %dma_wait3A, %dma_wait3A_75] : memref<2600x2x128xi32, #tpu.memory_space<hbm>> -> memref<40x2x128xi32, #tpu.memory_space<hbm>>
        %dma_wait3A_77 = arith.constant 0 : i32
        %dma_wait3A_78 = arith.constant 0 : i32
        %dma_wait3A_79 = tpu.memref_slice %arg3[%add3A_52, %dma_wait3A_77, %dma_wait3A_78] : memref<2600x2x128xi32, #tpu.memory_space<hbm>> -> memref<40x2x128xi32, #tpu.memory_space<hbm>>
        tpu.wait_dma2 semaphore(%run_scoped3A : memref<!tpu.dma_semaphore, #tpu.memory_space<semaphore_mem>>) src(%dma_wait3A_79 : memref<40x2x128xi32, #tpu.memory_space<hbm>>) dst(%arg6 : memref<40x2x128xi32, #tpu.memory_space<vmem>>)
        tpu.yield
      }) : () -> ()
      %mul3A_53 = arith.constant 40 : i32
      %mul3A_54 = arith.muli %while3A_49, %mul3A_53 : i32
      %sub3A_55 = arith.subi %select_n3A, %mul3A_54 : i32
      %min3A_56 = arith.constant 40 : i32
      %min3A_57 = arith.minsi %sub3A_55, %min3A_56 : i32
      %gt3A = arith.constant 0 : i32
      %gt3A_58 = arith.cmpi sgt, %sub3A_55, %gt3A : i32
      %convert_element_type3A = arith.extui %gt3A_58 : i1 to i32
      %cond3A = arith.constant 0 : i32
      %cond3A_59 = arith.cmpi ne, %convert_element_type3A, %cond3A : i32
      scf.if %cond3A_59 {
        %dma_start3A = arith.constant 0 : i32
        %dma_start3A_70 = arith.constant 0 : i32
        %dma_start3A_71 = arith.constant 0 : i32
        %dma_start3A_72 = arith.constant 0 : i32
        %dma_start3A_73 = arith.constant 0 : i32
        %dma_start3A_74 = tpu.memref_slice %arg7[%dma_start3A_71, %dma_start3A_72, %dma_start3A_73] : memref<2x128x128xf32, #tpu.memory_space<vmem>> -> memref<1x128x128xf32, #tpu.memory_space<vmem>>
        %dma_start3A_75 = tpu.memref_squeeze %dma_start3A_74 : memref<1x128x128xf32, #tpu.memory_space<vmem>> -> memref<128x128xf32, #tpu.memory_space<vmem>>
        %dma_start3A_76 = arith.constant 0 : i32
        %dma_start3A_77 = tpu.memref_slice %arg6[%dma_start3A, %dma_start3A_70, %dma_start3A_76] : memref<40x2x128xi32, #tpu.memory_space<vmem>> -> memref<1x1x128xi32, #tpu.memory_space<vmem>>
        %dma_start3A_78 = tpu.memref_squeeze %dma_start3A_77 : memref<1x1x128xi32, #tpu.memory_space<vmem>> -> memref<128xi32, #tpu.memory_space<vmem>>
        %dma_start3A_79 = arith.constant 0 : i32
        %dma_start3A_80 = arith.constant 0 : i32
        %dma_start3A_81 = tpu.memref_slice %arg2[%dma_start3A_79, %dma_start3A_80] : memref<12288x128xf32, #tpu.memory_space<hbm>> -> memref<12288x128xf32, #tpu.memory_space<hbm>>
        tpu.enqueue_indirect_dma source(%dma_start3A_81 : memref<12288x128xf32, #tpu.memory_space<hbm>>) target(%dma_start3A_75 : memref<128x128xf32, #tpu.memory_space<vmem>>) offsets(%dma_start3A_78 : memref<128xi32, #tpu.memory_space<vmem>>) semaphore(%arg9 : memref<!tpu.dma_semaphore, #tpu.memory_space<semaphore_mem>>)
      } else {
      }
      %gt3A_60 = arith.constant 1 : i32
      %gt3A_61 = arith.cmpi sgt, %sub3A_55, %gt3A_60 : i32
      %convert_element_type3A_62 = arith.extui %gt3A_61 : i1 to i32
      %cond3A_63 = arith.constant 0 : i32
      %cond3A_64 = arith.cmpi ne, %convert_element_type3A_62, %cond3A_63 : i32
      scf.if %cond3A_64 {
        %dma_start3A = arith.constant 1 : i32
        %dma_start3A_70 = arith.constant 0 : i32
        %dma_start3A_71 = arith.constant 1 : i32
        %dma_start3A_72 = arith.constant 0 : i32
        %dma_start3A_73 = arith.constant 0 : i32
        %dma_start3A_74 = tpu.memref_slice %arg7[%dma_start3A_71, %dma_start3A_72, %dma_start3A_73] : memref<2x128x128xf32, #tpu.memory_space<vmem>> -> memref<1x128x128xf32, #tpu.memory_space<vmem>>
        %dma_start3A_75 = tpu.memref_squeeze %dma_start3A_74 : memref<1x128x128xf32, #tpu.memory_space<vmem>> -> memref<128x128xf32, #tpu.memory_space<vmem>>
        %dma_start3A_76 = arith.constant 0 : i32
        %dma_start3A_77 = tpu.memref_slice %arg6[%dma_start3A, %dma_start3A_70, %dma_start3A_76] : memref<40x2x128xi32, #tpu.memory_space<vmem>> -> memref<1x1x128xi32, #tpu.memory_space<vmem>>
        %dma_start3A_78 = tpu.memref_squeeze %dma_start3A_77 : memref<1x1x128xi32, #tpu.memory_space<vmem>> -> memref<128xi32, #tpu.memory_space<vmem>>
        %dma_start3A_79 = arith.constant 0 : i32
        %dma_start3A_80 = arith.constant 0 : i32
        %dma_start3A_81 = tpu.memref_slice %arg2[%dma_start3A_79, %dma_start3A_80] : memref<12288x128xf32, #tpu.memory_space<hbm>> -> memref<12288x128xf32, #tpu.memory_space<hbm>>
        tpu.enqueue_indirect_dma source(%dma_start3A_81 : memref<12288x128xf32, #tpu.memory_space<hbm>>) target(%dma_start3A_75 : memref<128x128xf32, #tpu.memory_space<vmem>>) offsets(%dma_start3A_78 : memref<128xi32, #tpu.memory_space<vmem>>) semaphore(%arg10 : memref<!tpu.dma_semaphore, #tpu.memory_space<semaphore_mem>>)
      } else {
      }
      %scan3A = arith.constant 0 : i32
      %scan3A_65 = arith.constant 0 : i32
      %scan3A_66 = arith.constant 20 : i32
      %scan3A_67 = arith.addi %scan3A_65, %scan3A_66 : i32
      %scan3A_68 = arith.constant 1 : i32
      scf.for %scan3A_70 = %scan3A_65 to %scan3A_67 step %scan3A_68  : i32 {
        %mul3A_71 = arith.constant 2 : i32
        %mul3A_72 = arith.muli %scan3A_70, %mul3A_71 : i32
        %add3A_73 = arith.constant 0 : i32
        %add3A_74 = arith.addi %mul3A_72, %add3A_73 : i32
        %lt3A = arith.cmpi slt, %add3A_74, %sub3A_55 : i32
        %convert_element_type3A_75 = arith.extui %lt3A : i1 to i32
        %cond3A_76 = arith.constant 0 : i32
        %cond3A_77 = arith.cmpi ne, %convert_element_type3A_75, %cond3A_76 : i32
        scf.if %cond3A_77 {
          %dma_wait3A = arith.constant 0 : i32
          %dma_wait3A_86 = arith.constant 0 : i32
          %dma_wait3A_87 = arith.constant 0 : i32
          %dma_wait3A_88 = arith.constant 0 : i32
          %dma_wait3A_89 = tpu.memref_slice %arg7[%dma_wait3A_86, %dma_wait3A_87, %dma_wait3A_88] : memref<2x128x128xf32, #tpu.memory_space<vmem>> -> memref<1x128x128xf32, #tpu.memory_space<vmem>>
          %dma_wait3A_90 = tpu.memref_squeeze %dma_wait3A_89 : memref<1x128x128xf32, #tpu.memory_space<vmem>> -> memref<128x128xf32, #tpu.memory_space<vmem>>
          %dma_wait3A_91 = arith.constant 0 : i32
          %dma_wait3A_92 = tpu.memref_slice %arg6[%add3A_74, %dma_wait3A, %dma_wait3A_91] : memref<40x2x128xi32, #tpu.memory_space<vmem>> -> memref<1x1x128xi32, #tpu.memory_space<vmem>>
          %dma_wait3A_93 = tpu.memref_squeeze %dma_wait3A_92 : memref<1x1x128xi32, #tpu.memory_space<vmem>> -> memref<128xi32, #tpu.memory_space<vmem>>
          %dma_wait3A_94 = arith.constant 0 : i32
          %dma_wait3A_95 = arith.constant 0 : i32
          %dma_wait3A_96 = tpu.memref_slice %arg2[%dma_wait3A_94, %dma_wait3A_95] : memref<12288x128xf32, #tpu.memory_space<hbm>> -> memref<12288x128xf32, #tpu.memory_space<hbm>>
          tpu.wait_indirect_dma semaphore(%arg9 : memref<!tpu.dma_semaphore, #tpu.memory_space<semaphore_mem>>) src(%dma_wait3A_96 : memref<12288x128xf32, #tpu.memory_space<hbm>>) dst(%dma_wait3A_90 : memref<128x128xf32, #tpu.memory_space<vmem>>)
          %dma_start3A = arith.constant 0 : i32
          %dma_start3A_97 = arith.constant 1 : i32
          %dma_start3A_98 = arith.constant 0 : i32
          %dma_start3A_99 = arith.constant 0 : i32
          %dma_start3A_100 = tpu.memref_slice %arg7[%dma_start3A, %dma_start3A_98, %dma_start3A_99] : memref<2x128x128xf32, #tpu.memory_space<vmem>> -> memref<1x128x128xf32, #tpu.memory_space<vmem>>
          %dma_start3A_101 = tpu.memref_squeeze %dma_start3A_100 : memref<1x128x128xf32, #tpu.memory_space<vmem>> -> memref<128x128xf32, #tpu.memory_space<vmem>>
          %dma_start3A_102 = arith.constant 0 : i32
          %dma_start3A_103 = tpu.memref_slice %arg6[%add3A_74, %dma_start3A_97, %dma_start3A_102] : memref<40x2x128xi32, #tpu.memory_space<vmem>> -> memref<1x1x128xi32, #tpu.memory_space<vmem>>
          %dma_start3A_104 = tpu.memref_squeeze %dma_start3A_103 : memref<1x1x128xi32, #tpu.memory_space<vmem>> -> memref<128xi32, #tpu.memory_space<vmem>>
          %dma_start3A_105 = arith.constant 0 : i32
          %dma_start3A_106 = arith.constant 0 : i32
          %dma_start3A_107 = tpu.memref_slice %arg8[%dma_start3A_105, %dma_start3A_106] : memref<10112x128xf32, #tpu.memory_space<vmem_shared>> -> memref<10112x128xf32, #tpu.memory_space<vmem_shared>>
          tpu.enqueue_indirect_dma source(%dma_start3A_101 : memref<128x128xf32, #tpu.memory_space<vmem>>) target(%dma_start3A_107 : memref<10112x128xf32, #tpu.memory_space<vmem_shared>>) offsets(%dma_start3A_104 : memref<128xi32, #tpu.memory_space<vmem>>) semaphore(%arg11 : memref<!tpu.dma_semaphore, #tpu.memory_space<semaphore_mem>>) {add = true}
          %dma_wait3A_108 = arith.constant 0 : i32
          %dma_wait3A_109 = arith.constant 1 : i32
          %dma_wait3A_110 = arith.constant 0 : i32
          %dma_wait3A_111 = arith.constant 0 : i32
          %dma_wait3A_112 = tpu.memref_slice %arg7[%dma_wait3A_108, %dma_wait3A_110, %dma_wait3A_111] : memref<2x128x128xf32, #tpu.memory_space<vmem>> -> memref<1x128x128xf32, #tpu.memory_space<vmem>>
          %dma_wait3A_113 = tpu.memref_squeeze %dma_wait3A_112 : memref<1x128x128xf32, #tpu.memory_space<vmem>> -> memref<128x128xf32, #tpu.memory_space<vmem>>
          %dma_wait3A_114 = arith.constant 0 : i32
          %dma_wait3A_115 = tpu.memref_slice %arg6[%add3A_74, %dma_wait3A_109, %dma_wait3A_114] : memref<40x2x128xi32, #tpu.memory_space<vmem>> -> memref<1x1x128xi32, #tpu.memory_space<vmem>>
          %dma_wait3A_116 = tpu.memref_squeeze %dma_wait3A_115 : memref<1x1x128xi32, #tpu.memory_space<vmem>> -> memref<128xi32, #tpu.memory_space<vmem>>
          %dma_wait3A_117 = arith.constant 0 : i32
          %dma_wait3A_118 = arith.constant 0 : i32
          %dma_wait3A_119 = tpu.memref_slice %arg8[%dma_wait3A_117, %dma_wait3A_118] : memref<10112x128xf32, #tpu.memory_space<vmem_shared>> -> memref<10112x128xf32, #tpu.memory_space<vmem_shared>>
          tpu.wait_indirect_dma semaphore(%arg11 : memref<!tpu.dma_semaphore, #tpu.memory_space<semaphore_mem>>) src(%dma_wait3A_113 : memref<128x128xf32, #tpu.memory_space<vmem>>) dst(%dma_wait3A_119 : memref<10112x128xf32, #tpu.memory_space<vmem_shared>>)
          %add3A_120 = arith.constant 2 : i32
          %add3A_121 = arith.addi %add3A_74, %add3A_120 : i32
          %lt3A_122 = arith.cmpi slt, %add3A_121, %min3A_57 : i32
          %convert_element_type3A_123 = arith.extui %lt3A_122 : i1 to i32
          %cond3A_124 = arith.constant 0 : i32
          %cond3A_125 = arith.cmpi ne, %convert_element_type3A_123, %cond3A_124 : i32
          scf.if %cond3A_125 {
            %dma_start3A_126 = arith.constant 0 : i32
            %dma_start3A_127 = arith.constant 0 : i32
            %dma_start3A_128 = arith.constant 0 : i32
            %dma_start3A_129 = arith.constant 0 : i32
            %dma_start3A_130 = tpu.memref_slice %arg7[%dma_start3A_127, %dma_start3A_128, %dma_start3A_129] : memref<2x128x128xf32, #tpu.memory_space<vmem>> -> memref<1x128x128xf32, #tpu.memory_space<vmem>>
            %dma_start3A_131 = tpu.memref_squeeze %dma_start3A_130 : memref<1x128x128xf32, #tpu.memory_space<vmem>> -> memref<128x128xf32, #tpu.memory_space<vmem>>
            %dma_start3A_132 = arith.constant 0 : i32
            %dma_start3A_133 = tpu.memref_slice %arg6[%add3A_121, %dma_start3A_126, %dma_start3A_132] : memref<40x2x128xi32, #tpu.memory_space<vmem>> -> memref<1x1x128xi32, #tpu.memory_space<vmem>>
            %dma_start3A_134 = tpu.memref_squeeze %dma_start3A_133 : memref<1x1x128xi32, #tpu.memory_space<vmem>> -> memref<128xi32, #tpu.memory_space<vmem>>
            %dma_start3A_135 = arith.constant 0 : i32
            %dma_start3A_136 = arith.constant 0 : i32
            %dma_start3A_137 = tpu.memref_slice %arg2[%dma_start3A_135, %dma_start3A_136] : memref<12288x128xf32, #tpu.memory_space<hbm>> -> memref<12288x128xf32, #tpu.memory_space<hbm>>
            tpu.enqueue_indirect_dma source(%dma_start3A_137 : memref<12288x128xf32, #tpu.memory_space<hbm>>) target(%dma_start3A_131 : memref<128x128xf32, #tpu.memory_space<vmem>>) offsets(%dma_start3A_134 : memref<128xi32, #tpu.memory_space<vmem>>) semaphore(%arg9 : memref<!tpu.dma_semaphore, #tpu.memory_space<semaphore_mem>>)
          } else {
          }
        } else {
        }
        %mul3A_78 = arith.constant 2 : i32
        %mul3A_79 = arith.muli %scan3A_70, %mul3A_78 : i32
        %add3A_80 = arith.constant 1 : i32
        %add3A_81 = arith.addi %mul3A_79, %add3A_80 : i32
        %lt3A_82 = arith.cmpi slt, %add3A_81, %sub3A_55 : i32
        %convert_element_type3A_83 = arith.extui %lt3A_82 : i1 to i32
        %cond3A_84 = arith.constant 0 : i32
        %cond3A_85 = arith.cmpi ne, %convert_element_type3A_83, %cond3A_84 : i32
        scf.if %cond3A_85 {
          %dma_wait3A = arith.constant 0 : i32
          %dma_wait3A_86 = arith.constant 1 : i32
          %dma_wait3A_87 = arith.constant 0 : i32
          %dma_wait3A_88 = arith.constant 0 : i32
          %dma_wait3A_89 = tpu.memref_slice %arg7[%dma_wait3A_86, %dma_wait3A_87, %dma_wait3A_88] : memref<2x128x128xf32, #tpu.memory_space<vmem>> -> memref<1x128x128xf32, #tpu.memory_space<vmem>>
          %dma_wait3A_90 = tpu.memref_squeeze %dma_wait3A_89 : memref<1x128x128xf32, #tpu.memory_space<vmem>> -> memref<128x128xf32, #tpu.memory_space<vmem>>
          %dma_wait3A_91 = arith.constant 0 : i32
          %dma_wait3A_92 = tpu.memref_slice %arg6[%add3A_81, %dma_wait3A, %dma_wait3A_91] : memref<40x2x128xi32, #tpu.memory_space<vmem>> -> memref<1x1x128xi32, #tpu.memory_space<vmem>>
          %dma_wait3A_93 = tpu.memref_squeeze %dma_wait3A_92 : memref<1x1x128xi32, #tpu.memory_space<vmem>> -> memref<128xi32, #tpu.memory_space<vmem>>
          %dma_wait3A_94 = arith.constant 0 : i32
          %dma_wait3A_95 = arith.constant 0 : i32
          %dma_wait3A_96 = tpu.memref_slice %arg2[%dma_wait3A_94, %dma_wait3A_95] : memref<12288x128xf32, #tpu.memory_space<hbm>> -> memref<12288x128xf32, #tpu.memory_space<hbm>>
          tpu.wait_indirect_dma semaphore(%arg10 : memref<!tpu.dma_semaphore, #tpu.memory_space<semaphore_mem>>) src(%dma_wait3A_96 : memref<12288x128xf32, #tpu.memory_space<hbm>>) dst(%dma_wait3A_90 : memref<128x128xf32, #tpu.memory_space<vmem>>)
          %dma_start3A = arith.constant 1 : i32
          %dma_start3A_97 = arith.constant 1 : i32
          %dma_start3A_98 = arith.constant 0 : i32
          %dma_start3A_99 = arith.constant 0 : i32
          %dma_start3A_100 = tpu.memref_slice %arg7[%dma_start3A, %dma_start3A_98, %dma_start3A_99] : memref<2x128x128xf32, #tpu.memory_space<vmem>> -> memref<1x128x128xf32, #tpu.memory_space<vmem>>
          %dma_start3A_101 = tpu.memref_squeeze %dma_start3A_100 : memref<1x128x128xf32, #tpu.memory_space<vmem>> -> memref<128x128xf32, #tpu.memory_space<vmem>>
          %dma_start3A_102 = arith.constant 0 : i32
          %dma_start3A_103 = tpu.memref_slice %arg6[%add3A_81, %dma_start3A_97, %dma_start3A_102] : memref<40x2x128xi32, #tpu.memory_space<vmem>> -> memref<1x1x128xi32, #tpu.memory_space<vmem>>
          %dma_start3A_104 = tpu.memref_squeeze %dma_start3A_103 : memref<1x1x128xi32, #tpu.memory_space<vmem>> -> memref<128xi32, #tpu.memory_space<vmem>>
          %dma_start3A_105 = arith.constant 0 : i32
          %dma_start3A_106 = arith.constant 0 : i32
          %dma_start3A_107 = tpu.memref_slice %arg8[%dma_start3A_105, %dma_start3A_106] : memref<10112x128xf32, #tpu.memory_space<vmem_shared>> -> memref<10112x128xf32, #tpu.memory_space<vmem_shared>>
          tpu.enqueue_indirect_dma source(%dma_start3A_101 : memref<128x128xf32, #tpu.memory_space<vmem>>) target(%dma_start3A_107 : memref<10112x128xf32, #tpu.memory_space<vmem_shared>>) offsets(%dma_start3A_104 : memref<128xi32, #tpu.memory_space<vmem>>) semaphore(%arg12 : memref<!tpu.dma_semaphore, #tpu.memory_space<semaphore_mem>>) {add = true}
          %dma_wait3A_108 = arith.constant 1 : i32
          %dma_wait3A_109 = arith.constant 1 : i32
          %dma_wait3A_110 = arith.constant 0 : i32
          %dma_wait3A_111 = arith.constant 0 : i32
          %dma_wait3A_112 = tpu.memref_slice %arg7[%dma_wait3A_108, %dma_wait3A_110, %dma_wait3A_111] : memref<2x128x128xf32, #tpu.memory_space<vmem>> -> memref<1x128x128xf32, #tpu.memory_space<vmem>>
          %dma_wait3A_113 = tpu.memref_squeeze %dma_wait3A_112 : memref<1x128x128xf32, #tpu.memory_space<vmem>> -> memref<128x128xf32, #tpu.memory_space<vmem>>
          %dma_wait3A_114 = arith.constant 0 : i32
          %dma_wait3A_115 = tpu.memref_slice %arg6[%add3A_81, %dma_wait3A_109, %dma_wait3A_114] : memref<40x2x128xi32, #tpu.memory_space<vmem>> -> memref<1x1x128xi32, #tpu.memory_space<vmem>>
          %dma_wait3A_116 = tpu.memref_squeeze %dma_wait3A_115 : memref<1x1x128xi32, #tpu.memory_space<vmem>> -> memref<128xi32, #tpu.memory_space<vmem>>
          %dma_wait3A_117 = arith.constant 0 : i32
          %dma_wait3A_118 = arith.constant 0 : i32
          %dma_wait3A_119 = tpu.memref_slice %arg8[%dma_wait3A_117, %dma_wait3A_118] : memref<10112x128xf32, #tpu.memory_space<vmem_shared>> -> memref<10112x128xf32, #tpu.memory_space<vmem_shared>>
          tpu.wait_indirect_dma semaphore(%arg12 : memref<!tpu.dma_semaphore, #tpu.memory_space<semaphore_mem>>) src(%dma_wait3A_113 : memref<128x128xf32, #tpu.memory_space<vmem>>) dst(%dma_wait3A_119 : memref<10112x128xf32, #tpu.memory_space<vmem_shared>>)
          %add3A_120 = arith.constant 2 : i32
          %add3A_121 = arith.addi %add3A_81, %add3A_120 : i32
          %lt3A_122 = arith.cmpi slt, %add3A_121, %min3A_57 : i32
          %convert_element_type3A_123 = arith.extui %lt3A_122 : i1 to i32
          %cond3A_124 = arith.constant 0 : i32
          %cond3A_125 = arith.cmpi ne, %convert_element_type3A_123, %cond3A_124 : i32
          scf.if %cond3A_125 {
            %dma_start3A_126 = arith.constant 0 : i32
            %dma_start3A_127 = arith.constant 1 : i32
            %dma_start3A_128 = arith.constant 0 : i32
            %dma_start3A_129 = arith.constant 0 : i32
            %dma_start3A_130 = tpu.memref_slice %arg7[%dma_start3A_127, %dma_start3A_128, %dma_start3A_129] : memref<2x128x128xf32, #tpu.memory_space<vmem>> -> memref<1x128x128xf32, #tpu.memory_space<vmem>>
            %dma_start3A_131 = tpu.memref_squeeze %dma_start3A_130 : memref<1x128x128xf32, #tpu.memory_space<vmem>> -> memref<128x128xf32, #tpu.memory_space<vmem>>
            %dma_start3A_132 = arith.constant 0 : i32
            %dma_start3A_133 = tpu.memref_slice %arg6[%add3A_121, %dma_start3A_126, %dma_start3A_132] : memref<40x2x128xi32, #tpu.memory_space<vmem>> -> memref<1x1x128xi32, #tpu.memory_space<vmem>>
            %dma_start3A_134 = tpu.memref_squeeze %dma_start3A_133 : memref<1x1x128xi32, #tpu.memory_space<vmem>> -> memref<128xi32, #tpu.memory_space<vmem>>
            %dma_start3A_135 = arith.constant 0 : i32
            %dma_start3A_136 = arith.constant 0 : i32
            %dma_start3A_137 = tpu.memref_slice %arg2[%dma_start3A_135, %dma_start3A_136] : memref<12288x128xf32, #tpu.memory_space<hbm>> -> memref<12288x128xf32, #tpu.memory_space<hbm>>
            tpu.enqueue_indirect_dma source(%dma_start3A_137 : memref<12288x128xf32, #tpu.memory_space<hbm>>) target(%dma_start3A_131 : memref<128x128xf32, #tpu.memory_space<vmem>>) offsets(%dma_start3A_134 : memref<128xi32, #tpu.memory_space<vmem>>) semaphore(%arg10 : memref<!tpu.dma_semaphore, #tpu.memory_space<semaphore_mem>>)
          } else {
          }
        } else {
        }
      }
      %scan3A_69 = arith.constant 20 : i32
    }
    %while3A_44 = arith.constant 1 : i32
    scf.for %while3A_49 = %while3A_42 to %while3A_38 step %while3A_44  : i32 {
      %mul3A_50 = arith.constant 40 : i32
      %mul3A_51 = arith.muli %while3A_49, %mul3A_50 : i32
      %add3A_52 = arith.addi %select_n3A_13, %mul3A_51 : i32
      "tpu.region"() ({
        %run_scoped3A = tpu.sem_alloc : memref<!tpu.dma_semaphore, #tpu.memory_space<semaphore_mem>>
        %dma_start3A = arith.constant 0 : i32
        %dma_start3A_70 = arith.constant 0 : i32
        %dma_start3A_71 = tpu.memref_slice %arg3[%add3A_52, %dma_start3A, %dma_start3A_70] : memref<2600x2x128xi32, #tpu.memory_space<hbm>> -> memref<40x2x128xi32, #tpu.memory_space<hbm>>
        %dma_start3A_72 = arith.constant 0 : i32
        %dma_start3A_73 = arith.constant 0 : i32
        %dma_start3A_74 = tpu.memref_slice %arg3[%add3A_52, %dma_start3A_72, %dma_start3A_73] : memref<2600x2x128xi32, #tpu.memory_space<hbm>> -> memref<40x2x128xi32, #tpu.memory_space<hbm>>
        tpu.enqueue_dma source(%dma_start3A_74 : memref<40x2x128xi32, #tpu.memory_space<hbm>>) target(%arg6 : memref<40x2x128xi32, #tpu.memory_space<vmem>>) target_semaphore(%run_scoped3A : memref<!tpu.dma_semaphore, #tpu.memory_space<semaphore_mem>>)
        %dma_wait3A = arith.constant 0 : i32
        %dma_wait3A_75 = arith.constant 0 : i32
        %dma_wait3A_76 = tpu.memref_slice %arg3[%add3A_52, %dma_wait3A, %dma_wait3A_75] : memref<2600x2x128xi32, #tpu.memory_space<hbm>> -> memref<40x2x128xi32, #tpu.memory_space<hbm>>
        %dma_wait3A_77 = arith.constant 0 : i32
        %dma_wait3A_78 = arith.constant 0 : i32
        %dma_wait3A_79 = tpu.memref_slice %arg3[%add3A_52, %dma_wait3A_77, %dma_wait3A_78] : memref<2600x2x128xi32, #tpu.memory_space<hbm>> -> memref<40x2x128xi32, #tpu.memory_space<hbm>>
        tpu.wait_dma2 semaphore(%run_scoped3A : memref<!tpu.dma_semaphore, #tpu.memory_space<semaphore_mem>>) src(%dma_wait3A_79 : memref<40x2x128xi32, #tpu.memory_space<hbm>>) dst(%arg6 : memref<40x2x128xi32, #tpu.memory_space<vmem>>)
        tpu.yield
      }) : () -> ()
      %mul3A_53 = arith.constant 40 : i32
      %mul3A_54 = arith.muli %while3A_49, %mul3A_53 : i32
      %sub3A_55 = arith.subi %select_n3A, %mul3A_54 : i32
      %min3A_56 = arith.constant 40 : i32
      %min3A_57 = arith.minsi %sub3A_55, %min3A_56 : i32
      %gt3A = arith.constant 0 : i32
      %gt3A_58 = arith.cmpi sgt, %sub3A_55, %gt3A : i32
      %convert_element_type3A = arith.extui %gt3A_58 : i1 to i32
      %cond3A = arith.constant 0 : i32
      %cond3A_59 = arith.cmpi ne, %convert_element_type3A, %cond3A : i32
      scf.if %cond3A_59 {
        %dma_start3A = arith.constant 0 : i32
        %dma_start3A_70 = arith.constant 0 : i32
        %dma_start3A_71 = arith.constant 0 : i32
        %dma_start3A_72 = arith.constant 0 : i32
        %dma_start3A_73 = arith.constant 0 : i32
        %dma_start3A_74 = tpu.memref_slice %arg7[%dma_start3A_71, %dma_start3A_72, %dma_start3A_73] : memref<2x128x128xf32, #tpu.memory_space<vmem>> -> memref<1x128x128xf32, #tpu.memory_space<vmem>>
        %dma_start3A_75 = tpu.memref_squeeze %dma_start3A_74 : memref<1x128x128xf32, #tpu.memory_space<vmem>> -> memref<128x128xf32, #tpu.memory_space<vmem>>
        %dma_start3A_76 = arith.constant 0 : i32
        %dma_start3A_77 = tpu.memref_slice %arg6[%dma_start3A, %dma_start3A_70, %dma_start3A_76] : memref<40x2x128xi32, #tpu.memory_space<vmem>> -> memref<1x1x128xi32, #tpu.memory_space<vmem>>
        %dma_start3A_78 = tpu.memref_squeeze %dma_start3A_77 : memref<1x1x128xi32, #tpu.memory_space<vmem>> -> memref<128xi32, #tpu.memory_space<vmem>>
        %dma_start3A_79 = arith.constant 0 : i32
        %dma_start3A_80 = arith.constant 0 : i32
        %dma_start3A_81 = tpu.memref_slice %arg2[%dma_start3A_79, %dma_start3A_80] : memref<12288x128xf32, #tpu.memory_space<hbm>> -> memref<12288x128xf32, #tpu.memory_space<hbm>>
        tpu.enqueue_indirect_dma source(%dma_start3A_81 : memref<12288x128xf32, #tpu.memory_space<hbm>>) target(%dma_start3A_75 : memref<128x128xf32, #tpu.memory_space<vmem>>) offsets(%dma_start3A_78 : memref<128xi32, #tpu.memory_space<vmem>>) semaphore(%arg9 : memref<!tpu.dma_semaphore, #tpu.memory_space<semaphore_mem>>)
      } else {
      }
      %gt3A_60 = arith.constant 1 : i32
      %gt3A_61 = arith.cmpi sgt, %sub3A_55, %gt3A_60 : i32
      %convert_element_type3A_62 = arith.extui %gt3A_61 : i1 to i32
      %cond3A_63 = arith.constant 0 : i32
      %cond3A_64 = arith.cmpi ne, %convert_element_type3A_62, %cond3A_63 : i32
      scf.if %cond3A_64 {
        %dma_start3A = arith.constant 1 : i32
        %dma_start3A_70 = arith.constant 0 : i32
        %dma_start3A_71 = arith.constant 1 : i32
        %dma_start3A_72 = arith.constant 0 : i32
        %dma_start3A_73 = arith.constant 0 : i32
        %dma_start3A_74 = tpu.memref_slice %arg7[%dma_start3A_71, %dma_start3A_72, %dma_start3A_73] : memref<2x128x128xf32, #tpu.memory_space<vmem>> -> memref<1x128x128xf32, #tpu.memory_space<vmem>>
        %dma_start3A_75 = tpu.memref_squeeze %dma_start3A_74 : memref<1x128x128xf32, #tpu.memory_space<vmem>> -> memref<128x128xf32, #tpu.memory_space<vmem>>
        %dma_start3A_76 = arith.constant 0 : i32
        %dma_start3A_77 = tpu.memref_slice %arg6[%dma_start3A, %dma_start3A_70, %dma_start3A_76] : memref<40x2x128xi32, #tpu.memory_space<vmem>> -> memref<1x1x128xi32, #tpu.memory_space<vmem>>
        %dma_start3A_78 = tpu.memref_squeeze %dma_start3A_77 : memref<1x1x128xi32, #tpu.memory_space<vmem>> -> memref<128xi32, #tpu.memory_space<vmem>>
        %dma_start3A_79 = arith.constant 0 : i32
        %dma_start3A_80 = arith.constant 0 : i32
        %dma_start3A_81 = tpu.memref_slice %arg2[%dma_start3A_79, %dma_start3A_80] : memref<12288x128xf32, #tpu.memory_space<hbm>> -> memref<12288x128xf32, #tpu.memory_space<hbm>>
        tpu.enqueue_indirect_dma source(%dma_start3A_81 : memref<12288x128xf32, #tpu.memory_space<hbm>>) target(%dma_start3A_75 : memref<128x128xf32, #tpu.memory_space<vmem>>) offsets(%dma_start3A_78 : memref<128xi32, #tpu.memory_space<vmem>>) semaphore(%arg10 : memref<!tpu.dma_semaphore, #tpu.memory_space<semaphore_mem>>)
      } else {
      }
      %scan3A = arith.constant 0 : i32
      %scan3A_65 = arith.constant 0 : i32
      %scan3A_66 = arith.constant 20 : i32
      %scan3A_67 = arith.addi %scan3A_65, %scan3A_66 : i32
      %scan3A_68 = arith.constant 1 : i32
      scf.for %scan3A_70 = %scan3A_65 to %scan3A_67 step %scan3A_68  : i32 {
        %mul3A_71 = arith.constant 2 : i32
        %mul3A_72 = arith.muli %scan3A_70, %mul3A_71 : i32
        %add3A_73 = arith.constant 0 : i32
        %add3A_74 = arith.addi %mul3A_72, %add3A_73 : i32
        %lt3A = arith.cmpi slt, %add3A_74, %sub3A_55 : i32
        %convert_element_type3A_75 = arith.extui %lt3A : i1 to i32
        %cond3A_76 = arith.constant 0 : i32
        %cond3A_77 = arith.cmpi ne, %convert_element_type3A_75, %cond3A_76 : i32
        scf.if %cond3A_77 {
          %dma_wait3A = arith.constant 0 : i32
          %dma_wait3A_86 = arith.constant 0 : i32
          %dma_wait3A_87 = arith.constant 0 : i32
          %dma_wait3A_88 = arith.constant 0 : i32
          %dma_wait3A_89 = tpu.memref_slice %arg7[%dma_wait3A_86, %dma_wait3A_87, %dma_wait3A_88] : memref<2x128x128xf32, #tpu.memory_space<vmem>> -> memref<1x128x128xf32, #tpu.memory_space<vmem>>
          %dma_wait3A_90 = tpu.memref_squeeze %dma_wait3A_89 : memref<1x128x128xf32, #tpu.memory_space<vmem>> -> memref<128x128xf32, #tpu.memory_space<vmem>>
          %dma_wait3A_91 = arith.constant 0 : i32
          %dma_wait3A_92 = tpu.memref_slice %arg6[%add3A_74, %dma_wait3A, %dma_wait3A_91] : memref<40x2x128xi32, #tpu.memory_space<vmem>> -> memref<1x1x128xi32, #tpu.memory_space<vmem>>
          %dma_wait3A_93 = tpu.memref_squeeze %dma_wait3A_92 : memref<1x1x128xi32, #tpu.memory_space<vmem>> -> memref<128xi32, #tpu.memory_space<vmem>>
          %dma_wait3A_94 = arith.constant 0 : i32
          %dma_wait3A_95 = arith.constant 0 : i32
          %dma_wait3A_96 = tpu.memref_slice %arg2[%dma_wait3A_94, %dma_wait3A_95] : memref<12288x128xf32, #tpu.memory_space<hbm>> -> memref<12288x128xf32, #tpu.memory_space<hbm>>
          tpu.wait_indirect_dma semaphore(%arg9 : memref<!tpu.dma_semaphore, #tpu.memory_space<semaphore_mem>>) src(%dma_wait3A_96 : memref<12288x128xf32, #tpu.memory_space<hbm>>) dst(%dma_wait3A_90 : memref<128x128xf32, #tpu.memory_space<vmem>>)
          %dma_start3A = arith.constant 0 : i32
          %dma_start3A_97 = arith.constant 1 : i32
          %dma_start3A_98 = arith.constant 0 : i32
          %dma_start3A_99 = arith.constant 0 : i32
          %dma_start3A_100 = tpu.memref_slice %arg7[%dma_start3A, %dma_start3A_98, %dma_start3A_99] : memref<2x128x128xf32, #tpu.memory_space<vmem>> -> memref<1x128x128xf32, #tpu.memory_space<vmem>>
          %dma_start3A_101 = tpu.memref_squeeze %dma_start3A_100 : memref<1x128x128xf32, #tpu.memory_space<vmem>> -> memref<128x128xf32, #tpu.memory_space<vmem>>
          %dma_start3A_102 = arith.constant 0 : i32
          %dma_start3A_103 = tpu.memref_slice %arg6[%add3A_74, %dma_start3A_97, %dma_start3A_102] : memref<40x2x128xi32, #tpu.memory_space<vmem>> -> memref<1x1x128xi32, #tpu.memory_space<vmem>>
          %dma_start3A_104 = tpu.memref_squeeze %dma_start3A_103 : memref<1x1x128xi32, #tpu.memory_space<vmem>> -> memref<128xi32, #tpu.memory_space<vmem>>
          %dma_start3A_105 = arith.constant 0 : i32
          %dma_start3A_106 = arith.constant 0 : i32
          %dma_start3A_107 = tpu.memref_slice %arg8[%dma_start3A_105, %dma_start3A_106] : memref<10112x128xf32, #tpu.memory_space<vmem_shared>> -> memref<10112x128xf32, #tpu.memory_space<vmem_shared>>
          tpu.enqueue_indirect_dma source(%dma_start3A_101 : memref<128x128xf32, #tpu.memory_space<vmem>>) target(%dma_start3A_107 : memref<10112x128xf32, #tpu.memory_space<vmem_shared>>) offsets(%dma_start3A_104 : memref<128xi32, #tpu.memory_space<vmem>>) semaphore(%arg11 : memref<!tpu.dma_semaphore, #tpu.memory_space<semaphore_mem>>) {add = true}
          %dma_wait3A_108 = arith.constant 0 : i32
          %dma_wait3A_109 = arith.constant 1 : i32
          %dma_wait3A_110 = arith.constant 0 : i32
          %dma_wait3A_111 = arith.constant 0 : i32
          %dma_wait3A_112 = tpu.memref_slice %arg7[%dma_wait3A_108, %dma_wait3A_110, %dma_wait3A_111] : memref<2x128x128xf32, #tpu.memory_space<vmem>> -> memref<1x128x128xf32, #tpu.memory_space<vmem>>
          %dma_wait3A_113 = tpu.memref_squeeze %dma_wait3A_112 : memref<1x128x128xf32, #tpu.memory_space<vmem>> -> memref<128x128xf32, #tpu.memory_space<vmem>>
          %dma_wait3A_114 = arith.constant 0 : i32
          %dma_wait3A_115 = tpu.memref_slice %arg6[%add3A_74, %dma_wait3A_109, %dma_wait3A_114] : memref<40x2x128xi32, #tpu.memory_space<vmem>> -> memref<1x1x128xi32, #tpu.memory_space<vmem>>
          %dma_wait3A_116 = tpu.memref_squeeze %dma_wait3A_115 : memref<1x1x128xi32, #tpu.memory_space<vmem>> -> memref<128xi32, #tpu.memory_space<vmem>>
          %dma_wait3A_117 = arith.constant 0 : i32
          %dma_wait3A_118 = arith.constant 0 : i32
          %dma_wait3A_119 = tpu.memref_slice %arg8[%dma_wait3A_117, %dma_wait3A_118] : memref<10112x128xf32, #tpu.memory_space<vmem_shared>> -> memref<10112x128xf32, #tpu.memory_space<vmem_shared>>
          tpu.wait_indirect_dma semaphore(%arg11 : memref<!tpu.dma_semaphore, #tpu.memory_space<semaphore_mem>>) src(%dma_wait3A_113 : memref<128x128xf32, #tpu.memory_space<vmem>>) dst(%dma_wait3A_119 : memref<10112x128xf32, #tpu.memory_space<vmem_shared>>)
          %add3A_120 = arith.constant 2 : i32
          %add3A_121 = arith.addi %add3A_74, %add3A_120 : i32
          %lt3A_122 = arith.cmpi slt, %add3A_121, %min3A_57 : i32
          %convert_element_type3A_123 = arith.extui %lt3A_122 : i1 to i32
          %cond3A_124 = arith.constant 0 : i32
          %cond3A_125 = arith.cmpi ne, %convert_element_type3A_123, %cond3A_124 : i32
          scf.if %cond3A_125 {
            %dma_start3A_126 = arith.constant 0 : i32
            %dma_start3A_127 = arith.constant 0 : i32
            %dma_start3A_128 = arith.constant 0 : i32
            %dma_start3A_129 = arith.constant 0 : i32
            %dma_start3A_130 = tpu.memref_slice %arg7[%dma_start3A_127, %dma_start3A_128, %dma_start3A_129] : memref<2x128x128xf32, #tpu.memory_space<vmem>> -> memref<1x128x128xf32, #tpu.memory_space<vmem>>
            %dma_start3A_131 = tpu.memref_squeeze %dma_start3A_130 : memref<1x128x128xf32, #tpu.memory_space<vmem>> -> memref<128x128xf32, #tpu.memory_space<vmem>>
            %dma_start3A_132 = arith.constant 0 : i32
            %dma_start3A_133 = tpu.memref_slice %arg6[%add3A_121, %dma_start3A_126, %dma_start3A_132] : memref<40x2x128xi32, #tpu.memory_space<vmem>> -> memref<1x1x128xi32, #tpu.memory_space<vmem>>
            %dma_start3A_134 = tpu.memref_squeeze %dma_start3A_133 : memref<1x1x128xi32, #tpu.memory_space<vmem>> -> memref<128xi32, #tpu.memory_space<vmem>>
            %dma_start3A_135 = arith.constant 0 : i32
            %dma_start3A_136 = arith.constant 0 : i32
            %dma_start3A_137 = tpu.memref_slice %arg2[%dma_start3A_135, %dma_start3A_136] : memref<12288x128xf32, #tpu.memory_space<hbm>> -> memref<12288x128xf32, #tpu.memory_space<hbm>>
            tpu.enqueue_indirect_dma source(%dma_start3A_137 : memref<12288x128xf32, #tpu.memory_space<hbm>>) target(%dma_start3A_131 : memref<128x128xf32, #tpu.memory_space<vmem>>) offsets(%dma_start3A_134 : memref<128xi32, #tpu.memory_space<vmem>>) semaphore(%arg9 : memref<!tpu.dma_semaphore, #tpu.memory_space<semaphore_mem>>)
          } else {
          }
        } else {
        }
        %mul3A_78 = arith.constant 2 : i32
        %mul3A_79 = arith.muli %scan3A_70, %mul3A_78 : i32
        %add3A_80 = arith.constant 1 : i32
        %add3A_81 = arith.addi %mul3A_79, %add3A_80 : i32
        %lt3A_82 = arith.cmpi slt, %add3A_81, %sub3A_55 : i32
        %convert_element_type3A_83 = arith.extui %lt3A_82 : i1 to i32
        %cond3A_84 = arith.constant 0 : i32
        %cond3A_85 = arith.cmpi ne, %convert_element_type3A_83, %cond3A_84 : i32
        scf.if %cond3A_85 {
          %dma_wait3A = arith.constant 0 : i32
          %dma_wait3A_86 = arith.constant 1 : i32
          %dma_wait3A_87 = arith.constant 0 : i32
          %dma_wait3A_88 = arith.constant 0 : i32
          %dma_wait3A_89 = tpu.memref_slice %arg7[%dma_wait3A_86, %dma_wait3A_87, %dma_wait3A_88] : memref<2x128x128xf32, #tpu.memory_space<vmem>> -> memref<1x128x128xf32, #tpu.memory_space<vmem>>
          %dma_wait3A_90 = tpu.memref_squeeze %dma_wait3A_89 : memref<1x128x128xf32, #tpu.memory_space<vmem>> -> memref<128x128xf32, #tpu.memory_space<vmem>>
          %dma_wait3A_91 = arith.constant 0 : i32
          %dma_wait3A_92 = tpu.memref_slice %arg6[%add3A_81, %dma_wait3A, %dma_wait3A_91] : memref<40x2x128xi32, #tpu.memory_space<vmem>> -> memref<1x1x128xi32, #tpu.memory_space<vmem>>
          %dma_wait3A_93 = tpu.memref_squeeze %dma_wait3A_92 : memref<1x1x128xi32, #tpu.memory_space<vmem>> -> memref<128xi32, #tpu.memory_space<vmem>>
          %dma_wait3A_94 = arith.constant 0 : i32
          %dma_wait3A_95 = arith.constant 0 : i32
          %dma_wait3A_96 = tpu.memref_slice %arg2[%dma_wait3A_94, %dma_wait3A_95] : memref<12288x128xf32, #tpu.memory_space<hbm>> -> memref<12288x128xf32, #tpu.memory_space<hbm>>
          tpu.wait_indirect_dma semaphore(%arg10 : memref<!tpu.dma_semaphore, #tpu.memory_space<semaphore_mem>>) src(%dma_wait3A_96 : memref<12288x128xf32, #tpu.memory_space<hbm>>) dst(%dma_wait3A_90 : memref<128x128xf32, #tpu.memory_space<vmem>>)
          %dma_start3A = arith.constant 1 : i32
          %dma_start3A_97 = arith.constant 1 : i32
          %dma_start3A_98 = arith.constant 0 : i32
          %dma_start3A_99 = arith.constant 0 : i32
          %dma_start3A_100 = tpu.memref_slice %arg7[%dma_start3A, %dma_start3A_98, %dma_start3A_99] : memref<2x128x128xf32, #tpu.memory_space<vmem>> -> memref<1x128x128xf32, #tpu.memory_space<vmem>>
          %dma_start3A_101 = tpu.memref_squeeze %dma_start3A_100 : memref<1x128x128xf32, #tpu.memory_space<vmem>> -> memref<128x128xf32, #tpu.memory_space<vmem>>
          %dma_start3A_102 = arith.constant 0 : i32
          %dma_start3A_103 = tpu.memref_slice %arg6[%add3A_81, %dma_start3A_97, %dma_start3A_102] : memref<40x2x128xi32, #tpu.memory_space<vmem>> -> memref<1x1x128xi32, #tpu.memory_space<vmem>>
          %dma_start3A_104 = tpu.memref_squeeze %dma_start3A_103 : memref<1x1x128xi32, #tpu.memory_space<vmem>> -> memref<128xi32, #tpu.memory_space<vmem>>
          %dma_start3A_105 = arith.constant 0 : i32
          %dma_start3A_106 = arith.constant 0 : i32
          %dma_start3A_107 = tpu.memref_slice %arg8[%dma_start3A_105, %dma_start3A_106] : memref<10112x128xf32, #tpu.memory_space<vmem_shared>> -> memref<10112x128xf32, #tpu.memory_space<vmem_shared>>
          tpu.enqueue_indirect_dma source(%dma_start3A_101 : memref<128x128xf32, #tpu.memory_space<vmem>>) target(%dma_start3A_107 : memref<10112x128xf32, #tpu.memory_space<vmem_shared>>) offsets(%dma_start3A_104 : memref<128xi32, #tpu.memory_space<vmem>>) semaphore(%arg12 : memref<!tpu.dma_semaphore, #tpu.memory_space<semaphore_mem>>) {add = true}
          %dma_wait3A_108 = arith.constant 1 : i32
          %dma_wait3A_109 = arith.constant 1 : i32
          %dma_wait3A_110 = arith.constant 0 : i32
          %dma_wait3A_111 = arith.constant 0 : i32
          %dma_wait3A_112 = tpu.memref_slice %arg7[%dma_wait3A_108, %dma_wait3A_110, %dma_wait3A_111] : memref<2x128x128xf32, #tpu.memory_space<vmem>> -> memref<1x128x128xf32, #tpu.memory_space<vmem>>
          %dma_wait3A_113 = tpu.memref_squeeze %dma_wait3A_112 : memref<1x128x128xf32, #tpu.memory_space<vmem>> -> memref<128x128xf32, #tpu.memory_space<vmem>>
          %dma_wait3A_114 = arith.constant 0 : i32
          %dma_wait3A_115 = tpu.memref_slice %arg6[%add3A_81, %dma_wait3A_109, %dma_wait3A_114] : memref<40x2x128xi32, #tpu.memory_space<vmem>> -> memref<1x1x128xi32, #tpu.memory_space<vmem>>
          %dma_wait3A_116 = tpu.memref_squeeze %dma_wait3A_115 : memref<1x1x128xi32, #tpu.memory_space<vmem>> -> memref<128xi32, #tpu.memory_space<vmem>>
          %dma_wait3A_117 = arith.constant 0 : i32
          %dma_wait3A_118 = arith.constant 0 : i32
          %dma_wait3A_119 = tpu.memref_slice %arg8[%dma_wait3A_117, %dma_wait3A_118] : memref<10112x128xf32, #tpu.memory_space<vmem_shared>> -> memref<10112x128xf32, #tpu.memory_space<vmem_shared>>
          tpu.wait_indirect_dma semaphore(%arg12 : memref<!tpu.dma_semaphore, #tpu.memory_space<semaphore_mem>>) src(%dma_wait3A_113 : memref<128x128xf32, #tpu.memory_space<vmem>>) dst(%dma_wait3A_119 : memref<10112x128xf32, #tpu.memory_space<vmem_shared>>)
          %add3A_120 = arith.constant 2 : i32
          %add3A_121 = arith.addi %add3A_81, %add3A_120 : i32
          %lt3A_122 = arith.cmpi slt, %add3A_121, %min3A_57 : i32
          %convert_element_type3A_123 = arith.extui %lt3A_122 : i1 to i32
          %cond3A_124 = arith.constant 0 : i32
          %cond3A_125 = arith.cmpi ne, %convert_element_type3A_123, %cond3A_124 : i32
          scf.if %cond3A_125 {
            %dma_start3A_126 = arith.constant 0 : i32
            %dma_start3A_127 = arith.constant 1 : i32
            %dma_start3A_128 = arith.constant 0 : i32
            %dma_start3A_129 = arith.constant 0 : i32
            %dma_start3A_130 = tpu.memref_slice %arg7[%dma_start3A_127, %dma_start3A_128, %dma_start3A_129] : memref<2x128x128xf32, #tpu.memory_space<vmem>> -> memref<1x128x128xf32, #tpu.memory_space<vmem>>
            %dma_start3A_131 = tpu.memref_squeeze %dma_start3A_130 : memref<1x128x128xf32, #tpu.memory_space<vmem>> -> memref<128x128xf32, #tpu.memory_space<vmem>>
            %dma_start3A_132 = arith.constant 0 : i32
            %dma_start3A_133 = tpu.memref_slice %arg6[%add3A_121, %dma_start3A_126, %dma_start3A_132] : memref<40x2x128xi32, #tpu.memory_space<vmem>> -> memref<1x1x128xi32, #tpu.memory_space<vmem>>
            %dma_start3A_134 = tpu.memref_squeeze %dma_start3A_133 : memref<1x1x128xi32, #tpu.memory_space<vmem>> -> memref<128xi32, #tpu.memory_space<vmem>>
            %dma_start3A_135 = arith.constant 0 : i32
            %dma_start3A_136 = arith.constant 0 : i32
            %dma_start3A_137 = tpu.memref_slice %arg2[%dma_start3A_135, %dma_start3A_136] : memref<12288x128xf32, #tpu.memory_space<hbm>> -> memref<12288x128xf32, #tpu.memory_space<hbm>>
            tpu.enqueue_indirect_dma source(%dma_start3A_137 : memref<12288x128xf32, #tpu.memory_space<hbm>>) target(%dma_start3A_131 : memref<128x128xf32, #tpu.memory_space<vmem>>) offsets(%dma_start3A_134 : memref<128xi32, #tpu.memory_space<vmem>>) semaphore(%arg10 : memref<!tpu.dma_semaphore, #tpu.memory_space<semaphore_mem>>)
          } else {
          }
        } else {
        }
      }
      %scan3A_69 = arith.constant 20 : i32
    }
    %barrier3A_45 = arith.constant 0 : index
    tpu.barrier barrier_id(%barrier3A_45)
    %mul3A_46 = arith.constant 632 : i32
    %mul3A_47 = arith.muli %arg1, %mul3A_46 : i32
    %min3A = arith.constant 9368 : i32
    %min3A_48 = arith.minsi %mul3A_47, %min3A : i32
    "tpu.region"() ({
      %run_scoped3A = tpu.sem_alloc : memref<!tpu.dma_semaphore, #tpu.memory_space<semaphore_mem>>
      %dma_start3A = arith.constant 0 : i32
      %dma_start3A_49 = tpu.memref_slice %arg5[%arg0, %min3A_48, %dma_start3A] : memref<2x10000x128xf32, #tpu.memory_space<hbm>> -> memref<1x632x128xf32, #tpu.memory_space<hbm>>
      %dma_start3A_50 = tpu.memref_squeeze %dma_start3A_49 : memref<1x632x128xf32, #tpu.memory_space<hbm>> -> memref<632x128xf32, #tpu.memory_space<hbm>>
      %dma_start3A_51 = arith.constant 0 : i32
      %dma_start3A_52 = tpu.memref_slice %arg8[%min3A_48, %dma_start3A_51] : memref<10112x128xf32, #tpu.memory_space<vmem_shared>> -> memref<632x128xf32, #tpu.memory_space<vmem_shared>>
      tpu.enqueue_dma source(%dma_start3A_52 : memref<632x128xf32, #tpu.memory_space<vmem_shared>>) target(%dma_start3A_50 : memref<632x128xf32, #tpu.memory_space<hbm>>) target_semaphore(%run_scoped3A : memref<!tpu.dma_semaphore, #tpu.memory_space<semaphore_mem>>)
      %dma_wait3A = arith.constant 0 : i32
      %dma_wait3A_53 = tpu.memref_slice %arg5[%arg0, %min3A_48, %dma_wait3A] : memref<2x10000x128xf32, #tpu.memory_space<hbm>> -> memref<1x632x128xf32, #tpu.memory_space<hbm>>
      %dma_wait3A_54 = tpu.memref_squeeze %dma_wait3A_53 : memref<1x632x128xf32, #tpu.memory_space<hbm>> -> memref<632x128xf32, #tpu.memory_space<hbm>>
      %dma_wait3A_55 = arith.constant 0 : i32
      %dma_wait3A_56 = tpu.memref_slice %arg8[%min3A_48, %dma_wait3A_55] : memref<10112x128xf32, #tpu.memory_space<vmem_shared>> -> memref<632x128xf32, #tpu.memory_space<vmem_shared>>
      tpu.wait_dma2 semaphore(%run_scoped3A : memref<!tpu.dma_semaphore, #tpu.memory_space<semaphore_mem>>) src(%dma_wait3A_56 : memref<632x128xf32, #tpu.memory_space<vmem_shared>>) dst(%dma_wait3A_54 : memref<632x128xf32, #tpu.memory_space<hbm>>)
      tpu.yield
    }) : () -> ()
    return
  }
}

module attributes {stable_mosaic.version = 14 : i64} {
  func.func @_layer_body(%arg0: i32, %arg1: memref<1000x128xf32, #tpu.memory_space<vmem>>, %arg2: memref<2x1000x128xf32, #tpu.memory_space<vmem>>, %arg3: memref<2x1000x128xf32, #tpu.memory_space<vmem>>, %arg4: memref<128x128xf32, #tpu.memory_space<vmem>>, %arg5: memref<128x128xf32, #tpu.memory_space<vmem>>, %arg6: memref<8x128xf32, #tpu.memory_space<vmem>>, %arg7: memref<1000x128xf32, #tpu.memory_space<vmem>>, %arg8: memref<8x128xf32, #tpu.memory_space<vmem>>, %arg9: memref<8x128xf32, #tpu.memory_space<vmem>>) attributes {dimension_semantics = [#tpu.dimension_semantics<arbitrary>], iteration_bounds = array<i64: 10>, scalar_prefetch = 0 : i64, scratch_operands = 0 : i64, tpu.core_type = #tpu.core_type<tc>, window_params = [{transform_indices = @transform_0, window_bounds = array<i64: 1000, 128>}, {transform_indices = @transform_1, window_bounds = array<i64: 2, 1000, 128>}, {transform_indices = @transform_2, window_bounds = array<i64: 2, 1000, 128>}, {pipeline_mode = #tpu.pipeline_mode<synchronous>, transform_indices = @transform_3, window_bounds = array<i64: 128, 128>}, {pipeline_mode = #tpu.pipeline_mode<synchronous>, transform_indices = @transform_4, window_bounds = array<i64: 128, 128>}, {pipeline_mode = #tpu.pipeline_mode<synchronous>, transform_indices = @transform_5, window_bounds = array<i64: 8, 128>}, {transform_indices = @transform_6, window_bounds = array<i64: 1000, 128>}, {pipeline_mode = #tpu.pipeline_mode<synchronous>, transform_indices = @transform_7, window_bounds = array<i64: 8, 128>}, {pipeline_mode = #tpu.pipeline_mode<synchronous>, transform_indices = @transform_8, window_bounds = array<i64: 8, 128>}]} {
    %get3A = arith.constant 0 : index
    %get3A_0 = arith.constant 0 : index
    %get3A_1 = vector.load %arg1[%get3A, %get3A_0] : memref<1000x128xf32, #tpu.memory_space<vmem>>, vector<1000x128xf32>
    %get3A_2 = arith.constant 0 : index
    %get3A_3 = arith.constant 0 : index
    %get3A_4 = arith.constant 0 : index
    %get3A_5 = vector.load %arg2[%get3A_2, %get3A_3, %get3A_4] : memref<2x1000x128xf32, #tpu.memory_space<vmem>>, vector<2x1000x128xf32>
    %slice3A = vector.extract_strided_slice %get3A_5 {offsets = [0, 0, 0], sizes = [1, 1000, 128], strides = [1, 1, 1]} : vector<2x1000x128xf32> to vector<1x1000x128xf32>
    %squeeze3A = vector.shape_cast %slice3A : vector<1x1000x128xf32> to vector<1000x128xf32>
    %slice3A_6 = vector.extract_strided_slice %get3A_5 {offsets = [1, 0, 0], sizes = [1, 1000, 128], strides = [1, 1, 1]} : vector<2x1000x128xf32> to vector<1x1000x128xf32>
    %squeeze3A_7 = vector.shape_cast %slice3A_6 : vector<1x1000x128xf32> to vector<1000x128xf32>
    %add3A = arith.addf %squeeze3A, %squeeze3A_7 : vector<1000x128xf32>
    %get3A_8 = arith.constant 0 : index
    %get3A_9 = arith.constant 0 : index
    %get3A_10 = arith.constant 0 : index
    %get3A_11 = vector.load %arg3[%get3A_8, %get3A_9, %get3A_10] : memref<2x1000x128xf32, #tpu.memory_space<vmem>>, vector<2x1000x128xf32>
    %slice3A_12 = vector.extract_strided_slice %get3A_11 {offsets = [0, 0, 0], sizes = [1, 1000, 1], strides = [1, 1, 1]} : vector<2x1000x128xf32> to vector<1x1000x1xf32>
    %squeeze3A_13 = vector.shape_cast %slice3A_12 : vector<1x1000x1xf32> to vector<1000x1xf32>
    %slice3A_14 = vector.extract_strided_slice %get3A_11 {offsets = [1, 0, 0], sizes = [1, 1000, 1], strides = [1, 1, 1]} : vector<2x1000x128xf32> to vector<1x1000x1xf32>
    %squeeze3A_15 = vector.shape_cast %slice3A_14 : vector<1x1000x1xf32> to vector<1000x1xf32>
    %add3A_16 = arith.addf %squeeze3A_13, %squeeze3A_15 : vector<1000x1xf32>
    %max3A = arith.constant 1.000000e+00 : f32
    %max3A_17 = vector.broadcast %max3A : f32 to vector<1000x1xf32>
    %max3A_18 = arith.maximumf %add3A_16, %max3A_17 : vector<1000x1xf32>
    %div3A = arith.constant 1.000000e+00 : f32
    %div3A_19 = vector.broadcast %div3A : f32 to vector<1000x1xf32>
    %div3A_20 = arith.divf %div3A_19, %max3A_18 : vector<1000x1xf32>
    %get3A_21 = arith.constant 0 : index
    %get3A_22 = arith.constant 0 : index
    %get3A_23 = vector.load %arg4[%get3A_21, %get3A_22] : memref<128x128xf32, #tpu.memory_space<vmem>>, vector<128x128xf32>
    %dot_general3A = arith.constant dense<0.000000e+00> : vector<1000x128xf32>
    %dot_general3A_24 = tpu.matmul %get3A_1, %get3A_23, %dot_general3A {dimension_numbers = #tpu.dot_dimension_numbers<[1], [0], [0], [1], [0, 0, 1, 1], [], []>, transpose_lhs_hint = false} : vector<1000x128xf32>, vector<128x128xf32>, vector<1000x128xf32> -> vector<1000x128xf32>
    %mul3A = vector.broadcast %div3A_20 : vector<1000x1xf32> to vector<1000x128xf32>
    %mul3A_25 = arith.mulf %add3A, %mul3A : vector<1000x128xf32>
    %get3A_26 = arith.constant 0 : index
    %get3A_27 = arith.constant 0 : index
    %get3A_28 = vector.load %arg5[%get3A_26, %get3A_27] : memref<128x128xf32, #tpu.memory_space<vmem>>, vector<128x128xf32>
    %dot_general3A_29 = arith.constant dense<0.000000e+00> : vector<1000x128xf32>
    %dot_general3A_30 = tpu.matmul %mul3A_25, %get3A_28, %dot_general3A_29 {dimension_numbers = #tpu.dot_dimension_numbers<[1], [0], [0], [1], [0, 0, 1, 1], [], []>, transpose_lhs_hint = false} : vector<1000x128xf32>, vector<128x128xf32>, vector<1000x128xf32> -> vector<1000x128xf32>
    %add3A_31 = arith.addf %dot_general3A_24, %dot_general3A_30 : vector<1000x128xf32>
    %get3A_32 = arith.constant 0 : index
    %get3A_33 = arith.constant 0 : index
    %get3A_34 = vector.load %arg6[%get3A_32, %get3A_33] : memref<8x128xf32, #tpu.memory_space<vmem>>, vector<8x128xf32>
    %slice3A_35 = vector.extract_strided_slice %get3A_34 {offsets = [0, 0], sizes = [1, 128], strides = [1, 1]} : vector<8x128xf32> to vector<1x128xf32>
    %add3A_36 = vector.broadcast %slice3A_35 : vector<1x128xf32> to vector<1000x128xf32>
    %add3A_37 = arith.addf %add3A_31, %add3A_36 : vector<1000x128xf32>
    %max3A_38 = arith.constant 0.000000e+00 : f32
    %max3A_39 = vector.broadcast %max3A_38 : f32 to vector<1000x128xf32>
    %max3A_40 = arith.maximumf %add3A_37, %max3A_39 : vector<1000x128xf32>
    %swap3A = arith.constant 0 : index
    %swap3A_41 = arith.constant 0 : index
    %swap3A_42 = vector.load %arg7[%swap3A, %swap3A_41] : memref<1000x128xf32, #tpu.memory_space<vmem>>, vector<1000x128xf32>
    tpu.vector_store %arg7[%swap3A, %swap3A_41], %max3A_40 {strides = array<i32>} : memref<1000x128xf32, #tpu.memory_space<vmem>>, vector<1000x128xf32>,
    %eq3A = arith.constant 0 : i32
    %eq3A_43 = arith.cmpi eq, %arg0, %eq3A : i32
    %convert_element_type3A = arith.extui %eq3A_43 : i1 to i32
    %cond3A = arith.constant 0 : i32
    %cond3A_44 = arith.cmpi ne, %convert_element_type3A, %cond3A : i32
    scf.if %cond3A_44 {
      %broadcast_in_dim3A = arith.constant 0.000000e+00 : f32
      %broadcast_in_dim3A_68 = vector.broadcast %broadcast_in_dim3A : f32 to vector<8x128xf32>
      %swap3A_69 = arith.constant 0 : index
      %swap3A_70 = arith.constant 0 : index
      %swap3A_71 = vector.load %arg8[%swap3A_69, %swap3A_70] : memref<8x128xf32, #tpu.memory_space<vmem>>, vector<8x128xf32>
      tpu.vector_store %arg8[%swap3A_69, %swap3A_70], %broadcast_in_dim3A_68 {strides = array<i32>} : memref<8x128xf32, #tpu.memory_space<vmem>>, vector<8x128xf32>,
    } else {
    }
    %get3A_45 = arith.constant 0 : index
    %get3A_46 = arith.constant 0 : index
    %get3A_47 = vector.load %arg8[%get3A_45, %get3A_46] : memref<8x128xf32, #tpu.memory_space<vmem>>, vector<8x128xf32>
    %reshape3A = vector.shape_cast %max3A_40 : vector<1000x128xf32> to vector<125x8x128xf32>
    %reduce_sum3A = arith.constant dense<0.000000e+00> : vector<8x128xf32>
    %reduce_sum3A_48 = vector.multi_reduction <add>, %reshape3A, %reduce_sum3A [0] : vector<125x8x128xf32> to vector<8x128xf32>
    %add3A_49 = arith.addf %get3A_47, %reduce_sum3A_48 : vector<8x128xf32>
    %swap3A_50 = arith.constant 0 : index
    %swap3A_51 = arith.constant 0 : index
    %swap3A_52 = vector.load %arg8[%swap3A_50, %swap3A_51] : memref<8x128xf32, #tpu.memory_space<vmem>>, vector<8x128xf32>
    tpu.vector_store %arg8[%swap3A_50, %swap3A_51], %add3A_49 {strides = array<i32>} : memref<8x128xf32, #tpu.memory_space<vmem>>, vector<8x128xf32>,
    %eq3A_53 = arith.constant 0 : i32
    %eq3A_54 = arith.cmpi eq, %arg0, %eq3A_53 : i32
    %convert_element_type3A_55 = arith.extui %eq3A_54 : i1 to i32
    %cond3A_56 = arith.constant 0 : i32
    %cond3A_57 = arith.cmpi ne, %convert_element_type3A_55, %cond3A_56 : i32
    scf.if %cond3A_57 {
      %broadcast_in_dim3A = arith.constant 0.000000e+00 : f32
      %broadcast_in_dim3A_68 = vector.broadcast %broadcast_in_dim3A : f32 to vector<8x128xf32>
      %swap3A_69 = arith.constant 0 : index
      %swap3A_70 = arith.constant 0 : index
      %swap3A_71 = vector.load %arg9[%swap3A_69, %swap3A_70] : memref<8x128xf32, #tpu.memory_space<vmem>>, vector<8x128xf32>
      tpu.vector_store %arg9[%swap3A_69, %swap3A_70], %broadcast_in_dim3A_68 {strides = array<i32>} : memref<8x128xf32, #tpu.memory_space<vmem>>, vector<8x128xf32>,
    } else {
    }
    %get3A_58 = arith.constant 0 : index
    %get3A_59 = arith.constant 0 : index
    %get3A_60 = vector.load %arg9[%get3A_58, %get3A_59] : memref<8x128xf32, #tpu.memory_space<vmem>>, vector<8x128xf32>
    %reshape3A_61 = vector.shape_cast %get3A_1 : vector<1000x128xf32> to vector<125x8x128xf32>
    %reduce_sum3A_62 = arith.constant dense<0.000000e+00> : vector<8x128xf32>
    %reduce_sum3A_63 = vector.multi_reduction <add>, %reshape3A_61, %reduce_sum3A_62 [0] : vector<125x8x128xf32> to vector<8x128xf32>
    %add3A_64 = arith.addf %get3A_60, %reduce_sum3A_63 : vector<8x128xf32>
    %swap3A_65 = arith.constant 0 : index
    %swap3A_66 = arith.constant 0 : index
    %swap3A_67 = vector.load %arg9[%swap3A_65, %swap3A_66] : memref<8x128xf32, #tpu.memory_space<vmem>>, vector<8x128xf32>
    tpu.vector_store %arg9[%swap3A_65, %swap3A_66], %add3A_64 {strides = array<i32>} : memref<8x128xf32, #tpu.memory_space<vmem>>, vector<8x128xf32>,
    return
  }
  func.func @transform_0(%arg0: i32) -> (i32, i32) {
    %c0_i32 = arith.constant 0 : i32
    %c0_i32_0 = arith.constant 0 : i32
    return %arg0, %c0_i32 : i32, i32
  }
  func.func @transform_1(%arg0: i32) -> (i32, i32, i32) {
    %c0_i32 = arith.constant 0 : i32
    %c0_i32_0 = arith.constant 0 : i32
    %c0_i32_1 = arith.constant 0 : i32
    return %c0_i32, %arg0, %c0_i32_0 : i32, i32, i32
  }
  func.func @transform_2(%arg0: i32) -> (i32, i32, i32) {
    %c0_i32 = arith.constant 0 : i32
    %c0_i32_0 = arith.constant 0 : i32
    %c0_i32_1 = arith.constant 0 : i32
    return %c0_i32, %arg0, %c0_i32_0 : i32, i32, i32
  }
  func.func @transform_3(%arg0: i32) -> (i32, i32) {
    %c0_i32 = arith.constant 0 : i32
    %c0_i32_0 = arith.constant 0 : i32
    %c0_i32_1 = arith.constant 0 : i32
    return %c0_i32, %c0_i32_0 : i32, i32
  }
  func.func @transform_4(%arg0: i32) -> (i32, i32) {
    %c0_i32 = arith.constant 0 : i32
    %c0_i32_0 = arith.constant 0 : i32
    %c0_i32_1 = arith.constant 0 : i32
    return %c0_i32, %c0_i32_0 : i32, i32
  }
  func.func @transform_5(%arg0: i32) -> (i32, i32) {
    %c0_i32 = arith.constant 0 : i32
    %c0_i32_0 = arith.constant 0 : i32
    %c0_i32_1 = arith.constant 0 : i32
    return %c0_i32, %c0_i32_0 : i32, i32
  }
  func.func @transform_6(%arg0: i32) -> (i32, i32) {
    %c0_i32 = arith.constant 0 : i32
    %c0_i32_0 = arith.constant 0 : i32
    return %arg0, %c0_i32 : i32, i32
  }
  func.func @transform_7(%arg0: i32) -> (i32, i32) {
    %c0_i32 = arith.constant 0 : i32
    %c0_i32_0 = arith.constant 0 : i32
    %c0_i32_1 = arith.constant 0 : i32
    return %c0_i32, %c0_i32_0 : i32, i32
  }
  func.func @transform_8(%arg0: i32) -> (i32, i32) {
    %c0_i32 = arith.constant 0 : i32
    %c0_i32_0 = arith.constant 0 : i32
    %c0_i32_1 = arith.constant 0 : i32
    return %c0_i32, %c0_i32_0 : i32, i32
  }
}

module attributes {stable_mosaic.version = 14 : i64} {
  func.func @_layer_body(%arg0: i32, %arg1: memref<1000x128xf32, #tpu.memory_space<vmem>>, %arg2: memref<2x1000x128xf32, #tpu.memory_space<vmem>>, %arg3: memref<2x1000x128xf32, #tpu.memory_space<vmem>>, %arg4: memref<128x128xf32, #tpu.memory_space<vmem>>, %arg5: memref<128x128xf32, #tpu.memory_space<vmem>>, %arg6: memref<8x128xf32, #tpu.memory_space<vmem>>, %arg7: memref<1000x128xf32, #tpu.memory_space<vmem>>, %arg8: memref<8x128xf32, #tpu.memory_space<vmem>>) attributes {dimension_semantics = [#tpu.dimension_semantics<arbitrary>], iteration_bounds = array<i64: 10>, scalar_prefetch = 0 : i64, scratch_operands = 0 : i64, tpu.core_type = #tpu.core_type<tc>, window_params = [{transform_indices = @transform_0, window_bounds = array<i64: 1000, 128>}, {transform_indices = @transform_1, window_bounds = array<i64: 2, 1000, 128>}, {transform_indices = @transform_2, window_bounds = array<i64: 2, 1000, 128>}, {pipeline_mode = #tpu.pipeline_mode<synchronous>, transform_indices = @transform_3, window_bounds = array<i64: 128, 128>}, {pipeline_mode = #tpu.pipeline_mode<synchronous>, transform_indices = @transform_4, window_bounds = array<i64: 128, 128>}, {pipeline_mode = #tpu.pipeline_mode<synchronous>, transform_indices = @transform_5, window_bounds = array<i64: 8, 128>}, {transform_indices = @transform_6, window_bounds = array<i64: 1000, 128>}, {pipeline_mode = #tpu.pipeline_mode<synchronous>, transform_indices = @transform_7, window_bounds = array<i64: 8, 128>}]} {
    %get3A = arith.constant 0 : index
    %get3A_0 = arith.constant 0 : index
    %get3A_1 = vector.load %arg1[%get3A, %get3A_0] : memref<1000x128xf32, #tpu.memory_space<vmem>>, vector<1000x128xf32>
    %get3A_2 = arith.constant 0 : index
    %get3A_3 = arith.constant 0 : index
    %get3A_4 = arith.constant 0 : index
    %get3A_5 = vector.load %arg2[%get3A_2, %get3A_3, %get3A_4] : memref<2x1000x128xf32, #tpu.memory_space<vmem>>, vector<2x1000x128xf32>
    %slice3A = vector.extract_strided_slice %get3A_5 {offsets = [0, 0, 0], sizes = [1, 1000, 128], strides = [1, 1, 1]} : vector<2x1000x128xf32> to vector<1x1000x128xf32>
    %squeeze3A = vector.shape_cast %slice3A : vector<1x1000x128xf32> to vector<1000x128xf32>
    %slice3A_6 = vector.extract_strided_slice %get3A_5 {offsets = [1, 0, 0], sizes = [1, 1000, 128], strides = [1, 1, 1]} : vector<2x1000x128xf32> to vector<1x1000x128xf32>
    %squeeze3A_7 = vector.shape_cast %slice3A_6 : vector<1x1000x128xf32> to vector<1000x128xf32>
    %add3A = arith.addf %squeeze3A, %squeeze3A_7 : vector<1000x128xf32>
    %get3A_8 = arith.constant 0 : index
    %get3A_9 = arith.constant 0 : index
    %get3A_10 = arith.constant 0 : index
    %get3A_11 = vector.load %arg3[%get3A_8, %get3A_9, %get3A_10] : memref<2x1000x128xf32, #tpu.memory_space<vmem>>, vector<2x1000x128xf32>
    %slice3A_12 = vector.extract_strided_slice %get3A_11 {offsets = [0, 0, 0], sizes = [1, 1000, 1], strides = [1, 1, 1]} : vector<2x1000x128xf32> to vector<1x1000x1xf32>
    %squeeze3A_13 = vector.shape_cast %slice3A_12 : vector<1x1000x1xf32> to vector<1000x1xf32>
    %slice3A_14 = vector.extract_strided_slice %get3A_11 {offsets = [1, 0, 0], sizes = [1, 1000, 1], strides = [1, 1, 1]} : vector<2x1000x128xf32> to vector<1x1000x1xf32>
    %squeeze3A_15 = vector.shape_cast %slice3A_14 : vector<1x1000x1xf32> to vector<1000x1xf32>
    %add3A_16 = arith.addf %squeeze3A_13, %squeeze3A_15 : vector<1000x1xf32>
    %max3A = arith.constant 1.000000e+00 : f32
    %max3A_17 = vector.broadcast %max3A : f32 to vector<1000x1xf32>
    %max3A_18 = arith.maximumf %add3A_16, %max3A_17 : vector<1000x1xf32>
    %div3A = arith.constant 1.000000e+00 : f32
    %div3A_19 = vector.broadcast %div3A : f32 to vector<1000x1xf32>
    %div3A_20 = arith.divf %div3A_19, %max3A_18 : vector<1000x1xf32>
    %get3A_21 = arith.constant 0 : index
    %get3A_22 = arith.constant 0 : index
    %get3A_23 = vector.load %arg4[%get3A_21, %get3A_22] : memref<128x128xf32, #tpu.memory_space<vmem>>, vector<128x128xf32>
    %dot_general3A = arith.constant dense<0.000000e+00> : vector<1000x128xf32>
    %dot_general3A_24 = tpu.matmul %get3A_1, %get3A_23, %dot_general3A {dimension_numbers = #tpu.dot_dimension_numbers<[1], [0], [0], [1], [0, 0, 1, 1], [], []>, transpose_lhs_hint = false} : vector<1000x128xf32>, vector<128x128xf32>, vector<1000x128xf32> -> vector<1000x128xf32>
    %mul3A = vector.broadcast %div3A_20 : vector<1000x1xf32> to vector<1000x128xf32>
    %mul3A_25 = arith.mulf %add3A, %mul3A : vector<1000x128xf32>
    %get3A_26 = arith.constant 0 : index
    %get3A_27 = arith.constant 0 : index
    %get3A_28 = vector.load %arg5[%get3A_26, %get3A_27] : memref<128x128xf32, #tpu.memory_space<vmem>>, vector<128x128xf32>
    %dot_general3A_29 = arith.constant dense<0.000000e+00> : vector<1000x128xf32>
    %dot_general3A_30 = tpu.matmul %mul3A_25, %get3A_28, %dot_general3A_29 {dimension_numbers = #tpu.dot_dimension_numbers<[1], [0], [0], [1], [0, 0, 1, 1], [], []>, transpose_lhs_hint = false} : vector<1000x128xf32>, vector<128x128xf32>, vector<1000x128xf32> -> vector<1000x128xf32>
    %add3A_31 = arith.addf %dot_general3A_24, %dot_general3A_30 : vector<1000x128xf32>
    %get3A_32 = arith.constant 0 : index
    %get3A_33 = arith.constant 0 : index
    %get3A_34 = vector.load %arg6[%get3A_32, %get3A_33] : memref<8x128xf32, #tpu.memory_space<vmem>>, vector<8x128xf32>
    %slice3A_35 = vector.extract_strided_slice %get3A_34 {offsets = [0, 0], sizes = [1, 128], strides = [1, 1]} : vector<8x128xf32> to vector<1x128xf32>
    %add3A_36 = vector.broadcast %slice3A_35 : vector<1x128xf32> to vector<1000x128xf32>
    %add3A_37 = arith.addf %add3A_31, %add3A_36 : vector<1000x128xf32>
    %max3A_38 = arith.constant 0.000000e+00 : f32
    %max3A_39 = vector.broadcast %max3A_38 : f32 to vector<1000x128xf32>
    %max3A_40 = arith.maximumf %add3A_37, %max3A_39 : vector<1000x128xf32>
    %swap3A = arith.constant 0 : index
    %swap3A_41 = arith.constant 0 : index
    %swap3A_42 = vector.load %arg7[%swap3A, %swap3A_41] : memref<1000x128xf32, #tpu.memory_space<vmem>>, vector<1000x128xf32>
    tpu.vector_store %arg7[%swap3A, %swap3A_41], %max3A_40 {strides = array<i32>} : memref<1000x128xf32, #tpu.memory_space<vmem>>, vector<1000x128xf32>,
    %eq3A = arith.constant 0 : i32
    %eq3A_43 = arith.cmpi eq, %arg0, %eq3A : i32
    %convert_element_type3A = arith.extui %eq3A_43 : i1 to i32
    %cond3A = arith.constant 0 : i32
    %cond3A_44 = arith.cmpi ne, %convert_element_type3A, %cond3A : i32
    scf.if %cond3A_44 {
      %broadcast_in_dim3A = arith.constant 0.000000e+00 : f32
      %broadcast_in_dim3A_53 = vector.broadcast %broadcast_in_dim3A : f32 to vector<8x128xf32>
      %swap3A_54 = arith.constant 0 : index
      %swap3A_55 = arith.constant 0 : index
      %swap3A_56 = vector.load %arg8[%swap3A_54, %swap3A_55] : memref<8x128xf32, #tpu.memory_space<vmem>>, vector<8x128xf32>
      tpu.vector_store %arg8[%swap3A_54, %swap3A_55], %broadcast_in_dim3A_53 {strides = array<i32>} : memref<8x128xf32, #tpu.memory_space<vmem>>, vector<8x128xf32>,
    } else {
    }
    %get3A_45 = arith.constant 0 : index
    %get3A_46 = arith.constant 0 : index
    %get3A_47 = vector.load %arg8[%get3A_45, %get3A_46] : memref<8x128xf32, #tpu.memory_space<vmem>>, vector<8x128xf32>
    %reshape3A = vector.shape_cast %max3A_40 : vector<1000x128xf32> to vector<125x8x128xf32>
    %reduce_sum3A = arith.constant dense<0.000000e+00> : vector<8x128xf32>
    %reduce_sum3A_48 = vector.multi_reduction <add>, %reshape3A, %reduce_sum3A [0] : vector<125x8x128xf32> to vector<8x128xf32>
    %add3A_49 = arith.addf %get3A_47, %reduce_sum3A_48 : vector<8x128xf32>
    %swap3A_50 = arith.constant 0 : index
    %swap3A_51 = arith.constant 0 : index
    %swap3A_52 = vector.load %arg8[%swap3A_50, %swap3A_51] : memref<8x128xf32, #tpu.memory_space<vmem>>, vector<8x128xf32>
    tpu.vector_store %arg8[%swap3A_50, %swap3A_51], %add3A_49 {strides = array<i32>} : memref<8x128xf32, #tpu.memory_space<vmem>>, vector<8x128xf32>,
    return
  }
  func.func @transform_0(%arg0: i32) -> (i32, i32) {
    %c0_i32 = arith.constant 0 : i32
    %c0_i32_0 = arith.constant 0 : i32
    return %arg0, %c0_i32 : i32, i32
  }
  func.func @transform_1(%arg0: i32) -> (i32, i32, i32) {
    %c0_i32 = arith.constant 0 : i32
    %c0_i32_0 = arith.constant 0 : i32
    %c0_i32_1 = arith.constant 0 : i32
    return %c0_i32, %arg0, %c0_i32_0 : i32, i32, i32
  }
  func.func @transform_2(%arg0: i32) -> (i32, i32, i32) {
    %c0_i32 = arith.constant 0 : i32
    %c0_i32_0 = arith.constant 0 : i32
    %c0_i32_1 = arith.constant 0 : i32
    return %c0_i32, %arg0, %c0_i32_0 : i32, i32, i32
  }
  func.func @transform_3(%arg0: i32) -> (i32, i32) {
    %c0_i32 = arith.constant 0 : i32
    %c0_i32_0 = arith.constant 0 : i32
    %c0_i32_1 = arith.constant 0 : i32
    return %c0_i32, %c0_i32_0 : i32, i32
  }
  func.func @transform_4(%arg0: i32) -> (i32, i32) {
    %c0_i32 = arith.constant 0 : i32
    %c0_i32_0 = arith.constant 0 : i32
    %c0_i32_1 = arith.constant 0 : i32
    return %c0_i32, %c0_i32_0 : i32, i32
  }
  func.func @transform_5(%arg0: i32) -> (i32, i32) {
    %c0_i32 = arith.constant 0 : i32
    %c0_i32_0 = arith.constant 0 : i32
    %c0_i32_1 = arith.constant 0 : i32
    return %c0_i32, %c0_i32_0 : i32, i32
  }
  func.func @transform_6(%arg0: i32) -> (i32, i32) {
    %c0_i32 = arith.constant 0 : i32
    %c0_i32_0 = arith.constant 0 : i32
    return %arg0, %c0_i32 : i32, i32
  }
  func.func @transform_7(%arg0: i32) -> (i32, i32) {
    %c0_i32 = arith.constant 0 : i32
    %c0_i32_0 = arith.constant 0 : i32
    %c0_i32_1 = arith.constant 0 : i32
    return %c0_i32, %c0_i32_0 : i32, i32
  }
}

module attributes {stable_mosaic.version = 14 : i64} {
  func.func @_layer_body(%arg0: i32, %arg1: memref<1000x128xf32, #tpu.memory_space<vmem>>, %arg2: memref<2x1000x128xf32, #tpu.memory_space<vmem>>, %arg3: memref<2x1000x128xf32, #tpu.memory_space<vmem>>, %arg4: memref<128x128xf32, #tpu.memory_space<vmem>>, %arg5: memref<128x128xf32, #tpu.memory_space<vmem>>, %arg6: memref<8x128xf32, #tpu.memory_space<vmem>>, %arg7: memref<1000x128xf32, #tpu.memory_space<vmem>>, %arg8: memref<8x128xf32, #tpu.memory_space<vmem>>) attributes {dimension_semantics = [#tpu.dimension_semantics<arbitrary>], iteration_bounds = array<i64: 10>, scalar_prefetch = 0 : i64, scratch_operands = 0 : i64, tpu.core_type = #tpu.core_type<tc>, window_params = [{transform_indices = @transform_0, window_bounds = array<i64: 1000, 128>}, {transform_indices = @transform_1, window_bounds = array<i64: 2, 1000, 128>}, {transform_indices = @transform_2, window_bounds = array<i64: 2, 1000, 128>}, {pipeline_mode = #tpu.pipeline_mode<synchronous>, transform_indices = @transform_3, window_bounds = array<i64: 128, 128>}, {pipeline_mode = #tpu.pipeline_mode<synchronous>, transform_indices = @transform_4, window_bounds = array<i64: 128, 128>}, {pipeline_mode = #tpu.pipeline_mode<synchronous>, transform_indices = @transform_5, window_bounds = array<i64: 8, 128>}, {transform_indices = @transform_6, window_bounds = array<i64: 1000, 128>}, {pipeline_mode = #tpu.pipeline_mode<synchronous>, transform_indices = @transform_7, window_bounds = array<i64: 8, 128>}]} {
    %get3A = arith.constant 0 : index
    %get3A_0 = arith.constant 0 : index
    %get3A_1 = vector.load %arg1[%get3A, %get3A_0] : memref<1000x128xf32, #tpu.memory_space<vmem>>, vector<1000x128xf32>
    %get3A_2 = arith.constant 0 : index
    %get3A_3 = arith.constant 0 : index
    %get3A_4 = arith.constant 0 : index
    %get3A_5 = vector.load %arg2[%get3A_2, %get3A_3, %get3A_4] : memref<2x1000x128xf32, #tpu.memory_space<vmem>>, vector<2x1000x128xf32>
    %slice3A = vector.extract_strided_slice %get3A_5 {offsets = [0, 0, 0], sizes = [1, 1000, 128], strides = [1, 1, 1]} : vector<2x1000x128xf32> to vector<1x1000x128xf32>
    %squeeze3A = vector.shape_cast %slice3A : vector<1x1000x128xf32> to vector<1000x128xf32>
    %slice3A_6 = vector.extract_strided_slice %get3A_5 {offsets = [1, 0, 0], sizes = [1, 1000, 128], strides = [1, 1, 1]} : vector<2x1000x128xf32> to vector<1x1000x128xf32>
    %squeeze3A_7 = vector.shape_cast %slice3A_6 : vector<1x1000x128xf32> to vector<1000x128xf32>
    %add3A = arith.addf %squeeze3A, %squeeze3A_7 : vector<1000x128xf32>
    %get3A_8 = arith.constant 0 : index
    %get3A_9 = arith.constant 0 : index
    %get3A_10 = arith.constant 0 : index
    %get3A_11 = vector.load %arg3[%get3A_8, %get3A_9, %get3A_10] : memref<2x1000x128xf32, #tpu.memory_space<vmem>>, vector<2x1000x128xf32>
    %slice3A_12 = vector.extract_strided_slice %get3A_11 {offsets = [0, 0, 0], sizes = [1, 1000, 1], strides = [1, 1, 1]} : vector<2x1000x128xf32> to vector<1x1000x1xf32>
    %squeeze3A_13 = vector.shape_cast %slice3A_12 : vector<1x1000x1xf32> to vector<1000x1xf32>
    %slice3A_14 = vector.extract_strided_slice %get3A_11 {offsets = [1, 0, 0], sizes = [1, 1000, 1], strides = [1, 1, 1]} : vector<2x1000x128xf32> to vector<1x1000x1xf32>
    %squeeze3A_15 = vector.shape_cast %slice3A_14 : vector<1x1000x1xf32> to vector<1000x1xf32>
    %add3A_16 = arith.addf %squeeze3A_13, %squeeze3A_15 : vector<1000x1xf32>
    %max3A = arith.constant 1.000000e+00 : f32
    %max3A_17 = vector.broadcast %max3A : f32 to vector<1000x1xf32>
    %max3A_18 = arith.maximumf %add3A_16, %max3A_17 : vector<1000x1xf32>
    %div3A = arith.constant 1.000000e+00 : f32
    %div3A_19 = vector.broadcast %div3A : f32 to vector<1000x1xf32>
    %div3A_20 = arith.divf %div3A_19, %max3A_18 : vector<1000x1xf32>
    %get3A_21 = arith.constant 0 : index
    %get3A_22 = arith.constant 0 : index
    %get3A_23 = vector.load %arg4[%get3A_21, %get3A_22] : memref<128x128xf32, #tpu.memory_space<vmem>>, vector<128x128xf32>
    %dot_general3A = arith.constant dense<0.000000e+00> : vector<1000x128xf32>
    %dot_general3A_24 = tpu.matmul %get3A_1, %get3A_23, %dot_general3A {dimension_numbers = #tpu.dot_dimension_numbers<[1], [0], [0], [1], [0, 0, 1, 1], [], []>, transpose_lhs_hint = false} : vector<1000x128xf32>, vector<128x128xf32>, vector<1000x128xf32> -> vector<1000x128xf32>
    %mul3A = vector.broadcast %div3A_20 : vector<1000x1xf32> to vector<1000x128xf32>
    %mul3A_25 = arith.mulf %add3A, %mul3A : vector<1000x128xf32>
    %get3A_26 = arith.constant 0 : index
    %get3A_27 = arith.constant 0 : index
    %get3A_28 = vector.load %arg5[%get3A_26, %get3A_27] : memref<128x128xf32, #tpu.memory_space<vmem>>, vector<128x128xf32>
    %dot_general3A_29 = arith.constant dense<0.000000e+00> : vector<1000x128xf32>
    %dot_general3A_30 = tpu.matmul %mul3A_25, %get3A_28, %dot_general3A_29 {dimension_numbers = #tpu.dot_dimension_numbers<[1], [0], [0], [1], [0, 0, 1, 1], [], []>, transpose_lhs_hint = false} : vector<1000x128xf32>, vector<128x128xf32>, vector<1000x128xf32> -> vector<1000x128xf32>
    %add3A_31 = arith.addf %dot_general3A_24, %dot_general3A_30 : vector<1000x128xf32>
    %get3A_32 = arith.constant 0 : index
    %get3A_33 = arith.constant 0 : index
    %get3A_34 = vector.load %arg6[%get3A_32, %get3A_33] : memref<8x128xf32, #tpu.memory_space<vmem>>, vector<8x128xf32>
    %slice3A_35 = vector.extract_strided_slice %get3A_34 {offsets = [0, 0], sizes = [1, 128], strides = [1, 1]} : vector<8x128xf32> to vector<1x128xf32>
    %add3A_36 = vector.broadcast %slice3A_35 : vector<1x128xf32> to vector<1000x128xf32>
    %add3A_37 = arith.addf %add3A_31, %add3A_36 : vector<1000x128xf32>
    %max3A_38 = arith.constant 0.000000e+00 : f32
    %max3A_39 = vector.broadcast %max3A_38 : f32 to vector<1000x128xf32>
    %max3A_40 = arith.maximumf %add3A_37, %max3A_39 : vector<1000x128xf32>
    %swap3A = arith.constant 0 : index
    %swap3A_41 = arith.constant 0 : index
    %swap3A_42 = vector.load %arg7[%swap3A, %swap3A_41] : memref<1000x128xf32, #tpu.memory_space<vmem>>, vector<1000x128xf32>
    tpu.vector_store %arg7[%swap3A, %swap3A_41], %max3A_40 {strides = array<i32>} : memref<1000x128xf32, #tpu.memory_space<vmem>>, vector<1000x128xf32>,
    %eq3A = arith.constant 0 : i32
    %eq3A_43 = arith.cmpi eq, %arg0, %eq3A : i32
    %convert_element_type3A = arith.extui %eq3A_43 : i1 to i32
    %cond3A = arith.constant 0 : i32
    %cond3A_44 = arith.cmpi ne, %convert_element_type3A, %cond3A : i32
    scf.if %cond3A_44 {
      %broadcast_in_dim3A = arith.constant 0.000000e+00 : f32
      %broadcast_in_dim3A_53 = vector.broadcast %broadcast_in_dim3A : f32 to vector<8x128xf32>
      %swap3A_54 = arith.constant 0 : index
      %swap3A_55 = arith.constant 0 : index
      %swap3A_56 = vector.load %arg8[%swap3A_54, %swap3A_55] : memref<8x128xf32, #tpu.memory_space<vmem>>, vector<8x128xf32>
      tpu.vector_store %arg8[%swap3A_54, %swap3A_55], %broadcast_in_dim3A_53 {strides = array<i32>} : memref<8x128xf32, #tpu.memory_space<vmem>>, vector<8x128xf32>,
    } else {
    }
    %get3A_45 = arith.constant 0 : index
    %get3A_46 = arith.constant 0 : index
    %get3A_47 = vector.load %arg8[%get3A_45, %get3A_46] : memref<8x128xf32, #tpu.memory_space<vmem>>, vector<8x128xf32>
    %reshape3A = vector.shape_cast %max3A_40 : vector<1000x128xf32> to vector<125x8x128xf32>
    %reduce_sum3A = arith.constant dense<0.000000e+00> : vector<8x128xf32>
    %reduce_sum3A_48 = vector.multi_reduction <add>, %reshape3A, %reduce_sum3A [0] : vector<125x8x128xf32> to vector<8x128xf32>
    %add3A_49 = arith.addf %get3A_47, %reduce_sum3A_48 : vector<8x128xf32>
    %swap3A_50 = arith.constant 0 : index
    %swap3A_51 = arith.constant 0 : index
    %swap3A_52 = vector.load %arg8[%swap3A_50, %swap3A_51] : memref<8x128xf32, #tpu.memory_space<vmem>>, vector<8x128xf32>
    tpu.vector_store %arg8[%swap3A_50, %swap3A_51], %add3A_49 {strides = array<i32>} : memref<8x128xf32, #tpu.memory_space<vmem>>, vector<8x128xf32>,
    return
  }
  func.func @transform_0(%arg0: i32) -> (i32, i32) {
    %c0_i32 = arith.constant 0 : i32
    %c0_i32_0 = arith.constant 0 : i32
    return %arg0, %c0_i32 : i32, i32
  }
  func.func @transform_1(%arg0: i32) -> (i32, i32, i32) {
    %c0_i32 = arith.constant 0 : i32
    %c0_i32_0 = arith.constant 0 : i32
    %c0_i32_1 = arith.constant 0 : i32
    return %c0_i32, %arg0, %c0_i32_0 : i32, i32, i32
  }
  func.func @transform_2(%arg0: i32) -> (i32, i32, i32) {
    %c0_i32 = arith.constant 0 : i32
    %c0_i32_0 = arith.constant 0 : i32
    %c0_i32_1 = arith.constant 0 : i32
    return %c0_i32, %arg0, %c0_i32_0 : i32, i32, i32
  }
  func.func @transform_3(%arg0: i32) -> (i32, i32) {
    %c0_i32 = arith.constant 0 : i32
    %c0_i32_0 = arith.constant 0 : i32
    %c0_i32_1 = arith.constant 0 : i32
    return %c0_i32, %c0_i32_0 : i32, i32
  }
  func.func @transform_4(%arg0: i32) -> (i32, i32) {
    %c0_i32 = arith.constant 0 : i32
    %c0_i32_0 = arith.constant 0 : i32
    %c0_i32_1 = arith.constant 0 : i32
    return %c0_i32, %c0_i32_0 : i32, i32
  }
  func.func @transform_5(%arg0: i32) -> (i32, i32) {
    %c0_i32 = arith.constant 0 : i32
    %c0_i32_0 = arith.constant 0 : i32
    %c0_i32_1 = arith.constant 0 : i32
    return %c0_i32, %c0_i32_0 : i32, i32
  }
  func.func @transform_6(%arg0: i32) -> (i32, i32) {
    %c0_i32 = arith.constant 0 : i32
    %c0_i32_0 = arith.constant 0 : i32
    return %arg0, %c0_i32 : i32, i32
  }
  func.func @transform_7(%arg0: i32) -> (i32, i32) {
    %c0_i32 = arith.constant 0 : i32
    %c0_i32_0 = arith.constant 0 : i32
    %c0_i32_1 = arith.constant 0 : i32
    return %c0_i32, %c0_i32_0 : i32, i32
  }
}

module attributes {stable_mosaic.version = 14 : i64} {
  func.func @_final_body(%arg0: memref<8x128xf32, #tpu.memory_space<vmem>>, %arg1: memref<8x128xf32, #tpu.memory_space<vmem>>, %arg2: memref<8x128xf32, #tpu.memory_space<vmem>>, %arg3: memref<8x128xf32, #tpu.memory_space<vmem>>, %arg4: memref<512x256xf32, #tpu.memory_space<vmem>>, %arg5: memref<8x256xf32, #tpu.memory_space<vmem>>, %arg6: memref<256x128xf32, #tpu.memory_space<vmem>>, %arg7: memref<8x128xf32, #tpu.memory_space<vmem>>, %arg8: memref<128x128xf32, #tpu.memory_space<vmem>>, %arg9: memref<8x128xf32, #tpu.memory_space<vmem>>, %arg10: memref<8x128xf32, #tpu.memory_space<vmem>>) attributes {dimension_semantics = [], scalar_prefetch = 0 : i64, scratch_operands = 0 : i64, tpu.core_type = #tpu.core_type<tc>} {
    %get3A = arith.constant 0 : index
    %get3A_0 = arith.constant 0 : index
    %get3A_1 = vector.load %arg0[%get3A, %get3A_0] : memref<8x128xf32, #tpu.memory_space<vmem>>, vector<8x128xf32>
    %reduce_sum3A = arith.constant dense<0.000000e+00> : vector<128xf32>
    %reduce_sum3A_2 = vector.multi_reduction <add>, %get3A_1, %reduce_sum3A [0] : vector<8x128xf32> to vector<128xf32>
    %broadcast_in_dim3A = vector.shape_cast %reduce_sum3A_2 : vector<128xf32> to vector<1x128xf32>
    %get3A_3 = arith.constant 0 : index
    %get3A_4 = arith.constant 0 : index
    %get3A_5 = vector.load %arg1[%get3A_3, %get3A_4] : memref<8x128xf32, #tpu.memory_space<vmem>>, vector<8x128xf32>
    %reduce_sum3A_6 = arith.constant dense<0.000000e+00> : vector<128xf32>
    %reduce_sum3A_7 = vector.multi_reduction <add>, %get3A_5, %reduce_sum3A_6 [0] : vector<8x128xf32> to vector<128xf32>
    %broadcast_in_dim3A_8 = vector.shape_cast %reduce_sum3A_7 : vector<128xf32> to vector<1x128xf32>
    %get3A_9 = arith.constant 0 : index
    %get3A_10 = arith.constant 0 : index
    %get3A_11 = vector.load %arg2[%get3A_9, %get3A_10] : memref<8x128xf32, #tpu.memory_space<vmem>>, vector<8x128xf32>
    %reduce_sum3A_12 = arith.constant dense<0.000000e+00> : vector<128xf32>
    %reduce_sum3A_13 = vector.multi_reduction <add>, %get3A_11, %reduce_sum3A_12 [0] : vector<8x128xf32> to vector<128xf32>
    %broadcast_in_dim3A_14 = vector.shape_cast %reduce_sum3A_13 : vector<128xf32> to vector<1x128xf32>
    %get3A_15 = arith.constant 0 : index
    %get3A_16 = arith.constant 0 : index
    %get3A_17 = vector.load %arg3[%get3A_15, %get3A_16] : memref<8x128xf32, #tpu.memory_space<vmem>>, vector<8x128xf32>
    %reduce_sum3A_18 = arith.constant dense<0.000000e+00> : vector<128xf32>
    %reduce_sum3A_19 = vector.multi_reduction <add>, %get3A_17, %reduce_sum3A_18 [0] : vector<8x128xf32> to vector<128xf32>
    %broadcast_in_dim3A_20 = vector.shape_cast %reduce_sum3A_19 : vector<128xf32> to vector<1x128xf32>
    %concatenate3A = tpu.concatenate %broadcast_in_dim3A, %broadcast_in_dim3A_8, %broadcast_in_dim3A_14, %broadcast_in_dim3A_20 in 1 : vector<1x128xf32>, vector<1x128xf32>, vector<1x128xf32>, vector<1x128xf32> -> vector<1x512xf32>
    %mul3A = arith.constant 9.99999974E-5 : f32
    %mul3A_21 = vector.broadcast %mul3A : f32 to vector<1x512xf32>
    %mul3A_22 = arith.mulf %concatenate3A, %mul3A_21 : vector<1x512xf32>
    %get3A_23 = arith.constant 0 : index
    %get3A_24 = arith.constant 0 : index
    %get3A_25 = vector.load %arg4[%get3A_23, %get3A_24] : memref<512x256xf32, #tpu.memory_space<vmem>>, vector<512x256xf32>
    %dot_general3A = arith.constant dense<0.000000e+00> : vector<1x256xf32>
    %dot_general3A_26 = tpu.matmul %mul3A_22, %get3A_25, %dot_general3A {dimension_numbers = #tpu.dot_dimension_numbers<[1], [0], [0], [1], [0, 0, 1, 1], [], []>, transpose_lhs_hint = false} : vector<1x512xf32>, vector<512x256xf32>, vector<1x256xf32> -> vector<1x256xf32>
    %get3A_27 = arith.constant 0 : index
    %get3A_28 = arith.constant 0 : index
    %get3A_29 = vector.load %arg5[%get3A_27, %get3A_28] : memref<8x256xf32, #tpu.memory_space<vmem>>, vector<8x256xf32>
    %slice3A = vector.extract_strided_slice %get3A_29 {offsets = [0, 0], sizes = [1, 256], strides = [1, 1]} : vector<8x256xf32> to vector<1x256xf32>
    %add3A = arith.addf %dot_general3A_26, %slice3A : vector<1x256xf32>
    %max3A = arith.constant 0.000000e+00 : f32
    %max3A_30 = vector.broadcast %max3A : f32 to vector<1x256xf32>
    %max3A_31 = arith.maximumf %add3A, %max3A_30 : vector<1x256xf32>
    %get3A_32 = arith.constant 0 : index
    %get3A_33 = arith.constant 0 : index
    %get3A_34 = vector.load %arg6[%get3A_32, %get3A_33] : memref<256x128xf32, #tpu.memory_space<vmem>>, vector<256x128xf32>
    %dot_general3A_35 = arith.constant dense<0.000000e+00> : vector<1x128xf32>
    %dot_general3A_36 = tpu.matmul %max3A_31, %get3A_34, %dot_general3A_35 {dimension_numbers = #tpu.dot_dimension_numbers<[1], [0], [0], [1], [0, 0, 1, 1], [], []>, transpose_lhs_hint = false} : vector<1x256xf32>, vector<256x128xf32>, vector<1x128xf32> -> vector<1x128xf32>
    %get3A_37 = arith.constant 0 : index
    %get3A_38 = arith.constant 0 : index
    %get3A_39 = vector.load %arg7[%get3A_37, %get3A_38] : memref<8x128xf32, #tpu.memory_space<vmem>>, vector<8x128xf32>
    %slice3A_40 = vector.extract_strided_slice %get3A_39 {offsets = [0, 0], sizes = [1, 128], strides = [1, 1]} : vector<8x128xf32> to vector<1x128xf32>
    %add3A_41 = arith.addf %dot_general3A_36, %slice3A_40 : vector<1x128xf32>
    %max3A_42 = arith.constant 0.000000e+00 : f32
    %max3A_43 = vector.broadcast %max3A_42 : f32 to vector<1x128xf32>
    %max3A_44 = arith.maximumf %add3A_41, %max3A_43 : vector<1x128xf32>
    %get3A_45 = arith.constant 0 : index
    %get3A_46 = arith.constant 0 : index
    %get3A_47 = vector.load %arg8[%get3A_45, %get3A_46] : memref<128x128xf32, #tpu.memory_space<vmem>>, vector<128x128xf32>
    %dot_general3A_48 = arith.constant dense<0.000000e+00> : vector<1x128xf32>
    %dot_general3A_49 = tpu.matmul %max3A_44, %get3A_47, %dot_general3A_48 {dimension_numbers = #tpu.dot_dimension_numbers<[1], [0], [0], [1], [0, 0, 1, 1], [], []>, transpose_lhs_hint = false} : vector<1x128xf32>, vector<128x128xf32>, vector<1x128xf32> -> vector<1x128xf32>
    %get3A_50 = arith.constant 0 : index
    %get3A_51 = arith.constant 0 : index
    %get3A_52 = vector.load %arg9[%get3A_50, %get3A_51] : memref<8x128xf32, #tpu.memory_space<vmem>>, vector<8x128xf32>
    %slice3A_53 = vector.extract_strided_slice %get3A_52 {offsets = [0, 0], sizes = [1, 128], strides = [1, 1]} : vector<8x128xf32> to vector<1x128xf32>
    %add3A_54 = arith.addf %dot_general3A_49, %slice3A_53 : vector<1x128xf32>
    %broadcast_in_dim3A_55 = vector.shape_cast %add3A_54 : vector<1x128xf32> to vector<1x128xf32>
    %broadcast_in_dim3A_56 = vector.broadcast %broadcast_in_dim3A_55 : vector<1x128xf32> to vector<8x128xf32>
    %swap3A = arith.constant 0 : index
    %swap3A_57 = arith.constant 0 : index
    %swap3A_58 = vector.load %arg10[%swap3A, %swap3A_57] : memref<8x128xf32, #tpu.memory_space<vmem>>, vector<8x128xf32>
    tpu.vector_store %arg10[%swap3A, %swap3A_57], %broadcast_in_dim3A_56 {strides = array<i32>} : memref<8x128xf32, #tpu.memory_space<vmem>>, vector<8x128xf32>,
    return
  }
}

</mosaic_0001>

<sc_bundles>
// kernel: kernel.10.cloned.1.call-start
scs
__scs_entry_jumppad:
0x0: {  	(pc) =	sbr.rel $0x88, $3  }
0x1: {  	(tag) =	ssettag $0x0;
	lr =	simm.s32 $0x1  }
0x2: {  	[smem:$0x3F95] =	sst lr;
	_ =	strace $0xD0000000  }
0x3: {  	_ = 	snop  }
0x4: {  	_ = 	snop  }
0x5: {  	_ = 	snop  }
0x6: {  	_ = 	snop  }
0x7: {  	_ = 	snop  }
__scs_overlays_trampoline_lowered:
0x8: {  	[smem:$0x3FA4] =	sst s0  }
0x9: {  	[smem:$0x3FA5] =	sst s1  }
0xa: {  	[smem:$0x3FA6] =	sst s2  }
0xb: {  	[smem:$0x3FA7] =	sst s3  }
0xc: {  	[smem:$0x3FA8] =	sst s4  }
0xd: {  	[smem:$0x3FA9] =	sst s5  }
0xe: {  	[smem:$0x3FAA] =	sst s6  }
0xf: {  	[smem:$0x3FAB] =	sst s7  }
0x10: {  	[smem:$0x3FAC] =	sst s8  }
0x11: {  	[smem:$0x3FAD] =	sst s9;
	s0 =	simm.s32 @!p0 $0x0  }
0x12: {  	s1 =	sld [smem:$0x3F93];
	s0 =	simm.s32 @p0 $0x1  }
0x13: {  	[smem:$0x3FAE] =	sst s0;
	s0 =	simm.s32 @!p1 $0x0  }
0x14: {  	s2 =	sld [smem:$0x3F92];
	s0 =	simm.s32 @p1 $0x1  }
0x15: {  	[smem:$0x3FAF] =	sst s0;
	s0 =	simm.s32 @!p2 $0x0  }
0x16: {  	s3 =	sld [smem:$0x3FDB];
	s0 =	simm.s32 @p2 $0x1  }
0x17: {  	s4 =	simm.s32 $0x1BF5;
	[smem:$0x3FB1] =	sst s0  }
0x18: {  	s0 =	sld [smem:$0x3F94];
	_ =	swait.ge [sflag:s4], $0x0  }
0x19: {  	s7 =	sld [smem:$0x3F95]  }
0x1a: {  	s8 =	sadd.s32 $0xFFFFE003, lr  }
0x1b: {  	s9 =	sadd.s32 $0xFFFFFEF7, lr;
	s5 =	simm.s32 $0xFFFFFFFF;
	p2 =	slt.u32 s8, $0xFFFFF086  }
0x1c: {  	p1 =	slt.u32 s9, $0xF7A;
	s5 =	simm.s32 @!p2 $0x0  }
0x1d: {  	s5 =	simm.s32 @p1 $0x1;
	p0 =	seq.s32 s7, s2  }
0x1e: {  	s7 =	smul.u32 @!p0 $0xF7A, s2;
	p2 =	seq.s32 @!p0 s5, $0x0  }
0x1f: {  	s9 =	smul.u32 $0xF7A, s1;
	s8 =	simm.s32 @!p0 $0x1BF5;
	p2 =	por !p2, p0  }
0x20: {  	[sflag:s8] =	ssyncset.s32 @!p0 $0xFFFFF086;
	s6 =	sadd.s32 @!p0 s3, s7;
	s7 =	simm.s32 @!p0 $0x108  }
0x21: {  	s3 =	sadd.s32 s3, s9;
	s6 =	sadd.s32 @!p0 $0x88, s6;
	s7 =	simm.s32 @p2 $0x1082  }
0x22: {  	[simem:s7], [sflag:s8] =	dma.local @!p0 [hbm:s6], $0xF7A  }
0x23: {  	s9 =	sor.u32 $0xD0000000, s2;
	s6 =	simm.s32 $0x108;
	_ =	swait.ge @!p0 [sflag:s8], $0x0  }
0x24: {  	s3 =	sadd.s32 $0x88, s3;
	s6 =	simm.s32 @!p1 $0x1082;
	[sflag:s4] =	ssyncset.s32 $0xFFFFF086  }
0x25: {  	[simem:s6], [sflag:s4] =	dma.local [hbm:s3], $0xF7A  }
0x26: {  	[smem:$0x3F95] =	sst s1;
	(tag) =	ssettag s2;
	_ =	strace s9  }
0x27: {  	s1 =	sld [smem:$0x3FA5]  }
0x28: {  	s2 =	sld [smem:$0x3FA6]  }
0x29: {  	s4 =	sld [smem:$0x3FA8]  }
0x2a: {  	p0 =	seq.s32 s5, $0x0;
	s5 =	sld [smem:$0x3FA9]  }
0x2b: {  	s6 =	sld [smem:$0x3FAA]  }
0x2c: {  	s7 =	sld [smem:$0x3FAB]  }
0x2d: {  	s3 =	simm.s32 $0x108;
	s8 =	sld [smem:$0x3FAC]  }
0x2e: {  	s3 =	simm.s32 @!p0 $0x1082;
	s9 =	sld [smem:$0x3FAD]  }
0x2f: {  	lr =	sadd.s32 s0, s3;
	s0 =	sld [smem:$0x3FA4]  }
0x30: {  	s3 =	sld [smem:$0x3FA7]  }
0x31: {  	[smem:$0x3FB0] =	sst s10  }
0x32: {  	s10 =	sld [smem:$0x3FAE];
	_ =	sdelay $0x3  }
0x33: {  	p0 =	seq.s32 s10, $0x1;
	s10 =	sld [smem:$0x3FB0];
	_ =	sdelay $0x3  }
0x34: {  	[smem:$0x3FB0] =	sst s10  }
0x35: {  	s10 =	sld [smem:$0x3FAF];
	_ =	sdelay $0x3  }
0x36: {  	p1 =	seq.s32 s10, $0x1;
	s10 =	sld [smem:$0x3FB0];
	_ =	sdelay $0x3  }
0x37: {  	[smem:$0x3FB0] =	sst s10  }
0x38: {  	s10 =	sld [smem:$0x3FB1]  }
0x39: {  	_ = 	snop;
	(pc) =	sbr.ind lr, $3  }
0x3a: {  	_ = 	snop  }
0x3b: {  	_ = 	snop  }
0x3c: {  	p2 =	seq.s32 s10, $0x1;
	s10 =	sld [smem:$0x3FB0]  }
0x3d: {  	_ =	shalt  }
0x3e: {  	_ =	shalt  }
0x3f: {  	_ =	shalt  }
0x40: {  	_ =	shalt  }
0x41: {  	_ =	shalt  }
0x42: {  	_ =	shalt  }
0x43: {  	_ =	shalt  }
0x44: {  	_ =	shalt  }
0x45: {  	_ =	shalt  }
0x46: {  	_ =	shalt  }
0x47: {  	_ =	shalt  }
0x48: {  	_ =	shalt  }
0x49: {  	_ =	shalt  }
0x4a: {  	_ =	shalt  }
0x4b: {  	_ =	shalt  }
0x4c: {  	_ =	shalt  }
0x4d: {  	_ =	shalt  }
0x4e: {  	_ =	shalt  }
0x4f: {  	_ =	shalt  }
0x50: {  	_ =	shalt  }
0x51: {  	_ =	shalt  }
0x52: {  	_ =	shalt  }
0x53: {  	_ =	shalt  }
0x54: {  	_ =	shalt  }
0x55: {  	_ =	shalt  }
0x56: {  	_ =	shalt  }
0x57: {  	_ =	shalt  }
0x58: {  	_ =	shalt  }
0x59: {  	_ =	shalt  }
0x5a: {  	_ =	shalt  }
0x5b: {  	_ =	shalt  }
0x5c: {  	_ =	shalt  }
0x5d: {  	_ =	shalt  }
0x5e: {  	_ =	shalt  }
0x5f: {  	_ =	shalt  }
0x60: {  	_ =	shalt  }
0x61: {  	_ =	shalt  }
0x62: {  	_ =	shalt  }
0x63: {  	_ =	shalt  }
0x64: {  	_ =	shalt  }
0x65: {  	_ =	shalt  }
0x66: {  	_ =	shalt  }
0x67: {  	_ =	shalt  }
0x68: {  	_ =	shalt  }
0x69: {  	_ =	shalt  }
0x6a: {  	_ =	shalt  }
0x6b: {  	_ =	shalt  }
0x6c: {  	_ =	shalt  }
0x6d: {  	_ =	shalt  }
0x6e: {  	_ =	shalt  }
0x6f: {  	_ =	shalt  }
0x70: {  	_ =	shalt  }
0x71: {  	_ =	shalt  }
0x72: {  	_ =	shalt  }
0x73: {  	_ =	shalt  }
0x74: {  	_ =	shalt  }
0x75: {  	_ =	shalt  }
0x76: {  	_ =	shalt  }
0x77: {  	_ =	shalt  }
0x78: {  	_ =	shalt  }
0x79: {  	_ =	shalt  }
0x7a: {  	_ =	shalt  }
0x7b: {  	_ =	shalt  }
0x7c: {  	_ =	shalt  }
0x7d: {  	_ =	shalt  }
0x7e: {  	_ =	shalt  }
0x7f: {  	_ =	shalt  }
0x80: {  	_ =	shalt  }
0x81: {  	_ =	shalt  }
0x82: {  	_ =	shalt  }
0x83: {  	_ =	shalt  }
0x84: {  	_ =	shalt  }
0x85: {  	_ =	shalt  }
0x86: {  	_ =	shalt  }
0x87: {  	_ =	shalt  }
.Lfunc_end0:
.L_simem_size_0:
called_computation_lowered:
.L_overlay_start_0:
0x88: {  	s2 =	sld [smem:$0x3FD9]  }
0x89: {  	s3 =	sld [smem:$0x3FFE];
	_ =	sdelay $0x1  }
0x8a: {  	s1 =	srdreg.scid  }
0x8b: {  	s0 =	sand.u32 $0x1, s1  }
0x8c: {  	s17 =	sshll.u32 s0, $0xA;
	s2 =	sadd.s32 s3, s2  }
0x8d: {  	s2 =	sadd.s32 s2, s17  }
0x8e: {  	[smem:$0x3FBC] =	sst s2  }
0x8f: {  	_ = 	snop  }
0x90: {  	s2 =	sld [smem:$0x3FC7];
	(tm) =	ssettm $0x1  }
0x91: {  	s18 =	sld [smem:$0x3FFB];
	_ =	sdelay $0x3  }
0x92: {  	_ =	strace s18  }
0x93: {  	s3 =	sld [smem:$0x3FFC];
	_ =	sdelay $0x3  }
0x94: {  	_ =	strace s3  }
0x95: {  	s3 =	sld [smem:$0x3FFD];
	_ =	sdelay $0x3  }
0x96: {  	_ =	strace s3  }
0x97: {  	_ =	strace $0x8FFFFFFF  }
0x98: {  	s19 =	sld [smem:$0x3FDB];
	_ =	sdelay $0x1  }
0x99: {  	s4 =	simm.s32 $_scs_section_size  }
0x9a: {  	s5 =	simm.s32 $_size__tile_overlayer_lowered;
	s6 =	simm.s32 $_tile_overlayer_lowered  }
0x9b: {  	s22 =	simm.s32 $0x1BFF;
	s21 =	sshll.u32 s6, $0x1;
	s3 =	sadd.s32 s4, s19  }
0x9c: {  	s7 =	simm.s32 $0x0;
	s20 =	sshll.u32 s5, $0x1;
	s5 =	sadd.s32 s21, s3  }
0x9d: {  	[timem:s7], [sflag:s22] =	dma.local [hbm:s5], s20  }
0x9e: {  	_ =	swait.ge [sflag:s22], s20  }
0x9f: {  	s4 =	ssub.s32 $0x0, s20;
	[sflag:s22] =	ssyncset.done $0x0  }
0xa0: {  	[sflag:s22] =	ssyncadd.s32 s4;
	_ =	sdelay $0x1  }
0xa1: {  	s23 =	simm.s32 $0x1B8B  }
0xa2: {  	_ =	swait.ge [sflag:s23], $0x1  }
0xa3: {  	[sflag:s23] =	ssyncset.done $0x0  }
0xa4: {  	s25 =	simm.s32 $0x1B8E;
	s24 =	sld [smem:$0x3FFE];
	[sflag:s23] =	ssyncadd.s32 $0xFFFFFFFF  }
0xa5: {  	s26 =	simm.s32 $execute0_lowered;
	[smem:$0x3FD2] =	sst s25  }
0xa6: {  	s5 =	sshll.u32 s26, $0x1;
	_ =	strace $0x80000046;
	[dreg:$0x1] =	wrdreg $0xFFFFFFFF  }
0xa7: {  	s28 =	simm.s32 $_size_execute0_lowered;
	s3 =	sadd.s32 s3, s5;
	[dreg:$0x0] =	wrdreg $0x0  }
0xa8: {  	s5 =	sshll.u32 s28, $0x1;
	[dreg:$0x2] =	wrdreg s3  }
0xa9: {  	[dreg:$0x3] =	wrdreg s5  }
0xaa: {  	[dreg:$0x4] =	wrdreg $0xC0  }
0xab: {  	_ =	task [dreg:s7], $0x5FFFF  }
0xac: {  	[dreg:$0x1] =	wrdreg $0xFFFFFFFF  }
0xad: {  	[dreg:$0x0] =	wrdreg $0x60  }
0xae: {  	[dreg:$0x2] =	wrdreg s24  }
0xaf: {  	[dreg:$0x3] =	wrdreg s2  }
0xb0: {  	[dreg:$0x4] =	wrdreg $0x90800  }
0xb1: {  	[dreg:$0x5] =	wrdreg $0x93A00  }
0xb2: {  	[dreg:$0x6] =	wrdreg $0x9  }
0xb3: {  	_ =	task.clear_ibuf [dreg:s7], $0x7FFFF;
	_ =	strace $0x90000046  }
0xb4: {  	s29 =	simm.s32 $0x9;
	_ =	strace $0x80000048  }
0xb5: {  	_ =	swait.ge [sflag:s29], $0x1  }
0xb6: {  	[sflag:s29] =	ssyncadd.s32 $0xFFFFFFFF  }
0xb7: {  	_ =	strace $0x90000048  }
0xb8: {  	_ =	sfence  }
0xb9: {  	s30 =	sld [smem:$0x0];
	_ =	sdelay $0x2  }
0xba: {  	s31 =	sshll.u32 s1, $0xD;
	s1 =	sshrl.u32 s1, $0x2  }
0xbb: {  	s3 =	sand.u32 $0x4000, s31;
	s1 =	sadd.s32 s1, s30  }
0xbc: {  	s0 =	sor.u32 s3, s0;
	s1 =	sshll.u32 s1, $0x11  }
0xbd: {  	s0 =	sor.u32 s1, s0  }
0xbe: {  	s0 =	sadd.s32 $0x8F2B, s0  }
0xbf: {  	[sflag:s0] =	ssyncadd.remote.s32 $0x1  }
0xc0: {  	_ =	sfence.sel $0xFFFF  }
0xc1: {  	[dreg:$0x0] =	wrdreg $0xFFFFFFFF;
	(pc) =	sbr.abs _section_cstart, $3  }
0xc2: {  	[dreg:$0x1] =	wrdreg $0xFFFFFFFF  }
0xc3: {  	_ =	task.clear_ibuf [dreg:s7], $0x2FFFF;
	_ =	strace $0x9FFFFFFF  }
0xc4: {  	(tm) =	ssettm $0x7FFFFFFF  }
0xc5: {  	_ =	shalt  }
tec
execute0_lowered:
.L_overlay_start_1:
0x0: {  	(tag) =	ssettag $0x1  }
0x1: {  	s0 =	rddreg [dreg:$0x0]  }
0x2: {  	s1 =	srdreg.scid;
	s14 =	rddreg [dreg:$0x2]  }
0x3: {  	s2 =	stileid.u32;
	s3 =	rddreg [dreg:$0x3];
	s4 =	simm.s32 $0x0  }
0x4: {  	s19 =	simm.s32 $0x4;
	s20 =	simm.s32 $0x5080;
	s28 =	simm.s32 $0x2  }
0x5: {  	s29 =	simm.s32 $0x3;
	s30 =	simm.s32 $0x280;
	s31 =	simm.s32 $0x380  }
0x6: {  	s1 =	sand.u32 $0x1, s1;
	s6 =	smul.u32 $0x5000, s2;
	[smem:$0x7FF] =	sst s4  }
0x7: {  	s21 =	smul.u32 $0x278, s2;
	s7 =	sadd.s32 $0x4A00, s0;
	s8 =	sadd.s32 $0x19600, s0  }
0x8: {  	s9 =	sadd.s32 $0x1BE00, s0;
	s10 =	smul.u32 $0x4F000, s2;
	s11 =	sadd.s32 $0x1C600, s0  }
0x9: {  	p0 =	sne.s32 s2, $0x0;
	s5 =	smul.u32 $0x50000, s1;
	_ =	strace $0x80000047  }
0xa: {  	[dreg:$0x5] =	wrdreg s8;
	s22 =	smul.u32 $0x138800, s1;
	s23 =	sshll.u32 s1, $0x4  }
0xb: {  	[dreg:$0x6] =	wrdreg s9;
	s1 =	ssub.s32 $0x2, s1;
	s9 =	sor.u32 s2, s23  }
0xc: {  	s13 =	sshrl.u32 s1, $0x1;
	s10 =	sshrl.u32 s10, $0x2;
	s12 =	smul.u32 $0x3, s9  }
0xd: {  	s23 =	simm.s32 $0x1080;
	s5 =	sadd.s32 s6, s5;
	s24 =	smul.u32 $0x30, s9  }
0xe: {  	s6 =	smin.u32 s21, $0x2498;
	s9 =	smul.u32 $0x1800, s9;
	s1 =	ssub.s32 s1, s13  }
0xf: {  	s10 =	sadd.s32 s10, s3;
	s21 =	simm.s32 $0x1000;
	s5 =	sshrl.u32 s5, $0x3  }
0x10: {  	s6 =	sshll.u32 s6, $0x7;
	s1 =	smax.u32 s1, $0x1;
	s5 =	sadd.s32 s5, s0  }
0x11: {  	s8 =	sadd.s32 s22, s6;
	s25 =	sadd.s32 $0x1, s12;
	s26 =	sadd.s32 s11, s9  }
0x12: {  	s15 =	sadd.s32 $0x2, s12;
	s18 =	sadd.s32 s6, s3;
	[dreg:$0xe] =	wrdreg s1  }
0x13: {  	s1 =	sshrl.u32 @!p0 s14, $0x3;
	s22 =	simm.s32 $0x80;
	s6 =	simm.s32 $0x780  }
0x14: {  	s12 =	simm.s32 $0xD80;
	s14 =	simm.s32 $0xF80;
	s8 =	sshrl.u32 s8, $0x3  }
0x15: {  	[dreg:$0x8] =	wrdreg s26;
	s9 =	sshll.u32 s25, $0x4;
	s13 =	sshll.u32 s25, $0xB  }
0x16: {  	s16 =	sshll.u32 s15, $0x4;
	[dreg:$0xf] =	wrdreg s1;
	s25 =	sshll.u32 s2, $0x6  }
0x17: {  	s26 =	sshrl.u32 s10, $0x3;
	s1 =	simm.s32 $0x480;
	s10 =	simm.s32 $0xB80  }
0x18: {  	s0 =	sadd.s32 s8, s0;
	s8 =	sadd.s32 s7, s24;
	s25 =	sor.u32 $0x1C04, s25  }
0x19: {  	[dreg:$0x11] =	wrdreg s26;
	s24 =	simm.s32 $0x1;
	s26 =	simm.s32 $0x180  }
0x1a: {  	[dreg:$0x7] =	wrdreg s8;
	s8 =	sadd.s32 s7, s9;
	s9 =	sshll.u32 s15, $0xB  }
0x1b: {  	s7 =	sadd.s32 s7, s16;
	s0 =	sadd.s32 $0x4C600, s0;
	[dreg:$0x10] =	wrdreg s25  }
0x1c: {  	s15 =	sadd.s32 $0x5000, s5;
	s5 =	simm.s32 $0x680;
	[dreg:$0x9] =	wrdreg s8  }
0x1d: {  	s16 =	simm.s32 $0x0;
	s8 =	sadd.s32 s11, s13;
	[dreg:$0xb] =	wrdreg s7  }
0x1e: {  	s17 =	sadd.s32 s11, s9;
	[dreg:$0xd] =	wrdreg s0;
	s0 =	sshrl.u32 s18, $0x3  }
0x1f: {  	s7 =	simm.s32 $0x880;
	s9 =	simm.s32 $0xA80;
	[dreg:$0xa] =	wrdreg s8  }
0x20: {  	s11 =	simm.s32 $0xC80;
	s13 =	simm.s32 $0xE80;
	[dreg:$0xc] =	wrdreg s17  }
0x21: {  	[dreg:$0x12] =	wrdreg s0;
	s0 =	simm.s32 $0x580;
	s8 =	simm.s32 $0x980  }
.LBB2_1:
0x22: {  	s17 =	rddreg [dreg:$0x1]  }
0x23: {  	s2 =	simm.s32 @!p0 $0x1C04;
	s18 =	rddreg [dreg:$0xf]  }
0x24: {  	[spmem:s18], [sflag:s2] =	dma.local @!p0 [hbm:s17], $0x640  }
0x25: {  	s2 =	simm.s32 @!p0 $0x4  }
0x26: {  	_ =	swait.ge @!p0 [sflag:s2], $0x640  }
0x27: {  	[sflag:s2] =	ssyncset.done @!p0 $0x0;
	s17 =	rddreg [dreg:$0x5]  }
0x28: {  	s18 =	rddreg [dreg:$0x11];
	[sflag:s2] =	ssyncadd.s32 @!p0 $0xFFFFF9C0  }
0x29: {  	[spmem:s18], [sflag:s25] =	dma.local [hbm:s17], $0x2780  }
0x2a: {  	_ =	swait.ge [sflag:s19], $0x2780  }
0x2b: {  	[sflag:s19] =	ssyncset.done $0x0  }
0x2c: {  	s25 =	rddreg [dreg:$0x6];
	[sflag:s19] =	ssyncadd.s32 $0xFFFFD880  }
0x2d: {  	[tilespmem:s20], [sflag:$0x4] =	stream.linear.gather [hbm4b:s25+s4], $0x4000, $0x38;
	[tilespmem:$0x1CFA0] =	vst v63  }
0x2e: {  	_ =	swait.ge [sflag:s19], $0x4000  }
0x2f: {  	[sflag:s19] =	ssyncset.done $0x0  }
0x30: {  	[sflag:s19] =	ssyncadd.s32 $0xFFFFC000  }
0x31: {  	[bflag:$0x0] =	sbarrier.arrive $0xFFFF  }
0x32: {  	s17 =	rddreg [dreg:$0x7]  }
0x33: {  	[tilespmem:s21], [sflag:$0x4] =	stream.linear.gather [hbm4b:s17+s4], $0x80, $0x38;
	[tilespmem:$0x1CFA0] =	vst v63  }
0x34: {  	_ =	swait.ge [sflag:s19], $0x80  }
0x35: {  	[sflag:s19] =	ssyncset.done $0x0  }
0x36: {  	[sflag:s19] =	ssyncadd.s32 $0xFFFFFF80  }
0x37: {  	s2 =	rddreg [dreg:$0x2]  }
0x38: {  	[tilespmem:s23], [sflag:$0x1] =	stream.indirect.gather [spmem:s2], $0x80, s21, s22, $0xb8;
	[tilespmem:$0x1CFA0] =	vst v63  }
0x39: {  	_ =	swait.ge [sflag:s24], $0x4000  }
0x3a: {  	[sflag:s24] =	ssyncset.done $0x0  }
0x3b: {  	s18 =	rddreg [dreg:$0x8];
	[sflag:s24] =	ssyncadd.s32 $0xFFFFC000  }
0x3c: {  	[hbm4b:s18+s4] =	stream.linear.scatter [tilespmem:s23], [sflag:$0x4], $0x4000, $0x38;
	[tilespmem:$0x1CFA0] =	vst v63  }
0x3d: {  	_ =	swait.ge [sflag:s19], $0x4000  }
0x3e: {  	[sflag:s19] =	ssyncset.done $0x0  }
0x3f: {  	s25 =	rddreg [dreg:$0x9];
	[sflag:s19] =	ssyncadd.s32 $0xFFFFC000  }
0x40: {  	[tilespmem:s21], [sflag:$0x4] =	stream.linear.gather [hbm4b:s25+s4], $0x80, $0x38;
	[tilespmem:$0x1CFA0] =	vst v63  }
0x41: {  	_ =	swait.ge [sflag:s19], $0x80  }
0x42: {  	[sflag:s19] =	ssyncset.done $0x0  }
0x43: {  	[sflag:s19] =	ssyncadd.s32 $0xFFFFFF80  }
0x44: {  	[tilespmem:s23], [sflag:$0x1] =	stream.indirect.gather [spmem:s2], $0x80, s21, s22, $0xb8;
	[tilespmem:$0x1CFA0] =	vst v63  }
0x45: {  	_ =	swait.ge [sflag:s24], $0x4000  }
0x46: {  	[sflag:s24] =	ssyncset.done $0x0  }
0x47: {  	s18 =	rddreg [dreg:$0xa];
	[sflag:s24] =	ssyncadd.s32 $0xFFFFC000  }
0x48: {  	[hbm4b:s18+s4] =	stream.linear.scatter [tilespmem:s23], [sflag:$0x4], $0x4000, $0x38;
	[tilespmem:$0x1CFA0] =	vst v63  }
0x49: {  	_ =	swait.ge [sflag:s19], $0x4000  }
0x4a: {  	[sflag:s19] =	ssyncset.done $0x0  }
0x4b: {  	s25 =	rddreg [dreg:$0xb];
	[sflag:s19] =	ssyncadd.s32 $0xFFFFC000  }
0x4c: {  	[tilespmem:s21], [sflag:$0x4] =	stream.linear.gather [hbm4b:s25+s4], $0x80, $0x38;
	[tilespmem:$0x1CFA0] =	vst v63  }
0x4d: {  	_ =	swait.ge [sflag:s19], $0x80  }
0x4e: {  	[sflag:s19] =	ssyncset.done $0x0  }
0x4f: {  	[sflag:s19] =	ssyncadd.s32 $0xFFFFFF80  }
0x50: {  	[tilespmem:s23], [sflag:$0x1] =	stream.indirect.gather [spmem:s2], $0x80, s21, s22, $0xb8;
	[tilespmem:$0x1CFA0] =	vst v63  }
0x51: {  	_ =	swait.ge [sflag:s24], $0x4000  }
0x52: {  	[sflag:s24] =	ssyncset.done $0x0  }
0x53: {  	s18 =	rddreg [dreg:$0xc];
	[sflag:s24] =	ssyncadd.s32 $0xFFFFC000  }
0x54: {  	[hbm4b:s18+s4] =	stream.linear.scatter [tilespmem:s23], [sflag:$0x4], $0x4000, $0x38;
	[tilespmem:$0x1CFA0] =	vst v63  }
0x55: {  	_ =	swait.ge [sflag:s19], $0x4000  }
0x56: {  	[sflag:s19] =	ssyncset.done $0x0  }
0x57: {  	s25 =	sadd.s32 $0x0, s15;
	[sflag:s19] =	ssyncadd.s32 $0xFFFFC000  }
0x58: {  	[tilespmem:s4], [sflag:$0x4] =	stream.linear.gather [hbm4b:s25+s4], $0x1000, $0x38;
	[tilespmem:$0x1CFA0] =	vst v63  }
0x59: {  	_ =	swait.ge [sflag:s19], $0x1000  }
0x5a: {  	[sflag:s19] =	ssyncset.done $0x0  }
0x5b: {  	[sflag:s19] =	ssyncadd.s32 $0xFFFFF000  }
0x5c: {  	[spmem:s3] =	stream.indirect.scatter.add.f32 [tilespmem:s20], [sflag:$0x2], $0x80, s22, s22, $0xb8;
	[tilespmem:$0x1CFA0] =	vst v63  }
0x5d: {  	_ = 	snop  }
0x5e: {  	[spmem:s3] =	stream.indirect.scatter.add.f32 [tilespmem:s20], [sflag:$0x3], $0x80, s26, s22, $0xb8;
	[tilespmem:$0x1CFA0] =	vst v63  }
0x5f: {  	_ =	swait.ge [sflag:s28], $0x4000  }
0x60: {  	[sflag:s28] =	ssyncset.done $0x0  }
0x61: {  	[sflag:s28] =	ssyncadd.s32 $0xFFFFC000  }
0x62: {  	_ =	swait.ge [sflag:s29], $0x4000  }
0x63: {  	[sflag:s29] =	ssyncset.done $0x0  }
0x64: {  	[sflag:s29] =	ssyncadd.s32 $0xFFFFC000  }
0x65: {  	[spmem:s3] =	stream.indirect.scatter.add.f32 [tilespmem:s20], [sflag:$0x2], $0x80, s30, s22, $0xb8;
	[tilespmem:$0x1CFA0] =	vst v63  }
0x66: {  	_ = 	snop  }
0x67: {  	[spmem:s3] =	stream.indirect.scatter.add.f32 [tilespmem:s20], [sflag:$0x3], $0x80, s31, s22, $0xb8;
	[tilespmem:$0x1CFA0] =	vst v63  }
0x68: {  	_ =	swait.ge [sflag:s28], $0x4000  }
0x69: {  	[sflag:s28] =	ssyncset.done $0x0  }
0x6a: {  	[sflag:s28] =	ssyncadd.s32 $0xFFFFC000  }
0x6b: {  	_ =	swait.ge [sflag:s29], $0x4000  }
0x6c: {  	[sflag:s29] =	ssyncset.done $0x0  }
0x6d: {  	[sflag:s29] =	ssyncadd.s32 $0xFFFFC000  }
0x6e: {  	[spmem:s3] =	stream.indirect.scatter.add.f32 [tilespmem:s20], [sflag:$0x2], $0x80, s1, s22, $0xb8;
	[tilespmem:$0x1CFA0] =	vst v63  }
0x6f: {  	_ = 	snop  }
0x70: {  	[spmem:s3] =	stream.indirect.scatter.add.f32 [tilespmem:s20], [sflag:$0x3], $0x80, s0, s22, $0xb8;
	[tilespmem:$0x1CFA0] =	vst v63  }
0x71: {  	_ =	swait.ge [sflag:s28], $0x4000  }
0x72: {  	[sflag:s28] =	ssyncset.done $0x0  }
0x73: {  	[sflag:s28] =	ssyncadd.s32 $0xFFFFC000  }
0x74: {  	_ =	swait.ge [sflag:s29], $0x4000  }
0x75: {  	[sflag:s29] =	ssyncset.done $0x0  }
0x76: {  	[sflag:s29] =	ssyncadd.s32 $0xFFFFC000  }
0x77: {  	[spmem:s3] =	stream.indirect.scatter.add.f32 [tilespmem:s20], [sflag:$0x2], $0x80, s5, s22, $0xb8;
	[tilespmem:$0x1CFA0] =	vst v63  }
0x78: {  	_ = 	snop  }
0x79: {  	[spmem:s3] =	stream.indirect.scatter.add.f32 [tilespmem:s20], [sflag:$0x3], $0x80, s6, s22, $0xb8;
	[tilespmem:$0x1CFA0] =	vst v63  }
0x7a: {  	_ =	swait.ge [sflag:s28], $0x4000  }
0x7b: {  	[sflag:s28] =	ssyncset.done $0x0  }
0x7c: {  	[sflag:s28] =	ssyncadd.s32 $0xFFFFC000  }
0x7d: {  	_ =	swait.ge [sflag:s29], $0x4000  }
0x7e: {  	[sflag:s29] =	ssyncset.done $0x0  }
0x7f: {  	[sflag:s29] =	ssyncadd.s32 $0xFFFFC000  }
0x80: {  	[spmem:s3] =	stream.indirect.scatter.add.f32 [tilespmem:s20], [sflag:$0x2], $0x80, s7, s22, $0xb8;
	[tilespmem:$0x1CFA0] =	vst v63  }
0x81: {  	_ = 	snop  }
0x82: {  	[spmem:s3] =	stream.indirect.scatter.add.f32 [tilespmem:s20], [sflag:$0x3], $0x80, s8, s22, $0xb8;
	[tilespmem:$0x1CFA0] =	vst v63  }
0x83: {  	_ =	swait.ge [sflag:s28], $0x4000  }
0x84: {  	[sflag:s28] =	ssyncset.done $0x0  }
0x85: {  	[sflag:s28] =	ssyncadd.s32 $0xFFFFC000  }
0x86: {  	_ =	swait.ge [sflag:s29], $0x4000  }
0x87: {  	[sflag:s29] =	ssyncset.done $0x0  }
0x88: {  	[sflag:s29] =	ssyncadd.s32 $0xFFFFC000  }
0x89: {  	[spmem:s3] =	stream.indirect.scatter.add.f32 [tilespmem:s20], [sflag:$0x2], $0x80, s9, s22, $0xb8;
	[tilespmem:$0x1CFA0] =	vst v63  }
0x8a: {  	_ = 	snop  }
0x8b: {  	[spmem:s3] =	stream.indirect.scatter.add.f32 [tilespmem:s20], [sflag:$0x3], $0x80, s10, s22, $0xb8;
	[tilespmem:$0x1CFA0] =	vst v63  }
0x8c: {  	_ =	swait.ge [sflag:s28], $0x4000  }
0x8d: {  	[sflag:s28] =	ssyncset.done $0x0  }
0x8e: {  	[sflag:s28] =	ssyncadd.s32 $0xFFFFC000  }
0x8f: {  	_ =	swait.ge [sflag:s29], $0x4000  }
0x90: {  	[sflag:s29] =	ssyncset.done $0x0  }
0x91: {  	[sflag:s29] =	ssyncadd.s32 $0xFFFFC000  }
0x92: {  	[spmem:s3] =	stream.indirect.scatter.add.f32 [tilespmem:s20], [sflag:$0x2], $0x80, s11, s22, $0xb8;
	[tilespmem:$0x1CFA0] =	vst v63  }
0x93: {  	_ = 	snop  }
0x94: {  	[spmem:s3] =	stream.indirect.scatter.add.f32 [tilespmem:s20], [sflag:$0x3], $0x80, s12, s22, $0xb8;
	[tilespmem:$0x1CFA0] =	vst v63  }
0x95: {  	_ =	swait.ge [sflag:s28], $0x4000  }
0x96: {  	[sflag:s28] =	ssyncset.done $0x0  }
0x97: {  	[sflag:s28] =	ssyncadd.s32 $0xFFFFC000  }
0x98: {  	_ =	swait.ge [sflag:s29], $0x4000  }
0x99: {  	[sflag:s29] =	ssyncset.done $0x0  }
0x9a: {  	[sflag:s29] =	ssyncadd.s32 $0xFFFFC000  }
0x9b: {  	[spmem:s3] =	stream.indirect.scatter.add.f32 [tilespmem:s20], [sflag:$0x2], $0x80, s13, s22, $0xb8;
	[tilespmem:$0x1CFA0] =	vst v63  }
0x9c: {  	_ = 	snop  }
0x9d: {  	[spmem:s3] =	stream.indirect.scatter.add.f32 [tilespmem:s20], [sflag:$0x3], $0x80, s14, s22, $0xb8;
	[tilespmem:$0x1CFA0] =	vst v63  }
0x9e: {  	_ =	swait.ge [sflag:s28], $0x4000  }
0x9f: {  	[sflag:s28] =	ssyncset.done $0x0  }
0xa0: {  	[sflag:s28] =	ssyncadd.s32 $0xFFFFC000  }
0xa1: {  	_ =	swait.ge [sflag:s29], $0x4000  }
0xa2: {  	s18 =	simm.s32 $0x200;
	s25 =	simm.s32 $0x400;
	[sflag:s29] =	ssyncset.done $0x0  }
.LBB2_2:
0xa3: {  	s17 =	sadd.s32 s18, s15  }
0xa4: {  	[sflag:s29] =	ssyncadd.s32 $0xFFFFC000;
	s18 =	smov.u32 s25;
	s2 =	sadd.s32 $0x200, s25  }
0xa5: {  	[tilespmem:s4], [sflag:$0x4] =	stream.linear.gather [hbm4b:s17+s4], $0x1000, $0x38;
	[tilespmem:$0x1CFA0] =	vst v63  }
0xa6: {  	p1 =	sne.s32 s25, $0x800;
	_ =	swait.ge [sflag:s19], $0x1000  }
0xa7: {  	[sflag:s19] =	ssyncset.done $0x0  }
0xa8: {  	[sflag:s19] =	ssyncadd.s32 $0xFFFFF000  }
0xa9: {  	[spmem:s3] =	stream.indirect.scatter.add.f32 [tilespmem:s20], [sflag:$0x2], $0x80, s22, s22, $0xb8;
	[tilespmem:$0x1CFA0] =	vst v63  }
0xaa: {  	_ = 	snop  }
0xab: {  	[spmem:s3] =	stream.indirect.scatter.add.f32 [tilespmem:s20], [sflag:$0x3], $0x80, s26, s22, $0xb8;
	[tilespmem:$0x1CFA0] =	vst v63  }
0xac: {  	_ =	swait.ge [sflag:s28], $0x4000  }
0xad: {  	[sflag:s28] =	ssyncset.done $0x0  }
0xae: {  	[sflag:s28] =	ssyncadd.s32 $0xFFFFC000  }
0xaf: {  	_ =	swait.ge [sflag:s29], $0x4000  }
0xb0: {  	[sflag:s29] =	ssyncset.done $0x0  }
0xb1: {  	[sflag:s29] =	ssyncadd.s32 $0xFFFFC000  }
0xb2: {  	[spmem:s3] =	stream.indirect.scatter.add.f32 [tilespmem:s20], [sflag:$0x2], $0x80, s30, s22, $0xb8;
	[tilespmem:$0x1CFA0] =	vst v63  }
0xb3: {  	_ = 	snop  }
0xb4: {  	[spmem:s3] =	stream.indirect.scatter.add.f32 [tilespmem:s20], [sflag:$0x3], $0x80, s31, s22, $0xb8;
	[tilespmem:$0x1CFA0] =	vst v63  }
0xb5: {  	_ =	swait.ge [sflag:s28], $0x4000  }
0xb6: {  	[sflag:s28] =	ssyncset.done $0x0  }
0xb7: {  	[sflag:s28] =	ssyncadd.s32 $0xFFFFC000  }
0xb8: {  	_ =	swait.ge [sflag:s29], $0x4000  }
0xb9: {  	[sflag:s29] =	ssyncset.done $0x0  }
0xba: {  	[sflag:s29] =	ssyncadd.s32 $0xFFFFC000  }
0xbb: {  	[spmem:s3] =	stream.indirect.scatter.add.f32 [tilespmem:s20], [sflag:$0x2], $0x80, s1, s22, $0xb8;
	[tilespmem:$0x1CFA0] =	vst v63  }
0xbc: {  	_ = 	snop  }
0xbd: {  	[spmem:s3] =	stream.indirect.scatter.add.f32 [tilespmem:s20], [sflag:$0x3], $0x80, s0, s22, $0xb8;
	[tilespmem:$0x1CFA0] =	vst v63  }
0xbe: {  	_ =	swait.ge [sflag:s28], $0x4000  }
0xbf: {  	[sflag:s28] =	ssyncset.done $0x0  }
0xc0: {  	[sflag:s28] =	ssyncadd.s32 $0xFFFFC000  }
0xc1: {  	_ =	swait.ge [sflag:s29], $0x4000  }
0xc2: {  	[sflag:s29] =	ssyncset.done $0x0  }
0xc3: {  	[sflag:s29] =	ssyncadd.s32 $0xFFFFC000  }
0xc4: {  	[spmem:s3] =	stream.indirect.scatter.add.f32 [tilespmem:s20], [sflag:$0x2], $0x80, s5, s22, $0xb8;
	[tilespmem:$0x1CFA0] =	vst v63  }
0xc5: {  	_ = 	snop  }
0xc6: {  	[spmem:s3] =	stream.indirect.scatter.add.f32 [tilespmem:s20], [sflag:$0x3], $0x80, s6, s22, $0xb8;
	[tilespmem:$0x1CFA0] =	vst v63  }
0xc7: {  	_ =	swait.ge [sflag:s28], $0x4000  }
0xc8: {  	[sflag:s28] =	ssyncset.done $0x0  }
0xc9: {  	[sflag:s28] =	ssyncadd.s32 $0xFFFFC000  }
0xca: {  	_ =	swait.ge [sflag:s29], $0x4000  }
0xcb: {  	[sflag:s29] =	ssyncset.done $0x0  }
0xcc: {  	[sflag:s29] =	ssyncadd.s32 $0xFFFFC000  }
0xcd: {  	[spmem:s3] =	stream.indirect.scatter.add.f32 [tilespmem:s20], [sflag:$0x2], $0x80, s7, s22, $0xb8;
	[tilespmem:$0x1CFA0] =	vst v63  }
0xce: {  	_ = 	snop  }
0xcf: {  	[spmem:s3] =	stream.indirect.scatter.add.f32 [tilespmem:s20], [sflag:$0x3], $0x80, s8, s22, $0xb8;
	[tilespmem:$0x1CFA0] =	vst v63  }
0xd0: {  	_ =	swait.ge [sflag:s28], $0x4000  }
0xd1: {  	[sflag:s28] =	ssyncset.done $0x0  }
0xd2: {  	[sflag:s28] =	ssyncadd.s32 $0xFFFFC000  }
0xd3: {  	_ =	swait.ge [sflag:s29], $0x4000  }
0xd4: {  	[sflag:s29] =	ssyncset.done $0x0  }
0xd5: {  	[sflag:s29] =	ssyncadd.s32 $0xFFFFC000  }
0xd6: {  	[spmem:s3] =	stream.indirect.scatter.add.f32 [tilespmem:s20], [sflag:$0x2], $0x80, s9, s22, $0xb8;
	[tilespmem:$0x1CFA0] =	vst v63  }
0xd7: {  	_ = 	snop  }
0xd8: {  	[spmem:s3] =	stream.indirect.scatter.add.f32 [tilespmem:s20], [sflag:$0x3], $0x80, s10, s22, $0xb8;
	[tilespmem:$0x1CFA0] =	vst v63  }
0xd9: {  	_ =	swait.ge [sflag:s28], $0x4000  }
0xda: {  	[sflag:s28] =	ssyncset.done $0x0  }
0xdb: {  	[sflag:s28] =	ssyncadd.s32 $0xFFFFC000  }
0xdc: {  	_ =	swait.ge [sflag:s29], $0x4000  }
0xdd: {  	[sflag:s29] =	ssyncset.done $0x0  }
0xde: {  	[sflag:s29] =	ssyncadd.s32 $0xFFFFC000  }
0xdf: {  	[spmem:s3] =	stream.indirect.scatter.add.f32 [tilespmem:s20], [sflag:$0x2], $0x80, s11, s22, $0xb8;
	[tilespmem:$0x1CFA0] =	vst v63  }
0xe0: {  	_ = 	snop  }
0xe1: {  	[spmem:s3] =	stream.indirect.scatter.add.f32 [tilespmem:s20], [sflag:$0x3], $0x80, s12, s22, $0xb8;
	[tilespmem:$0x1CFA0] =	vst v63  }
0xe2: {  	_ =	swait.ge [sflag:s28], $0x4000  }
0xe3: {  	[sflag:s28] =	ssyncset.done $0x0  }
0xe4: {  	[sflag:s28] =	ssyncadd.s32 $0xFFFFC000  }
0xe5: {  	_ =	swait.ge [sflag:s29], $0x4000  }
0xe6: {  	[sflag:s29] =	ssyncset.done $0x0  }
0xe7: {  	[sflag:s29] =	ssyncadd.s32 $0xFFFFC000  }
0xe8: {  	[spmem:s3] =	stream.indirect.scatter.add.f32 [tilespmem:s20], [sflag:$0x2], $0x80, s13, s22, $0xb8;
	[tilespmem:$0x1CFA0] =	vst v63  }
0xe9: {  	_ = 	snop  }
0xea: {  	[spmem:s3] =	stream.indirect.scatter.add.f32 [tilespmem:s20], [sflag:$0x3], $0x80, s14, s22, $0xb8;
	[tilespmem:$0x1CFA0] =	vst v63  }
.Ltmp0:
0xeb: {  	_ =	swait.ge [sflag:s28], $0x4000;
	(pc) =	sbr.rel @p1 .LBB2_2-.Ltmp0, $4  }
0xec: {  	[sflag:s28] =	ssyncset.done $0x0  }
0xed: {  	[sflag:s28] =	ssyncadd.s32 $0xFFFFC000  }
0xee: {  	_ =	swait.ge [sflag:s29], $0x4000  }
0xef: {  	s25 =	smov.u32 s2;
	[sflag:s29] =	ssyncset.done $0x0  }
0xf0: {  	s2 =	sadd.s32 s18, s15;
	[sflag:s29] =	ssyncadd.s32 $0xFFFFC000  }
0xf1: {  	[tilespmem:s4], [sflag:$0x4] =	stream.linear.gather [hbm4b:s2+s4], $0x1000, $0x38;
	[tilespmem:$0x1CFA0] =	vst v63  }
0xf2: {  	_ =	swait.ge [sflag:s19], $0x1000  }
0xf3: {  	[sflag:s19] =	ssyncset.done $0x0  }
0xf4: {  	[sflag:s19] =	ssyncadd.s32 $0xFFFFF000  }
0xf5: {  	[spmem:s3] =	stream.indirect.scatter.add.f32 [tilespmem:s20], [sflag:$0x2], $0x80, s22, s22, $0xb8;
	[tilespmem:$0x1CFA0] =	vst v63  }
0xf6: {  	_ = 	snop  }
0xf7: {  	[spmem:s3] =	stream.indirect.scatter.add.f32 [tilespmem:s20], [sflag:$0x3], $0x80, s26, s22, $0xb8;
	[tilespmem:$0x1CFA0] =	vst v63  }
0xf8: {  	_ =	swait.ge [sflag:s28], $0x4000  }
0xf9: {  	[sflag:s28] =	ssyncset.done $0x0  }
0xfa: {  	[sflag:s28] =	ssyncadd.s32 $0xFFFFC000  }
0xfb: {  	_ =	swait.ge [sflag:s29], $0x4000  }
0xfc: {  	[sflag:s29] =	ssyncset.done $0x0  }
0xfd: {  	[sflag:s29] =	ssyncadd.s32 $0xFFFFC000  }
0xfe: {  	[spmem:s3] =	stream.indirect.scatter.add.f32 [tilespmem:s20], [sflag:$0x2], $0x80, s30, s22, $0xb8;
	[tilespmem:$0x1CFA0] =	vst v63  }
0xff: {  	_ = 	snop  }
0x100: {  	[spmem:s3] =	stream.indirect.scatter.add.f32 [tilespmem:s20], [sflag:$0x3], $0x80, s31, s22, $0xb8;
	[tilespmem:$0x1CFA0] =	vst v63  }
0x101: {  	_ =	swait.ge [sflag:s28], $0x4000  }
0x102: {  	[sflag:s28] =	ssyncset.done $0x0  }
0x103: {  	[sflag:s28] =	ssyncadd.s32 $0xFFFFC000  }
0x104: {  	_ =	swait.ge [sflag:s29], $0x4000  }
0x105: {  	[sflag:s29] =	ssyncset.done $0x0  }
0x106: {  	[sflag:s29] =	ssyncadd.s32 $0xFFFFC000  }
0x107: {  	[spmem:s3] =	stream.indirect.scatter.add.f32 [tilespmem:s20], [sflag:$0x2], $0x80, s1, s22, $0xb8;
	[tilespmem:$0x1CFA0] =	vst v63  }
0x108: {  	_ = 	snop  }
0x109: {  	[spmem:s3] =	stream.indirect.scatter.add.f32 [tilespmem:s20], [sflag:$0x3], $0x80, s0, s22, $0xb8;
	[tilespmem:$0x1CFA0] =	vst v63  }
0x10a: {  	_ =	swait.ge [sflag:s28], $0x4000  }
0x10b: {  	[sflag:s28] =	ssyncset.done $0x0  }
0x10c: {  	[sflag:s28] =	ssyncadd.s32 $0xFFFFC000  }
0x10d: {  	_ =	swait.ge [sflag:s29], $0x4000  }
0x10e: {  	[sflag:s29] =	ssyncset.done $0x0  }
0x10f: {  	[sflag:s29] =	ssyncadd.s32 $0xFFFFC000  }
0x110: {  	[spmem:s3] =	stream.indirect.scatter.add.f32 [tilespmem:s20], [sflag:$0x2], $0x80, s5, s22, $0xb8;
	[tilespmem:$0x1CFA0] =	vst v63  }
0x111: {  	_ = 	snop  }
0x112: {  	[spmem:s3] =	stream.indirect.scatter.add.f32 [tilespmem:s20], [sflag:$0x3], $0x80, s6, s22, $0xb8;
	[tilespmem:$0x1CFA0] =	vst v63  }
0x113: {  	_ =	swait.ge [sflag:s28], $0x4000  }
0x114: {  	[sflag:s28] =	ssyncset.done $0x0  }
0x115: {  	[sflag:s28] =	ssyncadd.s32 $0xFFFFC000  }
0x116: {  	_ =	swait.ge [sflag:s29], $0x4000  }
0x117: {  	[sflag:s29] =	ssyncset.done $0x0  }
0x118: {  	[sflag:s29] =	ssyncadd.s32 $0xFFFFC000  }
0x119: {  	[spmem:s3] =	stream.indirect.scatter.add.f32 [tilespmem:s20], [sflag:$0x2], $0x80, s7, s22, $0xb8;
	[tilespmem:$0x1CFA0] =	vst v63  }
0x11a: {  	_ = 	snop  }
0x11b: {  	[spmem:s3] =	stream.indirect.scatter.add.f32 [tilespmem:s20], [sflag:$0x3], $0x80, s8, s22, $0xb8;
	[tilespmem:$0x1CFA0] =	vst v63  }
0x11c: {  	_ =	swait.ge [sflag:s28], $0x4000  }
0x11d: {  	[sflag:s28] =	ssyncset.done $0x0  }
0x11e: {  	[sflag:s28] =	ssyncadd.s32 $0xFFFFC000  }
0x11f: {  	_ =	swait.ge [sflag:s29], $0x4000  }
0x120: {  	[sflag:s29] =	ssyncset.done $0x0  }
0x121: {  	[sflag:s29] =	ssyncadd.s32 $0xFFFFC000  }
0x122: {  	[spmem:s3] =	stream.indirect.scatter.add.f32 [tilespmem:s20], [sflag:$0x2], $0x80, s9, s22, $0xb8;
	[tilespmem:$0x1CFA0] =	vst v63  }
0x123: {  	_ = 	snop  }
0x124: {  	[spmem:s3] =	stream.indirect.scatter.add.f32 [tilespmem:s20], [sflag:$0x3], $0x80, s10, s22, $0xb8;
	[tilespmem:$0x1CFA0] =	vst v63  }
0x125: {  	_ =	swait.ge [sflag:s28], $0x4000  }
0x126: {  	[sflag:s28] =	ssyncset.done $0x0  }
0x127: {  	[sflag:s28] =	ssyncadd.s32 $0xFFFFC000  }
0x128: {  	_ =	swait.ge [sflag:s29], $0x4000  }
0x129: {  	[sflag:s29] =	ssyncset.done $0x0  }
0x12a: {  	[sflag:s29] =	ssyncadd.s32 $0xFFFFC000  }
0x12b: {  	[spmem:s3] =	stream.indirect.scatter.add.f32 [tilespmem:s20], [sflag:$0x2], $0x80, s11, s22, $0xb8;
	[tilespmem:$0x1CFA0] =	vst v63  }
0x12c: {  	_ = 	snop  }
0x12d: {  	[spmem:s3] =	stream.indirect.scatter.add.f32 [tilespmem:s20], [sflag:$0x3], $0x80, s12, s22, $0xb8;
	[tilespmem:$0x1CFA0] =	vst v63  }
0x12e: {  	_ =	swait.ge [sflag:s28], $0x4000  }
0x12f: {  	[sflag:s28] =	ssyncset.done $0x0  }
0x130: {  	[sflag:s28] =	ssyncadd.s32 $0xFFFFC000  }
0x131: {  	_ =	swait.ge [sflag:s29], $0x4000  }
0x132: {  	[sflag:s29] =	ssyncset.done $0x0  }
0x133: {  	[sflag:s29] =	ssyncadd.s32 $0xFFFFC000  }
0x134: {  	[spmem:s3] =	stream.indirect.scatter.add.f32 [tilespmem:s20], [sflag:$0x2], $0x80, s13, s22, $0xb8;
	[tilespmem:$0x1CFA0] =	vst v63  }
0x135: {  	_ = 	snop  }
0x136: {  	[spmem:s3] =	stream.indirect.scatter.add.f32 [tilespmem:s20], [sflag:$0x3], $0x80, s14, s22, $0xb8;
	[tilespmem:$0x1CFA0] =	vst v63  }
0x137: {  	_ =	swait.ge [sflag:s28], $0x4000  }
0x138: {  	[sflag:s28] =	ssyncset.done $0x0  }
0x139: {  	[sflag:s28] =	ssyncadd.s32 $0xFFFFC000  }
0x13a: {  	_ =	swait.ge [sflag:s29], $0x4000  }
0x13b: {  	[sflag:s29] =	ssyncset.done $0x0  }
0x13c: {  	[sflag:s29] =	ssyncadd.s32 $0xFFFFC000  }
0x13d: {  	[bflag:$0x0] =	sbarrier.arrive $0xFFFF  }
0x13e: {  	s18 =	rddreg [dreg:$0xd]  }
0x13f: {  	s25 =	rddreg [dreg:$0x10]  }
0x140: {  	s17 =	rddreg [dreg:$0x12]  }
0x141: {  	[hbm:s18], [sflag:s25] =	dma.local [spmem:s17], $0x2780  }
0x142: {  	_ =	swait.ge [sflag:s19], $0x2780  }
0x143: {  	s16 =	sadd.s32 $0x1, s16;
	s18 =	rddreg [dreg:$0xe]  }
0x144: {  	p1 =	sne.s32 s16, s18  }
.Ltmp1:
0x145: {  	_ = 	snop;
	(pc) =	sbr.rel @p1 .LBB2_1-.Ltmp1, $3  }
0x146: {  	_ =	sdelay $0x1  }
0x147: {  	[sflag:s19] =	ssyncset.done $0x0  }
0x148: {  	[sflag:s19] =	ssyncadd.s32 $0xFFFFD880  }
0x149: {  	_ =	sfence.sel $0x180000  }
0x14a: {  	[bflag:$0x0] =	sbarrier.arrive $0xFFFF  }
0x14b: {  	_ =	strace $0x90000047  }
0x14c: {  	[bflag:$0x2] =	sbarrier.arrive $0xFFFF  }
0x14d: {  	s0 =	rddreg [dreg:$0x4]  }
0x14e: {  	s0 =	sadd.s32 @!p0 $0x100000, s0  }
0x14f: {  	[sflag:s0] =	ssyncadd.tile.s32 @!p0 $0x1;
	_ =	shalt  }
.Lfunc_end2:
_tile_overlayer_lowered:
.L_overlay_start_2:
0x150: {  	(tag) =	ssettag $0x2  }
0x151: {  	s0 =	rddreg [dreg:$0x0];
	s2 =	stileid.u32  }
0x152: {  	s1 =	rddreg [dreg:$0x1];
	p0 =	sne.s32 s2, $0x0  }
0x153: {  	s3 =	rddreg [dreg:$0x2];
	[bflag:$0x3] =	sbarrier.arrive $0xFFFF;
	s2 =	simm.s32 @!p0 $0x1C04  }
0x154: {  	[timem:s3], [sflag:s2] =	dma.local @!p0 [hbm:s0], s1  }
0x155: {  	s0 =	simm.s32 @!p0 $0x4  }
0x156: {  	_ =	swait.ge @!p0 [sflag:s0], s1  }
0x157: {  	s1 =	ssub.s32 @!p0 $0x0, s1;
	[sflag:s0] =	ssyncset.done @!p0 $0x0  }
0x158: {  	[sflag:s0] =	ssyncadd.s32 @!p0 s1  }
0x159: {  	[bflag:$0x3] =	sbarrier.arrive $0xFFFF  }
0x15a: {  	_ =	shalt  }

// kernel: kernel.13.cloned.1.call-start
scs
__scs_entry_jumppad:
0x0: {  	(pc) =	sbr.rel $0x88, $3  }
0x1: {  	(tag) =	ssettag $0x0;
	lr =	simm.s32 $0x1  }
0x2: {  	[smem:$0x3F95] =	sst lr;
	_ =	strace $0xD0000000  }
0x3: {  	_ = 	snop  }
0x4: {  	_ = 	snop  }
0x5: {  	_ = 	snop  }
0x6: {  	_ = 	snop  }
0x7: {  	_ = 	snop  }
__scs_overlays_trampoline_lowered:
0x8: {  	[smem:$0x3FA4] =	sst s0  }
0x9: {  	[smem:$0x3FA5] =	sst s1  }
0xa: {  	[smem:$0x3FA6] =	sst s2  }
0xb: {  	[smem:$0x3FA7] =	sst s3  }
0xc: {  	[smem:$0x3FA8] =	sst s4  }
0xd: {  	[smem:$0x3FA9] =	sst s5  }
0xe: {  	[smem:$0x3FAA] =	sst s6  }
0xf: {  	[smem:$0x3FAB] =	sst s7  }
0x10: {  	[smem:$0x3FAC] =	sst s8  }
0x11: {  	[smem:$0x3FAD] =	sst s9;
	s0 =	simm.s32 @!p0 $0x0  }
0x12: {  	s1 =	sld [smem:$0x3F93];
	s0 =	simm.s32 @p0 $0x1  }
0x13: {  	[smem:$0x3FAE] =	sst s0;
	s0 =	simm.s32 @!p1 $0x0  }
0x14: {  	s2 =	sld [smem:$0x3F92];
	s0 =	simm.s32 @p1 $0x1  }
0x15: {  	[smem:$0x3FAF] =	sst s0;
	s0 =	simm.s32 @!p2 $0x0  }
0x16: {  	s3 =	sld [smem:$0x3FDB];
	s0 =	simm.s32 @p2 $0x1  }
0x17: {  	s4 =	simm.s32 $0x1BF5;
	[smem:$0x3FB1] =	sst s0  }
0x18: {  	s0 =	sld [smem:$0x3F94];
	_ =	swait.ge [sflag:s4], $0x0  }
0x19: {  	s7 =	sld [smem:$0x3F95]  }
0x1a: {  	s8 =	sadd.s32 $0xFFFFE003, lr  }
0x1b: {  	s9 =	sadd.s32 $0xFFFFFEF7, lr;
	s5 =	simm.s32 $0xFFFFFFFF;
	p2 =	slt.u32 s8, $0xFFFFF086  }
0x1c: {  	p1 =	slt.u32 s9, $0xF7A;
	s5 =	simm.s32 @!p2 $0x0  }
0x1d: {  	s5 =	simm.s32 @p1 $0x1;
	p0 =	seq.s32 s7, s2  }
0x1e: {  	s7 =	smul.u32 @!p0 $0xF7A, s2;
	p2 =	seq.s32 @!p0 s5, $0x0  }
0x1f: {  	s9 =	smul.u32 $0xF7A, s1;
	s8 =	simm.s32 @!p0 $0x1BF5;
	p2 =	por !p2, p0  }
0x20: {  	[sflag:s8] =	ssyncset.s32 @!p0 $0xFFFFF086;
	s6 =	sadd.s32 @!p0 s3, s7;
	s7 =	simm.s32 @!p0 $0x108  }
0x21: {  	s3 =	sadd.s32 s3, s9;
	s6 =	sadd.s32 @!p0 $0x88, s6;
	s7 =	simm.s32 @p2 $0x1082  }
0x22: {  	[simem:s7], [sflag:s8] =	dma.local @!p0 [hbm:s6], $0xF7A  }
0x23: {  	s9 =	sor.u32 $0xD0000000, s2;
	s6 =	simm.s32 $0x108;
	_ =	swait.ge @!p0 [sflag:s8], $0x0  }
0x24: {  	s3 =	sadd.s32 $0x88, s3;
	s6 =	simm.s32 @!p1 $0x1082;
	[sflag:s4] =	ssyncset.s32 $0xFFFFF086  }
0x25: {  	[simem:s6], [sflag:s4] =	dma.local [hbm:s3], $0xF7A  }
0x26: {  	[smem:$0x3F95] =	sst s1;
	(tag) =	ssettag s2;
	_ =	strace s9  }
0x27: {  	s1 =	sld [smem:$0x3FA5]  }
0x28: {  	s2 =	sld [smem:$0x3FA6]  }
0x29: {  	s4 =	sld [smem:$0x3FA8]  }
0x2a: {  	p0 =	seq.s32 s5, $0x0;
	s5 =	sld [smem:$0x3FA9]  }
0x2b: {  	s6 =	sld [smem:$0x3FAA]  }
0x2c: {  	s7 =	sld [smem:$0x3FAB]  }
0x2d: {  	s3 =	simm.s32 $0x108;
	s8 =	sld [smem:$0x3FAC]  }
0x2e: {  	s3 =	simm.s32 @!p0 $0x1082;
	s9 =	sld [smem:$0x3FAD]  }
0x2f: {  	lr =	sadd.s32 s0, s3;
	s0 =	sld [smem:$0x3FA4]  }
0x30: {  	s3 =	sld [smem:$0x3FA7]  }
0x31: {  	[smem:$0x3FB0] =	sst s10  }
0x32: {  	s10 =	sld [smem:$0x3FAE];
	_ =	sdelay $0x3  }
0x33: {  	p0 =	seq.s32 s10, $0x1;
	s10 =	sld [smem:$0x3FB0];
	_ =	sdelay $0x3  }
0x34: {  	[smem:$0x3FB0] =	sst s10  }
0x35: {  	s10 =	sld [smem:$0x3FAF];
	_ =	sdelay $0x3  }
0x36: {  	p1 =	seq.s32 s10, $0x1;
	s10 =	sld [smem:$0x3FB0];
	_ =	sdelay $0x3  }
0x37: {  	[smem:$0x3FB0] =	sst s10  }
0x38: {  	s10 =	sld [smem:$0x3FB1]  }
0x39: {  	_ = 	snop;
	(pc) =	sbr.ind lr, $3  }
0x3a: {  	_ = 	snop  }
0x3b: {  	_ = 	snop  }
0x3c: {  	p2 =	seq.s32 s10, $0x1;
	s10 =	sld [smem:$0x3FB0]  }
0x3d: {  	_ =	shalt  }
0x3e: {  	_ =	shalt  }
0x3f: {  	_ =	shalt  }
0x40: {  	_ =	shalt  }
0x41: {  	_ =	shalt  }
0x42: {  	_ =	shalt  }
0x43: {  	_ =	shalt  }
0x44: {  	_ =	shalt  }
0x45: {  	_ =	shalt  }
0x46: {  	_ =	shalt  }
0x47: {  	_ =	shalt  }
0x48: {  	_ =	shalt  }
0x49: {  	_ =	shalt  }
0x4a: {  	_ =	shalt  }
0x4b: {  	_ =	shalt  }
0x4c: {  	_ =	shalt  }
0x4d: {  	_ =	shalt  }
0x4e: {  	_ =	shalt  }
0x4f: {  	_ =	shalt  }
0x50: {  	_ =	shalt  }
0x51: {  	_ =	shalt  }
0x52: {  	_ =	shalt  }
0x53: {  	_ =	shalt  }
0x54: {  	_ =	shalt  }
0x55: {  	_ =	shalt  }
0x56: {  	_ =	shalt  }
0x57: {  	_ =	shalt  }
0x58: {  	_ =	shalt  }
0x59: {  	_ =	shalt  }
0x5a: {  	_ =	shalt  }
0x5b: {  	_ =	shalt  }
0x5c: {  	_ =	shalt  }
0x5d: {  	_ =	shalt  }
0x5e: {  	_ =	shalt  }
0x5f: {  	_ =	shalt  }
0x60: {  	_ =	shalt  }
0x61: {  	_ =	shalt  }
0x62: {  	_ =	shalt  }
0x63: {  	_ =	shalt  }
0x64: {  	_ =	shalt  }
0x65: {  	_ =	shalt  }
0x66: {  	_ =	shalt  }
0x67: {  	_ =	shalt  }
0x68: {  	_ =	shalt  }
0x69: {  	_ =	shalt  }
0x6a: {  	_ =	shalt  }
0x6b: {  	_ =	shalt  }
0x6c: {  	_ =	shalt  }
0x6d: {  	_ =	shalt  }
0x6e: {  	_ =	shalt  }
0x6f: {  	_ =	shalt  }
0x70: {  	_ =	shalt  }
0x71: {  	_ =	shalt  }
0x72: {  	_ =	shalt  }
0x73: {  	_ =	shalt  }
0x74: {  	_ =	shalt  }
0x75: {  	_ =	shalt  }
0x76: {  	_ =	shalt  }
0x77: {  	_ =	shalt  }
0x78: {  	_ =	shalt  }
0x79: {  	_ =	shalt  }
0x7a: {  	_ =	shalt  }
0x7b: {  	_ =	shalt  }
0x7c: {  	_ =	shalt  }
0x7d: {  	_ =	shalt  }
0x7e: {  	_ =	shalt  }
0x7f: {  	_ =	shalt  }
0x80: {  	_ =	shalt  }
0x81: {  	_ =	shalt  }
0x82: {  	_ =	shalt  }
0x83: {  	_ =	shalt  }
0x84: {  	_ =	shalt  }
0x85: {  	_ =	shalt  }
0x86: {  	_ =	shalt  }
0x87: {  	_ =	shalt  }
.Lfunc_end0:
.L_simem_size_0:
called_computation.1_lowered:
.L_overlay_start_0:
0x88: {  	s2 =	sld [smem:$0x3FD9]  }
0x89: {  	s3 =	sld [smem:$0x3FFE];
	_ =	sdelay $0x1  }
0x8a: {  	s1 =	srdreg.scid  }
0x8b: {  	s0 =	sand.u32 $0x1, s1  }
0x8c: {  	s16 =	sshll.u32 s0, $0xA;
	s2 =	sadd.s32 s3, s2  }
0x8d: {  	s2 =	sadd.s32 s2, s16  }
0x8e: {  	[smem:$0x3FBC] =	sst s2  }
0x8f: {  	_ = 	snop  }
0x90: {  	(tm) =	ssettm $0x1  }
0x91: {  	s17 =	sld [smem:$0x3FFB];
	_ =	sdelay $0x3  }
0x92: {  	_ =	strace s17  }
0x93: {  	s2 =	sld [smem:$0x3FFC];
	_ =	sdelay $0x3  }
0x94: {  	_ =	strace s2  }
0x95: {  	s2 =	sld [smem:$0x3FFD];
	_ =	sdelay $0x3  }
0x96: {  	_ =	strace s2  }
0x97: {  	_ =	strace $0x8FFFFFFF  }
0x98: {  	s18 =	sld [smem:$0x3FDB];
	_ =	sdelay $0x1  }
0x99: {  	s19 =	simm.s32 $_scs_section_size  }
0x9a: {  	s4 =	simm.s32 $_size__tile_overlayer_lowered;
	s5 =	simm.s32 $_tile_overlayer_lowered  }
0x9b: {  	s22 =	simm.s32 $0x1BFF;
	s21 =	sshll.u32 s5, $0x1;
	s2 =	sadd.s32 s19, s18  }
0x9c: {  	s6 =	simm.s32 $0x0;
	s20 =	sshll.u32 s4, $0x1;
	s4 =	sadd.s32 s21, s2  }
0x9d: {  	[timem:s6], [sflag:s22] =	dma.local [hbm:s4], s20  }
0x9e: {  	_ =	swait.ge [sflag:s22], s20  }
0x9f: {  	s3 =	ssub.s32 $0x0, s20;
	[sflag:s22] =	ssyncset.done $0x0  }
0xa0: {  	[sflag:s22] =	ssyncadd.s32 s3;
	_ =	sdelay $0x1  }
0xa1: {  	s23 =	simm.s32 $0x1B8B  }
0xa2: {  	_ =	swait.ge [sflag:s23], $0x1  }
0xa3: {  	[sflag:s23] =	ssyncset.done $0x0  }
0xa4: {  	s25 =	simm.s32 $0x1B8E;
	s24 =	sld [smem:$0x3FFE];
	[sflag:s23] =	ssyncadd.s32 $0xFFFFFFFF  }
0xa5: {  	s26 =	simm.s32 $execute0_lowered;
	[smem:$0x3FD2] =	sst s25  }
0xa6: {  	s4 =	sshll.u32 s26, $0x1;
	_ =	strace $0x80000049;
	[dreg:$0x1] =	wrdreg $0xFFFFFFFF  }
0xa7: {  	s28 =	simm.s32 $_size_execute0_lowered;
	s2 =	sadd.s32 s2, s4;
	[dreg:$0x0] =	wrdreg $0x0  }
0xa8: {  	s4 =	sshll.u32 s28, $0x1;
	[dreg:$0x2] =	wrdreg s2  }
0xa9: {  	[dreg:$0x3] =	wrdreg s4  }
0xaa: {  	[dreg:$0x4] =	wrdreg $0xC0  }
0xab: {  	_ =	task [dreg:s6], $0x5FFFF  }
0xac: {  	[dreg:$0x1] =	wrdreg $0xFFFFFFFF  }
0xad: {  	[dreg:$0x0] =	wrdreg $0x60  }
0xae: {  	[dreg:$0x2] =	wrdreg s24  }
0xaf: {  	[dreg:$0x3] =	wrdreg $0xA8000  }
0xb0: {  	[dreg:$0x4] =	wrdreg $0x9  }
0xb1: {  	_ =	task.clear_ibuf [dreg:s6], $0x5FFFF;
	_ =	strace $0x90000049  }
0xb2: {  	s29 =	simm.s32 $0x9;
	_ =	strace $0x8000004B  }
0xb3: {  	_ =	swait.ge [sflag:s29], $0x1  }
0xb4: {  	[sflag:s29] =	ssyncadd.s32 $0xFFFFFFFF  }
0xb5: {  	_ =	strace $0x9000004B  }
0xb6: {  	_ =	sfence  }
0xb7: {  	s30 =	sld [smem:$0x0];
	_ =	sdelay $0x2  }
0xb8: {  	s31 =	sshll.u32 s1, $0xD;
	s1 =	sshrl.u32 s1, $0x2  }
0xb9: {  	s3 =	sand.u32 $0x4000, s31;
	s1 =	sadd.s32 s1, s30  }
0xba: {  	s0 =	sor.u32 s3, s0;
	s1 =	sshll.u32 s1, $0x11  }
0xbb: {  	s0 =	sor.u32 s1, s0  }
0xbc: {  	s0 =	sadd.s32 $0x8F2B, s0  }
0xbd: {  	[sflag:s0] =	ssyncadd.remote.s32 $0x1  }
0xbe: {  	_ =	sfence.sel $0xFFFF  }
0xbf: {  	[dreg:$0x0] =	wrdreg $0xFFFFFFFF;
	(pc) =	sbr.abs _section_cstart, $3  }
0xc0: {  	[dreg:$0x1] =	wrdreg $0xFFFFFFFF  }
0xc1: {  	_ =	task.clear_ibuf [dreg:s6], $0x2FFFF;
	_ =	strace $0x9FFFFFFF  }
0xc2: {  	(tm) =	ssettm $0x7FFFFFFF  }
0xc3: {  	_ =	shalt  }
tec
execute0_lowered:
.L_overlay_start_1:
0x0: {  	(tag) =	ssettag $0x1  }
0x1: {  	s7 =	rddreg [dreg:$0x0];
	s0 =	stileid.u32  }
0x2: {  	s2 =	rddreg [dreg:$0x1];
	s4 =	smul.u32 $0x278, s0  }
0x3: {  	s3 =	srdreg.scid;
	s10 =	smul.u32 $0x4F000, s0  }
0x4: {  	s1 =	rddreg [dreg:$0x2];
	s13 =	smul.u32 $0xA, s0  }
0x5: {  	s8 =	sand.u32 $0x1, s3;
	s3 =	simm.s32 $0x0;
	s16 =	smul.u32 $0x96, s0  }
0x6: {  	s30 =	sshll.u32 s0, $0x6;
	s5 =	smul.u32 $0x138800, s8;
	[smem:$0x7FF] =	sst s3  }
0x7: {  	s25 =	ssub.s32 $0x2, s8;
	p0 =	seq.s32 s8, $0x0;
	s4 =	smin.u32 s4, $0x2498  }
0x8: {  	s8 =	sor.u32 $0x1C05, s30;
	_ =	strace $0x8000004A;
	s12 =	sshll.u32 s4, $0x7  }
0x9: {  	s26 =	sshrl.u32 s25, $0x1;
	s28 =	sshrl.u32 s10, $0x2;
	s6 =	sadd.s32 s5, s12  }
0xa: {  	s4 =	sadd.s32 $0x1C600, s7;
	s5 =	sadd.s32 $0x5000, s7;
	s9 =	sshrl.u32 s6, $0x3  }
0xb: {  	s6 =	sadd.s32 $0x19600, s7;
	s11 =	sadd.s32 s9, s7;
	s7 =	simm.s32 $0x96  }
0xc: {  	s14 =	ssub.s32 s25, s26;
	s15 =	sadd.s32 s28, s2;
	s7 =	simm.s32 @!p0 $0xA  }
0xd: {  	s31 =	sadd.s32 s12, s2;
	s12 =	smax.u32 s14, $0x1;
	s29 =	smul.u32 $0xCD, s7  }
0xe: {  	s14 =	simm.s32 $0x5;
	s9 =	sadd.s32 $0x960, s13;
	s13 =	sshrl.u32 s15, $0x3  }
0xf: {  	s15 =	sshrl.u32 s31, $0x3;
	s9 =	smov.u32 @p0 s16;
	s10 =	sadd.s32 $0x1E6E, s29  }
0x10: {  	s11 =	sadd.s32 $0x9A800, s11;
	s16 =	simm.s32 $0x0;
	s10 =	sshrl.u32 s10, $0xD  }
.LBB2_1:
0x11: {  	[spmem:s13], [sflag:s8] =	dma.local [hbm:s6], $0x2780  }
0x12: {  	_ =	swait.ge [sflag:s14], $0x2780  }
0x13: {  	[sflag:s14] =	ssyncset.done $0x0  }
0x14: {  	[sflag:s14] =	ssyncadd.s32 $0xFFFFD880  }
0x15: {  	s17 =	simm.s32 $0x0;
	[bflag:$0x0] =	sbarrier.arrive $0xFFFF  }
.LBB2_2:
0x16: {  	s18 =	smul.u32 $0x28, s17;
	_ =	sdelay $0x1  }
0x17: {  	s19 =	sadd.s32 s9, s18  }
0x18: {  	s19 =	sshll.u32 s19, $0x5  }
0x19: {  	s19 =	sand.u32 $0x1FFFFFC0, s19  }
0x1a: {  	s18 =	ssub.s32 s7, s18;
	s19 =	sadd.s32 s5, s19  }
0x1b: {  	[tilespmem:s3], [sflag:$0x5] =	stream.linear.gather [hbm4b:s19+s3], $0x2800, $0x38;
	[tilespmem:$0x1E400] =	vst v63  }
0x1c: {  	p0 =	slt.s32 s18, $0x1;
	_ =	swait.ge [sflag:s14], $0x2800  }
0x1d: {  	s20 =	simm.s32 @!p0 $0x0;
	[sflag:s14] =	ssyncset.done $0x0  }
0x1e: {  	s21 =	simm.s32 @!p0 $0x2800;
	s19 =	simm.s32 @!p0 $0x80;
	[sflag:s14] =	ssyncadd.s32 $0xFFFFD800  }
0x1f: {  	[tilespmem:s21], [sflag:$0x1] =	stream.indirect.gather @!p0 [hbm4b:s4+s19], $0x80, s20, s19, $0xb8;
	[tilespmem:$0x1E400] =	vst v63  }
0x20: {  	s20 =	simm.s32 @!p0 $0x100;
	s21 =	simm.s32 @!p0 $0x6800  }
0x21: {  	[tilespmem:s21], [sflag:$0x2] =	stream.indirect.gather @!p0 [hbm4b:s4+s19], $0x80, s20, s19, $0xb8;
	[tilespmem:$0x1E400] =	vst v63  }
0x22: {  	p0 =	sle.s32 s18, $0x0  }
0x23: {  	p1 =	slt.s32 s18, $0x28;
	s19 =	smov.u32 s18;
	s20 =	simm.s32 @!p0 $0x1  }
0x24: {  	s19 =	simm.s32 @!p1 $0x28;
	s21 =	simm.s32 @!p0 $0x2800;
	_ =	swait.ge @!p0 [sflag:s20], $0x4000  }
0x25: {  	s22 =	simm.s32 @!p0 $0x3;
	s23 =	simm.s32 @!p0 $0x80;
	[sflag:s20] =	ssyncset.done @!p0 $0x0  }
0x26: {  	p1 =	sle.s32 @!p0 s19, $0x2;
	[sflag:s20] =	ssyncadd.s32 @!p0 $0xFFFFC000;
	s20 =	simm.s32 @!p0 $0x80  }
0x27: {  	[spmem:s2] =	stream.indirect.scatter.add.f32 @!p0 [tilespmem:s21], [sflag:$0x3], $0x80, s20, s23, $0xb8;
	[tilespmem:$0x1E400] =	vst v63  }
0x28: {  	p2 =	por p1, p0;
	_ =	swait.ge @!p0 [sflag:s22], $0x4000  }
0x29: {  	p1 =	sle.s32 s18, $0x1;
	s20 =	simm.s32 @!p2 $0x80;
	[sflag:s22] =	ssyncset.done @!p0 $0x0  }
0x2a: {  	s21 =	simm.s32 @!p2 $0x2800;
	[sflag:s22] =	ssyncadd.s32 @!p0 $0xFFFFC000;
	s22 =	simm.s32 @!p2 $0x200  }
0x2b: {  	[tilespmem:s21], [sflag:$0x1] =	stream.indirect.gather @!p2 [hbm4b:s4+s20], $0x80, s22, s20, $0xb8;
	[tilespmem:$0x1E400] =	vst v63  }
0x2c: {  	s24 =	simm.s32 @!p1 $0x80;
	s22 =	simm.s32 @!p1 $0x2  }
0x2d: {  	s25 =	simm.s32 @!p1 $0x6800;
	s26 =	simm.s32 @!p1 $0x180;
	_ =	swait.ge @!p1 [sflag:s22], $0x4000  }
0x2e: {  	s23 =	simm.s32 @!p1 $0x4;
	p0 =	sle.s32 @!p1 s19, $0x3;
	[sflag:s22] =	ssyncset.done @!p1 $0x0  }
0x2f: {  	s21 =	simm.s32 $0x300;
	s20 =	simm.s32 $0x2;
	[sflag:s22] =	ssyncadd.s32 @!p1 $0xFFFFC000  }
0x30: {  	[spmem:s2] =	stream.indirect.scatter.add.f32 @!p1 [tilespmem:s25], [sflag:$0x4], $0x80, s26, s24, $0xb8;
	[tilespmem:$0x1E400] =	vst v63  }
0x31: {  	p3 =	por p0, p1;
	s22 =	simm.s32 $0x500;
	_ =	swait.ge @!p1 [sflag:s23], $0x4000  }
0x32: {  	s24 =	simm.s32 @!p3 $0x80;
	s25 =	simm.s32 @!p3 $0x6800;
	[sflag:s23] =	ssyncset.done @!p1 $0x0  }
.LBB2_3:
0x33: {  	p2 =	sge.s32 s20, s18  }
0x34: {  	[sflag:s23] =	ssyncadd.s32 @!p1 $0xFFFFC000;
	s23 =	smov.u32 s20;
	s20 =	sadd.s32 $0x2, s20  }
0x35: {  	[tilespmem:s25], [sflag:$0x2] =	stream.indirect.gather @!p3 [hbm4b:s4+s24], $0x80, s21, s24, $0xb8;
	[tilespmem:$0x1E400] =	vst v63  }
0x36: {  	s24 =	simm.s32 @!p2 $0x1;
	s21 =	sadd.s32 @!p2 $0x2, s23;
	p0 =	sne.s32 s20, $0x28  }
0x37: {  	p1 =	sge.s32 @!p2 s21, s19;
	s21 =	smov.u32 s22;
	_ =	swait.ge @!p2 [sflag:s24], $0x4000  }
0x38: {  	s25 =	simm.s32 @!p2 $0x2800;
	s26 =	simm.s32 @!p2 $0x3;
	[sflag:s24] =	ssyncset.done @!p2 $0x0  }
0x39: {  	s28 =	simm.s32 @!p2 $0x80;
	[sflag:s24] =	ssyncadd.s32 @!p2 $0xFFFFC000;
	s24 =	sadd.s32 @!p2 $0xFFFFFD80, s22  }
0x3a: {  	[spmem:s2] =	stream.indirect.scatter.add.f32 @!p2 [tilespmem:s25], [sflag:$0x3], $0x80, s24, s28, $0xb8;
	[tilespmem:$0x1E400] =	vst v63  }
0x3b: {  	p3 =	por p1, p2;
	s24 =	sadd.s32 $0x1, s23;
	_ =	swait.ge @!p2 [sflag:s26], $0x4000  }
0x3c: {  	s25 =	simm.s32 @!p3 $0x80;
	s28 =	simm.s32 @!p3 $0x2800;
	[sflag:s26] =	ssyncset.done @!p2 $0x0  }
0x3d: {  	p1 =	sge.s32 s24, s18;
	[sflag:s26] =	ssyncadd.s32 @!p2 $0xFFFFC000;
	s26 =	sadd.s32 @!p3 $0xFFFFFF00, s22  }
0x3e: {  	[tilespmem:s28], [sflag:$0x1] =	stream.indirect.gather @!p3 [hbm4b:s4+s25], $0x80, s26, s25, $0xb8;
	[tilespmem:$0x1E400] =	vst v63  }
0x3f: {  	s24 =	simm.s32 @!p1 $0x2;
	s25 =	sadd.s32 @!p1 $0x3, s23  }
0x40: {  	s26 =	simm.s32 @!p1 $0x80;
	s28 =	simm.s32 @!p1 $0x6800;
	_ =	swait.ge @!p1 [sflag:s24], $0x4000  }
.Ltmp0:
0x41: {  	s29 =	sadd.s32 @!p1 $0xFFFFFE80, s22;
	[sflag:s24] =	ssyncset.done @!p1 $0x0;
	(pc) =	sbr.rel @p0 .LBB2_3-.Ltmp0, $4  }
0x42: {  	s23 =	simm.s32 @!p1 $0x4;
	p2 =	sge.s32 @!p1 s25, s19;
	[sflag:s24] =	ssyncadd.s32 @!p1 $0xFFFFC000  }
0x43: {  	[spmem:s2] =	stream.indirect.scatter.add.f32 @!p1 [tilespmem:s28], [sflag:$0x4], $0x80, s29, s26, $0xb8;
	[tilespmem:$0x1E400] =	vst v63  }
0x44: {  	s22 =	sadd.s32 $0x200, s22;
	p3 =	por p2, p1;
	_ =	swait.ge @!p1 [sflag:s23], $0x4000  }
0x45: {  	s25 =	simm.s32 @!p3 $0x6800;
	s24 =	simm.s32 @!p3 $0x80;
	[sflag:s23] =	ssyncset.done @!p1 $0x0  }
0x46: {  	s17 =	sadd.s32 $0x1, s17  }
0x47: {  	p0 =	sne.s32 s17, s10  }
.Ltmp1:
0x48: {  	_ = 	snop;
	(pc) =	sbr.rel @p0 .LBB2_2-.Ltmp1, $3  }
0x49: {  	_ =	sdelay $0x1  }
0x4a: {  	[sflag:s23] =	ssyncadd.s32 @!p1 $0xFFFFC000  }
0x4b: {  	[tilespmem:s25], [sflag:$0x2] =	stream.indirect.gather @!p3 [hbm4b:s4+s24], $0x80, s21, s24, $0xb8;
	[tilespmem:$0x1E400] =	vst v63  }
0x4c: {  	s16 =	sadd.s32 $0x1, s16  }
0x4d: {  	p0 =	sne.s32 s16, s12  }
.Ltmp2:
0x4e: {  	[bflag:$0x0] =	sbarrier.arrive $0xFFFF;
	(pc) =	sbr.rel @p0 .LBB2_1-.Ltmp2, $4  }
0x4f: {  	[hbm:s11], [sflag:s8] =	dma.local [spmem:s15], $0x2780  }
0x50: {  	_ =	swait.ge [sflag:s14], $0x2780  }
0x51: {  	[sflag:s14] =	ssyncset.done $0x0  }
0x52: {  	[sflag:s14] =	ssyncadd.s32 $0xFFFFD880  }
0x53: {  	_ =	sfence.sel $0x180000  }
0x54: {  	[bflag:$0x0] =	sbarrier.arrive $0xFFFF  }
0x55: {  	p0 =	sne.s32 s0, $0x0;
	_ =	strace $0x9000004A  }
0x56: {  	s0 =	sadd.s32 @!p0 $0x100000, s1;
	[bflag:$0x2] =	sbarrier.arrive $0xFFFF  }
0x57: {  	[sflag:s0] =	ssyncadd.tile.s32 @!p0 $0x1;
	_ =	shalt  }
.Lfunc_end2:
_tile_overlayer_lowered:
.L_overlay_start_2:
0x58: {  	(tag) =	ssettag $0x2  }
0x59: {  	s0 =	rddreg [dreg:$0x0];
	s2 =	stileid.u32  }
0x5a: {  	s1 =	rddreg [dreg:$0x1];
	p0 =	sne.s32 s2, $0x0  }
0x5b: {  	s3 =	rddreg [dreg:$0x2];
	[bflag:$0x3] =	sbarrier.arrive $0xFFFF;
	s2 =	simm.s32 @!p0 $0x1C05  }
0x5c: {  	[timem:s3], [sflag:s2] =	dma.local @!p0 [hbm:s0], s1  }
0x5d: {  	s0 =	simm.s32 @!p0 $0x5  }
0x5e: {  	_ =	swait.ge @!p0 [sflag:s0], s1  }
0x5f: {  	s1 =	ssub.s32 @!p0 $0x0, s1;
	[sflag:s0] =	ssyncset.done @!p0 $0x0  }
0x60: {  	[sflag:s0] =	ssyncadd.s32 @!p0 s1  }
0x61: {  	[bflag:$0x3] =	sbarrier.arrive $0xFFFF  }
0x62: {  	_ =	shalt  }

// kernel: kernel.16.cloned.1.call-start
scs
__scs_entry_jumppad:
0x0: {  	(pc) =	sbr.rel $0x88, $3  }
0x1: {  	(tag) =	ssettag $0x0;
	lr =	simm.s32 $0x1  }
0x2: {  	[smem:$0x3F95] =	sst lr;
	_ =	strace $0xD0000000  }
0x3: {  	_ = 	snop  }
0x4: {  	_ = 	snop  }
0x5: {  	_ = 	snop  }
0x6: {  	_ = 	snop  }
0x7: {  	_ = 	snop  }
__scs_overlays_trampoline_lowered:
0x8: {  	[smem:$0x3FA4] =	sst s0  }
0x9: {  	[smem:$0x3FA5] =	sst s1  }
0xa: {  	[smem:$0x3FA6] =	sst s2  }
0xb: {  	[smem:$0x3FA7] =	sst s3  }
0xc: {  	[smem:$0x3FA8] =	sst s4  }
0xd: {  	[smem:$0x3FA9] =	sst s5  }
0xe: {  	[smem:$0x3FAA] =	sst s6  }
0xf: {  	[smem:$0x3FAB] =	sst s7  }
0x10: {  	[smem:$0x3FAC] =	sst s8  }
0x11: {  	[smem:$0x3FAD] =	sst s9;
	s0 =	simm.s32 @!p0 $0x0  }
0x12: {  	s1 =	sld [smem:$0x3F93];
	s0 =	simm.s32 @p0 $0x1  }
0x13: {  	[smem:$0x3FAE] =	sst s0;
	s0 =	simm.s32 @!p1 $0x0  }
0x14: {  	s2 =	sld [smem:$0x3F92];
	s0 =	simm.s32 @p1 $0x1  }
0x15: {  	[smem:$0x3FAF] =	sst s0;
	s0 =	simm.s32 @!p2 $0x0  }
0x16: {  	s3 =	sld [smem:$0x3FDB];
	s0 =	simm.s32 @p2 $0x1  }
0x17: {  	s4 =	simm.s32 $0x1BF5;
	[smem:$0x3FB1] =	sst s0  }
0x18: {  	s0 =	sld [smem:$0x3F94];
	_ =	swait.ge [sflag:s4], $0x0  }
0x19: {  	s7 =	sld [smem:$0x3F95]  }
0x1a: {  	s8 =	sadd.s32 $0xFFFFE003, lr  }
0x1b: {  	s9 =	sadd.s32 $0xFFFFFEF7, lr;
	s5 =	simm.s32 $0xFFFFFFFF;
	p2 =	slt.u32 s8, $0xFFFFF086  }
0x1c: {  	p1 =	slt.u32 s9, $0xF7A;
	s5 =	simm.s32 @!p2 $0x0  }
0x1d: {  	s5 =	simm.s32 @p1 $0x1;
	p0 =	seq.s32 s7, s2  }
0x1e: {  	s7 =	smul.u32 @!p0 $0xF7A, s2;
	p2 =	seq.s32 @!p0 s5, $0x0  }
0x1f: {  	s9 =	smul.u32 $0xF7A, s1;
	s8 =	simm.s32 @!p0 $0x1BF5;
	p2 =	por !p2, p0  }
0x20: {  	[sflag:s8] =	ssyncset.s32 @!p0 $0xFFFFF086;
	s6 =	sadd.s32 @!p0 s3, s7;
	s7 =	simm.s32 @!p0 $0x108  }
0x21: {  	s3 =	sadd.s32 s3, s9;
	s6 =	sadd.s32 @!p0 $0x88, s6;
	s7 =	simm.s32 @p2 $0x1082  }
0x22: {  	[simem:s7], [sflag:s8] =	dma.local @!p0 [hbm:s6], $0xF7A  }
0x23: {  	s9 =	sor.u32 $0xD0000000, s2;
	s6 =	simm.s32 $0x108;
	_ =	swait.ge @!p0 [sflag:s8], $0x0  }
0x24: {  	s3 =	sadd.s32 $0x88, s3;
	s6 =	simm.s32 @!p1 $0x1082;
	[sflag:s4] =	ssyncset.s32 $0xFFFFF086  }
0x25: {  	[simem:s6], [sflag:s4] =	dma.local [hbm:s3], $0xF7A  }
0x26: {  	[smem:$0x3F95] =	sst s1;
	(tag) =	ssettag s2;
	_ =	strace s9  }
0x27: {  	s1 =	sld [smem:$0x3FA5]  }
0x28: {  	s2 =	sld [smem:$0x3FA6]  }
0x29: {  	s4 =	sld [smem:$0x3FA8]  }
0x2a: {  	p0 =	seq.s32 s5, $0x0;
	s5 =	sld [smem:$0x3FA9]  }
0x2b: {  	s6 =	sld [smem:$0x3FAA]  }
0x2c: {  	s7 =	sld [smem:$0x3FAB]  }
0x2d: {  	s3 =	simm.s32 $0x108;
	s8 =	sld [smem:$0x3FAC]  }
0x2e: {  	s3 =	simm.s32 @!p0 $0x1082;
	s9 =	sld [smem:$0x3FAD]  }
0x2f: {  	lr =	sadd.s32 s0, s3;
	s0 =	sld [smem:$0x3FA4]  }
0x30: {  	s3 =	sld [smem:$0x3FA7]  }
0x31: {  	[smem:$0x3FB0] =	sst s10  }
0x32: {  	s10 =	sld [smem:$0x3FAE];
	_ =	sdelay $0x3  }
0x33: {  	p0 =	seq.s32 s10, $0x1;
	s10 =	sld [smem:$0x3FB0];
	_ =	sdelay $0x3  }
0x34: {  	[smem:$0x3FB0] =	sst s10  }
0x35: {  	s10 =	sld [smem:$0x3FAF];
	_ =	sdelay $0x3  }
0x36: {  	p1 =	seq.s32 s10, $0x1;
	s10 =	sld [smem:$0x3FB0];
	_ =	sdelay $0x3  }
0x37: {  	[smem:$0x3FB0] =	sst s10  }
0x38: {  	s10 =	sld [smem:$0x3FB1]  }
0x39: {  	_ = 	snop;
	(pc) =	sbr.ind lr, $3  }
0x3a: {  	_ = 	snop  }
0x3b: {  	_ = 	snop  }
0x3c: {  	p2 =	seq.s32 s10, $0x1;
	s10 =	sld [smem:$0x3FB0]  }
0x3d: {  	_ =	shalt  }
0x3e: {  	_ =	shalt  }
0x3f: {  	_ =	shalt  }
0x40: {  	_ =	shalt  }
0x41: {  	_ =	shalt  }
0x42: {  	_ =	shalt  }
0x43: {  	_ =	shalt  }
0x44: {  	_ =	shalt  }
0x45: {  	_ =	shalt  }
0x46: {  	_ =	shalt  }
0x47: {  	_ =	shalt  }
0x48: {  	_ =	shalt  }
0x49: {  	_ =	shalt  }
0x4a: {  	_ =	shalt  }
0x4b: {  	_ =	shalt  }
0x4c: {  	_ =	shalt  }
0x4d: {  	_ =	shalt  }
0x4e: {  	_ =	shalt  }
0x4f: {  	_ =	shalt  }
0x50: {  	_ =	shalt  }
0x51: {  	_ =	shalt  }
0x52: {  	_ =	shalt  }
0x53: {  	_ =	shalt  }
0x54: {  	_ =	shalt  }
0x55: {  	_ =	shalt  }
0x56: {  	_ =	shalt  }
0x57: {  	_ =	shalt  }
0x58: {  	_ =	shalt  }
0x59: {  	_ =	shalt  }
0x5a: {  	_ =	shalt  }
0x5b: {  	_ =	shalt  }
0x5c: {  	_ =	shalt  }
0x5d: {  	_ =	shalt  }
0x5e: {  	_ =	shalt  }
0x5f: {  	_ =	shalt  }
0x60: {  	_ =	shalt  }
0x61: {  	_ =	shalt  }
0x62: {  	_ =	shalt  }
0x63: {  	_ =	shalt  }
0x64: {  	_ =	shalt  }
0x65: {  	_ =	shalt  }
0x66: {  	_ =	shalt  }
0x67: {  	_ =	shalt  }
0x68: {  	_ =	shalt  }
0x69: {  	_ =	shalt  }
0x6a: {  	_ =	shalt  }
0x6b: {  	_ =	shalt  }
0x6c: {  	_ =	shalt  }
0x6d: {  	_ =	shalt  }
0x6e: {  	_ =	shalt  }
0x6f: {  	_ =	shalt  }
0x70: {  	_ =	shalt  }
0x71: {  	_ =	shalt  }
0x72: {  	_ =	shalt  }
0x73: {  	_ =	shalt  }
0x74: {  	_ =	shalt  }
0x75: {  	_ =	shalt  }
0x76: {  	_ =	shalt  }
0x77: {  	_ =	shalt  }
0x78: {  	_ =	shalt  }
0x79: {  	_ =	shalt  }
0x7a: {  	_ =	shalt  }
0x7b: {  	_ =	shalt  }
0x7c: {  	_ =	shalt  }
0x7d: {  	_ =	shalt  }
0x7e: {  	_ =	shalt  }
0x7f: {  	_ =	shalt  }
0x80: {  	_ =	shalt  }
0x81: {  	_ =	shalt  }
0x82: {  	_ =	shalt  }
0x83: {  	_ =	shalt  }
0x84: {  	_ =	shalt  }
0x85: {  	_ =	shalt  }
0x86: {  	_ =	shalt  }
0x87: {  	_ =	shalt  }
.Lfunc_end0:
.L_simem_size_0:
called_computation.2_lowered:
.L_overlay_start_0:
0x88: {  	s2 =	sld [smem:$0x3FD9]  }
0x89: {  	s3 =	sld [smem:$0x3FFE];
	_ =	sdelay $0x1  }
0x8a: {  	s1 =	srdreg.scid  }
0x8b: {  	s0 =	sand.u32 $0x1, s1  }
0x8c: {  	s16 =	sshll.u32 s0, $0xA;
	s2 =	sadd.s32 s3, s2  }
0x8d: {  	s2 =	sadd.s32 s2, s16  }
0x8e: {  	[smem:$0x3FBC] =	sst s2  }
0x8f: {  	_ = 	snop  }
0x90: {  	(tm) =	ssettm $0x1  }
0x91: {  	s17 =	sld [smem:$0x3FFB];
	_ =	sdelay $0x3  }
0x92: {  	_ =	strace s17  }
0x93: {  	s2 =	sld [smem:$0x3FFC];
	_ =	sdelay $0x3  }
0x94: {  	_ =	strace s2  }
0x95: {  	s2 =	sld [smem:$0x3FFD];
	_ =	sdelay $0x3  }
0x96: {  	_ =	strace s2  }
0x97: {  	_ =	strace $0x8FFFFFFF  }
0x98: {  	s18 =	sld [smem:$0x3FDB];
	_ =	sdelay $0x1  }
0x99: {  	s19 =	simm.s32 $_scs_section_size  }
0x9a: {  	s4 =	simm.s32 $_size__tile_overlayer_lowered;
	s5 =	simm.s32 $_tile_overlayer_lowered  }
0x9b: {  	s22 =	simm.s32 $0x1BFF;
	s21 =	sshll.u32 s5, $0x1;
	s2 =	sadd.s32 s19, s18  }
0x9c: {  	s6 =	simm.s32 $0x0;
	s20 =	sshll.u32 s4, $0x1;
	s4 =	sadd.s32 s21, s2  }
0x9d: {  	[timem:s6], [sflag:s22] =	dma.local [hbm:s4], s20  }
0x9e: {  	_ =	swait.ge [sflag:s22], s20  }
0x9f: {  	s3 =	ssub.s32 $0x0, s20;
	[sflag:s22] =	ssyncset.done $0x0  }
0xa0: {  	[sflag:s22] =	ssyncadd.s32 s3;
	_ =	sdelay $0x1  }
0xa1: {  	s23 =	simm.s32 $0x1B8B  }
0xa2: {  	_ =	swait.ge [sflag:s23], $0x1  }
0xa3: {  	[sflag:s23] =	ssyncset.done $0x0  }
0xa4: {  	s25 =	simm.s32 $0x1B8E;
	s24 =	sld [smem:$0x3FFE];
	[sflag:s23] =	ssyncadd.s32 $0xFFFFFFFF  }
0xa5: {  	s26 =	simm.s32 $execute0_lowered;
	[smem:$0x3FD2] =	sst s25  }
0xa6: {  	s4 =	sshll.u32 s26, $0x1;
	_ =	strace $0x8000004C;
	[dreg:$0x1] =	wrdreg $0xFFFFFFFF  }
0xa7: {  	s28 =	simm.s32 $_size_execute0_lowered;
	s2 =	sadd.s32 s2, s4;
	[dreg:$0x0] =	wrdreg $0x0  }
0xa8: {  	s4 =	sshll.u32 s28, $0x1;
	[dreg:$0x2] =	wrdreg s2  }
0xa9: {  	[dreg:$0x3] =	wrdreg s4  }
0xaa: {  	[dreg:$0x4] =	wrdreg $0xC0  }
0xab: {  	_ =	task [dreg:s6], $0x5FFFF  }
0xac: {  	[dreg:$0x1] =	wrdreg $0xFFFFFFFF  }
0xad: {  	[dreg:$0x0] =	wrdreg $0x60  }
0xae: {  	[dreg:$0x2] =	wrdreg s24  }
0xaf: {  	[dreg:$0x3] =	wrdreg $0xA8000  }
0xb0: {  	[dreg:$0x4] =	wrdreg $0x9  }
0xb1: {  	_ =	task.clear_ibuf [dreg:s6], $0x5FFFF;
	_ =	strace $0x9000004C  }
0xb2: {  	s29 =	simm.s32 $0x9;
	_ =	strace $0x8000004E  }
0xb3: {  	_ =	swait.ge [sflag:s29], $0x1  }
0xb4: {  	[sflag:s29] =	ssyncadd.s32 $0xFFFFFFFF  }
0xb5: {  	_ =	strace $0x9000004E  }
0xb6: {  	_ =	sfence  }
0xb7: {  	s30 =	sld [smem:$0x0];
	_ =	sdelay $0x2  }
0xb8: {  	s31 =	sshll.u32 s1, $0xD;
	s1 =	sshrl.u32 s1, $0x2  }
0xb9: {  	s3 =	sand.u32 $0x4000, s31;
	s1 =	sadd.s32 s1, s30  }
0xba: {  	s0 =	sor.u32 s3, s0;
	s1 =	sshll.u32 s1, $0x11  }
0xbb: {  	s0 =	sor.u32 s1, s0  }
0xbc: {  	s0 =	sadd.s32 $0x8F2B, s0  }
0xbd: {  	[sflag:s0] =	ssyncadd.remote.s32 $0x1  }
0xbe: {  	_ =	sfence.sel $0xFFFF  }
0xbf: {  	[dreg:$0x0] =	wrdreg $0xFFFFFFFF;
	(pc) =	sbr.abs _section_cstart, $3  }
0xc0: {  	[dreg:$0x1] =	wrdreg $0xFFFFFFFF  }
0xc1: {  	_ =	task.clear_ibuf [dreg:s6], $0x2FFFF;
	_ =	strace $0x9FFFFFFF  }
0xc2: {  	(tm) =	ssettm $0x7FFFFFFF  }
0xc3: {  	_ =	shalt  }
tec
execute0_lowered:
.L_overlay_start_1:
0x0: {  	(tag) =	ssettag $0x1  }
0x1: {  	s7 =	rddreg [dreg:$0x0];
	s0 =	stileid.u32  }
0x2: {  	s2 =	rddreg [dreg:$0x1];
	s4 =	smul.u32 $0x278, s0  }
0x3: {  	s3 =	srdreg.scid;
	s10 =	smul.u32 $0x4F000, s0  }
0x4: {  	s1 =	rddreg [dreg:$0x2];
	s13 =	smul.u32 $0xA, s0  }
0x5: {  	s8 =	sand.u32 $0x1, s3;
	s3 =	simm.s32 $0x0;
	s16 =	smul.u32 $0x96, s0  }
0x6: {  	s30 =	sshll.u32 s0, $0x6;
	s5 =	smul.u32 $0x138800, s8;
	[smem:$0x7FF] =	sst s3  }
0x7: {  	s25 =	ssub.s32 $0x2, s8;
	p0 =	seq.s32 s8, $0x0;
	s4 =	smin.u32 s4, $0x2498  }
0x8: {  	s8 =	sor.u32 $0x1C05, s30;
	_ =	strace $0x8000004D;
	s12 =	sshll.u32 s4, $0x7  }
0x9: {  	s26 =	sshrl.u32 s25, $0x1;
	s28 =	sshrl.u32 s10, $0x2;
	s6 =	sadd.s32 s5, s12  }
0xa: {  	s4 =	sadd.s32 $0x1BE00, s7;
	s5 =	sadd.s32 $0x5000, s7;
	s9 =	sshrl.u32 s6, $0x3  }
0xb: {  	s6 =	sadd.s32 $0x19600, s7;
	s11 =	sadd.s32 s9, s7;
	s7 =	simm.s32 $0x96  }
0xc: {  	s14 =	ssub.s32 s25, s26;
	s15 =	sadd.s32 s28, s2;
	s7 =	simm.s32 @!p0 $0xA  }
0xd: {  	s31 =	sadd.s32 s12, s2;
	s12 =	smax.u32 s14, $0x1;
	s29 =	smul.u32 $0xCD, s7  }
0xe: {  	s14 =	simm.s32 $0x5;
	s9 =	sadd.s32 $0x960, s13;
	s13 =	sshrl.u32 s15, $0x3  }
0xf: {  	s15 =	sshrl.u32 s31, $0x3;
	s9 =	smov.u32 @p0 s16;
	s10 =	sadd.s32 $0x1E6E, s29  }
0x10: {  	s11 =	sadd.s32 $0x9A800, s11;
	s16 =	simm.s32 $0x0;
	s10 =	sshrl.u32 s10, $0xD  }
.LBB2_1:
0x11: {  	[spmem:s13], [sflag:s8] =	dma.local [hbm:s6], $0x2780  }
0x12: {  	_ =	swait.ge [sflag:s14], $0x2780  }
0x13: {  	[sflag:s14] =	ssyncset.done $0x0  }
0x14: {  	[sflag:s14] =	ssyncadd.s32 $0xFFFFD880  }
0x15: {  	s17 =	simm.s32 $0x0;
	[bflag:$0x0] =	sbarrier.arrive $0xFFFF  }
.LBB2_2:
0x16: {  	s18 =	smul.u32 $0x28, s17;
	_ =	sdelay $0x1  }
0x17: {  	s19 =	sadd.s32 s9, s18  }
0x18: {  	s19 =	sshll.u32 s19, $0x5  }
0x19: {  	s19 =	sand.u32 $0x1FFFFFC0, s19  }
0x1a: {  	s18 =	ssub.s32 s7, s18;
	s19 =	sadd.s32 s5, s19  }
0x1b: {  	[tilespmem:s3], [sflag:$0x5] =	stream.linear.gather [hbm4b:s19+s3], $0x2800, $0x38;
	[tilespmem:$0x1E400] =	vst v63  }
0x1c: {  	p0 =	slt.s32 s18, $0x1;
	_ =	swait.ge [sflag:s14], $0x2800  }
0x1d: {  	s20 =	simm.s32 @!p0 $0x0;
	[sflag:s14] =	ssyncset.done $0x0  }
0x1e: {  	s21 =	simm.s32 @!p0 $0x2800;
	s19 =	simm.s32 @!p0 $0x80;
	[sflag:s14] =	ssyncadd.s32 $0xFFFFD800  }
0x1f: {  	[tilespmem:s21], [sflag:$0x1] =	stream.indirect.gather @!p0 [hbm4b:s4+s19], $0x80, s20, s19, $0xb8;
	[tilespmem:$0x1E400] =	vst v63  }
0x20: {  	s20 =	simm.s32 @!p0 $0x100;
	s21 =	simm.s32 @!p0 $0x6800  }
0x21: {  	[tilespmem:s21], [sflag:$0x2] =	stream.indirect.gather @!p0 [hbm4b:s4+s19], $0x80, s20, s19, $0xb8;
	[tilespmem:$0x1E400] =	vst v63  }
0x22: {  	p0 =	sle.s32 s18, $0x0  }
0x23: {  	p1 =	slt.s32 s18, $0x28;
	s19 =	smov.u32 s18;
	s20 =	simm.s32 @!p0 $0x1  }
0x24: {  	s19 =	simm.s32 @!p1 $0x28;
	s21 =	simm.s32 @!p0 $0x2800;
	_ =	swait.ge @!p0 [sflag:s20], $0x4000  }
0x25: {  	s22 =	simm.s32 @!p0 $0x3;
	s23 =	simm.s32 @!p0 $0x80;
	[sflag:s20] =	ssyncset.done @!p0 $0x0  }
0x26: {  	p1 =	sle.s32 @!p0 s19, $0x2;
	[sflag:s20] =	ssyncadd.s32 @!p0 $0xFFFFC000;
	s20 =	simm.s32 @!p0 $0x80  }
0x27: {  	[spmem:s2] =	stream.indirect.scatter.add.f32 @!p0 [tilespmem:s21], [sflag:$0x3], $0x80, s20, s23, $0xb8;
	[tilespmem:$0x1E400] =	vst v63  }
0x28: {  	p2 =	por p1, p0;
	_ =	swait.ge @!p0 [sflag:s22], $0x4000  }
0x29: {  	p1 =	sle.s32 s18, $0x1;
	s20 =	simm.s32 @!p2 $0x80;
	[sflag:s22] =	ssyncset.done @!p0 $0x0  }
0x2a: {  	s21 =	simm.s32 @!p2 $0x2800;
	[sflag:s22] =	ssyncadd.s32 @!p0 $0xFFFFC000;
	s22 =	simm.s32 @!p2 $0x200  }
0x2b: {  	[tilespmem:s21], [sflag:$0x1] =	stream.indirect.gather @!p2 [hbm4b:s4+s20], $0x80, s22, s20, $0xb8;
	[tilespmem:$0x1E400] =	vst v63  }
0x2c: {  	s24 =	simm.s32 @!p1 $0x80;
	s22 =	simm.s32 @!p1 $0x2  }
0x2d: {  	s25 =	simm.s32 @!p1 $0x6800;
	s26 =	simm.s32 @!p1 $0x180;
	_ =	swait.ge @!p1 [sflag:s22], $0x4000  }
0x2e: {  	s23 =	simm.s32 @!p1 $0x4;
	p0 =	sle.s32 @!p1 s19, $0x3;
	[sflag:s22] =	ssyncset.done @!p1 $0x0  }
0x2f: {  	s21 =	simm.s32 $0x300;
	s20 =	simm.s32 $0x2;
	[sflag:s22] =	ssyncadd.s32 @!p1 $0xFFFFC000  }
0x30: {  	[spmem:s2] =	stream.indirect.scatter.add.f32 @!p1 [tilespmem:s25], [sflag:$0x4], $0x80, s26, s24, $0xb8;
	[tilespmem:$0x1E400] =	vst v63  }
0x31: {  	p3 =	por p0, p1;
	s22 =	simm.s32 $0x500;
	_ =	swait.ge @!p1 [sflag:s23], $0x4000  }
0x32: {  	s24 =	simm.s32 @!p3 $0x80;
	s25 =	simm.s32 @!p3 $0x6800;
	[sflag:s23] =	ssyncset.done @!p1 $0x0  }
.LBB2_3:
0x33: {  	p2 =	sge.s32 s20, s18  }
0x34: {  	[sflag:s23] =	ssyncadd.s32 @!p1 $0xFFFFC000;
	s23 =	smov.u32 s20;
	s20 =	sadd.s32 $0x2, s20  }
0x35: {  	[tilespmem:s25], [sflag:$0x2] =	stream.indirect.gather @!p3 [hbm4b:s4+s24], $0x80, s21, s24, $0xb8;
	[tilespmem:$0x1E400] =	vst v63  }
0x36: {  	s24 =	simm.s32 @!p2 $0x1;
	s21 =	sadd.s32 @!p2 $0x2, s23;
	p0 =	sne.s32 s20, $0x28  }
0x37: {  	p1 =	sge.s32 @!p2 s21, s19;
	s21 =	smov.u32 s22;
	_ =	swait.ge @!p2 [sflag:s24], $0x4000  }
0x38: {  	s25 =	simm.s32 @!p2 $0x2800;
	s26 =	simm.s32 @!p2 $0x3;
	[sflag:s24] =	ssyncset.done @!p2 $0x0  }
0x39: {  	s28 =	simm.s32 @!p2 $0x80;
	[sflag:s24] =	ssyncadd.s32 @!p2 $0xFFFFC000;
	s24 =	sadd.s32 @!p2 $0xFFFFFD80, s22  }
0x3a: {  	[spmem:s2] =	stream.indirect.scatter.add.f32 @!p2 [tilespmem:s25], [sflag:$0x3], $0x80, s24, s28, $0xb8;
	[tilespmem:$0x1E400] =	vst v63  }
0x3b: {  	p3 =	por p1, p2;
	s24 =	sadd.s32 $0x1, s23;
	_ =	swait.ge @!p2 [sflag:s26], $0x4000  }
0x3c: {  	s25 =	simm.s32 @!p3 $0x80;
	s28 =	simm.s32 @!p3 $0x2800;
	[sflag:s26] =	ssyncset.done @!p2 $0x0  }
0x3d: {  	p1 =	sge.s32 s24, s18;
	[sflag:s26] =	ssyncadd.s32 @!p2 $0xFFFFC000;
	s26 =	sadd.s32 @!p3 $0xFFFFFF00, s22  }
0x3e: {  	[tilespmem:s28], [sflag:$0x1] =	stream.indirect.gather @!p3 [hbm4b:s4+s25], $0x80, s26, s25, $0xb8;
	[tilespmem:$0x1E400] =	vst v63  }
0x3f: {  	s24 =	simm.s32 @!p1 $0x2;
	s25 =	sadd.s32 @!p1 $0x3, s23  }
0x40: {  	s26 =	simm.s32 @!p1 $0x80;
	s28 =	simm.s32 @!p1 $0x6800;
	_ =	swait.ge @!p1 [sflag:s24], $0x4000  }
.Ltmp0:
0x41: {  	s29 =	sadd.s32 @!p1 $0xFFFFFE80, s22;
	[sflag:s24] =	ssyncset.done @!p1 $0x0;
	(pc) =	sbr.rel @p0 .LBB2_3-.Ltmp0, $4  }
0x42: {  	s23 =	simm.s32 @!p1 $0x4;
	p2 =	sge.s32 @!p1 s25, s19;
	[sflag:s24] =	ssyncadd.s32 @!p1 $0xFFFFC000  }
0x43: {  	[spmem:s2] =	stream.indirect.scatter.add.f32 @!p1 [tilespmem:s28], [sflag:$0x4], $0x80, s29, s26, $0xb8;
	[tilespmem:$0x1E400] =	vst v63  }
0x44: {  	s22 =	sadd.s32 $0x200, s22;
	p3 =	por p2, p1;
	_ =	swait.ge @!p1 [sflag:s23], $0x4000  }
0x45: {  	s25 =	simm.s32 @!p3 $0x6800;
	s24 =	simm.s32 @!p3 $0x80;
	[sflag:s23] =	ssyncset.done @!p1 $0x0  }
0x46: {  	s17 =	sadd.s32 $0x1, s17  }
0x47: {  	p0 =	sne.s32 s17, s10  }
.Ltmp1:
0x48: {  	_ = 	snop;
	(pc) =	sbr.rel @p0 .LBB2_2-.Ltmp1, $3  }
0x49: {  	_ =	sdelay $0x1  }
0x4a: {  	[sflag:s23] =	ssyncadd.s32 @!p1 $0xFFFFC000  }
0x4b: {  	[tilespmem:s25], [sflag:$0x2] =	stream.indirect.gather @!p3 [hbm4b:s4+s24], $0x80, s21, s24, $0xb8;
	[tilespmem:$0x1E400] =	vst v63  }
0x4c: {  	s16 =	sadd.s32 $0x1, s16  }
0x4d: {  	p0 =	sne.s32 s16, s12  }
.Ltmp2:
0x4e: {  	[bflag:$0x0] =	sbarrier.arrive $0xFFFF;
	(pc) =	sbr.rel @p0 .LBB2_1-.Ltmp2, $4  }
0x4f: {  	[hbm:s11], [sflag:s8] =	dma.local [spmem:s15], $0x2780  }
0x50: {  	_ =	swait.ge [sflag:s14], $0x2780  }
0x51: {  	[sflag:s14] =	ssyncset.done $0x0  }
0x52: {  	[sflag:s14] =	ssyncadd.s32 $0xFFFFD880  }
0x53: {  	_ =	sfence.sel $0x180000  }
0x54: {  	[bflag:$0x0] =	sbarrier.arrive $0xFFFF  }
0x55: {  	p0 =	sne.s32 s0, $0x0;
	_ =	strace $0x9000004D  }
0x56: {  	s0 =	sadd.s32 @!p0 $0x100000, s1;
	[bflag:$0x2] =	sbarrier.arrive $0xFFFF  }
0x57: {  	[sflag:s0] =	ssyncadd.tile.s32 @!p0 $0x1;
	_ =	shalt  }
.Lfunc_end2:
_tile_overlayer_lowered:
.L_overlay_start_2:
0x58: {  	(tag) =	ssettag $0x2  }
0x59: {  	s0 =	rddreg [dreg:$0x0];
	s2 =	stileid.u32  }
0x5a: {  	s1 =	rddreg [dreg:$0x1];
	p0 =	sne.s32 s2, $0x0  }
0x5b: {  	s3 =	rddreg [dreg:$0x2];
	[bflag:$0x3] =	sbarrier.arrive $0xFFFF;
	s2 =	simm.s32 @!p0 $0x1C05  }
0x5c: {  	[timem:s3], [sflag:s2] =	dma.local @!p0 [hbm:s0], s1  }
0x5d: {  	s0 =	simm.s32 @!p0 $0x5  }
0x5e: {  	_ =	swait.ge @!p0 [sflag:s0], s1  }
0x5f: {  	s1 =	ssub.s32 @!p0 $0x0, s1;
	[sflag:s0] =	ssyncset.done @!p0 $0x0  }
0x60: {  	[sflag:s0] =	ssyncadd.s32 @!p0 s1  }
0x61: {  	[bflag:$0x3] =	sbarrier.arrive $0xFFFF  }
0x62: {  	_ =	shalt  }

// kernel: kernel.19.cloned.1.call-start
scs
__scs_entry_jumppad:
0x0: {  	(pc) =	sbr.rel $0x88, $3  }
0x1: {  	(tag) =	ssettag $0x0;
	lr =	simm.s32 $0x1  }
0x2: {  	[smem:$0x3F95] =	sst lr;
	_ =	strace $0xD0000000  }
0x3: {  	_ = 	snop  }
0x4: {  	_ = 	snop  }
0x5: {  	_ = 	snop  }
0x6: {  	_ = 	snop  }
0x7: {  	_ = 	snop  }
__scs_overlays_trampoline_lowered:
0x8: {  	[smem:$0x3FA4] =	sst s0  }
0x9: {  	[smem:$0x3FA5] =	sst s1  }
0xa: {  	[smem:$0x3FA6] =	sst s2  }
0xb: {  	[smem:$0x3FA7] =	sst s3  }
0xc: {  	[smem:$0x3FA8] =	sst s4  }
0xd: {  	[smem:$0x3FA9] =	sst s5  }
0xe: {  	[smem:$0x3FAA] =	sst s6  }
0xf: {  	[smem:$0x3FAB] =	sst s7  }
0x10: {  	[smem:$0x3FAC] =	sst s8  }
0x11: {  	[smem:$0x3FAD] =	sst s9;
	s0 =	simm.s32 @!p0 $0x0  }
0x12: {  	s1 =	sld [smem:$0x3F93];
	s0 =	simm.s32 @p0 $0x1  }
0x13: {  	[smem:$0x3FAE] =	sst s0;
	s0 =	simm.s32 @!p1 $0x0  }
0x14: {  	s2 =	sld [smem:$0x3F92];
	s0 =	simm.s32 @p1 $0x1  }
0x15: {  	[smem:$0x3FAF] =	sst s0;
	s0 =	simm.s32 @!p2 $0x0  }
0x16: {  	s3 =	sld [smem:$0x3FDB];
	s0 =	simm.s32 @p2 $0x1  }
0x17: {  	s4 =	simm.s32 $0x1BF5;
	[smem:$0x3FB1] =	sst s0  }
0x18: {  	s0 =	sld [smem:$0x3F94];
	_ =	swait.ge [sflag:s4], $0x0  }
0x19: {  	s7 =	sld [smem:$0x3F95]  }
0x1a: {  	s8 =	sadd.s32 $0xFFFFE003, lr  }
0x1b: {  	s9 =	sadd.s32 $0xFFFFFEF7, lr;
	s5 =	simm.s32 $0xFFFFFFFF;
	p2 =	slt.u32 s8, $0xFFFFF086  }
0x1c: {  	p1 =	slt.u32 s9, $0xF7A;
	s5 =	simm.s32 @!p2 $0x0  }
0x1d: {  	s5 =	simm.s32 @p1 $0x1;
	p0 =	seq.s32 s7, s2  }
0x1e: {  	s7 =	smul.u32 @!p0 $0xF7A, s2;
	p2 =	seq.s32 @!p0 s5, $0x0  }
0x1f: {  	s9 =	smul.u32 $0xF7A, s1;
	s8 =	simm.s32 @!p0 $0x1BF5;
	p2 =	por !p2, p0  }
0x20: {  	[sflag:s8] =	ssyncset.s32 @!p0 $0xFFFFF086;
	s6 =	sadd.s32 @!p0 s3, s7;
	s7 =	simm.s32 @!p0 $0x108  }
0x21: {  	s3 =	sadd.s32 s3, s9;
	s6 =	sadd.s32 @!p0 $0x88, s6;
	s7 =	simm.s32 @p2 $0x1082  }
0x22: {  	[simem:s7], [sflag:s8] =	dma.local @!p0 [hbm:s6], $0xF7A  }
0x23: {  	s9 =	sor.u32 $0xD0000000, s2;
	s6 =	simm.s32 $0x108;
	_ =	swait.ge @!p0 [sflag:s8], $0x0  }
0x24: {  	s3 =	sadd.s32 $0x88, s3;
	s6 =	simm.s32 @!p1 $0x1082;
	[sflag:s4] =	ssyncset.s32 $0xFFFFF086  }
0x25: {  	[simem:s6], [sflag:s4] =	dma.local [hbm:s3], $0xF7A  }
0x26: {  	[smem:$0x3F95] =	sst s1;
	(tag) =	ssettag s2;
	_ =	strace s9  }
0x27: {  	s1 =	sld [smem:$0x3FA5]  }
0x28: {  	s2 =	sld [smem:$0x3FA6]  }
0x29: {  	s4 =	sld [smem:$0x3FA8]  }
0x2a: {  	p0 =	seq.s32 s5, $0x0;
	s5 =	sld [smem:$0x3FA9]  }
0x2b: {  	s6 =	sld [smem:$0x3FAA]  }
0x2c: {  	s7 =	sld [smem:$0x3FAB]  }
0x2d: {  	s3 =	simm.s32 $0x108;
	s8 =	sld [smem:$0x3FAC]  }
0x2e: {  	s3 =	simm.s32 @!p0 $0x1082;
	s9 =	sld [smem:$0x3FAD]  }
0x2f: {  	lr =	sadd.s32 s0, s3;
	s0 =	sld [smem:$0x3FA4]  }
0x30: {  	s3 =	sld [smem:$0x3FA7]  }
0x31: {  	[smem:$0x3FB0] =	sst s10  }
0x32: {  	s10 =	sld [smem:$0x3FAE];
	_ =	sdelay $0x3  }
0x33: {  	p0 =	seq.s32 s10, $0x1;
	s10 =	sld [smem:$0x3FB0];
	_ =	sdelay $0x3  }
0x34: {  	[smem:$0x3FB0] =	sst s10  }
0x35: {  	s10 =	sld [smem:$0x3FAF];
	_ =	sdelay $0x3  }
0x36: {  	p1 =	seq.s32 s10, $0x1;
	s10 =	sld [smem:$0x3FB0];
	_ =	sdelay $0x3  }
0x37: {  	[smem:$0x3FB0] =	sst s10  }
0x38: {  	s10 =	sld [smem:$0x3FB1]  }
0x39: {  	_ = 	snop;
	(pc) =	sbr.ind lr, $3  }
0x3a: {  	_ = 	snop  }
0x3b: {  	_ = 	snop  }
0x3c: {  	p2 =	seq.s32 s10, $0x1;
	s10 =	sld [smem:$0x3FB0]  }
0x3d: {  	_ =	shalt  }
0x3e: {  	_ =	shalt  }
0x3f: {  	_ =	shalt  }
0x40: {  	_ =	shalt  }
0x41: {  	_ =	shalt  }
0x42: {  	_ =	shalt  }
0x43: {  	_ =	shalt  }
0x44: {  	_ =	shalt  }
0x45: {  	_ =	shalt  }
0x46: {  	_ =	shalt  }
0x47: {  	_ =	shalt  }
0x48: {  	_ =	shalt  }
0x49: {  	_ =	shalt  }
0x4a: {  	_ =	shalt  }
0x4b: {  	_ =	shalt  }
0x4c: {  	_ =	shalt  }
0x4d: {  	_ =	shalt  }
0x4e: {  	_ =	shalt  }
0x4f: {  	_ =	shalt  }
0x50: {  	_ =	shalt  }
0x51: {  	_ =	shalt  }
0x52: {  	_ =	shalt  }
0x53: {  	_ =	shalt  }
0x54: {  	_ =	shalt  }
0x55: {  	_ =	shalt  }
0x56: {  	_ =	shalt  }
0x57: {  	_ =	shalt  }
0x58: {  	_ =	shalt  }
0x59: {  	_ =	shalt  }
0x5a: {  	_ =	shalt  }
0x5b: {  	_ =	shalt  }
0x5c: {  	_ =	shalt  }
0x5d: {  	_ =	shalt  }
0x5e: {  	_ =	shalt  }
0x5f: {  	_ =	shalt  }
0x60: {  	_ =	shalt  }
0x61: {  	_ =	shalt  }
0x62: {  	_ =	shalt  }
0x63: {  	_ =	shalt  }
0x64: {  	_ =	shalt  }
0x65: {  	_ =	shalt  }
0x66: {  	_ =	shalt  }
0x67: {  	_ =	shalt  }
0x68: {  	_ =	shalt  }
0x69: {  	_ =	shalt  }
0x6a: {  	_ =	shalt  }
0x6b: {  	_ =	shalt  }
0x6c: {  	_ =	shalt  }
0x6d: {  	_ =	shalt  }
0x6e: {  	_ =	shalt  }
0x6f: {  	_ =	shalt  }
0x70: {  	_ =	shalt  }
0x71: {  	_ =	shalt  }
0x72: {  	_ =	shalt  }
0x73: {  	_ =	shalt  }
0x74: {  	_ =	shalt  }
0x75: {  	_ =	shalt  }
0x76: {  	_ =	shalt  }
0x77: {  	_ =	shalt  }
0x78: {  	_ =	shalt  }
0x79: {  	_ =	shalt  }
0x7a: {  	_ =	shalt  }
0x7b: {  	_ =	shalt  }
0x7c: {  	_ =	shalt  }
0x7d: {  	_ =	shalt  }
0x7e: {  	_ =	shalt  }
0x7f: {  	_ =	shalt  }
0x80: {  	_ =	shalt  }
0x81: {  	_ =	shalt  }
0x82: {  	_ =	shalt  }
0x83: {  	_ =	shalt  }
0x84: {  	_ =	shalt  }
0x85: {  	_ =	shalt  }
0x86: {  	_ =	shalt  }
0x87: {  	_ =	shalt  }
.Lfunc_end0:
.L_simem_size_0:
called_computation.3_lowered:
.L_overlay_start_0:
0x88: {  	s2 =	sld [smem:$0x3FD9]  }
0x89: {  	s3 =	sld [smem:$0x3FFE];
	_ =	sdelay $0x1  }
0x8a: {  	s1 =	srdreg.scid  }
0x8b: {  	s0 =	sand.u32 $0x1, s1  }
0x8c: {  	s16 =	sshll.u32 s0, $0xA;
	s2 =	sadd.s32 s3, s2  }
0x8d: {  	s2 =	sadd.s32 s2, s16  }
0x8e: {  	[smem:$0x3FBC] =	sst s2  }
0x8f: {  	_ = 	snop  }
0x90: {  	(tm) =	ssettm $0x1  }
0x91: {  	s17 =	sld [smem:$0x3FFB];
	_ =	sdelay $0x3  }
0x92: {  	_ =	strace s17  }
0x93: {  	s2 =	sld [smem:$0x3FFC];
	_ =	sdelay $0x3  }
0x94: {  	_ =	strace s2  }
0x95: {  	s2 =	sld [smem:$0x3FFD];
	_ =	sdelay $0x3  }
0x96: {  	_ =	strace s2  }
0x97: {  	_ =	strace $0x8FFFFFFF  }
0x98: {  	s18 =	sld [smem:$0x3FDB];
	_ =	sdelay $0x1  }
0x99: {  	s19 =	simm.s32 $_scs_section_size  }
0x9a: {  	s4 =	simm.s32 $_size__tile_overlayer_lowered;
	s5 =	simm.s32 $_tile_overlayer_lowered  }
0x9b: {  	s22 =	simm.s32 $0x1BFF;
	s21 =	sshll.u32 s5, $0x1;
	s2 =	sadd.s32 s19, s18  }
0x9c: {  	s6 =	simm.s32 $0x0;
	s20 =	sshll.u32 s4, $0x1;
	s4 =	sadd.s32 s21, s2  }
0x9d: {  	[timem:s6], [sflag:s22] =	dma.local [hbm:s4], s20  }
0x9e: {  	_ =	swait.ge [sflag:s22], s20  }
0x9f: {  	s3 =	ssub.s32 $0x0, s20;
	[sflag:s22] =	ssyncset.done $0x0  }
0xa0: {  	[sflag:s22] =	ssyncadd.s32 s3;
	_ =	sdelay $0x1  }
0xa1: {  	s23 =	simm.s32 $0x1B8B  }
0xa2: {  	_ =	swait.ge [sflag:s23], $0x1  }
0xa3: {  	[sflag:s23] =	ssyncset.done $0x0  }
0xa4: {  	s25 =	simm.s32 $0x1B8E;
	s24 =	sld [smem:$0x3FFE];
	[sflag:s23] =	ssyncadd.s32 $0xFFFFFFFF  }
0xa5: {  	s26 =	simm.s32 $execute0_lowered;
	[smem:$0x3FD2] =	sst s25  }
0xa6: {  	s4 =	sshll.u32 s26, $0x1;
	_ =	strace $0x8000004F;
	[dreg:$0x1] =	wrdreg $0xFFFFFFFF  }
0xa7: {  	s28 =	simm.s32 $_size_execute0_lowered;
	s2 =	sadd.s32 s2, s4;
	[dreg:$0x0] =	wrdreg $0x0  }
0xa8: {  	s4 =	sshll.u32 s28, $0x1;
	[dreg:$0x2] =	wrdreg s2  }
0xa9: {  	[dreg:$0x3] =	wrdreg s4  }
0xaa: {  	[dreg:$0x4] =	wrdreg $0xC0  }
0xab: {  	_ =	task [dreg:s6], $0x5FFFF  }
0xac: {  	[dreg:$0x1] =	wrdreg $0xFFFFFFFF  }
0xad: {  	[dreg:$0x0] =	wrdreg $0x60  }
0xae: {  	[dreg:$0x2] =	wrdreg s24  }
0xaf: {  	[dreg:$0x3] =	wrdreg $0xA8000  }
0xb0: {  	[dreg:$0x4] =	wrdreg $0x9  }
0xb1: {  	_ =	task.clear_ibuf [dreg:s6], $0x5FFFF;
	_ =	strace $0x9000004F  }
0xb2: {  	s29 =	simm.s32 $0x9;
	_ =	strace $0x80000051  }
0xb3: {  	_ =	swait.ge [sflag:s29], $0x1  }
0xb4: {  	[sflag:s29] =	ssyncadd.s32 $0xFFFFFFFF  }
0xb5: {  	_ =	strace $0x90000051  }
0xb6: {  	_ =	sfence  }
0xb7: {  	s30 =	sld [smem:$0x0];
	_ =	sdelay $0x2  }
0xb8: {  	s31 =	sshll.u32 s1, $0xD;
	s1 =	sshrl.u32 s1, $0x2  }
0xb9: {  	s3 =	sand.u32 $0x4000, s31;
	s1 =	sadd.s32 s1, s30  }
0xba: {  	s0 =	sor.u32 s3, s0;
	s1 =	sshll.u32 s1, $0x11  }
0xbb: {  	s0 =	sor.u32 s1, s0  }
0xbc: {  	s0 =	sadd.s32 $0x8F2B, s0  }
0xbd: {  	[sflag:s0] =	ssyncadd.remote.s32 $0x1  }
0xbe: {  	_ =	sfence.sel $0xFFFF  }
0xbf: {  	[dreg:$0x0] =	wrdreg $0xFFFFFFFF;
	(pc) =	sbr.abs _section_cstart, $3  }
0xc0: {  	[dreg:$0x1] =	wrdreg $0xFFFFFFFF  }
0xc1: {  	_ =	task.clear_ibuf [dreg:s6], $0x2FFFF;
	_ =	strace $0x9FFFFFFF  }
0xc2: {  	(tm) =	ssettm $0x7FFFFFFF  }
0xc3: {  	_ =	shalt  }
tec
execute0_lowered:
.L_overlay_start_1:
0x0: {  	(tag) =	ssettag $0x1  }
0x1: {  	s7 =	rddreg [dreg:$0x0];
	s0 =	stileid.u32  }
0x2: {  	s2 =	rddreg [dreg:$0x1];
	s4 =	smul.u32 $0x278, s0  }
0x3: {  	s3 =	srdreg.scid;
	s10 =	smul.u32 $0x4F000, s0  }
0x4: {  	s1 =	rddreg [dreg:$0x2];
	s13 =	smul.u32 $0xA, s0  }
0x5: {  	s8 =	sand.u32 $0x1, s3;
	s3 =	simm.s32 $0x0;
	s16 =	smul.u32 $0x96, s0  }
0x6: {  	s30 =	sshll.u32 s0, $0x6;
	s5 =	smul.u32 $0x138800, s8;
	[smem:$0x7FF] =	sst s3  }
0x7: {  	s25 =	ssub.s32 $0x2, s8;
	p0 =	seq.s32 s8, $0x0;
	s4 =	smin.u32 s4, $0x2498  }
0x8: {  	s8 =	sor.u32 $0x1C05, s30;
	_ =	strace $0x80000050;
	s12 =	sshll.u32 s4, $0x7  }
0x9: {  	s26 =	sshrl.u32 s25, $0x1;
	s28 =	sshrl.u32 s10, $0x2;
	s6 =	sadd.s32 s5, s12  }
0xa: {  	s4 =	sadd.s32 $0x1BE00, s7;
	s5 =	sadd.s32 $0x5000, s7;
	s9 =	sshrl.u32 s6, $0x3  }
0xb: {  	s6 =	sadd.s32 $0x19600, s7;
	s11 =	sadd.s32 s9, s7;
	s7 =	simm.s32 $0x96  }
0xc: {  	s14 =	ssub.s32 s25, s26;
	s15 =	sadd.s32 s28, s2;
	s7 =	simm.s32 @!p0 $0xA  }
0xd: {  	s31 =	sadd.s32 s12, s2;
	s12 =	smax.u32 s14, $0x1;
	s29 =	smul.u32 $0xCD, s7  }
0xe: {  	s14 =	simm.s32 $0x5;
	s9 =	sadd.s32 $0x960, s13;
	s13 =	sshrl.u32 s15, $0x3  }
0xf: {  	s15 =	sshrl.u32 s31, $0x3;
	s9 =	smov.u32 @p0 s16;
	s10 =	sadd.s32 $0x1E6E, s29  }
0x10: {  	s11 =	sadd.s32 $0x9A800, s11;
	s16 =	simm.s32 $0x0;
	s10 =	sshrl.u32 s10, $0xD  }
.LBB2_1:
0x11: {  	[spmem:s13], [sflag:s8] =	dma.local [hbm:s6], $0x2780  }
0x12: {  	_ =	swait.ge [sflag:s14], $0x2780  }
0x13: {  	[sflag:s14] =	ssyncset.done $0x0  }
0x14: {  	[sflag:s14] =	ssyncadd.s32 $0xFFFFD880  }
0x15: {  	s17 =	simm.s32 $0x0;
	[bflag:$0x0] =	sbarrier.arrive $0xFFFF  }
.LBB2_2:
0x16: {  	s18 =	smul.u32 $0x28, s17;
	_ =	sdelay $0x1  }
0x17: {  	s19 =	sadd.s32 s9, s18  }
0x18: {  	s19 =	sshll.u32 s19, $0x5  }
0x19: {  	s19 =	sand.u32 $0x1FFFFFC0, s19  }
0x1a: {  	s18 =	ssub.s32 s7, s18;
	s19 =	sadd.s32 s5, s19  }
0x1b: {  	[tilespmem:s3], [sflag:$0x5] =	stream.linear.gather [hbm4b:s19+s3], $0x2800, $0x38;
	[tilespmem:$0x1E400] =	vst v63  }
0x1c: {  	p0 =	slt.s32 s18, $0x1;
	_ =	swait.ge [sflag:s14], $0x2800  }
0x1d: {  	s20 =	simm.s32 @!p0 $0x0;
	[sflag:s14] =	ssyncset.done $0x0  }
0x1e: {  	s21 =	simm.s32 @!p0 $0x2800;
	s19 =	simm.s32 @!p0 $0x80;
	[sflag:s14] =	ssyncadd.s32 $0xFFFFD800  }
0x1f: {  	[tilespmem:s21], [sflag:$0x1] =	stream.indirect.gather @!p0 [hbm4b:s4+s19], $0x80, s20, s19, $0xb8;
	[tilespmem:$0x1E400] =	vst v63  }
0x20: {  	s20 =	simm.s32 @!p0 $0x100;
	s21 =	simm.s32 @!p0 $0x6800  }
0x21: {  	[tilespmem:s21], [sflag:$0x2] =	stream.indirect.gather @!p0 [hbm4b:s4+s19], $0x80, s20, s19, $0xb8;
	[tilespmem:$0x1E400] =	vst v63  }
0x22: {  	p0 =	sle.s32 s18, $0x0  }
0x23: {  	p1 =	slt.s32 s18, $0x28;
	s19 =	smov.u32 s18;
	s20 =	simm.s32 @!p0 $0x1  }
0x24: {  	s19 =	simm.s32 @!p1 $0x28;
	s21 =	simm.s32 @!p0 $0x2800;
	_ =	swait.ge @!p0 [sflag:s20], $0x4000  }
0x25: {  	s22 =	simm.s32 @!p0 $0x3;
	s23 =	simm.s32 @!p0 $0x80;
	[sflag:s20] =	ssyncset.done @!p0 $0x0  }
0x26: {  	p1 =	sle.s32 @!p0 s19, $0x2;
	[sflag:s20] =	ssyncadd.s32 @!p0 $0xFFFFC000;
	s20 =	simm.s32 @!p0 $0x80  }
0x27: {  	[spmem:s2] =	stream.indirect.scatter.add.f32 @!p0 [tilespmem:s21], [sflag:$0x3], $0x80, s20, s23, $0xb8;
	[tilespmem:$0x1E400] =	vst v63  }
0x28: {  	p2 =	por p1, p0;
	_ =	swait.ge @!p0 [sflag:s22], $0x4000  }
0x29: {  	p1 =	sle.s32 s18, $0x1;
	s20 =	simm.s32 @!p2 $0x80;
	[sflag:s22] =	ssyncset.done @!p0 $0x0  }
0x2a: {  	s21 =	simm.s32 @!p2 $0x2800;
	[sflag:s22] =	ssyncadd.s32 @!p0 $0xFFFFC000;
	s22 =	simm.s32 @!p2 $0x200  }
0x2b: {  	[tilespmem:s21], [sflag:$0x1] =	stream.indirect.gather @!p2 [hbm4b:s4+s20], $0x80, s22, s20, $0xb8;
	[tilespmem:$0x1E400] =	vst v63  }
0x2c: {  	s24 =	simm.s32 @!p1 $0x80;
	s22 =	simm.s32 @!p1 $0x2  }
0x2d: {  	s25 =	simm.s32 @!p1 $0x6800;
	s26 =	simm.s32 @!p1 $0x180;
	_ =	swait.ge @!p1 [sflag:s22], $0x4000  }
0x2e: {  	s23 =	simm.s32 @!p1 $0x4;
	p0 =	sle.s32 @!p1 s19, $0x3;
	[sflag:s22] =	ssyncset.done @!p1 $0x0  }
0x2f: {  	s21 =	simm.s32 $0x300;
	s20 =	simm.s32 $0x2;
	[sflag:s22] =	ssyncadd.s32 @!p1 $0xFFFFC000  }
0x30: {  	[spmem:s2] =	stream.indirect.scatter.add.f32 @!p1 [tilespmem:s25], [sflag:$0x4], $0x80, s26, s24, $0xb8;
	[tilespmem:$0x1E400] =	vst v63  }
0x31: {  	p3 =	por p0, p1;
	s22 =	simm.s32 $0x500;
	_ =	swait.ge @!p1 [sflag:s23], $0x4000  }
0x32: {  	s24 =	simm.s32 @!p3 $0x80;
	s25 =	simm.s32 @!p3 $0x6800;
	[sflag:s23] =	ssyncset.done @!p1 $0x0  }
.LBB2_3:
0x33: {  	p2 =	sge.s32 s20, s18  }
0x34: {  	[sflag:s23] =	ssyncadd.s32 @!p1 $0xFFFFC000;
	s23 =	smov.u32 s20;
	s20 =	sadd.s32 $0x2, s20  }
0x35: {  	[tilespmem:s25], [sflag:$0x2] =	stream.indirect.gather @!p3 [hbm4b:s4+s24], $0x80, s21, s24, $0xb8;
	[tilespmem:$0x1E400] =	vst v63  }
0x36: {  	s24 =	simm.s32 @!p2 $0x1;
	s21 =	sadd.s32 @!p2 $0x2, s23;
	p0 =	sne.s32 s20, $0x28  }
0x37: {  	p1 =	sge.s32 @!p2 s21, s19;
	s21 =	smov.u32 s22;
	_ =	swait.ge @!p2 [sflag:s24], $0x4000  }
0x38: {  	s25 =	simm.s32 @!p2 $0x2800;
	s26 =	simm.s32 @!p2 $0x3;
	[sflag:s24] =	ssyncset.done @!p2 $0x0  }
0x39: {  	s28 =	simm.s32 @!p2 $0x80;
	[sflag:s24] =	ssyncadd.s32 @!p2 $0xFFFFC000;
	s24 =	sadd.s32 @!p2 $0xFFFFFD80, s22  }
0x3a: {  	[spmem:s2] =	stream.indirect.scatter.add.f32 @!p2 [tilespmem:s25], [sflag:$0x3], $0x80, s24, s28, $0xb8;
	[tilespmem:$0x1E400] =	vst v63  }
0x3b: {  	p3 =	por p1, p2;
	s24 =	sadd.s32 $0x1, s23;
	_ =	swait.ge @!p2 [sflag:s26], $0x4000  }
0x3c: {  	s25 =	simm.s32 @!p3 $0x80;
	s28 =	simm.s32 @!p3 $0x2800;
	[sflag:s26] =	ssyncset.done @!p2 $0x0  }
0x3d: {  	p1 =	sge.s32 s24, s18;
	[sflag:s26] =	ssyncadd.s32 @!p2 $0xFFFFC000;
	s26 =	sadd.s32 @!p3 $0xFFFFFF00, s22  }
0x3e: {  	[tilespmem:s28], [sflag:$0x1] =	stream.indirect.gather @!p3 [hbm4b:s4+s25], $0x80, s26, s25, $0xb8;
	[tilespmem:$0x1E400] =	vst v63  }
0x3f: {  	s24 =	simm.s32 @!p1 $0x2;
	s25 =	sadd.s32 @!p1 $0x3, s23  }
0x40: {  	s26 =	simm.s32 @!p1 $0x80;
	s28 =	simm.s32 @!p1 $0x6800;
	_ =	swait.ge @!p1 [sflag:s24], $0x4000  }
.Ltmp0:
0x41: {  	s29 =	sadd.s32 @!p1 $0xFFFFFE80, s22;
	[sflag:s24] =	ssyncset.done @!p1 $0x0;
	(pc) =	sbr.rel @p0 .LBB2_3-.Ltmp0, $4  }
0x42: {  	s23 =	simm.s32 @!p1 $0x4;
	p2 =	sge.s32 @!p1 s25, s19;
	[sflag:s24] =	ssyncadd.s32 @!p1 $0xFFFFC000  }
0x43: {  	[spmem:s2] =	stream.indirect.scatter.add.f32 @!p1 [tilespmem:s28], [sflag:$0x4], $0x80, s29, s26, $0xb8;
	[tilespmem:$0x1E400] =	vst v63  }
0x44: {  	s22 =	sadd.s32 $0x200, s22;
	p3 =	por p2, p1;
	_ =	swait.ge @!p1 [sflag:s23], $0x4000  }
0x45: {  	s25 =	simm.s32 @!p3 $0x6800;
	s24 =	simm.s32 @!p3 $0x80;
	[sflag:s23] =	ssyncset.done @!p1 $0x0  }
0x46: {  	s17 =	sadd.s32 $0x1, s17  }
0x47: {  	p0 =	sne.s32 s17, s10  }
.Ltmp1:
0x48: {  	_ = 	snop;
	(pc) =	sbr.rel @p0 .LBB2_2-.Ltmp1, $3  }
0x49: {  	_ =	sdelay $0x1  }
0x4a: {  	[sflag:s23] =	ssyncadd.s32 @!p1 $0xFFFFC000  }
0x4b: {  	[tilespmem:s25], [sflag:$0x2] =	stream.indirect.gather @!p3 [hbm4b:s4+s24], $0x80, s21, s24, $0xb8;
	[tilespmem:$0x1E400] =	vst v63  }
0x4c: {  	s16 =	sadd.s32 $0x1, s16  }
0x4d: {  	p0 =	sne.s32 s16, s12  }
.Ltmp2:
0x4e: {  	[bflag:$0x0] =	sbarrier.arrive $0xFFFF;
	(pc) =	sbr.rel @p0 .LBB2_1-.Ltmp2, $4  }
0x4f: {  	[hbm:s11], [sflag:s8] =	dma.local [spmem:s15], $0x2780  }
0x50: {  	_ =	swait.ge [sflag:s14], $0x2780  }
0x51: {  	[sflag:s14] =	ssyncset.done $0x0  }
0x52: {  	[sflag:s14] =	ssyncadd.s32 $0xFFFFD880  }
0x53: {  	_ =	sfence.sel $0x180000  }
0x54: {  	[bflag:$0x0] =	sbarrier.arrive $0xFFFF  }
0x55: {  	p0 =	sne.s32 s0, $0x0;
	_ =	strace $0x90000050  }
0x56: {  	s0 =	sadd.s32 @!p0 $0x100000, s1;
	[bflag:$0x2] =	sbarrier.arrive $0xFFFF  }
0x57: {  	[sflag:s0] =	ssyncadd.tile.s32 @!p0 $0x1;
	_ =	shalt  }
.Lfunc_end2:
_tile_overlayer_lowered:
.L_overlay_start_2:
0x58: {  	(tag) =	ssettag $0x2  }
0x59: {  	s0 =	rddreg [dreg:$0x0];
	s2 =	stileid.u32  }
0x5a: {  	s1 =	rddreg [dreg:$0x1];
	p0 =	sne.s32 s2, $0x0  }
0x5b: {  	s3 =	rddreg [dreg:$0x2];
	[bflag:$0x3] =	sbarrier.arrive $0xFFFF;
	s2 =	simm.s32 @!p0 $0x1C05  }
0x5c: {  	[timem:s3], [sflag:s2] =	dma.local @!p0 [hbm:s0], s1  }
0x5d: {  	s0 =	simm.s32 @!p0 $0x5  }
0x5e: {  	_ =	swait.ge @!p0 [sflag:s0], s1  }
0x5f: {  	s1 =	ssub.s32 @!p0 $0x0, s1;
	[sflag:s0] =	ssyncset.done @!p0 $0x0  }
0x60: {  	[sflag:s0] =	ssyncadd.s32 @!p0 s1  }
0x61: {  	[bflag:$0x3] =	sbarrier.arrive $0xFFFF  }
0x62: {  	_ =	shalt  }

</sc_bundles>
